<compile_context>
chip_gen: v7x
topology: tpu7x:2x2x1
jax: 0.10.2.dev20260603
libtpu: 0.0.44.dev20260713+nightly
codegen_flags: <defaults>
</compile_context>

<pallas_src>
import functools

import jax
import jax.numpy as jnp
from jax import lax
from jax.experimental import pallas as pl
from jax.experimental.pallas import tpu as pltpu
from jax.experimental.pallas import tpu_sc as plsc

_N = 100000
_NUM_NODES = 10000
_D = 688
_K = 6
_NW = 32
_NODES_PAD = 10240
_NPW = _NODES_PAD // _NW
_NB = 8
_NBATCH = _NPW // _NB
_ROWS = _NB * _K
_C16 = _D // 16

_mesh = plsc.VectorSubcoreMesh(core_axis_name="c", subcore_axis_name="s")


@functools.partial(
    pl.kernel,
    out_type=(
        jax.ShapeDtypeStruct((_NODES_PAD, _D), jnp.float32),
        jax.ShapeDtypeStruct((_NODES_PAD,), jnp.float32),
    ),
    mesh=_mesh,
    compiler_params=pltpu.CompilerParams(use_tc_tiling_on_sc=False,
                                        needs_layout_passes=False),
    scratch_types=[
        pltpu.VMEM((_NPW * _K,), jnp.int32),
        pltpu.VMEM((_NPW,), jnp.int32),
        pltpu.VMEM((_NPW,), jnp.float32),
        pltpu.VMEM((32, 16), jnp.float32),
        pltpu.VMEM((_ROWS, _D), jnp.float32),
        pltpu.VMEM((_ROWS, _D), jnp.float32),
        pltpu.VMEM((_NB, _D), jnp.float32),
        pltpu.VMEM((_NB, _D), jnp.float32),
        pltpu.SemaphoreType.DMA,
        pltpu.SemaphoreType.DMA,
        pltpu.SemaphoreType.DMA,
    ],
)
def _sc_aggregate(msg_hbm, ts_hbm, ridx_hbm, tsi_hbm, w_hbm,
                  out_msg, out_ts,
                  ridx_v, tsi_v, tsv_v, w_v,
                  rows0, rows1, ob0, ob1, sem0, sem1, sem_ts):
    wid = lax.axis_index("s") * 2 + lax.axis_index("c")
    nbase = wid * _NPW

    pltpu.sync_copy(ridx_hbm.at[pl.ds(nbase * _K, _NPW * _K)], ridx_v)
    pltpu.sync_copy(tsi_hbm.at[pl.ds(nbase, _NPW)], tsi_v)
    pltpu.sync_copy(w_hbm, w_v)

    pltpu.async_copy(ts_hbm.at[tsi_v], tsv_v, sem_ts).wait()
    pltpu.sync_copy(tsv_v, out_ts.at[pl.ds(nbase, _NPW)])

    rows_bufs = (rows0, rows1)
    obufs = (ob0, ob1)
    sems = (sem0, sem1)

    def _fire(b, t):
        pltpu.make_async_copy(
            msg_hbm.at[ridx_v.at[pl.ds(b * _ROWS, _ROWS)]],
            rows_bufs[t], sems[t]).start()

    def _wait(t):
        pltpu.make_async_copy(
            msg_hbm.at[ridx_v.at[pl.ds(0, _ROWS)]],
            rows_bufs[t], sems[t]).wait()

    w = [w_v[i] for i in range(32)]

    def _compute(b, t):
        rows = rows_bufs[t]
        ob = obufs[t]
        for j in range(_NB):

            def body(c, carry):
                sl = pl.ds(c * 16, 16)
                x = [rows[j * _K + s, sl] for s in range(_K)]
                h = []
                for jj in range(3):
                    acc = w[18 + jj]
                    for s in range(_K):
                        acc = acc + x[s] * w[s * 3 + jj]
                    h.append(jnp.maximum(acc, 0.0))
                g = []
                for kk in range(2):
                    acc = w[27 + kk]
                    for jj in range(3):
                        acc = acc + h[jj] * w[21 + jj * 2 + kk]
                    g.append(jnp.maximum(acc, 0.0))
                o = w[31] + g[0] * w[29] + g[1] * w[30]
                ob[j, sl] = o
                return carry

            lax.fori_loop(0, _C16, body, 0)
        pltpu.sync_copy(ob, out_msg.at[pl.ds(nbase + b * _NB, _NB)])

    _fire(0, 0)

    def outer(i, carry):
        b0 = i * 2
        _wait(0)
        _fire(b0 + 1, 1)
        _compute(b0, 0)
        b1 = b0 + 1
        _wait(1)

        @pl.when(b1 + 1 < _NBATCH)
        def _():
            _fire(b1 + 1, 0)

        _compute(b1, 1)
        return carry

    lax.fori_loop(0, _NBATCH // 2, outer, 0)


_BSTRIDE = 3120
_BWIN = 3136
_TAILLO = _N - _BWIN


def _lane_gather(v, idx):
    dn = lax.GatherDimensionNumbers(offset_dims=(), collapsed_slice_dims=(0,),
                                    start_index_map=(0,))
    return lax.gather(v, idx[:, None], dn, (1,),
                      mode=lax.GatherScatterMode.PROMISE_IN_BOUNDS)


@functools.partial(
    pl.kernel,
    out_type=jax.ShapeDtypeStruct((_NW, _NODES_PAD), jnp.int32),
    mesh=_mesh,
    compiler_params=pltpu.CompilerParams(use_tc_tiling_on_sc=False,
                                        needs_layout_passes=False),
    scratch_types=[
        pltpu.VMEM((_BWIN,), jnp.int32),
        pltpu.VMEM((_NODES_PAD,), jnp.int32),
    ],
)
def _sc_boundaries(seg_hbm, out_hbm, seg_v, loc_v):
    wid = lax.axis_index("s") * 2 + lax.axis_index("c")
    iota = lax.iota(jnp.int32, 16)

    def init(i, c):
        loc_v[pl.ds(i * 16, 16)] = jnp.full((16,), -1, jnp.int32)
        return c

    lax.fori_loop(0, _NODES_PAD // 16, init, 0)

    def scan_window(lo):
        pltpu.sync_copy(seg_hbm.at[pl.ds(lo, _BWIN)], seg_v)

        def body(k, prev):
            cur = seg_v[pl.ds(k * 16, 16)]
            rotl = _lane_gather(prev, (iota + 1) & 15)
            nxt = jnp.where(iota < 15, rotl, _lane_gather(cur, iota * 0))
            m = prev != nxt
            ivec = iota + (lo + (k - 1) * 16)
            plsc.store_scatter(loc_v, [prev], ivec, mask=m)
            return cur

        return lax.fori_loop(1, _BWIN // 16, body, seg_v[pl.ds(0, 16)])

    scan_window(wid * _BSTRIDE)

    @pl.when(wid == _NW - 1)
    def _():
        last_vreg = scan_window(_TAILLO)
        rotl = _lane_gather(last_vreg, (iota + 1) & 15)
        m = (last_vreg != rotl) & (iota < 15)
        ivec = iota + (_N - 16)
        plsc.store_scatter(loc_v, [last_vreg], ivec, mask=m)
        plsc.store_scatter(loc_v, [_lane_gather(last_vreg, iota * 0 + 15)],
                           iota * 0 + (_N - 1), mask=iota < 1)

    pltpu.sync_copy(loc_v, out_hbm.at[wid])


_TB = 2048
_NTAB = _N + 8


def _tc_transpose_body(x_ref, o_ref):
    o_ref[...] = jnp.transpose(x_ref[...], (1, 0))


def _tc_table_body(x_ref, o_ref):
    t = jnp.transpose(x_ref[...], (1, 0))
    o_ref[...] = t

    @pl.when(pl.program_id(0) == pl.cdiv(_NTAB, _TB) - 1)
    def _():
        row = (pl.program_id(0) * _TB
               + lax.broadcasted_iota(jnp.int32, (_TB, _D), 0))
        o_ref[...] = jnp.where(row < _N, t, 0.0)


def _tc_row_majorize(m_t):
    grid = (pl.cdiv(_NTAB, _TB),)
    return pl.pallas_call(
        _tc_table_body,
        grid=grid,
        in_specs=[pl.BlockSpec((_D, _TB), lambda i: (0, i))],
        out_specs=pl.BlockSpec((_TB, _D), lambda i: (i, 0)),
        out_shape=jax.ShapeDtypeStruct((_NTAB, _D), jnp.float32),
    )(m_t)


_OB = 512


def _tc_col_majorize(out_rm):
    grid = (pl.cdiv(_NUM_NODES, _OB),)
    return pl.pallas_call(
        _tc_transpose_body,
        grid=grid,
        in_specs=[pl.BlockSpec((_OB, _D), lambda i: (i, 0))],
        out_specs=pl.BlockSpec((_D, _OB), lambda i: (0, i)),
        out_shape=jax.ShapeDtypeStruct((_D, _NUM_NODES), jnp.float32),
    )(out_rm)


def kernel(messages, timestamps, segment_ids, W1, b1, W2, b2, W3, b3):
    lastb = jnp.max(_sc_boundaries(segment_ids), axis=0)
    last_sem = lax.cummax(lastb, axis=0)
    ts_idx = jnp.clip(last_sem, 0, _N - 1)
    first = jnp.concatenate([jnp.full((1,), -1, jnp.int32),
                             last_sem[:-1]]) + 1
    cnt = jnp.where(lastb >= 0, jnp.minimum(lastb - first + 1, _K), 0)
    s = jnp.arange(_K, dtype=jnp.int32)
    rows = jnp.clip(lastb[:, None] - (_K - 1 - s)[None, :], 0, _N - 1)
    valid = (_K - 1 - s)[None, :] < cnt[:, None]
    row_idx = jnp.where(valid, rows, _N).reshape(-1)
    tsi = ts_idx

    wflat = jnp.concatenate([W1.reshape(-1), b1, W2.reshape(-1), b2,
                             W3.reshape(-1), b3])
    wrep = jnp.tile(wflat[:, None], (1, 16))

    msg_tbl = _tc_row_majorize(messages.T)
    out_msg, out_ts = _sc_aggregate(msg_tbl, timestamps, row_idx, tsi, wrep)
    return _tc_col_majorize(out_msg).T, out_ts[:_NUM_NODES]

# --- scband reference (transcript-rebuilt; emitter-appended) ---
"""Pipeline reference for scband-mlpmessage-aggregator-60318520705540 (READ-ONLY COPY).

The authoritative reference and input builder live on the scoring server;
editing this copy changes nothing except your own understanding.
"""

import jax, jax.numpy as jnp
import numpy as np

N = 100000
NUM_NODES = 10000
D = 688
K = 6

def setup_inputs(seed: int = 0) -> dict:
    key = jax.random.key(seed)
    ks = jax.random.split(key, 10)
    messages = jax.random.normal(ks[0], (N, D), dtype=jnp.float32)
    timestamps = jax.random.uniform(ks[1], (N,), dtype=jnp.float32)
    segment_ids = jnp.sort(jax.random.randint(ks[2], (N,), 0, NUM_NODES, dtype=jnp.int32))
    W1 = jax.random.normal(ks[3], (K, 3), dtype=jnp.float32) * 0.3
    b1 = jnp.zeros((3,), dtype=jnp.float32)
    W2 = jax.random.normal(ks[4], (3, 2), dtype=jnp.float32) * 0.3
    b2 = jnp.zeros((2,), dtype=jnp.float32)
    W3 = jax.random.normal(ks[5], (2, 1), dtype=jnp.float32) * 0.3
    b3 = jnp.zeros((1,), dtype=jnp.float32)
    return {"messages": messages, "timestamps": timestamps, "segment_ids": segment_ids,
            "W1": W1, "b1": b1, "W2": W2, "b2": b2, "W3": W3, "b3": b3}

def reference(messages, timestamps, segment_ids, W1, b1, W2, b2, W3, b3):
    # Group messages by node id (segment_ids are sorted). For each node, keep the
    # LAST K=6 messages, zero-padding at the front if fewer than K exist — this
    # reproduces MLPMessageAggregator._node_aggregate's pad/truncate logic.
    counts = jnp.bincount(segment_ids, length=NUM_NODES)
    last_idx = jnp.cumsum(counts) - 1  # last message index per segment
    idx = jnp.arange(segment_ids.shape[0])
    rev = last_idx[segment_ids] - idx  # 0 == last message of its segment
    valid = (rev < K)
    slot = jnp.clip(K - 1 - rev, 0, K - 1)  # slot K-1 holds the last message
    buf = jnp.zeros((NUM_NODES, K, D), dtype=messages.dtype)
    buf = buf.at[segment_ids, slot].add(messages * valid[:, None].astype(messages.dtype))
    # mlp(node_messages.T): input [D, K] per node -> Linear(6,3) ReLU Linear(3,2) ReLU Linear(2,1) -> squeeze -> [D]
    x = jnp.transpose(buf, (0, 2, 1))  # [NUM_NODES, D, K]
    h = jax.nn.relu(x @ W1 + b1)
    h = jax.nn.relu(h @ W2 + b2)
    unique_messages = (h @ W3 + b3)[..., 0]  # [NUM_NODES, D]
    # last timestamp per segment (insertion order, as in messages[node_id][-1][1])
    unique_timestamps = timestamps[jnp.clip(last_idx, 0, N - 1)]
    return unique_messages, unique_timestamps

if __name__ == "__main__":
    import jax
    _d = setup_inputs()
    print(jax.jit(kernel)(*tuple(_d.values())))

</pallas_src>

<mosaic_0001>
#map = affine_map<(d0, d1) -> (0, 0)>
#map1 = affine_map<(d0, d1) -> (0)>
module attributes {stable_mosaic.version = 14 : i64} {
  func.func @_sc_aggregate(%arg0: i32, %arg1: i32, %arg2: memref<100008x688xf32, #tpu.memory_space<hbm>>, %arg3: memref<100000xf32, #tpu.memory_space<hbm>>, %arg4: memref<61440xi32, #tpu.memory_space<hbm>>, %arg5: memref<10240xi32, #tpu.memory_space<hbm>>, %arg6: memref<32x16xf32, #tpu.memory_space<hbm>>, %arg7: memref<10240x688xf32, #tpu.memory_space<hbm>>, %arg8: memref<10240xf32, #tpu.memory_space<hbm>>, %arg9: memref<1920xi32, #tpu.memory_space<vmem>>, %arg10: memref<320xi32, #tpu.memory_space<vmem>>, %arg11: memref<320xf32, #tpu.memory_space<vmem>>, %arg12: memref<32x16xf32, #tpu.memory_space<vmem>>, %arg13: memref<48x688xf32, #tpu.memory_space<vmem>>, %arg14: memref<48x688xf32, #tpu.memory_space<vmem>>, %arg15: memref<8x688xf32, #tpu.memory_space<vmem>>, %arg16: memref<8x688xf32, #tpu.memory_space<vmem>>, %arg17: memref<!tpu.dma_semaphore, #tpu.memory_space<semaphore_mem>>, %arg18: memref<!tpu.dma_semaphore, #tpu.memory_space<semaphore_mem>>, %arg19: memref<!tpu.dma_semaphore, #tpu.memory_space<semaphore_mem>>) attributes {dimension_semantics = [#tpu.dimension_semantics<core_parallel>, #tpu.dimension_semantics<subcore_parallel>], iteration_bounds = array<i64: 2, 16>, scalar_prefetch = 0 : i64, scratch_operands = 11 : i64, tpu.core_type = #tpu.core_type<sc_vector_subcore>, window_params = [{transform_indices = #map}, {transform_indices = #map1}, {transform_indices = #map1}, {transform_indices = #map1}, {transform_indices = #map}, {transform_indices = #map}, {transform_indices = #map1}]} {
    %mul3A = arith.constant 2 : i32
    %mul3A_0 = arith.muli %arg1, %mul3A : i32
    %add3A = arith.addi %mul3A_0, %arg0 : i32
    %mul3A_1 = arith.constant 320 : i32
    %mul3A_2 = arith.muli %add3A, %mul3A_1 : i32
    %mul3A_3 = arith.constant 6 : i32
    %mul3A_4 = arith.muli %mul3A_2, %mul3A_3 : i32
    "tpu.region"() ({
      %run_scoped3A = tpu.sem_alloc : memref<!tpu.dma_semaphore, #tpu.memory_space<semaphore_mem>>
      %dma_start3A_144 = tpu.memref_slice %arg4[%mul3A_4] : memref<61440xi32, #tpu.memory_space<hbm>> -> memref<1920xi32, #tpu.memory_space<hbm>>
      %dma_start3A_145 = tpu.memref_slice %arg4[%mul3A_4] : memref<61440xi32, #tpu.memory_space<hbm>> -> memref<1920xi32, #tpu.memory_space<hbm>>
      tpu.enqueue_dma source(%dma_start3A_145 : memref<1920xi32, #tpu.memory_space<hbm>>) target(%arg9 : memref<1920xi32, #tpu.memory_space<vmem>>) target_semaphore(%run_scoped3A : memref<!tpu.dma_semaphore, #tpu.memory_space<semaphore_mem>>)
      %dma_wait3A_146 = tpu.memref_slice %arg4[%mul3A_4] : memref<61440xi32, #tpu.memory_space<hbm>> -> memref<1920xi32, #tpu.memory_space<hbm>>
      %dma_wait3A_147 = tpu.memref_slice %arg4[%mul3A_4] : memref<61440xi32, #tpu.memory_space<hbm>> -> memref<1920xi32, #tpu.memory_space<hbm>>
      tpu.wait_dma2 semaphore(%run_scoped3A : memref<!tpu.dma_semaphore, #tpu.memory_space<semaphore_mem>>) src(%dma_wait3A_147 : memref<1920xi32, #tpu.memory_space<hbm>>) dst(%arg9 : memref<1920xi32, #tpu.memory_space<vmem>>)
      tpu.yield
    }) : () -> ()
    "tpu.region"() ({
      %run_scoped3A = tpu.sem_alloc : memref<!tpu.dma_semaphore, #tpu.memory_space<semaphore_mem>>
      %dma_start3A_144 = tpu.memref_slice %arg5[%mul3A_2] : memref<10240xi32, #tpu.memory_space<hbm>> -> memref<320xi32, #tpu.memory_space<hbm>>
      %dma_start3A_145 = tpu.memref_slice %arg5[%mul3A_2] : memref<10240xi32, #tpu.memory_space<hbm>> -> memref<320xi32, #tpu.memory_space<hbm>>
      tpu.enqueue_dma source(%dma_start3A_145 : memref<320xi32, #tpu.memory_space<hbm>>) target(%arg10 : memref<320xi32, #tpu.memory_space<vmem>>) target_semaphore(%run_scoped3A : memref<!tpu.dma_semaphore, #tpu.memory_space<semaphore_mem>>)
      %dma_wait3A_146 = tpu.memref_slice %arg5[%mul3A_2] : memref<10240xi32, #tpu.memory_space<hbm>> -> memref<320xi32, #tpu.memory_space<hbm>>
      %dma_wait3A_147 = tpu.memref_slice %arg5[%mul3A_2] : memref<10240xi32, #tpu.memory_space<hbm>> -> memref<320xi32, #tpu.memory_space<hbm>>
      tpu.wait_dma2 semaphore(%run_scoped3A : memref<!tpu.dma_semaphore, #tpu.memory_space<semaphore_mem>>) src(%dma_wait3A_147 : memref<320xi32, #tpu.memory_space<hbm>>) dst(%arg10 : memref<320xi32, #tpu.memory_space<vmem>>)
      tpu.yield
    }) : () -> ()
    "tpu.region"() ({
      %run_scoped3A = tpu.sem_alloc : memref<!tpu.dma_semaphore, #tpu.memory_space<semaphore_mem>>
      tpu.enqueue_dma source(%arg6 : memref<32x16xf32, #tpu.memory_space<hbm>>) target(%arg12 : memref<32x16xf32, #tpu.memory_space<vmem>>) target_semaphore(%run_scoped3A : memref<!tpu.dma_semaphore, #tpu.memory_space<semaphore_mem>>)
      tpu.wait_dma2 semaphore(%run_scoped3A : memref<!tpu.dma_semaphore, #tpu.memory_space<semaphore_mem>>) src(%arg6 : memref<32x16xf32, #tpu.memory_space<hbm>>) dst(%arg12 : memref<32x16xf32, #tpu.memory_space<vmem>>)
      tpu.yield
    }) : () -> ()
    %dma_start3A = arith.constant 0 : i32
    %dma_start3A_5 = tpu.memref_slice %arg3[%dma_start3A] : memref<100000xf32, #tpu.memory_space<hbm>> -> memref<100000xf32, #tpu.memory_space<hbm>>
    tpu.enqueue_indirect_dma source(%dma_start3A_5 : memref<100000xf32, #tpu.memory_space<hbm>>) target(%arg11 : memref<320xf32, #tpu.memory_space<vmem>>) offsets(%arg10 : memref<320xi32, #tpu.memory_space<vmem>>) semaphore(%arg19 : memref<!tpu.dma_semaphore, #tpu.memory_space<semaphore_mem>>)
    %dma_wait3A = arith.constant 0 : i32
    %dma_wait3A_6 = tpu.memref_slice %arg3[%dma_wait3A] : memref<100000xf32, #tpu.memory_space<hbm>> -> memref<100000xf32, #tpu.memory_space<hbm>>
    tpu.wait_indirect_dma semaphore(%arg19 : memref<!tpu.dma_semaphore, #tpu.memory_space<semaphore_mem>>) src(%dma_wait3A_6 : memref<100000xf32, #tpu.memory_space<hbm>>) dst(%arg11 : memref<320xf32, #tpu.memory_space<vmem>>)
    "tpu.region"() ({
      %run_scoped3A = tpu.sem_alloc : memref<!tpu.dma_semaphore, #tpu.memory_space<semaphore_mem>>
      %dma_start3A_144 = tpu.memref_slice %arg8[%mul3A_2] : memref<10240xf32, #tpu.memory_space<hbm>> -> memref<320xf32, #tpu.memory_space<hbm>>
      %dma_start3A_145 = tpu.memref_slice %arg8[%mul3A_2] : memref<10240xf32, #tpu.memory_space<hbm>> -> memref<320xf32, #tpu.memory_space<hbm>>
      tpu.enqueue_dma source(%arg11 : memref<320xf32, #tpu.memory_space<vmem>>) target(%dma_start3A_145 : memref<320xf32, #tpu.memory_space<hbm>>) target_semaphore(%run_scoped3A : memref<!tpu.dma_semaphore, #tpu.memory_space<semaphore_mem>>)
      %dma_wait3A_146 = tpu.memref_slice %arg8[%mul3A_2] : memref<10240xf32, #tpu.memory_space<hbm>> -> memref<320xf32, #tpu.memory_space<hbm>>
      %dma_wait3A_147 = tpu.memref_slice %arg8[%mul3A_2] : memref<10240xf32, #tpu.memory_space<hbm>> -> memref<320xf32, #tpu.memory_space<hbm>>
      tpu.wait_dma2 semaphore(%run_scoped3A : memref<!tpu.dma_semaphore, #tpu.memory_space<semaphore_mem>>) src(%arg11 : memref<320xf32, #tpu.memory_space<vmem>>) dst(%dma_wait3A_147 : memref<320xf32, #tpu.memory_space<hbm>>)
      tpu.yield
    }) : () -> ()
    %get3A = arith.constant 0 : i32
    %get3A_7 = arith.index_cast %get3A : i32 to index
    %get3A_8 = arith.constant 0 : index
    %get3A_9 = tpu.vector_load %arg12[%get3A_7, %get3A_8] {strides = array<i32>} : memref<32x16xf32, #tpu.memory_space<vmem>>, vector<16xf32>,
    %get3A_10 = arith.constant 1 : i32
    %get3A_11 = arith.index_cast %get3A_10 : i32 to index
    %get3A_12 = arith.constant 0 : index
    %get3A_13 = tpu.vector_load %arg12[%get3A_11, %get3A_12] {strides = array<i32>} : memref<32x16xf32, #tpu.memory_space<vmem>>, vector<16xf32>,
    %get3A_14 = arith.constant 2 : i32
    %get3A_15 = arith.index_cast %get3A_14 : i32 to index
    %get3A_16 = arith.constant 0 : index
    %get3A_17 = tpu.vector_load %arg12[%get3A_15, %get3A_16] {strides = array<i32>} : memref<32x16xf32, #tpu.memory_space<vmem>>, vector<16xf32>,
    %get3A_18 = arith.constant 3 : i32
    %get3A_19 = arith.index_cast %get3A_18 : i32 to index
    %get3A_20 = arith.constant 0 : index
    %get3A_21 = tpu.vector_load %arg12[%get3A_19, %get3A_20] {strides = array<i32>} : memref<32x16xf32, #tpu.memory_space<vmem>>, vector<16xf32>,
    %get3A_22 = arith.constant 4 : i32
    %get3A_23 = arith.index_cast %get3A_22 : i32 to index
    %get3A_24 = arith.constant 0 : index
    %get3A_25 = tpu.vector_load %arg12[%get3A_23, %get3A_24] {strides = array<i32>} : memref<32x16xf32, #tpu.memory_space<vmem>>, vector<16xf32>,
    %get3A_26 = arith.constant 5 : i32
    %get3A_27 = arith.index_cast %get3A_26 : i32 to index
    %get3A_28 = arith.constant 0 : index
    %get3A_29 = tpu.vector_load %arg12[%get3A_27, %get3A_28] {strides = array<i32>} : memref<32x16xf32, #tpu.memory_space<vmem>>, vector<16xf32>,
    %get3A_30 = arith.constant 6 : i32
    %get3A_31 = arith.index_cast %get3A_30 : i32 to index
    %get3A_32 = arith.constant 0 : index
    %get3A_33 = tpu.vector_load %arg12[%get3A_31, %get3A_32] {strides = array<i32>} : memref<32x16xf32, #tpu.memory_space<vmem>>, vector<16xf32>,
    %get3A_34 = arith.constant 7 : i32
    %get3A_35 = arith.index_cast %get3A_34 : i32 to index
    %get3A_36 = arith.constant 0 : index
    %get3A_37 = tpu.vector_load %arg12[%get3A_35, %get3A_36] {strides = array<i32>} : memref<32x16xf32, #tpu.memory_space<vmem>>, vector<16xf32>,
    %get3A_38 = arith.constant 8 : i32
    %get3A_39 = arith.index_cast %get3A_38 : i32 to index
    %get3A_40 = arith.constant 0 : index
    %get3A_41 = tpu.vector_load %arg12[%get3A_39, %get3A_40] {strides = array<i32>} : memref<32x16xf32, #tpu.memory_space<vmem>>, vector<16xf32>,
    %get3A_42 = arith.constant 9 : i32
    %get3A_43 = arith.index_cast %get3A_42 : i32 to index
    %get3A_44 = arith.constant 0 : index
    %get3A_45 = tpu.vector_load %arg12[%get3A_43, %get3A_44] {strides = array<i32>} : memref<32x16xf32, #tpu.memory_space<vmem>>, vector<16xf32>,
    %get3A_46 = arith.constant 10 : i32
    %get3A_47 = arith.index_cast %get3A_46 : i32 to index
    %get3A_48 = arith.constant 0 : index
    %get3A_49 = tpu.vector_load %arg12[%get3A_47, %get3A_48] {strides = array<i32>} : memref<32x16xf32, #tpu.memory_space<vmem>>, vector<16xf32>,
    %get3A_50 = arith.constant 11 : i32
    %get3A_51 = arith.index_cast %get3A_50 : i32 to index
    %get3A_52 = arith.constant 0 : index
    %get3A_53 = tpu.vector_load %arg12[%get3A_51, %get3A_52] {strides = array<i32>} : memref<32x16xf32, #tpu.memory_space<vmem>>, vector<16xf32>,
    %get3A_54 = arith.constant 12 : i32
    %get3A_55 = arith.index_cast %get3A_54 : i32 to index
    %get3A_56 = arith.constant 0 : index
    %get3A_57 = tpu.vector_load %arg12[%get3A_55, %get3A_56] {strides = array<i32>} : memref<32x16xf32, #tpu.memory_space<vmem>>, vector<16xf32>,
    %get3A_58 = arith.constant 13 : i32
    %get3A_59 = arith.index_cast %get3A_58 : i32 to index
    %get3A_60 = arith.constant 0 : index
    %get3A_61 = tpu.vector_load %arg12[%get3A_59, %get3A_60] {strides = array<i32>} : memref<32x16xf32, #tpu.memory_space<vmem>>, vector<16xf32>,
    %get3A_62 = arith.constant 14 : i32
    %get3A_63 = arith.index_cast %get3A_62 : i32 to index
    %get3A_64 = arith.constant 0 : index
    %get3A_65 = tpu.vector_load %arg12[%get3A_63, %get3A_64] {strides = array<i32>} : memref<32x16xf32, #tpu.memory_space<vmem>>, vector<16xf32>,
    %get3A_66 = arith.constant 15 : i32
    %get3A_67 = arith.index_cast %get3A_66 : i32 to index
    %get3A_68 = arith.constant 0 : index
    %get3A_69 = tpu.vector_load %arg12[%get3A_67, %get3A_68] {strides = array<i32>} : memref<32x16xf32, #tpu.memory_space<vmem>>, vector<16xf32>,
    %get3A_70 = arith.constant 16 : i32
    %get3A_71 = arith.index_cast %get3A_70 : i32 to index
    %get3A_72 = arith.constant 0 : index
    %get3A_73 = tpu.vector_load %arg12[%get3A_71, %get3A_72] {strides = array<i32>} : memref<32x16xf32, #tpu.memory_space<vmem>>, vector<16xf32>,
    %get3A_74 = arith.constant 17 : i32
    %get3A_75 = arith.index_cast %get3A_74 : i32 to index
    %get3A_76 = arith.constant 0 : index
    %get3A_77 = tpu.vector_load %arg12[%get3A_75, %get3A_76] {strides = array<i32>} : memref<32x16xf32, #tpu.memory_space<vmem>>, vector<16xf32>,
    %get3A_78 = arith.constant 18 : i32
    %get3A_79 = arith.index_cast %get3A_78 : i32 to index
    %get3A_80 = arith.constant 0 : index
    %get3A_81 = tpu.vector_load %arg12[%get3A_79, %get3A_80] {strides = array<i32>} : memref<32x16xf32, #tpu.memory_space<vmem>>, vector<16xf32>,
    %get3A_82 = arith.constant 19 : i32
    %get3A_83 = arith.index_cast %get3A_82 : i32 to index
    %get3A_84 = arith.constant 0 : index
    %get3A_85 = tpu.vector_load %arg12[%get3A_83, %get3A_84] {strides = array<i32>} : memref<32x16xf32, #tpu.memory_space<vmem>>, vector<16xf32>,
    %get3A_86 = arith.constant 20 : i32
    %get3A_87 = arith.index_cast %get3A_86 : i32 to index
    %get3A_88 = arith.constant 0 : index
    %get3A_89 = tpu.vector_load %arg12[%get3A_87, %get3A_88] {strides = array<i32>} : memref<32x16xf32, #tpu.memory_space<vmem>>, vector<16xf32>,
    %get3A_90 = arith.constant 21 : i32
    %get3A_91 = arith.index_cast %get3A_90 : i32 to index
    %get3A_92 = arith.constant 0 : index
    %get3A_93 = tpu.vector_load %arg12[%get3A_91, %get3A_92] {strides = array<i32>} : memref<32x16xf32, #tpu.memory_space<vmem>>, vector<16xf32>,
    %get3A_94 = arith.constant 22 : i32
    %get3A_95 = arith.index_cast %get3A_94 : i32 to index
    %get3A_96 = arith.constant 0 : index
    %get3A_97 = tpu.vector_load %arg12[%get3A_95, %get3A_96] {strides = array<i32>} : memref<32x16xf32, #tpu.memory_space<vmem>>, vector<16xf32>,
    %get3A_98 = arith.constant 23 : i32
    %get3A_99 = arith.index_cast %get3A_98 : i32 to index
    %get3A_100 = arith.constant 0 : index
    %get3A_101 = tpu.vector_load %arg12[%get3A_99, %get3A_100] {strides = array<i32>} : memref<32x16xf32, #tpu.memory_space<vmem>>, vector<16xf32>,
    %get3A_102 = arith.constant 24 : i32
    %get3A_103 = arith.index_cast %get3A_102 : i32 to index
    %get3A_104 = arith.constant 0 : index
    %get3A_105 = tpu.vector_load %arg12[%get3A_103, %get3A_104] {strides = array<i32>} : memref<32x16xf32, #tpu.memory_space<vmem>>, vector<16xf32>,
    %get3A_106 = arith.constant 25 : i32
    %get3A_107 = arith.index_cast %get3A_106 : i32 to index
    %get3A_108 = arith.constant 0 : index
    %get3A_109 = tpu.vector_load %arg12[%get3A_107, %get3A_108] {strides = array<i32>} : memref<32x16xf32, #tpu.memory_space<vmem>>, vector<16xf32>,
    %get3A_110 = arith.constant 26 : i32
    %get3A_111 = arith.index_cast %get3A_110 : i32 to index
    %get3A_112 = arith.constant 0 : index
    %get3A_113 = tpu.vector_load %arg12[%get3A_111, %get3A_112] {strides = array<i32>} : memref<32x16xf32, #tpu.memory_space<vmem>>, vector<16xf32>,
    %get3A_114 = arith.constant 27 : i32
    %get3A_115 = arith.index_cast %get3A_114 : i32 to index
    %get3A_116 = arith.constant 0 : index
    %get3A_117 = tpu.vector_load %arg12[%get3A_115, %get3A_116] {strides = array<i32>} : memref<32x16xf32, #tpu.memory_space<vmem>>, vector<16xf32>,
    %get3A_118 = arith.constant 28 : i32
    %get3A_119 = arith.index_cast %get3A_118 : i32 to index
    %get3A_120 = arith.constant 0 : index
    %get3A_121 = tpu.vector_load %arg12[%get3A_119, %get3A_120] {strides = array<i32>} : memref<32x16xf32, #tpu.memory_space<vmem>>, vector<16xf32>,
    %get3A_122 = arith.constant 29 : i32
    %get3A_123 = arith.index_cast %get3A_122 : i32 to index
    %get3A_124 = arith.constant 0 : index
    %get3A_125 = tpu.vector_load %arg12[%get3A_123, %get3A_124] {strides = array<i32>} : memref<32x16xf32, #tpu.memory_space<vmem>>, vector<16xf32>,
    %get3A_126 = arith.constant 30 : i32
    %get3A_127 = arith.index_cast %get3A_126 : i32 to index
    %get3A_128 = arith.constant 0 : index
    %get3A_129 = tpu.vector_load %arg12[%get3A_127, %get3A_128] {strides = array<i32>} : memref<32x16xf32, #tpu.memory_space<vmem>>, vector<16xf32>,
    %get3A_130 = arith.constant 31 : i32
    %get3A_131 = arith.index_cast %get3A_130 : i32 to index
    %get3A_132 = arith.constant 0 : index
    %get3A_133 = tpu.vector_load %arg12[%get3A_131, %get3A_132] {strides = array<i32>} : memref<32x16xf32, #tpu.memory_space<vmem>>, vector<16xf32>,
    %dma_start3A_134 = arith.constant 0 : i32
    %dma_start3A_135 = tpu.memref_slice %arg9[%dma_start3A_134] : memref<1920xi32, #tpu.memory_space<vmem>> -> memref<48xi32, #tpu.memory_space<vmem>>
    %dma_start3A_136 = arith.constant 0 : i32
    %dma_start3A_137 = arith.constant 0 : i32
    %dma_start3A_138 = tpu.memref_slice %arg2[%dma_start3A_136, %dma_start3A_137] : memref<100008x688xf32, #tpu.memory_space<hbm>> -> memref<100008x688xf32, #tpu.memory_space<hbm>>
    tpu.enqueue_indirect_dma source(%dma_start3A_138 : memref<100008x688xf32, #tpu.memory_space<hbm>>) target(%arg13 : memref<48x688xf32, #tpu.memory_space<vmem>>) offsets(%dma_start3A_135 : memref<48xi32, #tpu.memory_space<vmem>>) semaphore(%arg17 : memref<!tpu.dma_semaphore, #tpu.memory_space<semaphore_mem>>)
    %scan3A = arith.constant 0 : i32
    %scan3A_139 = arith.constant 0 : i32
    %scan3A_140 = arith.constant 20 : i32
    %scan3A_141 = arith.addi %scan3A_139, %scan3A_140 : i32
    %scan3A_142 = arith.constant 1 : i32
    scf.for %scan3A_144 = %scan3A_139 to %scan3A_141 step %scan3A_142  : i32 {
      %mul3A_145 = arith.constant 2 : i32
      %mul3A_146 = arith.muli %scan3A_144, %mul3A_145 : i32
      %dma_wait3A_147 = arith.constant 0 : i32
      %dma_wait3A_148 = tpu.memref_slice %arg9[%dma_wait3A_147] : memref<1920xi32, #tpu.memory_space<vmem>> -> memref<48xi32, #tpu.memory_space<vmem>>
      %dma_wait3A_149 = arith.constant 0 : i32
      %dma_wait3A_150 = arith.constant 0 : i32
      %dma_wait3A_151 = tpu.memref_slice %arg2[%dma_wait3A_149, %dma_wait3A_150] : memref<100008x688xf32, #tpu.memory_space<hbm>> -> memref<100008x688xf32, #tpu.memory_space<hbm>>
      tpu.wait_indirect_dma semaphore(%arg17 : memref<!tpu.dma_semaphore, #tpu.memory_space<semaphore_mem>>) src(%dma_wait3A_151 : memref<100008x688xf32, #tpu.memory_space<hbm>>) dst(%arg13 : memref<48x688xf32, #tpu.memory_space<vmem>>)
      %add3A_152 = arith.constant 1 : i32
      %add3A_153 = arith.addi %mul3A_146, %add3A_152 : i32
      %mul3A_154 = arith.constant 48 : i32
      %mul3A_155 = arith.muli %add3A_153, %mul3A_154 : i32
      %dma_start3A_156 = tpu.memref_slice %arg9[%mul3A_155] : memref<1920xi32, #tpu.memory_space<vmem>> -> memref<48xi32, #tpu.memory_space<vmem>>
      %dma_start3A_157 = arith.constant 0 : i32
      %dma_start3A_158 = arith.constant 0 : i32
      %dma_start3A_159 = tpu.memref_slice %arg2[%dma_start3A_157, %dma_start3A_158] : memref<100008x688xf32, #tpu.memory_space<hbm>> -> memref<100008x688xf32, #tpu.memory_space<hbm>>
      tpu.enqueue_indirect_dma source(%dma_start3A_159 : memref<100008x688xf32, #tpu.memory_space<hbm>>) target(%arg14 : memref<48x688xf32, #tpu.memory_space<vmem>>) offsets(%dma_start3A_156 : memref<48xi32, #tpu.memory_space<vmem>>) semaphore(%arg18 : memref<!tpu.dma_semaphore, #tpu.memory_space<semaphore_mem>>)
      %scan3A_160 = arith.constant 0 : i32
      %scan3A_161 = arith.constant 0 : i32
      %scan3A_162 = arith.constant 43 : i32
      %scan3A_163 = arith.addi %scan3A_161, %scan3A_162 : i32
      %scan3A_164 = arith.constant 1 : i32
      scf.for %scan3A_273 = %scan3A_161 to %scan3A_163 step %scan3A_164  : i32 {
        %mul3A_274 = arith.constant 16 : i32
        %mul3A_275 = arith.muli %scan3A_273, %mul3A_274 : i32
        %get3A_276 = arith.constant 0 : i32
        %get3A_277 = arith.index_cast %get3A_276 : i32 to index
        %get3A_278 = arith.index_cast %mul3A_275 : i32 to index
        %get3A_279 = tpu.vector_load %arg13[%get3A_277, %get3A_278] {strides = array<i32>} : memref<48x688xf32, #tpu.memory_space<vmem>>, vector<16xf32>,
        %get3A_280 = arith.constant 1 : i32
        %get3A_281 = arith.index_cast %get3A_280 : i32 to index
        %get3A_282 = arith.index_cast %mul3A_275 : i32 to index
        %get3A_283 = tpu.vector_load %arg13[%get3A_281, %get3A_282] {strides = array<i32>} : memref<48x688xf32, #tpu.memory_space<vmem>>, vector<16xf32>,
        %get3A_284 = arith.constant 2 : i32
        %get3A_285 = arith.index_cast %get3A_284 : i32 to index
        %get3A_286 = arith.index_cast %mul3A_275 : i32 to index
        %get3A_287 = tpu.vector_load %arg13[%get3A_285, %get3A_286] {strides = array<i32>} : memref<48x688xf32, #tpu.memory_space<vmem>>, vector<16xf32>,
        %get3A_288 = arith.constant 3 : i32
        %get3A_289 = arith.index_cast %get3A_288 : i32 to index
        %get3A_290 = arith.index_cast %mul3A_275 : i32 to index
        %get3A_291 = tpu.vector_load %arg13[%get3A_289, %get3A_290] {strides = array<i32>} : memref<48x688xf32, #tpu.memory_space<vmem>>, vector<16xf32>,
        %get3A_292 = arith.constant 4 : i32
        %get3A_293 = arith.index_cast %get3A_292 : i32 to index
        %get3A_294 = arith.index_cast %mul3A_275 : i32 to index
        %get3A_295 = tpu.vector_load %arg13[%get3A_293, %get3A_294] {strides = array<i32>} : memref<48x688xf32, #tpu.memory_space<vmem>>, vector<16xf32>,
        %get3A_296 = arith.constant 5 : i32
        %get3A_297 = arith.index_cast %get3A_296 : i32 to index
        %get3A_298 = arith.index_cast %mul3A_275 : i32 to index
        %get3A_299 = tpu.vector_load %arg13[%get3A_297, %get3A_298] {strides = array<i32>} : memref<48x688xf32, #tpu.memory_space<vmem>>, vector<16xf32>,
        %mul3A_300 = arith.mulf %get3A_279, %get3A_9 : vector<16xf32>
        %add3A_301 = arith.addf %get3A_81, %mul3A_300 : vector<16xf32>
        %mul3A_302 = arith.mulf %get3A_283, %get3A_21 : vector<16xf32>
        %add3A_303 = arith.addf %add3A_301, %mul3A_302 : vector<16xf32>
        %mul3A_304 = arith.mulf %get3A_287, %get3A_33 : vector<16xf32>
        %add3A_305 = arith.addf %add3A_303, %mul3A_304 : vector<16xf32>
        %mul3A_306 = arith.mulf %get3A_291, %get3A_45 : vector<16xf32>
        %add3A_307 = arith.addf %add3A_305, %mul3A_306 : vector<16xf32>
        %mul3A_308 = arith.mulf %get3A_295, %get3A_57 : vector<16xf32>
        %add3A_309 = arith.addf %add3A_307, %mul3A_308 : vector<16xf32>
        %mul3A_310 = arith.mulf %get3A_299, %get3A_69 : vector<16xf32>
        %add3A_311 = arith.addf %add3A_309, %mul3A_310 : vector<16xf32>
        %max3A = arith.constant 0.000000e+00 : f32
        %max3A_312 = vector.broadcast %max3A : f32 to vector<16xf32>
        %max3A_313 = arith.maximumf %add3A_311, %max3A_312 : vector<16xf32>
        %mul3A_314 = arith.mulf %get3A_279, %get3A_13 : vector<16xf32>
        %add3A_315 = arith.addf %get3A_85, %mul3A_314 : vector<16xf32>
        %mul3A_316 = arith.mulf %get3A_283, %get3A_25 : vector<16xf32>
        %add3A_317 = arith.addf %add3A_315, %mul3A_316 : vector<16xf32>
        %mul3A_318 = arith.mulf %get3A_287, %get3A_37 : vector<16xf32>
        %add3A_319 = arith.addf %add3A_317, %mul3A_318 : vector<16xf32>
        %mul3A_320 = arith.mulf %get3A_291, %get3A_49 : vector<16xf32>
        %add3A_321 = arith.addf %add3A_319, %mul3A_320 : vector<16xf32>
        %mul3A_322 = arith.mulf %get3A_295, %get3A_61 : vector<16xf32>
        %add3A_323 = arith.addf %add3A_321, %mul3A_322 : vector<16xf32>
        %mul3A_324 = arith.mulf %get3A_299, %get3A_73 : vector<16xf32>
        %add3A_325 = arith.addf %add3A_323, %mul3A_324 : vector<16xf32>
        %max3A_326 = arith.constant 0.000000e+00 : f32
        %max3A_327 = vector.broadcast %max3A_326 : f32 to vector<16xf32>
        %max3A_328 = arith.maximumf %add3A_325, %max3A_327 : vector<16xf32>
        %mul3A_329 = arith.mulf %get3A_279, %get3A_17 : vector<16xf32>
        %add3A_330 = arith.addf %get3A_89, %mul3A_329 : vector<16xf32>
        %mul3A_331 = arith.mulf %get3A_283, %get3A_29 : vector<16xf32>
        %add3A_332 = arith.addf %add3A_330, %mul3A_331 : vector<16xf32>
        %mul3A_333 = arith.mulf %get3A_287, %get3A_41 : vector<16xf32>
        %add3A_334 = arith.addf %add3A_332, %mul3A_333 : vector<16xf32>
        %mul3A_335 = arith.mulf %get3A_291, %get3A_53 : vector<16xf32>
        %add3A_336 = arith.addf %add3A_334, %mul3A_335 : vector<16xf32>
        %mul3A_337 = arith.mulf %get3A_295, %get3A_65 : vector<16xf32>
        %add3A_338 = arith.addf %add3A_336, %mul3A_337 : vector<16xf32>
        %mul3A_339 = arith.mulf %get3A_299, %get3A_77 : vector<16xf32>
        %add3A_340 = arith.addf %add3A_338, %mul3A_339 : vector<16xf32>
        %max3A_341 = arith.constant 0.000000e+00 : f32
        %max3A_342 = vector.broadcast %max3A_341 : f32 to vector<16xf32>
        %max3A_343 = arith.maximumf %add3A_340, %max3A_342 : vector<16xf32>
        %mul3A_344 = arith.mulf %max3A_313, %get3A_93 : vector<16xf32>
        %add3A_345 = arith.addf %get3A_117, %mul3A_344 : vector<16xf32>
        %mul3A_346 = arith.mulf %max3A_328, %get3A_101 : vector<16xf32>
        %add3A_347 = arith.addf %add3A_345, %mul3A_346 : vector<16xf32>
        %mul3A_348 = arith.mulf %max3A_343, %get3A_109 : vector<16xf32>
        %add3A_349 = arith.addf %add3A_347, %mul3A_348 : vector<16xf32>
        %max3A_350 = arith.constant 0.000000e+00 : f32
        %max3A_351 = vector.broadcast %max3A_350 : f32 to vector<16xf32>
        %max3A_352 = arith.maximumf %add3A_349, %max3A_351 : vector<16xf32>
        %mul3A_353 = arith.mulf %max3A_313, %get3A_97 : vector<16xf32>
        %add3A_354 = arith.addf %get3A_121, %mul3A_353 : vector<16xf32>
        %mul3A_355 = arith.mulf %max3A_328, %get3A_105 : vector<16xf32>
        %add3A_356 = arith.addf %add3A_354, %mul3A_355 : vector<16xf32>
        %mul3A_357 = arith.mulf %max3A_343, %get3A_113 : vector<16xf32>
        %add3A_358 = arith.addf %add3A_356, %mul3A_357 : vector<16xf32>
        %max3A_359 = arith.constant 0.000000e+00 : f32
        %max3A_360 = vector.broadcast %max3A_359 : f32 to vector<16xf32>
        %max3A_361 = arith.maximumf %add3A_358, %max3A_360 : vector<16xf32>
        %mul3A_362 = arith.mulf %max3A_352, %get3A_125 : vector<16xf32>
        %add3A_363 = arith.addf %get3A_133, %mul3A_362 : vector<16xf32>
        %mul3A_364 = arith.mulf %max3A_361, %get3A_129 : vector<16xf32>
        %add3A_365 = arith.addf %add3A_363, %mul3A_364 : vector<16xf32>
        %swap3A = arith.constant 0 : i32
        %swap3A_366 = arith.index_cast %swap3A : i32 to index
        %swap3A_367 = arith.index_cast %mul3A_275 : i32 to index
        %swap3A_368 = tpu.vector_load %arg15[%swap3A_366, %swap3A_367] {strides = array<i32>} : memref<8x688xf32, #tpu.memory_space<vmem>>, vector<16xf32>,
        tpu.vector_store %arg15[%swap3A_366, %swap3A_367], %add3A_365 {strides = array<i32>} : memref<8x688xf32, #tpu.memory_space<vmem>>, vector<16xf32>,
      }
      %scan3A_165 = arith.constant 43 : i32
      %scan3A_166 = arith.constant 0 : i32
      %scan3A_167 = arith.constant 0 : i32
      %scan3A_168 = arith.constant 43 : i32
      %scan3A_169 = arith.addi %scan3A_167, %scan3A_168 : i32
      %scan3A_170 = arith.constant 1 : i32
      scf.for %scan3A_273 = %scan3A_167 to %scan3A_169 step %scan3A_170  : i32 {
        %mul3A_274 = arith.constant 16 : i32
        %mul3A_275 = arith.muli %scan3A_273, %mul3A_274 : i32
        %get3A_276 = arith.constant 6 : i32
        %get3A_277 = arith.index_cast %get3A_276 : i32 to index
        %get3A_278 = arith.index_cast %mul3A_275 : i32 to index
        %get3A_279 = tpu.vector_load %arg13[%get3A_277, %get3A_278] {strides = array<i32>} : memref<48x688xf32, #tpu.memory_space<vmem>>, vector<16xf32>,
        %get3A_280 = arith.constant 7 : i32
        %get3A_281 = arith.index_cast %get3A_280 : i32 to index
        %get3A_282 = arith.index_cast %mul3A_275 : i32 to index
        %get3A_283 = tpu.vector_load %arg13[%get3A_281, %get3A_282] {strides = array<i32>} : memref<48x688xf32, #tpu.memory_space<vmem>>, vector<16xf32>,
        %get3A_284 = arith.constant 8 : i32
        %get3A_285 = arith.index_cast %get3A_284 : i32 to index
        %get3A_286 = arith.index_cast %mul3A_275 : i32 to index
        %get3A_287 = tpu.vector_load %arg13[%get3A_285, %get3A_286] {strides = array<i32>} : memref<48x688xf32, #tpu.memory_space<vmem>>, vector<16xf32>,
        %get3A_288 = arith.constant 9 : i32
        %get3A_289 = arith.index_cast %get3A_288 : i32 to index
        %get3A_290 = arith.index_cast %mul3A_275 : i32 to index
        %get3A_291 = tpu.vector_load %arg13[%get3A_289, %get3A_290] {strides = array<i32>} : memref<48x688xf32, #tpu.memory_space<vmem>>, vector<16xf32>,
        %get3A_292 = arith.constant 10 : i32
        %get3A_293 = arith.index_cast %get3A_292 : i32 to index
        %get3A_294 = arith.index_cast %mul3A_275 : i32 to index
        %get3A_295 = tpu.vector_load %arg13[%get3A_293, %get3A_294] {strides = array<i32>} : memref<48x688xf32, #tpu.memory_space<vmem>>, vector<16xf32>,
        %get3A_296 = arith.constant 11 : i32
        %get3A_297 = arith.index_cast %get3A_296 : i32 to index
        %get3A_298 = arith.index_cast %mul3A_275 : i32 to index
        %get3A_299 = tpu.vector_load %arg13[%get3A_297, %get3A_298] {strides = array<i32>} : memref<48x688xf32, #tpu.memory_space<vmem>>, vector<16xf32>,
        %mul3A_300 = arith.mulf %get3A_279, %get3A_9 : vector<16xf32>
        %add3A_301 = arith.addf %get3A_81, %mul3A_300 : vector<16xf32>
        %mul3A_302 = arith.mulf %get3A_283, %get3A_21 : vector<16xf32>
        %add3A_303 = arith.addf %add3A_301, %mul3A_302 : vector<16xf32>
        %mul3A_304 = arith.mulf %get3A_287, %get3A_33 : vector<16xf32>
        %add3A_305 = arith.addf %add3A_303, %mul3A_304 : vector<16xf32>
        %mul3A_306 = arith.mulf %get3A_291, %get3A_45 : vector<16xf32>
        %add3A_307 = arith.addf %add3A_305, %mul3A_306 : vector<16xf32>
        %mul3A_308 = arith.mulf %get3A_295, %get3A_57 : vector<16xf32>
        %add3A_309 = arith.addf %add3A_307, %mul3A_308 : vector<16xf32>
        %mul3A_310 = arith.mulf %get3A_299, %get3A_69 : vector<16xf32>
        %add3A_311 = arith.addf %add3A_309, %mul3A_310 : vector<16xf32>
        %max3A = arith.constant 0.000000e+00 : f32
        %max3A_312 = vector.broadcast %max3A : f32 to vector<16xf32>
        %max3A_313 = arith.maximumf %add3A_311, %max3A_312 : vector<16xf32>
        %mul3A_314 = arith.mulf %get3A_279, %get3A_13 : vector<16xf32>
        %add3A_315 = arith.addf %get3A_85, %mul3A_314 : vector<16xf32>
        %mul3A_316 = arith.mulf %get3A_283, %get3A_25 : vector<16xf32>
        %add3A_317 = arith.addf %add3A_315, %mul3A_316 : vector<16xf32>
        %mul3A_318 = arith.mulf %get3A_287, %get3A_37 : vector<16xf32>
        %add3A_319 = arith.addf %add3A_317, %mul3A_318 : vector<16xf32>
        %mul3A_320 = arith.mulf %get3A_291, %get3A_49 : vector<16xf32>
        %add3A_321 = arith.addf %add3A_319, %mul3A_320 : vector<16xf32>
        %mul3A_322 = arith.mulf %get3A_295, %get3A_61 : vector<16xf32>
        %add3A_323 = arith.addf %add3A_321, %mul3A_322 : vector<16xf32>
        %mul3A_324 = arith.mulf %get3A_299, %get3A_73 : vector<16xf32>
        %add3A_325 = arith.addf %add3A_323, %mul3A_324 : vector<16xf32>
        %max3A_326 = arith.constant 0.000000e+00 : f32
        %max3A_327 = vector.broadcast %max3A_326 : f32 to vector<16xf32>
        %max3A_328 = arith.maximumf %add3A_325, %max3A_327 : vector<16xf32>
        %mul3A_329 = arith.mulf %get3A_279, %get3A_17 : vector<16xf32>
        %add3A_330 = arith.addf %get3A_89, %mul3A_329 : vector<16xf32>
        %mul3A_331 = arith.mulf %get3A_283, %get3A_29 : vector<16xf32>
        %add3A_332 = arith.addf %add3A_330, %mul3A_331 : vector<16xf32>
        %mul3A_333 = arith.mulf %get3A_287, %get3A_41 : vector<16xf32>
        %add3A_334 = arith.addf %add3A_332, %mul3A_333 : vector<16xf32>
        %mul3A_335 = arith.mulf %get3A_291, %get3A_53 : vector<16xf32>
        %add3A_336 = arith.addf %add3A_334, %mul3A_335 : vector<16xf32>
        %mul3A_337 = arith.mulf %get3A_295, %get3A_65 : vector<16xf32>
        %add3A_338 = arith.addf %add3A_336, %mul3A_337 : vector<16xf32>
        %mul3A_339 = arith.mulf %get3A_299, %get3A_77 : vector<16xf32>
        %add3A_340 = arith.addf %add3A_338, %mul3A_339 : vector<16xf32>
        %max3A_341 = arith.constant 0.000000e+00 : f32
        %max3A_342 = vector.broadcast %max3A_341 : f32 to vector<16xf32>
        %max3A_343 = arith.maximumf %add3A_340, %max3A_342 : vector<16xf32>
        %mul3A_344 = arith.mulf %max3A_313, %get3A_93 : vector<16xf32>
        %add3A_345 = arith.addf %get3A_117, %mul3A_344 : vector<16xf32>
        %mul3A_346 = arith.mulf %max3A_328, %get3A_101 : vector<16xf32>
        %add3A_347 = arith.addf %add3A_345, %mul3A_346 : vector<16xf32>
        %mul3A_348 = arith.mulf %max3A_343, %get3A_109 : vector<16xf32>
        %add3A_349 = arith.addf %add3A_347, %mul3A_348 : vector<16xf32>
        %max3A_350 = arith.constant 0.000000e+00 : f32
        %max3A_351 = vector.broadcast %max3A_350 : f32 to vector<16xf32>
        %max3A_352 = arith.maximumf %add3A_349, %max3A_351 : vector<16xf32>
        %mul3A_353 = arith.mulf %max3A_313, %get3A_97 : vector<16xf32>
        %add3A_354 = arith.addf %get3A_121, %mul3A_353 : vector<16xf32>
        %mul3A_355 = arith.mulf %max3A_328, %get3A_105 : vector<16xf32>
        %add3A_356 = arith.addf %add3A_354, %mul3A_355 : vector<16xf32>
        %mul3A_357 = arith.mulf %max3A_343, %get3A_113 : vector<16xf32>
        %add3A_358 = arith.addf %add3A_356, %mul3A_357 : vector<16xf32>
        %max3A_359 = arith.constant 0.000000e+00 : f32
        %max3A_360 = vector.broadcast %max3A_359 : f32 to vector<16xf32>
        %max3A_361 = arith.maximumf %add3A_358, %max3A_360 : vector<16xf32>
        %mul3A_362 = arith.mulf %max3A_352, %get3A_125 : vector<16xf32>
        %add3A_363 = arith.addf %get3A_133, %mul3A_362 : vector<16xf32>
        %mul3A_364 = arith.mulf %max3A_361, %get3A_129 : vector<16xf32>
        %add3A_365 = arith.addf %add3A_363, %mul3A_364 : vector<16xf32>
        %swap3A = arith.constant 1 : i32
        %swap3A_366 = arith.index_cast %swap3A : i32 to index
        %swap3A_367 = arith.index_cast %mul3A_275 : i32 to index
        %swap3A_368 = tpu.vector_load %arg15[%swap3A_366, %swap3A_367] {strides = array<i32>} : memref<8x688xf32, #tpu.memory_space<vmem>>, vector<16xf32>,
        tpu.vector_store %arg15[%swap3A_366, %swap3A_367], %add3A_365 {strides = array<i32>} : memref<8x688xf32, #tpu.memory_space<vmem>>, vector<16xf32>,
      }
      %scan3A_171 = arith.constant 43 : i32
      %scan3A_172 = arith.constant 0 : i32
      %scan3A_173 = arith.constant 0 : i32
      %scan3A_174 = arith.constant 43 : i32
      %scan3A_175 = arith.addi %scan3A_173, %scan3A_174 : i32
      %scan3A_176 = arith.constant 1 : i32
      scf.for %scan3A_273 = %scan3A_173 to %scan3A_175 step %scan3A_176  : i32 {
        %mul3A_274 = arith.constant 16 : i32
        %mul3A_275 = arith.muli %scan3A_273, %mul3A_274 : i32
        %get3A_276 = arith.constant 12 : i32
        %get3A_277 = arith.index_cast %get3A_276 : i32 to index
        %get3A_278 = arith.index_cast %mul3A_275 : i32 to index
        %get3A_279 = tpu.vector_load %arg13[%get3A_277, %get3A_278] {strides = array<i32>} : memref<48x688xf32, #tpu.memory_space<vmem>>, vector<16xf32>,
        %get3A_280 = arith.constant 13 : i32
        %get3A_281 = arith.index_cast %get3A_280 : i32 to index
        %get3A_282 = arith.index_cast %mul3A_275 : i32 to index
        %get3A_283 = tpu.vector_load %arg13[%get3A_281, %get3A_282] {strides = array<i32>} : memref<48x688xf32, #tpu.memory_space<vmem>>, vector<16xf32>,
        %get3A_284 = arith.constant 14 : i32
        %get3A_285 = arith.index_cast %get3A_284 : i32 to index
        %get3A_286 = arith.index_cast %mul3A_275 : i32 to index
        %get3A_287 = tpu.vector_load %arg13[%get3A_285, %get3A_286] {strides = array<i32>} : memref<48x688xf32, #tpu.memory_space<vmem>>, vector<16xf32>,
        %get3A_288 = arith.constant 15 : i32
        %get3A_289 = arith.index_cast %get3A_288 : i32 to index
        %get3A_290 = arith.index_cast %mul3A_275 : i32 to index
        %get3A_291 = tpu.vector_load %arg13[%get3A_289, %get3A_290] {strides = array<i32>} : memref<48x688xf32, #tpu.memory_space<vmem>>, vector<16xf32>,
        %get3A_292 = arith.constant 16 : i32
        %get3A_293 = arith.index_cast %get3A_292 : i32 to index
        %get3A_294 = arith.index_cast %mul3A_275 : i32 to index
        %get3A_295 = tpu.vector_load %arg13[%get3A_293, %get3A_294] {strides = array<i32>} : memref<48x688xf32, #tpu.memory_space<vmem>>, vector<16xf32>,
        %get3A_296 = arith.constant 17 : i32
        %get3A_297 = arith.index_cast %get3A_296 : i32 to index
        %get3A_298 = arith.index_cast %mul3A_275 : i32 to index
        %get3A_299 = tpu.vector_load %arg13[%get3A_297, %get3A_298] {strides = array<i32>} : memref<48x688xf32, #tpu.memory_space<vmem>>, vector<16xf32>,
        %mul3A_300 = arith.mulf %get3A_279, %get3A_9 : vector<16xf32>
        %add3A_301 = arith.addf %get3A_81, %mul3A_300 : vector<16xf32>
        %mul3A_302 = arith.mulf %get3A_283, %get3A_21 : vector<16xf32>
        %add3A_303 = arith.addf %add3A_301, %mul3A_302 : vector<16xf32>
        %mul3A_304 = arith.mulf %get3A_287, %get3A_33 : vector<16xf32>
        %add3A_305 = arith.addf %add3A_303, %mul3A_304 : vector<16xf32>
        %mul3A_306 = arith.mulf %get3A_291, %get3A_45 : vector<16xf32>
        %add3A_307 = arith.addf %add3A_305, %mul3A_306 : vector<16xf32>
        %mul3A_308 = arith.mulf %get3A_295, %get3A_57 : vector<16xf32>
        %add3A_309 = arith.addf %add3A_307, %mul3A_308 : vector<16xf32>
        %mul3A_310 = arith.mulf %get3A_299, %get3A_69 : vector<16xf32>
        %add3A_311 = arith.addf %add3A_309, %mul3A_310 : vector<16xf32>
        %max3A = arith.constant 0.000000e+00 : f32
        %max3A_312 = vector.broadcast %max3A : f32 to vector<16xf32>
        %max3A_313 = arith.maximumf %add3A_311, %max3A_312 : vector<16xf32>
        %mul3A_314 = arith.mulf %get3A_279, %get3A_13 : vector<16xf32>
        %add3A_315 = arith.addf %get3A_85, %mul3A_314 : vector<16xf32>
        %mul3A_316 = arith.mulf %get3A_283, %get3A_25 : vector<16xf32>
        %add3A_317 = arith.addf %add3A_315, %mul3A_316 : vector<16xf32>
        %mul3A_318 = arith.mulf %get3A_287, %get3A_37 : vector<16xf32>
        %add3A_319 = arith.addf %add3A_317, %mul3A_318 : vector<16xf32>
        %mul3A_320 = arith.mulf %get3A_291, %get3A_49 : vector<16xf32>
        %add3A_321 = arith.addf %add3A_319, %mul3A_320 : vector<16xf32>
        %mul3A_322 = arith.mulf %get3A_295, %get3A_61 : vector<16xf32>
        %add3A_323 = arith.addf %add3A_321, %mul3A_322 : vector<16xf32>
        %mul3A_324 = arith.mulf %get3A_299, %get3A_73 : vector<16xf32>
        %add3A_325 = arith.addf %add3A_323, %mul3A_324 : vector<16xf32>
        %max3A_326 = arith.constant 0.000000e+00 : f32
        %max3A_327 = vector.broadcast %max3A_326 : f32 to vector<16xf32>
        %max3A_328 = arith.maximumf %add3A_325, %max3A_327 : vector<16xf32>
        %mul3A_329 = arith.mulf %get3A_279, %get3A_17 : vector<16xf32>
        %add3A_330 = arith.addf %get3A_89, %mul3A_329 : vector<16xf32>
        %mul3A_331 = arith.mulf %get3A_283, %get3A_29 : vector<16xf32>
        %add3A_332 = arith.addf %add3A_330, %mul3A_331 : vector<16xf32>
        %mul3A_333 = arith.mulf %get3A_287, %get3A_41 : vector<16xf32>
        %add3A_334 = arith.addf %add3A_332, %mul3A_333 : vector<16xf32>
        %mul3A_335 = arith.mulf %get3A_291, %get3A_53 : vector<16xf32>
        %add3A_336 = arith.addf %add3A_334, %mul3A_335 : vector<16xf32>
        %mul3A_337 = arith.mulf %get3A_295, %get3A_65 : vector<16xf32>
        %add3A_338 = arith.addf %add3A_336, %mul3A_337 : vector<16xf32>
        %mul3A_339 = arith.mulf %get3A_299, %get3A_77 : vector<16xf32>
        %add3A_340 = arith.addf %add3A_338, %mul3A_339 : vector<16xf32>
        %max3A_341 = arith.constant 0.000000e+00 : f32
        %max3A_342 = vector.broadcast %max3A_341 : f32 to vector<16xf32>
        %max3A_343 = arith.maximumf %add3A_340, %max3A_342 : vector<16xf32>
        %mul3A_344 = arith.mulf %max3A_313, %get3A_93 : vector<16xf32>
        %add3A_345 = arith.addf %get3A_117, %mul3A_344 : vector<16xf32>
        %mul3A_346 = arith.mulf %max3A_328, %get3A_101 : vector<16xf32>
        %add3A_347 = arith.addf %add3A_345, %mul3A_346 : vector<16xf32>
        %mul3A_348 = arith.mulf %max3A_343, %get3A_109 : vector<16xf32>
        %add3A_349 = arith.addf %add3A_347, %mul3A_348 : vector<16xf32>
        %max3A_350 = arith.constant 0.000000e+00 : f32
        %max3A_351 = vector.broadcast %max3A_350 : f32 to vector<16xf32>
        %max3A_352 = arith.maximumf %add3A_349, %max3A_351 : vector<16xf32>
        %mul3A_353 = arith.mulf %max3A_313, %get3A_97 : vector<16xf32>
        %add3A_354 = arith.addf %get3A_121, %mul3A_353 : vector<16xf32>
        %mul3A_355 = arith.mulf %max3A_328, %get3A_105 : vector<16xf32>
        %add3A_356 = arith.addf %add3A_354, %mul3A_355 : vector<16xf32>
        %mul3A_357 = arith.mulf %max3A_343, %get3A_113 : vector<16xf32>
        %add3A_358 = arith.addf %add3A_356, %mul3A_357 : vector<16xf32>
        %max3A_359 = arith.constant 0.000000e+00 : f32
        %max3A_360 = vector.broadcast %max3A_359 : f32 to vector<16xf32>
        %max3A_361 = arith.maximumf %add3A_358, %max3A_360 : vector<16xf32>
        %mul3A_362 = arith.mulf %max3A_352, %get3A_125 : vector<16xf32>
        %add3A_363 = arith.addf %get3A_133, %mul3A_362 : vector<16xf32>
        %mul3A_364 = arith.mulf %max3A_361, %get3A_129 : vector<16xf32>
        %add3A_365 = arith.addf %add3A_363, %mul3A_364 : vector<16xf32>
        %swap3A = arith.constant 2 : i32
        %swap3A_366 = arith.index_cast %swap3A : i32 to index
        %swap3A_367 = arith.index_cast %mul3A_275 : i32 to index
        %swap3A_368 = tpu.vector_load %arg15[%swap3A_366, %swap3A_367] {strides = array<i32>} : memref<8x688xf32, #tpu.memory_space<vmem>>, vector<16xf32>,
        tpu.vector_store %arg15[%swap3A_366, %swap3A_367], %add3A_365 {strides = array<i32>} : memref<8x688xf32, #tpu.memory_space<vmem>>, vector<16xf32>,
      }
      %scan3A_177 = arith.constant 43 : i32
      %scan3A_178 = arith.constant 0 : i32
      %scan3A_179 = arith.constant 0 : i32
      %scan3A_180 = arith.constant 43 : i32
      %scan3A_181 = arith.addi %scan3A_179, %scan3A_180 : i32
      %scan3A_182 = arith.constant 1 : i32
      scf.for %scan3A_273 = %scan3A_179 to %scan3A_181 step %scan3A_182  : i32 {
        %mul3A_274 = arith.constant 16 : i32
        %mul3A_275 = arith.muli %scan3A_273, %mul3A_274 : i32
        %get3A_276 = arith.constant 18 : i32
        %get3A_277 = arith.index_cast %get3A_276 : i32 to index
        %get3A_278 = arith.index_cast %mul3A_275 : i32 to index
        %get3A_279 = tpu.vector_load %arg13[%get3A_277, %get3A_278] {strides = array<i32>} : memref<48x688xf32, #tpu.memory_space<vmem>>, vector<16xf32>,
        %get3A_280 = arith.constant 19 : i32
        %get3A_281 = arith.index_cast %get3A_280 : i32 to index
        %get3A_282 = arith.index_cast %mul3A_275 : i32 to index
        %get3A_283 = tpu.vector_load %arg13[%get3A_281, %get3A_282] {strides = array<i32>} : memref<48x688xf32, #tpu.memory_space<vmem>>, vector<16xf32>,
        %get3A_284 = arith.constant 20 : i32
        %get3A_285 = arith.index_cast %get3A_284 : i32 to index
        %get3A_286 = arith.index_cast %mul3A_275 : i32 to index
        %get3A_287 = tpu.vector_load %arg13[%get3A_285, %get3A_286] {strides = array<i32>} : memref<48x688xf32, #tpu.memory_space<vmem>>, vector<16xf32>,
        %get3A_288 = arith.constant 21 : i32
        %get3A_289 = arith.index_cast %get3A_288 : i32 to index
        %get3A_290 = arith.index_cast %mul3A_275 : i32 to index
        %get3A_291 = tpu.vector_load %arg13[%get3A_289, %get3A_290] {strides = array<i32>} : memref<48x688xf32, #tpu.memory_space<vmem>>, vector<16xf32>,
        %get3A_292 = arith.constant 22 : i32
        %get3A_293 = arith.index_cast %get3A_292 : i32 to index
        %get3A_294 = arith.index_cast %mul3A_275 : i32 to index
        %get3A_295 = tpu.vector_load %arg13[%get3A_293, %get3A_294] {strides = array<i32>} : memref<48x688xf32, #tpu.memory_space<vmem>>, vector<16xf32>,
        %get3A_296 = arith.constant 23 : i32
        %get3A_297 = arith.index_cast %get3A_296 : i32 to index
        %get3A_298 = arith.index_cast %mul3A_275 : i32 to index
        %get3A_299 = tpu.vector_load %arg13[%get3A_297, %get3A_298] {strides = array<i32>} : memref<48x688xf32, #tpu.memory_space<vmem>>, vector<16xf32>,
        %mul3A_300 = arith.mulf %get3A_279, %get3A_9 : vector<16xf32>
        %add3A_301 = arith.addf %get3A_81, %mul3A_300 : vector<16xf32>
        %mul3A_302 = arith.mulf %get3A_283, %get3A_21 : vector<16xf32>
        %add3A_303 = arith.addf %add3A_301, %mul3A_302 : vector<16xf32>
        %mul3A_304 = arith.mulf %get3A_287, %get3A_33 : vector<16xf32>
        %add3A_305 = arith.addf %add3A_303, %mul3A_304 : vector<16xf32>
        %mul3A_306 = arith.mulf %get3A_291, %get3A_45 : vector<16xf32>
        %add3A_307 = arith.addf %add3A_305, %mul3A_306 : vector<16xf32>
        %mul3A_308 = arith.mulf %get3A_295, %get3A_57 : vector<16xf32>
        %add3A_309 = arith.addf %add3A_307, %mul3A_308 : vector<16xf32>
        %mul3A_310 = arith.mulf %get3A_299, %get3A_69 : vector<16xf32>
        %add3A_311 = arith.addf %add3A_309, %mul3A_310 : vector<16xf32>
        %max3A = arith.constant 0.000000e+00 : f32
        %max3A_312 = vector.broadcast %max3A : f32 to vector<16xf32>
        %max3A_313 = arith.maximumf %add3A_311, %max3A_312 : vector<16xf32>
        %mul3A_314 = arith.mulf %get3A_279, %get3A_13 : vector<16xf32>
        %add3A_315 = arith.addf %get3A_85, %mul3A_314 : vector<16xf32>
        %mul3A_316 = arith.mulf %get3A_283, %get3A_25 : vector<16xf32>
        %add3A_317 = arith.addf %add3A_315, %mul3A_316 : vector<16xf32>
        %mul3A_318 = arith.mulf %get3A_287, %get3A_37 : vector<16xf32>
        %add3A_319 = arith.addf %add3A_317, %mul3A_318 : vector<16xf32>
        %mul3A_320 = arith.mulf %get3A_291, %get3A_49 : vector<16xf32>
        %add3A_321 = arith.addf %add3A_319, %mul3A_320 : vector<16xf32>
        %mul3A_322 = arith.mulf %get3A_295, %get3A_61 : vector<16xf32>
        %add3A_323 = arith.addf %add3A_321, %mul3A_322 : vector<16xf32>
        %mul3A_324 = arith.mulf %get3A_299, %get3A_73 : vector<16xf32>
        %add3A_325 = arith.addf %add3A_323, %mul3A_324 : vector<16xf32>
        %max3A_326 = arith.constant 0.000000e+00 : f32
        %max3A_327 = vector.broadcast %max3A_326 : f32 to vector<16xf32>
        %max3A_328 = arith.maximumf %add3A_325, %max3A_327 : vector<16xf32>
        %mul3A_329 = arith.mulf %get3A_279, %get3A_17 : vector<16xf32>
        %add3A_330 = arith.addf %get3A_89, %mul3A_329 : vector<16xf32>
        %mul3A_331 = arith.mulf %get3A_283, %get3A_29 : vector<16xf32>
        %add3A_332 = arith.addf %add3A_330, %mul3A_331 : vector<16xf32>
        %mul3A_333 = arith.mulf %get3A_287, %get3A_41 : vector<16xf32>
        %add3A_334 = arith.addf %add3A_332, %mul3A_333 : vector<16xf32>
        %mul3A_335 = arith.mulf %get3A_291, %get3A_53 : vector<16xf32>
        %add3A_336 = arith.addf %add3A_334, %mul3A_335 : vector<16xf32>
        %mul3A_337 = arith.mulf %get3A_295, %get3A_65 : vector<16xf32>
        %add3A_338 = arith.addf %add3A_336, %mul3A_337 : vector<16xf32>
        %mul3A_339 = arith.mulf %get3A_299, %get3A_77 : vector<16xf32>
        %add3A_340 = arith.addf %add3A_338, %mul3A_339 : vector<16xf32>
        %max3A_341 = arith.constant 0.000000e+00 : f32
        %max3A_342 = vector.broadcast %max3A_341 : f32 to vector<16xf32>
        %max3A_343 = arith.maximumf %add3A_340, %max3A_342 : vector<16xf32>
        %mul3A_344 = arith.mulf %max3A_313, %get3A_93 : vector<16xf32>
        %add3A_345 = arith.addf %get3A_117, %mul3A_344 : vector<16xf32>
        %mul3A_346 = arith.mulf %max3A_328, %get3A_101 : vector<16xf32>
        %add3A_347 = arith.addf %add3A_345, %mul3A_346 : vector<16xf32>
        %mul3A_348 = arith.mulf %max3A_343, %get3A_109 : vector<16xf32>
        %add3A_349 = arith.addf %add3A_347, %mul3A_348 : vector<16xf32>
        %max3A_350 = arith.constant 0.000000e+00 : f32
        %max3A_351 = vector.broadcast %max3A_350 : f32 to vector<16xf32>
        %max3A_352 = arith.maximumf %add3A_349, %max3A_351 : vector<16xf32>
        %mul3A_353 = arith.mulf %max3A_313, %get3A_97 : vector<16xf32>
        %add3A_354 = arith.addf %get3A_121, %mul3A_353 : vector<16xf32>
        %mul3A_355 = arith.mulf %max3A_328, %get3A_105 : vector<16xf32>
        %add3A_356 = arith.addf %add3A_354, %mul3A_355 : vector<16xf32>
        %mul3A_357 = arith.mulf %max3A_343, %get3A_113 : vector<16xf32>
        %add3A_358 = arith.addf %add3A_356, %mul3A_357 : vector<16xf32>
        %max3A_359 = arith.constant 0.000000e+00 : f32
        %max3A_360 = vector.broadcast %max3A_359 : f32 to vector<16xf32>
        %max3A_361 = arith.maximumf %add3A_358, %max3A_360 : vector<16xf32>
        %mul3A_362 = arith.mulf %max3A_352, %get3A_125 : vector<16xf32>
        %add3A_363 = arith.addf %get3A_133, %mul3A_362 : vector<16xf32>
        %mul3A_364 = arith.mulf %max3A_361, %get3A_129 : vector<16xf32>
        %add3A_365 = arith.addf %add3A_363, %mul3A_364 : vector<16xf32>
        %swap3A = arith.constant 3 : i32
        %swap3A_366 = arith.index_cast %swap3A : i32 to index
        %swap3A_367 = arith.index_cast %mul3A_275 : i32 to index
        %swap3A_368 = tpu.vector_load %arg15[%swap3A_366, %swap3A_367] {strides = array<i32>} : memref<8x688xf32, #tpu.memory_space<vmem>>, vector<16xf32>,
        tpu.vector_store %arg15[%swap3A_366, %swap3A_367], %add3A_365 {strides = array<i32>} : memref<8x688xf32, #tpu.memory_space<vmem>>, vector<16xf32>,
      }
      %scan3A_183 = arith.constant 43 : i32
      %scan3A_184 = arith.constant 0 : i32
      %scan3A_185 = arith.constant 0 : i32
      %scan3A_186 = arith.constant 43 : i32
      %scan3A_187 = arith.addi %scan3A_185, %scan3A_186 : i32
      %scan3A_188 = arith.constant 1 : i32
      scf.for %scan3A_273 = %scan3A_185 to %scan3A_187 step %scan3A_188  : i32 {
        %mul3A_274 = arith.constant 16 : i32
        %mul3A_275 = arith.muli %scan3A_273, %mul3A_274 : i32
        %get3A_276 = arith.constant 24 : i32
        %get3A_277 = arith.index_cast %get3A_276 : i32 to index
        %get3A_278 = arith.index_cast %mul3A_275 : i32 to index
        %get3A_279 = tpu.vector_load %arg13[%get3A_277, %get3A_278] {strides = array<i32>} : memref<48x688xf32, #tpu.memory_space<vmem>>, vector<16xf32>,
        %get3A_280 = arith.constant 25 : i32
        %get3A_281 = arith.index_cast %get3A_280 : i32 to index
        %get3A_282 = arith.index_cast %mul3A_275 : i32 to index
        %get3A_283 = tpu.vector_load %arg13[%get3A_281, %get3A_282] {strides = array<i32>} : memref<48x688xf32, #tpu.memory_space<vmem>>, vector<16xf32>,
        %get3A_284 = arith.constant 26 : i32
        %get3A_285 = arith.index_cast %get3A_284 : i32 to index
        %get3A_286 = arith.index_cast %mul3A_275 : i32 to index
        %get3A_287 = tpu.vector_load %arg13[%get3A_285, %get3A_286] {strides = array<i32>} : memref<48x688xf32, #tpu.memory_space<vmem>>, vector<16xf32>,
        %get3A_288 = arith.constant 27 : i32
        %get3A_289 = arith.index_cast %get3A_288 : i32 to index
        %get3A_290 = arith.index_cast %mul3A_275 : i32 to index
        %get3A_291 = tpu.vector_load %arg13[%get3A_289, %get3A_290] {strides = array<i32>} : memref<48x688xf32, #tpu.memory_space<vmem>>, vector<16xf32>,
        %get3A_292 = arith.constant 28 : i32
        %get3A_293 = arith.index_cast %get3A_292 : i32 to index
        %get3A_294 = arith.index_cast %mul3A_275 : i32 to index
        %get3A_295 = tpu.vector_load %arg13[%get3A_293, %get3A_294] {strides = array<i32>} : memref<48x688xf32, #tpu.memory_space<vmem>>, vector<16xf32>,
        %get3A_296 = arith.constant 29 : i32
        %get3A_297 = arith.index_cast %get3A_296 : i32 to index
        %get3A_298 = arith.index_cast %mul3A_275 : i32 to index
        %get3A_299 = tpu.vector_load %arg13[%get3A_297, %get3A_298] {strides = array<i32>} : memref<48x688xf32, #tpu.memory_space<vmem>>, vector<16xf32>,
        %mul3A_300 = arith.mulf %get3A_279, %get3A_9 : vector<16xf32>
        %add3A_301 = arith.addf %get3A_81, %mul3A_300 : vector<16xf32>
        %mul3A_302 = arith.mulf %get3A_283, %get3A_21 : vector<16xf32>
        %add3A_303 = arith.addf %add3A_301, %mul3A_302 : vector<16xf32>
        %mul3A_304 = arith.mulf %get3A_287, %get3A_33 : vector<16xf32>
        %add3A_305 = arith.addf %add3A_303, %mul3A_304 : vector<16xf32>
        %mul3A_306 = arith.mulf %get3A_291, %get3A_45 : vector<16xf32>
        %add3A_307 = arith.addf %add3A_305, %mul3A_306 : vector<16xf32>
        %mul3A_308 = arith.mulf %get3A_295, %get3A_57 : vector<16xf32>
        %add3A_309 = arith.addf %add3A_307, %mul3A_308 : vector<16xf32>
        %mul3A_310 = arith.mulf %get3A_299, %get3A_69 : vector<16xf32>
        %add3A_311 = arith.addf %add3A_309, %mul3A_310 : vector<16xf32>
        %max3A = arith.constant 0.000000e+00 : f32
        %max3A_312 = vector.broadcast %max3A : f32 to vector<16xf32>
        %max3A_313 = arith.maximumf %add3A_311, %max3A_312 : vector<16xf32>
        %mul3A_314 = arith.mulf %get3A_279, %get3A_13 : vector<16xf32>
        %add3A_315 = arith.addf %get3A_85, %mul3A_314 : vector<16xf32>
        %mul3A_316 = arith.mulf %get3A_283, %get3A_25 : vector<16xf32>
        %add3A_317 = arith.addf %add3A_315, %mul3A_316 : vector<16xf32>
        %mul3A_318 = arith.mulf %get3A_287, %get3A_37 : vector<16xf32>
        %add3A_319 = arith.addf %add3A_317, %mul3A_318 : vector<16xf32>
        %mul3A_320 = arith.mulf %get3A_291, %get3A_49 : vector<16xf32>
        %add3A_321 = arith.addf %add3A_319, %mul3A_320 : vector<16xf32>
        %mul3A_322 = arith.mulf %get3A_295, %get3A_61 : vector<16xf32>
        %add3A_323 = arith.addf %add3A_321, %mul3A_322 : vector<16xf32>
        %mul3A_324 = arith.mulf %get3A_299, %get3A_73 : vector<16xf32>
        %add3A_325 = arith.addf %add3A_323, %mul3A_324 : vector<16xf32>
        %max3A_326 = arith.constant 0.000000e+00 : f32
        %max3A_327 = vector.broadcast %max3A_326 : f32 to vector<16xf32>
        %max3A_328 = arith.maximumf %add3A_325, %max3A_327 : vector<16xf32>
        %mul3A_329 = arith.mulf %get3A_279, %get3A_17 : vector<16xf32>
        %add3A_330 = arith.addf %get3A_89, %mul3A_329 : vector<16xf32>
        %mul3A_331 = arith.mulf %get3A_283, %get3A_29 : vector<16xf32>
        %add3A_332 = arith.addf %add3A_330, %mul3A_331 : vector<16xf32>
        %mul3A_333 = arith.mulf %get3A_287, %get3A_41 : vector<16xf32>
        %add3A_334 = arith.addf %add3A_332, %mul3A_333 : vector<16xf32>
        %mul3A_335 = arith.mulf %get3A_291, %get3A_53 : vector<16xf32>
        %add3A_336 = arith.addf %add3A_334, %mul3A_335 : vector<16xf32>
        %mul3A_337 = arith.mulf %get3A_295, %get3A_65 : vector<16xf32>
        %add3A_338 = arith.addf %add3A_336, %mul3A_337 : vector<16xf32>
        %mul3A_339 = arith.mulf %get3A_299, %get3A_77 : vector<16xf32>
        %add3A_340 = arith.addf %add3A_338, %mul3A_339 : vector<16xf32>
        %max3A_341 = arith.constant 0.000000e+00 : f32
        %max3A_342 = vector.broadcast %max3A_341 : f32 to vector<16xf32>
        %max3A_343 = arith.maximumf %add3A_340, %max3A_342 : vector<16xf32>
        %mul3A_344 = arith.mulf %max3A_313, %get3A_93 : vector<16xf32>
        %add3A_345 = arith.addf %get3A_117, %mul3A_344 : vector<16xf32>
        %mul3A_346 = arith.mulf %max3A_328, %get3A_101 : vector<16xf32>
        %add3A_347 = arith.addf %add3A_345, %mul3A_346 : vector<16xf32>
        %mul3A_348 = arith.mulf %max3A_343, %get3A_109 : vector<16xf32>
        %add3A_349 = arith.addf %add3A_347, %mul3A_348 : vector<16xf32>
        %max3A_350 = arith.constant 0.000000e+00 : f32
        %max3A_351 = vector.broadcast %max3A_350 : f32 to vector<16xf32>
        %max3A_352 = arith.maximumf %add3A_349, %max3A_351 : vector<16xf32>
        %mul3A_353 = arith.mulf %max3A_313, %get3A_97 : vector<16xf32>
        %add3A_354 = arith.addf %get3A_121, %mul3A_353 : vector<16xf32>
        %mul3A_355 = arith.mulf %max3A_328, %get3A_105 : vector<16xf32>
        %add3A_356 = arith.addf %add3A_354, %mul3A_355 : vector<16xf32>
        %mul3A_357 = arith.mulf %max3A_343, %get3A_113 : vector<16xf32>
        %add3A_358 = arith.addf %add3A_356, %mul3A_357 : vector<16xf32>
        %max3A_359 = arith.constant 0.000000e+00 : f32
        %max3A_360 = vector.broadcast %max3A_359 : f32 to vector<16xf32>
        %max3A_361 = arith.maximumf %add3A_358, %max3A_360 : vector<16xf32>
        %mul3A_362 = arith.mulf %max3A_352, %get3A_125 : vector<16xf32>
        %add3A_363 = arith.addf %get3A_133, %mul3A_362 : vector<16xf32>
        %mul3A_364 = arith.mulf %max3A_361, %get3A_129 : vector<16xf32>
        %add3A_365 = arith.addf %add3A_363, %mul3A_364 : vector<16xf32>
        %swap3A = arith.constant 4 : i32
        %swap3A_366 = arith.index_cast %swap3A : i32 to index
        %swap3A_367 = arith.index_cast %mul3A_275 : i32 to index
        %swap3A_368 = tpu.vector_load %arg15[%swap3A_366, %swap3A_367] {strides = array<i32>} : memref<8x688xf32, #tpu.memory_space<vmem>>, vector<16xf32>,
        tpu.vector_store %arg15[%swap3A_366, %swap3A_367], %add3A_365 {strides = array<i32>} : memref<8x688xf32, #tpu.memory_space<vmem>>, vector<16xf32>,
      }
      %scan3A_189 = arith.constant 43 : i32
      %scan3A_190 = arith.constant 0 : i32
      %scan3A_191 = arith.constant 0 : i32
      %scan3A_192 = arith.constant 43 : i32
      %scan3A_193 = arith.addi %scan3A_191, %scan3A_192 : i32
      %scan3A_194 = arith.constant 1 : i32
      scf.for %scan3A_273 = %scan3A_191 to %scan3A_193 step %scan3A_194  : i32 {
        %mul3A_274 = arith.constant 16 : i32
        %mul3A_275 = arith.muli %scan3A_273, %mul3A_274 : i32
        %get3A_276 = arith.constant 30 : i32
        %get3A_277 = arith.index_cast %get3A_276 : i32 to index
        %get3A_278 = arith.index_cast %mul3A_275 : i32 to index
        %get3A_279 = tpu.vector_load %arg13[%get3A_277, %get3A_278] {strides = array<i32>} : memref<48x688xf32, #tpu.memory_space<vmem>>, vector<16xf32>,
        %get3A_280 = arith.constant 31 : i32
        %get3A_281 = arith.index_cast %get3A_280 : i32 to index
        %get3A_282 = arith.index_cast %mul3A_275 : i32 to index
        %get3A_283 = tpu.vector_load %arg13[%get3A_281, %get3A_282] {strides = array<i32>} : memref<48x688xf32, #tpu.memory_space<vmem>>, vector<16xf32>,
        %get3A_284 = arith.constant 32 : i32
        %get3A_285 = arith.index_cast %get3A_284 : i32 to index
        %get3A_286 = arith.index_cast %mul3A_275 : i32 to index
        %get3A_287 = tpu.vector_load %arg13[%get3A_285, %get3A_286] {strides = array<i32>} : memref<48x688xf32, #tpu.memory_space<vmem>>, vector<16xf32>,
        %get3A_288 = arith.constant 33 : i32
        %get3A_289 = arith.index_cast %get3A_288 : i32 to index
        %get3A_290 = arith.index_cast %mul3A_275 : i32 to index
        %get3A_291 = tpu.vector_load %arg13[%get3A_289, %get3A_290] {strides = array<i32>} : memref<48x688xf32, #tpu.memory_space<vmem>>, vector<16xf32>,
        %get3A_292 = arith.constant 34 : i32
        %get3A_293 = arith.index_cast %get3A_292 : i32 to index
        %get3A_294 = arith.index_cast %mul3A_275 : i32 to index
        %get3A_295 = tpu.vector_load %arg13[%get3A_293, %get3A_294] {strides = array<i32>} : memref<48x688xf32, #tpu.memory_space<vmem>>, vector<16xf32>,
        %get3A_296 = arith.constant 35 : i32
        %get3A_297 = arith.index_cast %get3A_296 : i32 to index
        %get3A_298 = arith.index_cast %mul3A_275 : i32 to index
        %get3A_299 = tpu.vector_load %arg13[%get3A_297, %get3A_298] {strides = array<i32>} : memref<48x688xf32, #tpu.memory_space<vmem>>, vector<16xf32>,
        %mul3A_300 = arith.mulf %get3A_279, %get3A_9 : vector<16xf32>
        %add3A_301 = arith.addf %get3A_81, %mul3A_300 : vector<16xf32>
        %mul3A_302 = arith.mulf %get3A_283, %get3A_21 : vector<16xf32>
        %add3A_303 = arith.addf %add3A_301, %mul3A_302 : vector<16xf32>
        %mul3A_304 = arith.mulf %get3A_287, %get3A_33 : vector<16xf32>
        %add3A_305 = arith.addf %add3A_303, %mul3A_304 : vector<16xf32>
        %mul3A_306 = arith.mulf %get3A_291, %get3A_45 : vector<16xf32>
        %add3A_307 = arith.addf %add3A_305, %mul3A_306 : vector<16xf32>
        %mul3A_308 = arith.mulf %get3A_295, %get3A_57 : vector<16xf32>
        %add3A_309 = arith.addf %add3A_307, %mul3A_308 : vector<16xf32>
        %mul3A_310 = arith.mulf %get3A_299, %get3A_69 : vector<16xf32>
        %add3A_311 = arith.addf %add3A_309, %mul3A_310 : vector<16xf32>
        %max3A = arith.constant 0.000000e+00 : f32
        %max3A_312 = vector.broadcast %max3A : f32 to vector<16xf32>
        %max3A_313 = arith.maximumf %add3A_311, %max3A_312 : vector<16xf32>
        %mul3A_314 = arith.mulf %get3A_279, %get3A_13 : vector<16xf32>
        %add3A_315 = arith.addf %get3A_85, %mul3A_314 : vector<16xf32>
        %mul3A_316 = arith.mulf %get3A_283, %get3A_25 : vector<16xf32>
        %add3A_317 = arith.addf %add3A_315, %mul3A_316 : vector<16xf32>
        %mul3A_318 = arith.mulf %get3A_287, %get3A_37 : vector<16xf32>
        %add3A_319 = arith.addf %add3A_317, %mul3A_318 : vector<16xf32>
        %mul3A_320 = arith.mulf %get3A_291, %get3A_49 : vector<16xf32>
        %add3A_321 = arith.addf %add3A_319, %mul3A_320 : vector<16xf32>
        %mul3A_322 = arith.mulf %get3A_295, %get3A_61 : vector<16xf32>
        %add3A_323 = arith.addf %add3A_321, %mul3A_322 : vector<16xf32>
        %mul3A_324 = arith.mulf %get3A_299, %get3A_73 : vector<16xf32>
        %add3A_325 = arith.addf %add3A_323, %mul3A_324 : vector<16xf32>
        %max3A_326 = arith.constant 0.000000e+00 : f32
        %max3A_327 = vector.broadcast %max3A_326 : f32 to vector<16xf32>
        %max3A_328 = arith.maximumf %add3A_325, %max3A_327 : vector<16xf32>
        %mul3A_329 = arith.mulf %get3A_279, %get3A_17 : vector<16xf32>
        %add3A_330 = arith.addf %get3A_89, %mul3A_329 : vector<16xf32>
        %mul3A_331 = arith.mulf %get3A_283, %get3A_29 : vector<16xf32>
        %add3A_332 = arith.addf %add3A_330, %mul3A_331 : vector<16xf32>
        %mul3A_333 = arith.mulf %get3A_287, %get3A_41 : vector<16xf32>
        %add3A_334 = arith.addf %add3A_332, %mul3A_333 : vector<16xf32>
        %mul3A_335 = arith.mulf %get3A_291, %get3A_53 : vector<16xf32>
        %add3A_336 = arith.addf %add3A_334, %mul3A_335 : vector<16xf32>
        %mul3A_337 = arith.mulf %get3A_295, %get3A_65 : vector<16xf32>
        %add3A_338 = arith.addf %add3A_336, %mul3A_337 : vector<16xf32>
        %mul3A_339 = arith.mulf %get3A_299, %get3A_77 : vector<16xf32>
        %add3A_340 = arith.addf %add3A_338, %mul3A_339 : vector<16xf32>
        %max3A_341 = arith.constant 0.000000e+00 : f32
        %max3A_342 = vector.broadcast %max3A_341 : f32 to vector<16xf32>
        %max3A_343 = arith.maximumf %add3A_340, %max3A_342 : vector<16xf32>
        %mul3A_344 = arith.mulf %max3A_313, %get3A_93 : vector<16xf32>
        %add3A_345 = arith.addf %get3A_117, %mul3A_344 : vector<16xf32>
        %mul3A_346 = arith.mulf %max3A_328, %get3A_101 : vector<16xf32>
        %add3A_347 = arith.addf %add3A_345, %mul3A_346 : vector<16xf32>
        %mul3A_348 = arith.mulf %max3A_343, %get3A_109 : vector<16xf32>
        %add3A_349 = arith.addf %add3A_347, %mul3A_348 : vector<16xf32>
        %max3A_350 = arith.constant 0.000000e+00 : f32
        %max3A_351 = vector.broadcast %max3A_350 : f32 to vector<16xf32>
        %max3A_352 = arith.maximumf %add3A_349, %max3A_351 : vector<16xf32>
        %mul3A_353 = arith.mulf %max3A_313, %get3A_97 : vector<16xf32>
        %add3A_354 = arith.addf %get3A_121, %mul3A_353 : vector<16xf32>
        %mul3A_355 = arith.mulf %max3A_328, %get3A_105 : vector<16xf32>
        %add3A_356 = arith.addf %add3A_354, %mul3A_355 : vector<16xf32>
        %mul3A_357 = arith.mulf %max3A_343, %get3A_113 : vector<16xf32>
        %add3A_358 = arith.addf %add3A_356, %mul3A_357 : vector<16xf32>
        %max3A_359 = arith.constant 0.000000e+00 : f32
        %max3A_360 = vector.broadcast %max3A_359 : f32 to vector<16xf32>
        %max3A_361 = arith.maximumf %add3A_358, %max3A_360 : vector<16xf32>
        %mul3A_362 = arith.mulf %max3A_352, %get3A_125 : vector<16xf32>
        %add3A_363 = arith.addf %get3A_133, %mul3A_362 : vector<16xf32>
        %mul3A_364 = arith.mulf %max3A_361, %get3A_129 : vector<16xf32>
        %add3A_365 = arith.addf %add3A_363, %mul3A_364 : vector<16xf32>
        %swap3A = arith.constant 5 : i32
        %swap3A_366 = arith.index_cast %swap3A : i32 to index
        %swap3A_367 = arith.index_cast %mul3A_275 : i32 to index
        %swap3A_368 = tpu.vector_load %arg15[%swap3A_366, %swap3A_367] {strides = array<i32>} : memref<8x688xf32, #tpu.memory_space<vmem>>, vector<16xf32>,
        tpu.vector_store %arg15[%swap3A_366, %swap3A_367], %add3A_365 {strides = array<i32>} : memref<8x688xf32, #tpu.memory_space<vmem>>, vector<16xf32>,
      }
      %scan3A_195 = arith.constant 43 : i32
      %scan3A_196 = arith.constant 0 : i32
      %scan3A_197 = arith.constant 0 : i32
      %scan3A_198 = arith.constant 43 : i32
      %scan3A_199 = arith.addi %scan3A_197, %scan3A_198 : i32
      %scan3A_200 = arith.constant 1 : i32
      scf.for %scan3A_273 = %scan3A_197 to %scan3A_199 step %scan3A_200  : i32 {
        %mul3A_274 = arith.constant 16 : i32
        %mul3A_275 = arith.muli %scan3A_273, %mul3A_274 : i32
        %get3A_276 = arith.constant 36 : i32
        %get3A_277 = arith.index_cast %get3A_276 : i32 to index
        %get3A_278 = arith.index_cast %mul3A_275 : i32 to index
        %get3A_279 = tpu.vector_load %arg13[%get3A_277, %get3A_278] {strides = array<i32>} : memref<48x688xf32, #tpu.memory_space<vmem>>, vector<16xf32>,
        %get3A_280 = arith.constant 37 : i32
        %get3A_281 = arith.index_cast %get3A_280 : i32 to index
        %get3A_282 = arith.index_cast %mul3A_275 : i32 to index
        %get3A_283 = tpu.vector_load %arg13[%get3A_281, %get3A_282] {strides = array<i32>} : memref<48x688xf32, #tpu.memory_space<vmem>>, vector<16xf32>,
        %get3A_284 = arith.constant 38 : i32
        %get3A_285 = arith.index_cast %get3A_284 : i32 to index
        %get3A_286 = arith.index_cast %mul3A_275 : i32 to index
        %get3A_287 = tpu.vector_load %arg13[%get3A_285, %get3A_286] {strides = array<i32>} : memref<48x688xf32, #tpu.memory_space<vmem>>, vector<16xf32>,
        %get3A_288 = arith.constant 39 : i32
        %get3A_289 = arith.index_cast %get3A_288 : i32 to index
        %get3A_290 = arith.index_cast %mul3A_275 : i32 to index
        %get3A_291 = tpu.vector_load %arg13[%get3A_289, %get3A_290] {strides = array<i32>} : memref<48x688xf32, #tpu.memory_space<vmem>>, vector<16xf32>,
        %get3A_292 = arith.constant 40 : i32
        %get3A_293 = arith.index_cast %get3A_292 : i32 to index
        %get3A_294 = arith.index_cast %mul3A_275 : i32 to index
        %get3A_295 = tpu.vector_load %arg13[%get3A_293, %get3A_294] {strides = array<i32>} : memref<48x688xf32, #tpu.memory_space<vmem>>, vector<16xf32>,
        %get3A_296 = arith.constant 41 : i32
        %get3A_297 = arith.index_cast %get3A_296 : i32 to index
        %get3A_298 = arith.index_cast %mul3A_275 : i32 to index
        %get3A_299 = tpu.vector_load %arg13[%get3A_297, %get3A_298] {strides = array<i32>} : memref<48x688xf32, #tpu.memory_space<vmem>>, vector<16xf32>,
        %mul3A_300 = arith.mulf %get3A_279, %get3A_9 : vector<16xf32>
        %add3A_301 = arith.addf %get3A_81, %mul3A_300 : vector<16xf32>
        %mul3A_302 = arith.mulf %get3A_283, %get3A_21 : vector<16xf32>
        %add3A_303 = arith.addf %add3A_301, %mul3A_302 : vector<16xf32>
        %mul3A_304 = arith.mulf %get3A_287, %get3A_33 : vector<16xf32>
        %add3A_305 = arith.addf %add3A_303, %mul3A_304 : vector<16xf32>
        %mul3A_306 = arith.mulf %get3A_291, %get3A_45 : vector<16xf32>
        %add3A_307 = arith.addf %add3A_305, %mul3A_306 : vector<16xf32>
        %mul3A_308 = arith.mulf %get3A_295, %get3A_57 : vector<16xf32>
        %add3A_309 = arith.addf %add3A_307, %mul3A_308 : vector<16xf32>
        %mul3A_310 = arith.mulf %get3A_299, %get3A_69 : vector<16xf32>
        %add3A_311 = arith.addf %add3A_309, %mul3A_310 : vector<16xf32>
        %max3A = arith.constant 0.000000e+00 : f32
        %max3A_312 = vector.broadcast %max3A : f32 to vector<16xf32>
        %max3A_313 = arith.maximumf %add3A_311, %max3A_312 : vector<16xf32>
        %mul3A_314 = arith.mulf %get3A_279, %get3A_13 : vector<16xf32>
        %add3A_315 = arith.addf %get3A_85, %mul3A_314 : vector<16xf32>
        %mul3A_316 = arith.mulf %get3A_283, %get3A_25 : vector<16xf32>
        %add3A_317 = arith.addf %add3A_315, %mul3A_316 : vector<16xf32>
        %mul3A_318 = arith.mulf %get3A_287, %get3A_37 : vector<16xf32>
        %add3A_319 = arith.addf %add3A_317, %mul3A_318 : vector<16xf32>
        %mul3A_320 = arith.mulf %get3A_291, %get3A_49 : vector<16xf32>
        %add3A_321 = arith.addf %add3A_319, %mul3A_320 : vector<16xf32>
        %mul3A_322 = arith.mulf %get3A_295, %get3A_61 : vector<16xf32>
        %add3A_323 = arith.addf %add3A_321, %mul3A_322 : vector<16xf32>
        %mul3A_324 = arith.mulf %get3A_299, %get3A_73 : vector<16xf32>
        %add3A_325 = arith.addf %add3A_323, %mul3A_324 : vector<16xf32>
        %max3A_326 = arith.constant 0.000000e+00 : f32
        %max3A_327 = vector.broadcast %max3A_326 : f32 to vector<16xf32>
        %max3A_328 = arith.maximumf %add3A_325, %max3A_327 : vector<16xf32>
        %mul3A_329 = arith.mulf %get3A_279, %get3A_17 : vector<16xf32>
        %add3A_330 = arith.addf %get3A_89, %mul3A_329 : vector<16xf32>
        %mul3A_331 = arith.mulf %get3A_283, %get3A_29 : vector<16xf32>
        %add3A_332 = arith.addf %add3A_330, %mul3A_331 : vector<16xf32>
        %mul3A_333 = arith.mulf %get3A_287, %get3A_41 : vector<16xf32>
        %add3A_334 = arith.addf %add3A_332, %mul3A_333 : vector<16xf32>
        %mul3A_335 = arith.mulf %get3A_291, %get3A_53 : vector<16xf32>
        %add3A_336 = arith.addf %add3A_334, %mul3A_335 : vector<16xf32>
        %mul3A_337 = arith.mulf %get3A_295, %get3A_65 : vector<16xf32>
        %add3A_338 = arith.addf %add3A_336, %mul3A_337 : vector<16xf32>
        %mul3A_339 = arith.mulf %get3A_299, %get3A_77 : vector<16xf32>
        %add3A_340 = arith.addf %add3A_338, %mul3A_339 : vector<16xf32>
        %max3A_341 = arith.constant 0.000000e+00 : f32
        %max3A_342 = vector.broadcast %max3A_341 : f32 to vector<16xf32>
        %max3A_343 = arith.maximumf %add3A_340, %max3A_342 : vector<16xf32>
        %mul3A_344 = arith.mulf %max3A_313, %get3A_93 : vector<16xf32>
        %add3A_345 = arith.addf %get3A_117, %mul3A_344 : vector<16xf32>
        %mul3A_346 = arith.mulf %max3A_328, %get3A_101 : vector<16xf32>
        %add3A_347 = arith.addf %add3A_345, %mul3A_346 : vector<16xf32>
        %mul3A_348 = arith.mulf %max3A_343, %get3A_109 : vector<16xf32>
        %add3A_349 = arith.addf %add3A_347, %mul3A_348 : vector<16xf32>
        %max3A_350 = arith.constant 0.000000e+00 : f32
        %max3A_351 = vector.broadcast %max3A_350 : f32 to vector<16xf32>
        %max3A_352 = arith.maximumf %add3A_349, %max3A_351 : vector<16xf32>
        %mul3A_353 = arith.mulf %max3A_313, %get3A_97 : vector<16xf32>
        %add3A_354 = arith.addf %get3A_121, %mul3A_353 : vector<16xf32>
        %mul3A_355 = arith.mulf %max3A_328, %get3A_105 : vector<16xf32>
        %add3A_356 = arith.addf %add3A_354, %mul3A_355 : vector<16xf32>
        %mul3A_357 = arith.mulf %max3A_343, %get3A_113 : vector<16xf32>
        %add3A_358 = arith.addf %add3A_356, %mul3A_357 : vector<16xf32>
        %max3A_359 = arith.constant 0.000000e+00 : f32
        %max3A_360 = vector.broadcast %max3A_359 : f32 to vector<16xf32>
        %max3A_361 = arith.maximumf %add3A_358, %max3A_360 : vector<16xf32>
        %mul3A_362 = arith.mulf %max3A_352, %get3A_125 : vector<16xf32>
        %add3A_363 = arith.addf %get3A_133, %mul3A_362 : vector<16xf32>
        %mul3A_364 = arith.mulf %max3A_361, %get3A_129 : vector<16xf32>
        %add3A_365 = arith.addf %add3A_363, %mul3A_364 : vector<16xf32>
        %swap3A = arith.constant 6 : i32
        %swap3A_366 = arith.index_cast %swap3A : i32 to index
        %swap3A_367 = arith.index_cast %mul3A_275 : i32 to index
        %swap3A_368 = tpu.vector_load %arg15[%swap3A_366, %swap3A_367] {strides = array<i32>} : memref<8x688xf32, #tpu.memory_space<vmem>>, vector<16xf32>,
        tpu.vector_store %arg15[%swap3A_366, %swap3A_367], %add3A_365 {strides = array<i32>} : memref<8x688xf32, #tpu.memory_space<vmem>>, vector<16xf32>,
      }
      %scan3A_201 = arith.constant 43 : i32
      %scan3A_202 = arith.constant 0 : i32
      %scan3A_203 = arith.constant 0 : i32
      %scan3A_204 = arith.constant 43 : i32
      %scan3A_205 = arith.addi %scan3A_203, %scan3A_204 : i32
      %scan3A_206 = arith.constant 1 : i32
      scf.for %scan3A_273 = %scan3A_203 to %scan3A_205 step %scan3A_206  : i32 {
        %mul3A_274 = arith.constant 16 : i32
        %mul3A_275 = arith.muli %scan3A_273, %mul3A_274 : i32
        %get3A_276 = arith.constant 42 : i32
        %get3A_277 = arith.index_cast %get3A_276 : i32 to index
        %get3A_278 = arith.index_cast %mul3A_275 : i32 to index
        %get3A_279 = tpu.vector_load %arg13[%get3A_277, %get3A_278] {strides = array<i32>} : memref<48x688xf32, #tpu.memory_space<vmem>>, vector<16xf32>,
        %get3A_280 = arith.constant 43 : i32
        %get3A_281 = arith.index_cast %get3A_280 : i32 to index
        %get3A_282 = arith.index_cast %mul3A_275 : i32 to index
        %get3A_283 = tpu.vector_load %arg13[%get3A_281, %get3A_282] {strides = array<i32>} : memref<48x688xf32, #tpu.memory_space<vmem>>, vector<16xf32>,
        %get3A_284 = arith.constant 44 : i32
        %get3A_285 = arith.index_cast %get3A_284 : i32 to index
        %get3A_286 = arith.index_cast %mul3A_275 : i32 to index
        %get3A_287 = tpu.vector_load %arg13[%get3A_285, %get3A_286] {strides = array<i32>} : memref<48x688xf32, #tpu.memory_space<vmem>>, vector<16xf32>,
        %get3A_288 = arith.constant 45 : i32
        %get3A_289 = arith.index_cast %get3A_288 : i32 to index
        %get3A_290 = arith.index_cast %mul3A_275 : i32 to index
        %get3A_291 = tpu.vector_load %arg13[%get3A_289, %get3A_290] {strides = array<i32>} : memref<48x688xf32, #tpu.memory_space<vmem>>, vector<16xf32>,
        %get3A_292 = arith.constant 46 : i32
        %get3A_293 = arith.index_cast %get3A_292 : i32 to index
        %get3A_294 = arith.index_cast %mul3A_275 : i32 to index
        %get3A_295 = tpu.vector_load %arg13[%get3A_293, %get3A_294] {strides = array<i32>} : memref<48x688xf32, #tpu.memory_space<vmem>>, vector<16xf32>,
        %get3A_296 = arith.constant 47 : i32
        %get3A_297 = arith.index_cast %get3A_296 : i32 to index
        %get3A_298 = arith.index_cast %mul3A_275 : i32 to index
        %get3A_299 = tpu.vector_load %arg13[%get3A_297, %get3A_298] {strides = array<i32>} : memref<48x688xf32, #tpu.memory_space<vmem>>, vector<16xf32>,
        %mul3A_300 = arith.mulf %get3A_279, %get3A_9 : vector<16xf32>
        %add3A_301 = arith.addf %get3A_81, %mul3A_300 : vector<16xf32>
        %mul3A_302 = arith.mulf %get3A_283, %get3A_21 : vector<16xf32>
        %add3A_303 = arith.addf %add3A_301, %mul3A_302 : vector<16xf32>
        %mul3A_304 = arith.mulf %get3A_287, %get3A_33 : vector<16xf32>
        %add3A_305 = arith.addf %add3A_303, %mul3A_304 : vector<16xf32>
        %mul3A_306 = arith.mulf %get3A_291, %get3A_45 : vector<16xf32>
        %add3A_307 = arith.addf %add3A_305, %mul3A_306 : vector<16xf32>
        %mul3A_308 = arith.mulf %get3A_295, %get3A_57 : vector<16xf32>
        %add3A_309 = arith.addf %add3A_307, %mul3A_308 : vector<16xf32>
        %mul3A_310 = arith.mulf %get3A_299, %get3A_69 : vector<16xf32>
        %add3A_311 = arith.addf %add3A_309, %mul3A_310 : vector<16xf32>
        %max3A = arith.constant 0.000000e+00 : f32
        %max3A_312 = vector.broadcast %max3A : f32 to vector<16xf32>
        %max3A_313 = arith.maximumf %add3A_311, %max3A_312 : vector<16xf32>
        %mul3A_314 = arith.mulf %get3A_279, %get3A_13 : vector<16xf32>
        %add3A_315 = arith.addf %get3A_85, %mul3A_314 : vector<16xf32>
        %mul3A_316 = arith.mulf %get3A_283, %get3A_25 : vector<16xf32>
        %add3A_317 = arith.addf %add3A_315, %mul3A_316 : vector<16xf32>
        %mul3A_318 = arith.mulf %get3A_287, %get3A_37 : vector<16xf32>
        %add3A_319 = arith.addf %add3A_317, %mul3A_318 : vector<16xf32>
        %mul3A_320 = arith.mulf %get3A_291, %get3A_49 : vector<16xf32>
        %add3A_321 = arith.addf %add3A_319, %mul3A_320 : vector<16xf32>
        %mul3A_322 = arith.mulf %get3A_295, %get3A_61 : vector<16xf32>
        %add3A_323 = arith.addf %add3A_321, %mul3A_322 : vector<16xf32>
        %mul3A_324 = arith.mulf %get3A_299, %get3A_73 : vector<16xf32>
        %add3A_325 = arith.addf %add3A_323, %mul3A_324 : vector<16xf32>
        %max3A_326 = arith.constant 0.000000e+00 : f32
        %max3A_327 = vector.broadcast %max3A_326 : f32 to vector<16xf32>
        %max3A_328 = arith.maximumf %add3A_325, %max3A_327 : vector<16xf32>
        %mul3A_329 = arith.mulf %get3A_279, %get3A_17 : vector<16xf32>
        %add3A_330 = arith.addf %get3A_89, %mul3A_329 : vector<16xf32>
        %mul3A_331 = arith.mulf %get3A_283, %get3A_29 : vector<16xf32>
        %add3A_332 = arith.addf %add3A_330, %mul3A_331 : vector<16xf32>
        %mul3A_333 = arith.mulf %get3A_287, %get3A_41 : vector<16xf32>
        %add3A_334 = arith.addf %add3A_332, %mul3A_333 : vector<16xf32>
        %mul3A_335 = arith.mulf %get3A_291, %get3A_53 : vector<16xf32>
        %add3A_336 = arith.addf %add3A_334, %mul3A_335 : vector<16xf32>
        %mul3A_337 = arith.mulf %get3A_295, %get3A_65 : vector<16xf32>
        %add3A_338 = arith.addf %add3A_336, %mul3A_337 : vector<16xf32>
        %mul3A_339 = arith.mulf %get3A_299, %get3A_77 : vector<16xf32>
        %add3A_340 = arith.addf %add3A_338, %mul3A_339 : vector<16xf32>
        %max3A_341 = arith.constant 0.000000e+00 : f32
        %max3A_342 = vector.broadcast %max3A_341 : f32 to vector<16xf32>
        %max3A_343 = arith.maximumf %add3A_340, %max3A_342 : vector<16xf32>
        %mul3A_344 = arith.mulf %max3A_313, %get3A_93 : vector<16xf32>
        %add3A_345 = arith.addf %get3A_117, %mul3A_344 : vector<16xf32>
        %mul3A_346 = arith.mulf %max3A_328, %get3A_101 : vector<16xf32>
        %add3A_347 = arith.addf %add3A_345, %mul3A_346 : vector<16xf32>
        %mul3A_348 = arith.mulf %max3A_343, %get3A_109 : vector<16xf32>
        %add3A_349 = arith.addf %add3A_347, %mul3A_348 : vector<16xf32>
        %max3A_350 = arith.constant 0.000000e+00 : f32
        %max3A_351 = vector.broadcast %max3A_350 : f32 to vector<16xf32>
        %max3A_352 = arith.maximumf %add3A_349, %max3A_351 : vector<16xf32>
        %mul3A_353 = arith.mulf %max3A_313, %get3A_97 : vector<16xf32>
        %add3A_354 = arith.addf %get3A_121, %mul3A_353 : vector<16xf32>
        %mul3A_355 = arith.mulf %max3A_328, %get3A_105 : vector<16xf32>
        %add3A_356 = arith.addf %add3A_354, %mul3A_355 : vector<16xf32>
        %mul3A_357 = arith.mulf %max3A_343, %get3A_113 : vector<16xf32>
        %add3A_358 = arith.addf %add3A_356, %mul3A_357 : vector<16xf32>
        %max3A_359 = arith.constant 0.000000e+00 : f32
        %max3A_360 = vector.broadcast %max3A_359 : f32 to vector<16xf32>
        %max3A_361 = arith.maximumf %add3A_358, %max3A_360 : vector<16xf32>
        %mul3A_362 = arith.mulf %max3A_352, %get3A_125 : vector<16xf32>
        %add3A_363 = arith.addf %get3A_133, %mul3A_362 : vector<16xf32>
        %mul3A_364 = arith.mulf %max3A_361, %get3A_129 : vector<16xf32>
        %add3A_365 = arith.addf %add3A_363, %mul3A_364 : vector<16xf32>
        %swap3A = arith.constant 7 : i32
        %swap3A_366 = arith.index_cast %swap3A : i32 to index
        %swap3A_367 = arith.index_cast %mul3A_275 : i32 to index
        %swap3A_368 = tpu.vector_load %arg15[%swap3A_366, %swap3A_367] {strides = array<i32>} : memref<8x688xf32, #tpu.memory_space<vmem>>, vector<16xf32>,
        tpu.vector_store %arg15[%swap3A_366, %swap3A_367], %add3A_365 {strides = array<i32>} : memref<8x688xf32, #tpu.memory_space<vmem>>, vector<16xf32>,
      }
      %scan3A_207 = arith.constant 43 : i32
      %mul3A_208 = arith.constant 8 : i32
      %mul3A_209 = arith.muli %mul3A_146, %mul3A_208 : i32
      %add3A_210 = arith.addi %mul3A_2, %mul3A_209 : i32
      "tpu.region"() ({
        %run_scoped3A = tpu.sem_alloc : memref<!tpu.dma_semaphore, #tpu.memory_space<semaphore_mem>>
        %dma_start3A_273 = arith.constant 0 : i32
        %dma_start3A_274 = tpu.memref_slice %arg7[%add3A_210, %dma_start3A_273] : memref<10240x688xf32, #tpu.memory_space<hbm>> -> memref<8x688xf32, #tpu.memory_space<hbm>>
        %dma_start3A_275 = arith.constant 0 : i32
        %dma_start3A_276 = tpu.memref_slice %arg7[%add3A_210, %dma_start3A_275] : memref<10240x688xf32, #tpu.memory_space<hbm>> -> memref<8x688xf32, #tpu.memory_space<hbm>>
        tpu.enqueue_dma source(%arg15 : memref<8x688xf32, #tpu.memory_space<vmem>>) target(%dma_start3A_276 : memref<8x688xf32, #tpu.memory_space<hbm>>) target_semaphore(%run_scoped3A : memref<!tpu.dma_semaphore, #tpu.memory_space<semaphore_mem>>)
        %dma_wait3A_277 = arith.constant 0 : i32
        %dma_wait3A_278 = tpu.memref_slice %arg7[%add3A_210, %dma_wait3A_277] : memref<10240x688xf32, #tpu.memory_space<hbm>> -> memref<8x688xf32, #tpu.memory_space<hbm>>
        %dma_wait3A_279 = arith.constant 0 : i32
        %dma_wait3A_280 = tpu.memref_slice %arg7[%add3A_210, %dma_wait3A_279] : memref<10240x688xf32, #tpu.memory_space<hbm>> -> memref<8x688xf32, #tpu.memory_space<hbm>>
        tpu.wait_dma2 semaphore(%run_scoped3A : memref<!tpu.dma_semaphore, #tpu.memory_space<semaphore_mem>>) src(%arg15 : memref<8x688xf32, #tpu.memory_space<vmem>>) dst(%dma_wait3A_280 : memref<8x688xf32, #tpu.memory_space<hbm>>)
        tpu.yield
      }) : () -> ()
      %add3A_211 = arith.constant 1 : i32
      %add3A_212 = arith.addi %mul3A_146, %add3A_211 : i32
      %dma_wait3A_213 = arith.constant 0 : i32
      %dma_wait3A_214 = tpu.memref_slice %arg9[%dma_wait3A_213] : memref<1920xi32, #tpu.memory_space<vmem>> -> memref<48xi32, #tpu.memory_space<vmem>>
      %dma_wait3A_215 = arith.constant 0 : i32
      %dma_wait3A_216 = arith.constant 0 : i32
      %dma_wait3A_217 = tpu.memref_slice %arg2[%dma_wait3A_215, %dma_wait3A_216] : memref<100008x688xf32, #tpu.memory_space<hbm>> -> memref<100008x688xf32, #tpu.memory_space<hbm>>
      tpu.wait_indirect_dma semaphore(%arg18 : memref<!tpu.dma_semaphore, #tpu.memory_space<semaphore_mem>>) src(%dma_wait3A_217 : memref<100008x688xf32, #tpu.memory_space<hbm>>) dst(%arg14 : memref<48x688xf32, #tpu.memory_space<vmem>>)
      %add3A_218 = arith.constant 1 : i32
      %add3A_219 = arith.addi %add3A_212, %add3A_218 : i32
      %lt3A = arith.constant 40 : i32
      %lt3A_220 = arith.cmpi slt, %add3A_219, %lt3A : i32
      %convert_element_type3A = arith.extui %lt3A_220 : i1 to i32
      %cond3A = arith.constant 0 : i32
      %cond3A_221 = arith.cmpi ne, %convert_element_type3A, %cond3A : i32
      scf.if %cond3A_221 {
        %add3A_273 = arith.constant 1 : i32
        %add3A_274 = arith.addi %add3A_212, %add3A_273 : i32
        %mul3A_275 = arith.constant 48 : i32
        %mul3A_276 = arith.muli %add3A_274, %mul3A_275 : i32
        %dma_start3A_277 = tpu.memref_slice %arg9[%mul3A_276] : memref<1920xi32, #tpu.memory_space<vmem>> -> memref<48xi32, #tpu.memory_space<vmem>>
        %dma_start3A_278 = arith.constant 0 : i32
        %dma_start3A_279 = arith.constant 0 : i32
        %dma_start3A_280 = tpu.memref_slice %arg2[%dma_start3A_278, %dma_start3A_279] : memref<100008x688xf32, #tpu.memory_space<hbm>> -> memref<100008x688xf32, #tpu.memory_space<hbm>>
        tpu.enqueue_indirect_dma source(%dma_start3A_280 : memref<100008x688xf32, #tpu.memory_space<hbm>>) target(%arg13 : memref<48x688xf32, #tpu.memory_space<vmem>>) offsets(%dma_start3A_277 : memref<48xi32, #tpu.memory_space<vmem>>) semaphore(%arg17 : memref<!tpu.dma_semaphore, #tpu.memory_space<semaphore_mem>>)
      } else {
      }
      %scan3A_222 = arith.constant 0 : i32
      %scan3A_223 = arith.constant 0 : i32
      %scan3A_224 = arith.constant 43 : i32
      %scan3A_225 = arith.addi %scan3A_223, %scan3A_224 : i32
      %scan3A_226 = arith.constant 1 : i32
      scf.for %scan3A_273 = %scan3A_223 to %scan3A_225 step %scan3A_226  : i32 {
        %mul3A_274 = arith.constant 16 : i32
        %mul3A_275 = arith.muli %scan3A_273, %mul3A_274 : i32
        %get3A_276 = arith.constant 0 : i32
        %get3A_277 = arith.index_cast %get3A_276 : i32 to index
        %get3A_278 = arith.index_cast %mul3A_275 : i32 to index
        %get3A_279 = tpu.vector_load %arg14[%get3A_277, %get3A_278] {strides = array<i32>} : memref<48x688xf32, #tpu.memory_space<vmem>>, vector<16xf32>,
        %get3A_280 = arith.constant 1 : i32
        %get3A_281 = arith.index_cast %get3A_280 : i32 to index
        %get3A_282 = arith.index_cast %mul3A_275 : i32 to index
        %get3A_283 = tpu.vector_load %arg14[%get3A_281, %get3A_282] {strides = array<i32>} : memref<48x688xf32, #tpu.memory_space<vmem>>, vector<16xf32>,
        %get3A_284 = arith.constant 2 : i32
        %get3A_285 = arith.index_cast %get3A_284 : i32 to index
        %get3A_286 = arith.index_cast %mul3A_275 : i32 to index
        %get3A_287 = tpu.vector_load %arg14[%get3A_285, %get3A_286] {strides = array<i32>} : memref<48x688xf32, #tpu.memory_space<vmem>>, vector<16xf32>,
        %get3A_288 = arith.constant 3 : i32
        %get3A_289 = arith.index_cast %get3A_288 : i32 to index
        %get3A_290 = arith.index_cast %mul3A_275 : i32 to index
        %get3A_291 = tpu.vector_load %arg14[%get3A_289, %get3A_290] {strides = array<i32>} : memref<48x688xf32, #tpu.memory_space<vmem>>, vector<16xf32>,
        %get3A_292 = arith.constant 4 : i32
        %get3A_293 = arith.index_cast %get3A_292 : i32 to index
        %get3A_294 = arith.index_cast %mul3A_275 : i32 to index
        %get3A_295 = tpu.vector_load %arg14[%get3A_293, %get3A_294] {strides = array<i32>} : memref<48x688xf32, #tpu.memory_space<vmem>>, vector<16xf32>,
        %get3A_296 = arith.constant 5 : i32
        %get3A_297 = arith.index_cast %get3A_296 : i32 to index
        %get3A_298 = arith.index_cast %mul3A_275 : i32 to index
        %get3A_299 = tpu.vector_load %arg14[%get3A_297, %get3A_298] {strides = array<i32>} : memref<48x688xf32, #tpu.memory_space<vmem>>, vector<16xf32>,
        %mul3A_300 = arith.mulf %get3A_279, %get3A_9 : vector<16xf32>
        %add3A_301 = arith.addf %get3A_81, %mul3A_300 : vector<16xf32>
        %mul3A_302 = arith.mulf %get3A_283, %get3A_21 : vector<16xf32>
        %add3A_303 = arith.addf %add3A_301, %mul3A_302 : vector<16xf32>
        %mul3A_304 = arith.mulf %get3A_287, %get3A_33 : vector<16xf32>
        %add3A_305 = arith.addf %add3A_303, %mul3A_304 : vector<16xf32>
        %mul3A_306 = arith.mulf %get3A_291, %get3A_45 : vector<16xf32>
        %add3A_307 = arith.addf %add3A_305, %mul3A_306 : vector<16xf32>
        %mul3A_308 = arith.mulf %get3A_295, %get3A_57 : vector<16xf32>
        %add3A_309 = arith.addf %add3A_307, %mul3A_308 : vector<16xf32>
        %mul3A_310 = arith.mulf %get3A_299, %get3A_69 : vector<16xf32>
        %add3A_311 = arith.addf %add3A_309, %mul3A_310 : vector<16xf32>
        %max3A = arith.constant 0.000000e+00 : f32
        %max3A_312 = vector.broadcast %max3A : f32 to vector<16xf32>
        %max3A_313 = arith.maximumf %add3A_311, %max3A_312 : vector<16xf32>
        %mul3A_314 = arith.mulf %get3A_279, %get3A_13 : vector<16xf32>
        %add3A_315 = arith.addf %get3A_85, %mul3A_314 : vector<16xf32>
        %mul3A_316 = arith.mulf %get3A_283, %get3A_25 : vector<16xf32>
        %add3A_317 = arith.addf %add3A_315, %mul3A_316 : vector<16xf32>
        %mul3A_318 = arith.mulf %get3A_287, %get3A_37 : vector<16xf32>
        %add3A_319 = arith.addf %add3A_317, %mul3A_318 : vector<16xf32>
        %mul3A_320 = arith.mulf %get3A_291, %get3A_49 : vector<16xf32>
        %add3A_321 = arith.addf %add3A_319, %mul3A_320 : vector<16xf32>
        %mul3A_322 = arith.mulf %get3A_295, %get3A_61 : vector<16xf32>
        %add3A_323 = arith.addf %add3A_321, %mul3A_322 : vector<16xf32>
        %mul3A_324 = arith.mulf %get3A_299, %get3A_73 : vector<16xf32>
        %add3A_325 = arith.addf %add3A_323, %mul3A_324 : vector<16xf32>
        %max3A_326 = arith.constant 0.000000e+00 : f32
        %max3A_327 = vector.broadcast %max3A_326 : f32 to vector<16xf32>
        %max3A_328 = arith.maximumf %add3A_325, %max3A_327 : vector<16xf32>
        %mul3A_329 = arith.mulf %get3A_279, %get3A_17 : vector<16xf32>
        %add3A_330 = arith.addf %get3A_89, %mul3A_329 : vector<16xf32>
        %mul3A_331 = arith.mulf %get3A_283, %get3A_29 : vector<16xf32>
        %add3A_332 = arith.addf %add3A_330, %mul3A_331 : vector<16xf32>
        %mul3A_333 = arith.mulf %get3A_287, %get3A_41 : vector<16xf32>
        %add3A_334 = arith.addf %add3A_332, %mul3A_333 : vector<16xf32>
        %mul3A_335 = arith.mulf %get3A_291, %get3A_53 : vector<16xf32>
        %add3A_336 = arith.addf %add3A_334, %mul3A_335 : vector<16xf32>
        %mul3A_337 = arith.mulf %get3A_295, %get3A_65 : vector<16xf32>
        %add3A_338 = arith.addf %add3A_336, %mul3A_337 : vector<16xf32>
        %mul3A_339 = arith.mulf %get3A_299, %get3A_77 : vector<16xf32>
        %add3A_340 = arith.addf %add3A_338, %mul3A_339 : vector<16xf32>
        %max3A_341 = arith.constant 0.000000e+00 : f32
        %max3A_342 = vector.broadcast %max3A_341 : f32 to vector<16xf32>
        %max3A_343 = arith.maximumf %add3A_340, %max3A_342 : vector<16xf32>
        %mul3A_344 = arith.mulf %max3A_313, %get3A_93 : vector<16xf32>
        %add3A_345 = arith.addf %get3A_117, %mul3A_344 : vector<16xf32>
        %mul3A_346 = arith.mulf %max3A_328, %get3A_101 : vector<16xf32>
        %add3A_347 = arith.addf %add3A_345, %mul3A_346 : vector<16xf32>
        %mul3A_348 = arith.mulf %max3A_343, %get3A_109 : vector<16xf32>
        %add3A_349 = arith.addf %add3A_347, %mul3A_348 : vector<16xf32>
        %max3A_350 = arith.constant 0.000000e+00 : f32
        %max3A_351 = vector.broadcast %max3A_350 : f32 to vector<16xf32>
        %max3A_352 = arith.maximumf %add3A_349, %max3A_351 : vector<16xf32>
        %mul3A_353 = arith.mulf %max3A_313, %get3A_97 : vector<16xf32>
        %add3A_354 = arith.addf %get3A_121, %mul3A_353 : vector<16xf32>
        %mul3A_355 = arith.mulf %max3A_328, %get3A_105 : vector<16xf32>
        %add3A_356 = arith.addf %add3A_354, %mul3A_355 : vector<16xf32>
        %mul3A_357 = arith.mulf %max3A_343, %get3A_113 : vector<16xf32>
        %add3A_358 = arith.addf %add3A_356, %mul3A_357 : vector<16xf32>
        %max3A_359 = arith.constant 0.000000e+00 : f32
        %max3A_360 = vector.broadcast %max3A_359 : f32 to vector<16xf32>
        %max3A_361 = arith.maximumf %add3A_358, %max3A_360 : vector<16xf32>
        %mul3A_362 = arith.mulf %max3A_352, %get3A_125 : vector<16xf32>
        %add3A_363 = arith.addf %get3A_133, %mul3A_362 : vector<16xf32>
        %mul3A_364 = arith.mulf %max3A_361, %get3A_129 : vector<16xf32>
        %add3A_365 = arith.addf %add3A_363, %mul3A_364 : vector<16xf32>
        %swap3A = arith.constant 0 : i32
        %swap3A_366 = arith.index_cast %swap3A : i32 to index
        %swap3A_367 = arith.index_cast %mul3A_275 : i32 to index
        %swap3A_368 = tpu.vector_load %arg16[%swap3A_366, %swap3A_367] {strides = array<i32>} : memref<8x688xf32, #tpu.memory_space<vmem>>, vector<16xf32>,
        tpu.vector_store %arg16[%swap3A_366, %swap3A_367], %add3A_365 {strides = array<i32>} : memref<8x688xf32, #tpu.memory_space<vmem>>, vector<16xf32>,
      }
      %scan3A_227 = arith.constant 43 : i32
      %scan3A_228 = arith.constant 0 : i32
      %scan3A_229 = arith.constant 0 : i32
      %scan3A_230 = arith.constant 43 : i32
      %scan3A_231 = arith.addi %scan3A_229, %scan3A_230 : i32
      %scan3A_232 = arith.constant 1 : i32
      scf.for %scan3A_273 = %scan3A_229 to %scan3A_231 step %scan3A_232  : i32 {
        %mul3A_274 = arith.constant 16 : i32
        %mul3A_275 = arith.muli %scan3A_273, %mul3A_274 : i32
        %get3A_276 = arith.constant 6 : i32
        %get3A_277 = arith.index_cast %get3A_276 : i32 to index
        %get3A_278 = arith.index_cast %mul3A_275 : i32 to index
        %get3A_279 = tpu.vector_load %arg14[%get3A_277, %get3A_278] {strides = array<i32>} : memref<48x688xf32, #tpu.memory_space<vmem>>, vector<16xf32>,
        %get3A_280 = arith.constant 7 : i32
        %get3A_281 = arith.index_cast %get3A_280 : i32 to index
        %get3A_282 = arith.index_cast %mul3A_275 : i32 to index
        %get3A_283 = tpu.vector_load %arg14[%get3A_281, %get3A_282] {strides = array<i32>} : memref<48x688xf32, #tpu.memory_space<vmem>>, vector<16xf32>,
        %get3A_284 = arith.constant 8 : i32
        %get3A_285 = arith.index_cast %get3A_284 : i32 to index
        %get3A_286 = arith.index_cast %mul3A_275 : i32 to index
        %get3A_287 = tpu.vector_load %arg14[%get3A_285, %get3A_286] {strides = array<i32>} : memref<48x688xf32, #tpu.memory_space<vmem>>, vector<16xf32>,
        %get3A_288 = arith.constant 9 : i32
        %get3A_289 = arith.index_cast %get3A_288 : i32 to index
        %get3A_290 = arith.index_cast %mul3A_275 : i32 to index
        %get3A_291 = tpu.vector_load %arg14[%get3A_289, %get3A_290] {strides = array<i32>} : memref<48x688xf32, #tpu.memory_space<vmem>>, vector<16xf32>,
        %get3A_292 = arith.constant 10 : i32
        %get3A_293 = arith.index_cast %get3A_292 : i32 to index
        %get3A_294 = arith.index_cast %mul3A_275 : i32 to index
        %get3A_295 = tpu.vector_load %arg14[%get3A_293, %get3A_294] {strides = array<i32>} : memref<48x688xf32, #tpu.memory_space<vmem>>, vector<16xf32>,
        %get3A_296 = arith.constant 11 : i32
        %get3A_297 = arith.index_cast %get3A_296 : i32 to index
        %get3A_298 = arith.index_cast %mul3A_275 : i32 to index
        %get3A_299 = tpu.vector_load %arg14[%get3A_297, %get3A_298] {strides = array<i32>} : memref<48x688xf32, #tpu.memory_space<vmem>>, vector<16xf32>,
        %mul3A_300 = arith.mulf %get3A_279, %get3A_9 : vector<16xf32>
        %add3A_301 = arith.addf %get3A_81, %mul3A_300 : vector<16xf32>
        %mul3A_302 = arith.mulf %get3A_283, %get3A_21 : vector<16xf32>
        %add3A_303 = arith.addf %add3A_301, %mul3A_302 : vector<16xf32>
        %mul3A_304 = arith.mulf %get3A_287, %get3A_33 : vector<16xf32>
        %add3A_305 = arith.addf %add3A_303, %mul3A_304 : vector<16xf32>
        %mul3A_306 = arith.mulf %get3A_291, %get3A_45 : vector<16xf32>
        %add3A_307 = arith.addf %add3A_305, %mul3A_306 : vector<16xf32>
        %mul3A_308 = arith.mulf %get3A_295, %get3A_57 : vector<16xf32>
        %add3A_309 = arith.addf %add3A_307, %mul3A_308 : vector<16xf32>
        %mul3A_310 = arith.mulf %get3A_299, %get3A_69 : vector<16xf32>
        %add3A_311 = arith.addf %add3A_309, %mul3A_310 : vector<16xf32>
        %max3A = arith.constant 0.000000e+00 : f32
        %max3A_312 = vector.broadcast %max3A : f32 to vector<16xf32>
        %max3A_313 = arith.maximumf %add3A_311, %max3A_312 : vector<16xf32>
        %mul3A_314 = arith.mulf %get3A_279, %get3A_13 : vector<16xf32>
        %add3A_315 = arith.addf %get3A_85, %mul3A_314 : vector<16xf32>
        %mul3A_316 = arith.mulf %get3A_283, %get3A_25 : vector<16xf32>
        %add3A_317 = arith.addf %add3A_315, %mul3A_316 : vector<16xf32>
        %mul3A_318 = arith.mulf %get3A_287, %get3A_37 : vector<16xf32>
        %add3A_319 = arith.addf %add3A_317, %mul3A_318 : vector<16xf32>
        %mul3A_320 = arith.mulf %get3A_291, %get3A_49 : vector<16xf32>
        %add3A_321 = arith.addf %add3A_319, %mul3A_320 : vector<16xf32>
        %mul3A_322 = arith.mulf %get3A_295, %get3A_61 : vector<16xf32>
        %add3A_323 = arith.addf %add3A_321, %mul3A_322 : vector<16xf32>
        %mul3A_324 = arith.mulf %get3A_299, %get3A_73 : vector<16xf32>
        %add3A_325 = arith.addf %add3A_323, %mul3A_324 : vector<16xf32>
        %max3A_326 = arith.constant 0.000000e+00 : f32
        %max3A_327 = vector.broadcast %max3A_326 : f32 to vector<16xf32>
        %max3A_328 = arith.maximumf %add3A_325, %max3A_327 : vector<16xf32>
        %mul3A_329 = arith.mulf %get3A_279, %get3A_17 : vector<16xf32>
        %add3A_330 = arith.addf %get3A_89, %mul3A_329 : vector<16xf32>
        %mul3A_331 = arith.mulf %get3A_283, %get3A_29 : vector<16xf32>
        %add3A_332 = arith.addf %add3A_330, %mul3A_331 : vector<16xf32>
        %mul3A_333 = arith.mulf %get3A_287, %get3A_41 : vector<16xf32>
        %add3A_334 = arith.addf %add3A_332, %mul3A_333 : vector<16xf32>
        %mul3A_335 = arith.mulf %get3A_291, %get3A_53 : vector<16xf32>
        %add3A_336 = arith.addf %add3A_334, %mul3A_335 : vector<16xf32>
        %mul3A_337 = arith.mulf %get3A_295, %get3A_65 : vector<16xf32>
        %add3A_338 = arith.addf %add3A_336, %mul3A_337 : vector<16xf32>
        %mul3A_339 = arith.mulf %get3A_299, %get3A_77 : vector<16xf32>
        %add3A_340 = arith.addf %add3A_338, %mul3A_339 : vector<16xf32>
        %max3A_341 = arith.constant 0.000000e+00 : f32
        %max3A_342 = vector.broadcast %max3A_341 : f32 to vector<16xf32>
        %max3A_343 = arith.maximumf %add3A_340, %max3A_342 : vector<16xf32>
        %mul3A_344 = arith.mulf %max3A_313, %get3A_93 : vector<16xf32>
        %add3A_345 = arith.addf %get3A_117, %mul3A_344 : vector<16xf32>
        %mul3A_346 = arith.mulf %max3A_328, %get3A_101 : vector<16xf32>
        %add3A_347 = arith.addf %add3A_345, %mul3A_346 : vector<16xf32>
        %mul3A_348 = arith.mulf %max3A_343, %get3A_109 : vector<16xf32>
        %add3A_349 = arith.addf %add3A_347, %mul3A_348 : vector<16xf32>
        %max3A_350 = arith.constant 0.000000e+00 : f32
        %max3A_351 = vector.broadcast %max3A_350 : f32 to vector<16xf32>
        %max3A_352 = arith.maximumf %add3A_349, %max3A_351 : vector<16xf32>
        %mul3A_353 = arith.mulf %max3A_313, %get3A_97 : vector<16xf32>
        %add3A_354 = arith.addf %get3A_121, %mul3A_353 : vector<16xf32>
        %mul3A_355 = arith.mulf %max3A_328, %get3A_105 : vector<16xf32>
        %add3A_356 = arith.addf %add3A_354, %mul3A_355 : vector<16xf32>
        %mul3A_357 = arith.mulf %max3A_343, %get3A_113 : vector<16xf32>
        %add3A_358 = arith.addf %add3A_356, %mul3A_357 : vector<16xf32>
        %max3A_359 = arith.constant 0.000000e+00 : f32
        %max3A_360 = vector.broadcast %max3A_359 : f32 to vector<16xf32>
        %max3A_361 = arith.maximumf %add3A_358, %max3A_360 : vector<16xf32>
        %mul3A_362 = arith.mulf %max3A_352, %get3A_125 : vector<16xf32>
        %add3A_363 = arith.addf %get3A_133, %mul3A_362 : vector<16xf32>
        %mul3A_364 = arith.mulf %max3A_361, %get3A_129 : vector<16xf32>
        %add3A_365 = arith.addf %add3A_363, %mul3A_364 : vector<16xf32>
        %swap3A = arith.constant 1 : i32
        %swap3A_366 = arith.index_cast %swap3A : i32 to index
        %swap3A_367 = arith.index_cast %mul3A_275 : i32 to index
        %swap3A_368 = tpu.vector_load %arg16[%swap3A_366, %swap3A_367] {strides = array<i32>} : memref<8x688xf32, #tpu.memory_space<vmem>>, vector<16xf32>,
        tpu.vector_store %arg16[%swap3A_366, %swap3A_367], %add3A_365 {strides = array<i32>} : memref<8x688xf32, #tpu.memory_space<vmem>>, vector<16xf32>,
      }
      %scan3A_233 = arith.constant 43 : i32
      %scan3A_234 = arith.constant 0 : i32
      %scan3A_235 = arith.constant 0 : i32
      %scan3A_236 = arith.constant 43 : i32
      %scan3A_237 = arith.addi %scan3A_235, %scan3A_236 : i32
      %scan3A_238 = arith.constant 1 : i32
      scf.for %scan3A_273 = %scan3A_235 to %scan3A_237 step %scan3A_238  : i32 {
        %mul3A_274 = arith.constant 16 : i32
        %mul3A_275 = arith.muli %scan3A_273, %mul3A_274 : i32
        %get3A_276 = arith.constant 12 : i32
        %get3A_277 = arith.index_cast %get3A_276 : i32 to index
        %get3A_278 = arith.index_cast %mul3A_275 : i32 to index
        %get3A_279 = tpu.vector_load %arg14[%get3A_277, %get3A_278] {strides = array<i32>} : memref<48x688xf32, #tpu.memory_space<vmem>>, vector<16xf32>,
        %get3A_280 = arith.constant 13 : i32
        %get3A_281 = arith.index_cast %get3A_280 : i32 to index
        %get3A_282 = arith.index_cast %mul3A_275 : i32 to index
        %get3A_283 = tpu.vector_load %arg14[%get3A_281, %get3A_282] {strides = array<i32>} : memref<48x688xf32, #tpu.memory_space<vmem>>, vector<16xf32>,
        %get3A_284 = arith.constant 14 : i32
        %get3A_285 = arith.index_cast %get3A_284 : i32 to index
        %get3A_286 = arith.index_cast %mul3A_275 : i32 to index
        %get3A_287 = tpu.vector_load %arg14[%get3A_285, %get3A_286] {strides = array<i32>} : memref<48x688xf32, #tpu.memory_space<vmem>>, vector<16xf32>,
        %get3A_288 = arith.constant 15 : i32
        %get3A_289 = arith.index_cast %get3A_288 : i32 to index
        %get3A_290 = arith.index_cast %mul3A_275 : i32 to index
        %get3A_291 = tpu.vector_load %arg14[%get3A_289, %get3A_290] {strides = array<i32>} : memref<48x688xf32, #tpu.memory_space<vmem>>, vector<16xf32>,
        %get3A_292 = arith.constant 16 : i32
        %get3A_293 = arith.index_cast %get3A_292 : i32 to index
        %get3A_294 = arith.index_cast %mul3A_275 : i32 to index
        %get3A_295 = tpu.vector_load %arg14[%get3A_293, %get3A_294] {strides = array<i32>} : memref<48x688xf32, #tpu.memory_space<vmem>>, vector<16xf32>,
        %get3A_296 = arith.constant 17 : i32
        %get3A_297 = arith.index_cast %get3A_296 : i32 to index
        %get3A_298 = arith.index_cast %mul3A_275 : i32 to index
        %get3A_299 = tpu.vector_load %arg14[%get3A_297, %get3A_298] {strides = array<i32>} : memref<48x688xf32, #tpu.memory_space<vmem>>, vector<16xf32>,
        %mul3A_300 = arith.mulf %get3A_279, %get3A_9 : vector<16xf32>
        %add3A_301 = arith.addf %get3A_81, %mul3A_300 : vector<16xf32>
        %mul3A_302 = arith.mulf %get3A_283, %get3A_21 : vector<16xf32>
        %add3A_303 = arith.addf %add3A_301, %mul3A_302 : vector<16xf32>
        %mul3A_304 = arith.mulf %get3A_287, %get3A_33 : vector<16xf32>
        %add3A_305 = arith.addf %add3A_303, %mul3A_304 : vector<16xf32>
        %mul3A_306 = arith.mulf %get3A_291, %get3A_45 : vector<16xf32>
        %add3A_307 = arith.addf %add3A_305, %mul3A_306 : vector<16xf32>
        %mul3A_308 = arith.mulf %get3A_295, %get3A_57 : vector<16xf32>
        %add3A_309 = arith.addf %add3A_307, %mul3A_308 : vector<16xf32>
        %mul3A_310 = arith.mulf %get3A_299, %get3A_69 : vector<16xf32>
        %add3A_311 = arith.addf %add3A_309, %mul3A_310 : vector<16xf32>
        %max3A = arith.constant 0.000000e+00 : f32
        %max3A_312 = vector.broadcast %max3A : f32 to vector<16xf32>
        %max3A_313 = arith.maximumf %add3A_311, %max3A_312 : vector<16xf32>
        %mul3A_314 = arith.mulf %get3A_279, %get3A_13 : vector<16xf32>
        %add3A_315 = arith.addf %get3A_85, %mul3A_314 : vector<16xf32>
        %mul3A_316 = arith.mulf %get3A_283, %get3A_25 : vector<16xf32>
        %add3A_317 = arith.addf %add3A_315, %mul3A_316 : vector<16xf32>
        %mul3A_318 = arith.mulf %get3A_287, %get3A_37 : vector<16xf32>
        %add3A_319 = arith.addf %add3A_317, %mul3A_318 : vector<16xf32>
        %mul3A_320 = arith.mulf %get3A_291, %get3A_49 : vector<16xf32>
        %add3A_321 = arith.addf %add3A_319, %mul3A_320 : vector<16xf32>
        %mul3A_322 = arith.mulf %get3A_295, %get3A_61 : vector<16xf32>
        %add3A_323 = arith.addf %add3A_321, %mul3A_322 : vector<16xf32>
        %mul3A_324 = arith.mulf %get3A_299, %get3A_73 : vector<16xf32>
        %add3A_325 = arith.addf %add3A_323, %mul3A_324 : vector<16xf32>
        %max3A_326 = arith.constant 0.000000e+00 : f32
        %max3A_327 = vector.broadcast %max3A_326 : f32 to vector<16xf32>
        %max3A_328 = arith.maximumf %add3A_325, %max3A_327 : vector<16xf32>
        %mul3A_329 = arith.mulf %get3A_279, %get3A_17 : vector<16xf32>
        %add3A_330 = arith.addf %get3A_89, %mul3A_329 : vector<16xf32>
        %mul3A_331 = arith.mulf %get3A_283, %get3A_29 : vector<16xf32>
        %add3A_332 = arith.addf %add3A_330, %mul3A_331 : vector<16xf32>
        %mul3A_333 = arith.mulf %get3A_287, %get3A_41 : vector<16xf32>
        %add3A_334 = arith.addf %add3A_332, %mul3A_333 : vector<16xf32>
        %mul3A_335 = arith.mulf %get3A_291, %get3A_53 : vector<16xf32>
        %add3A_336 = arith.addf %add3A_334, %mul3A_335 : vector<16xf32>
        %mul3A_337 = arith.mulf %get3A_295, %get3A_65 : vector<16xf32>
        %add3A_338 = arith.addf %add3A_336, %mul3A_337 : vector<16xf32>
        %mul3A_339 = arith.mulf %get3A_299, %get3A_77 : vector<16xf32>
        %add3A_340 = arith.addf %add3A_338, %mul3A_339 : vector<16xf32>
        %max3A_341 = arith.constant 0.000000e+00 : f32
        %max3A_342 = vector.broadcast %max3A_341 : f32 to vector<16xf32>
        %max3A_343 = arith.maximumf %add3A_340, %max3A_342 : vector<16xf32>
        %mul3A_344 = arith.mulf %max3A_313, %get3A_93 : vector<16xf32>
        %add3A_345 = arith.addf %get3A_117, %mul3A_344 : vector<16xf32>
        %mul3A_346 = arith.mulf %max3A_328, %get3A_101 : vector<16xf32>
        %add3A_347 = arith.addf %add3A_345, %mul3A_346 : vector<16xf32>
        %mul3A_348 = arith.mulf %max3A_343, %get3A_109 : vector<16xf32>
        %add3A_349 = arith.addf %add3A_347, %mul3A_348 : vector<16xf32>
        %max3A_350 = arith.constant 0.000000e+00 : f32
        %max3A_351 = vector.broadcast %max3A_350 : f32 to vector<16xf32>
        %max3A_352 = arith.maximumf %add3A_349, %max3A_351 : vector<16xf32>
        %mul3A_353 = arith.mulf %max3A_313, %get3A_97 : vector<16xf32>
        %add3A_354 = arith.addf %get3A_121, %mul3A_353 : vector<16xf32>
        %mul3A_355 = arith.mulf %max3A_328, %get3A_105 : vector<16xf32>
        %add3A_356 = arith.addf %add3A_354, %mul3A_355 : vector<16xf32>
        %mul3A_357 = arith.mulf %max3A_343, %get3A_113 : vector<16xf32>
        %add3A_358 = arith.addf %add3A_356, %mul3A_357 : vector<16xf32>
        %max3A_359 = arith.constant 0.000000e+00 : f32
        %max3A_360 = vector.broadcast %max3A_359 : f32 to vector<16xf32>
        %max3A_361 = arith.maximumf %add3A_358, %max3A_360 : vector<16xf32>
        %mul3A_362 = arith.mulf %max3A_352, %get3A_125 : vector<16xf32>
        %add3A_363 = arith.addf %get3A_133, %mul3A_362 : vector<16xf32>
        %mul3A_364 = arith.mulf %max3A_361, %get3A_129 : vector<16xf32>
        %add3A_365 = arith.addf %add3A_363, %mul3A_364 : vector<16xf32>
        %swap3A = arith.constant 2 : i32
        %swap3A_366 = arith.index_cast %swap3A : i32 to index
        %swap3A_367 = arith.index_cast %mul3A_275 : i32 to index
        %swap3A_368 = tpu.vector_load %arg16[%swap3A_366, %swap3A_367] {strides = array<i32>} : memref<8x688xf32, #tpu.memory_space<vmem>>, vector<16xf32>,
        tpu.vector_store %arg16[%swap3A_366, %swap3A_367], %add3A_365 {strides = array<i32>} : memref<8x688xf32, #tpu.memory_space<vmem>>, vector<16xf32>,
      }
      %scan3A_239 = arith.constant 43 : i32
      %scan3A_240 = arith.constant 0 : i32
      %scan3A_241 = arith.constant 0 : i32
      %scan3A_242 = arith.constant 43 : i32
      %scan3A_243 = arith.addi %scan3A_241, %scan3A_242 : i32
      %scan3A_244 = arith.constant 1 : i32
      scf.for %scan3A_273 = %scan3A_241 to %scan3A_243 step %scan3A_244  : i32 {
        %mul3A_274 = arith.constant 16 : i32
        %mul3A_275 = arith.muli %scan3A_273, %mul3A_274 : i32
        %get3A_276 = arith.constant 18 : i32
        %get3A_277 = arith.index_cast %get3A_276 : i32 to index
        %get3A_278 = arith.index_cast %mul3A_275 : i32 to index
        %get3A_279 = tpu.vector_load %arg14[%get3A_277, %get3A_278] {strides = array<i32>} : memref<48x688xf32, #tpu.memory_space<vmem>>, vector<16xf32>,
        %get3A_280 = arith.constant 19 : i32
        %get3A_281 = arith.index_cast %get3A_280 : i32 to index
        %get3A_282 = arith.index_cast %mul3A_275 : i32 to index
        %get3A_283 = tpu.vector_load %arg14[%get3A_281, %get3A_282] {strides = array<i32>} : memref<48x688xf32, #tpu.memory_space<vmem>>, vector<16xf32>,
        %get3A_284 = arith.constant 20 : i32
        %get3A_285 = arith.index_cast %get3A_284 : i32 to index
        %get3A_286 = arith.index_cast %mul3A_275 : i32 to index
        %get3A_287 = tpu.vector_load %arg14[%get3A_285, %get3A_286] {strides = array<i32>} : memref<48x688xf32, #tpu.memory_space<vmem>>, vector<16xf32>,
        %get3A_288 = arith.constant 21 : i32
        %get3A_289 = arith.index_cast %get3A_288 : i32 to index
        %get3A_290 = arith.index_cast %mul3A_275 : i32 to index
        %get3A_291 = tpu.vector_load %arg14[%get3A_289, %get3A_290] {strides = array<i32>} : memref<48x688xf32, #tpu.memory_space<vmem>>, vector<16xf32>,
        %get3A_292 = arith.constant 22 : i32
        %get3A_293 = arith.index_cast %get3A_292 : i32 to index
        %get3A_294 = arith.index_cast %mul3A_275 : i32 to index
        %get3A_295 = tpu.vector_load %arg14[%get3A_293, %get3A_294] {strides = array<i32>} : memref<48x688xf32, #tpu.memory_space<vmem>>, vector<16xf32>,
        %get3A_296 = arith.constant 23 : i32
        %get3A_297 = arith.index_cast %get3A_296 : i32 to index
        %get3A_298 = arith.index_cast %mul3A_275 : i32 to index
        %get3A_299 = tpu.vector_load %arg14[%get3A_297, %get3A_298] {strides = array<i32>} : memref<48x688xf32, #tpu.memory_space<vmem>>, vector<16xf32>,
        %mul3A_300 = arith.mulf %get3A_279, %get3A_9 : vector<16xf32>
        %add3A_301 = arith.addf %get3A_81, %mul3A_300 : vector<16xf32>
        %mul3A_302 = arith.mulf %get3A_283, %get3A_21 : vector<16xf32>
        %add3A_303 = arith.addf %add3A_301, %mul3A_302 : vector<16xf32>
        %mul3A_304 = arith.mulf %get3A_287, %get3A_33 : vector<16xf32>
        %add3A_305 = arith.addf %add3A_303, %mul3A_304 : vector<16xf32>
        %mul3A_306 = arith.mulf %get3A_291, %get3A_45 : vector<16xf32>
        %add3A_307 = arith.addf %add3A_305, %mul3A_306 : vector<16xf32>
        %mul3A_308 = arith.mulf %get3A_295, %get3A_57 : vector<16xf32>
        %add3A_309 = arith.addf %add3A_307, %mul3A_308 : vector<16xf32>
        %mul3A_310 = arith.mulf %get3A_299, %get3A_69 : vector<16xf32>
        %add3A_311 = arith.addf %add3A_309, %mul3A_310 : vector<16xf32>
        %max3A = arith.constant 0.000000e+00 : f32
        %max3A_312 = vector.broadcast %max3A : f32 to vector<16xf32>
        %max3A_313 = arith.maximumf %add3A_311, %max3A_312 : vector<16xf32>
        %mul3A_314 = arith.mulf %get3A_279, %get3A_13 : vector<16xf32>
        %add3A_315 = arith.addf %get3A_85, %mul3A_314 : vector<16xf32>
        %mul3A_316 = arith.mulf %get3A_283, %get3A_25 : vector<16xf32>
        %add3A_317 = arith.addf %add3A_315, %mul3A_316 : vector<16xf32>
        %mul3A_318 = arith.mulf %get3A_287, %get3A_37 : vector<16xf32>
        %add3A_319 = arith.addf %add3A_317, %mul3A_318 : vector<16xf32>
        %mul3A_320 = arith.mulf %get3A_291, %get3A_49 : vector<16xf32>
        %add3A_321 = arith.addf %add3A_319, %mul3A_320 : vector<16xf32>
        %mul3A_322 = arith.mulf %get3A_295, %get3A_61 : vector<16xf32>
        %add3A_323 = arith.addf %add3A_321, %mul3A_322 : vector<16xf32>
        %mul3A_324 = arith.mulf %get3A_299, %get3A_73 : vector<16xf32>
        %add3A_325 = arith.addf %add3A_323, %mul3A_324 : vector<16xf32>
        %max3A_326 = arith.constant 0.000000e+00 : f32
        %max3A_327 = vector.broadcast %max3A_326 : f32 to vector<16xf32>
        %max3A_328 = arith.maximumf %add3A_325, %max3A_327 : vector<16xf32>
        %mul3A_329 = arith.mulf %get3A_279, %get3A_17 : vector<16xf32>
        %add3A_330 = arith.addf %get3A_89, %mul3A_329 : vector<16xf32>
        %mul3A_331 = arith.mulf %get3A_283, %get3A_29 : vector<16xf32>
        %add3A_332 = arith.addf %add3A_330, %mul3A_331 : vector<16xf32>
        %mul3A_333 = arith.mulf %get3A_287, %get3A_41 : vector<16xf32>
        %add3A_334 = arith.addf %add3A_332, %mul3A_333 : vector<16xf32>
        %mul3A_335 = arith.mulf %get3A_291, %get3A_53 : vector<16xf32>
        %add3A_336 = arith.addf %add3A_334, %mul3A_335 : vector<16xf32>
        %mul3A_337 = arith.mulf %get3A_295, %get3A_65 : vector<16xf32>
        %add3A_338 = arith.addf %add3A_336, %mul3A_337 : vector<16xf32>
        %mul3A_339 = arith.mulf %get3A_299, %get3A_77 : vector<16xf32>
        %add3A_340 = arith.addf %add3A_338, %mul3A_339 : vector<16xf32>
        %max3A_341 = arith.constant 0.000000e+00 : f32
        %max3A_342 = vector.broadcast %max3A_341 : f32 to vector<16xf32>
        %max3A_343 = arith.maximumf %add3A_340, %max3A_342 : vector<16xf32>
        %mul3A_344 = arith.mulf %max3A_313, %get3A_93 : vector<16xf32>
        %add3A_345 = arith.addf %get3A_117, %mul3A_344 : vector<16xf32>
        %mul3A_346 = arith.mulf %max3A_328, %get3A_101 : vector<16xf32>
        %add3A_347 = arith.addf %add3A_345, %mul3A_346 : vector<16xf32>
        %mul3A_348 = arith.mulf %max3A_343, %get3A_109 : vector<16xf32>
        %add3A_349 = arith.addf %add3A_347, %mul3A_348 : vector<16xf32>
        %max3A_350 = arith.constant 0.000000e+00 : f32
        %max3A_351 = vector.broadcast %max3A_350 : f32 to vector<16xf32>
        %max3A_352 = arith.maximumf %add3A_349, %max3A_351 : vector<16xf32>
        %mul3A_353 = arith.mulf %max3A_313, %get3A_97 : vector<16xf32>
        %add3A_354 = arith.addf %get3A_121, %mul3A_353 : vector<16xf32>
        %mul3A_355 = arith.mulf %max3A_328, %get3A_105 : vector<16xf32>
        %add3A_356 = arith.addf %add3A_354, %mul3A_355 : vector<16xf32>
        %mul3A_357 = arith.mulf %max3A_343, %get3A_113 : vector<16xf32>
        %add3A_358 = arith.addf %add3A_356, %mul3A_357 : vector<16xf32>
        %max3A_359 = arith.constant 0.000000e+00 : f32
        %max3A_360 = vector.broadcast %max3A_359 : f32 to vector<16xf32>
        %max3A_361 = arith.maximumf %add3A_358, %max3A_360 : vector<16xf32>
        %mul3A_362 = arith.mulf %max3A_352, %get3A_125 : vector<16xf32>
        %add3A_363 = arith.addf %get3A_133, %mul3A_362 : vector<16xf32>
        %mul3A_364 = arith.mulf %max3A_361, %get3A_129 : vector<16xf32>
        %add3A_365 = arith.addf %add3A_363, %mul3A_364 : vector<16xf32>
        %swap3A = arith.constant 3 : i32
        %swap3A_366 = arith.index_cast %swap3A : i32 to index
        %swap3A_367 = arith.index_cast %mul3A_275 : i32 to index
        %swap3A_368 = tpu.vector_load %arg16[%swap3A_366, %swap3A_367] {strides = array<i32>} : memref<8x688xf32, #tpu.memory_space<vmem>>, vector<16xf32>,
        tpu.vector_store %arg16[%swap3A_366, %swap3A_367], %add3A_365 {strides = array<i32>} : memref<8x688xf32, #tpu.memory_space<vmem>>, vector<16xf32>,
      }
      %scan3A_245 = arith.constant 43 : i32
      %scan3A_246 = arith.constant 0 : i32
      %scan3A_247 = arith.constant 0 : i32
      %scan3A_248 = arith.constant 43 : i32
      %scan3A_249 = arith.addi %scan3A_247, %scan3A_248 : i32
      %scan3A_250 = arith.constant 1 : i32
      scf.for %scan3A_273 = %scan3A_247 to %scan3A_249 step %scan3A_250  : i32 {
        %mul3A_274 = arith.constant 16 : i32
        %mul3A_275 = arith.muli %scan3A_273, %mul3A_274 : i32
        %get3A_276 = arith.constant 24 : i32
        %get3A_277 = arith.index_cast %get3A_276 : i32 to index
        %get3A_278 = arith.index_cast %mul3A_275 : i32 to index
        %get3A_279 = tpu.vector_load %arg14[%get3A_277, %get3A_278] {strides = array<i32>} : memref<48x688xf32, #tpu.memory_space<vmem>>, vector<16xf32>,
        %get3A_280 = arith.constant 25 : i32
        %get3A_281 = arith.index_cast %get3A_280 : i32 to index
        %get3A_282 = arith.index_cast %mul3A_275 : i32 to index
        %get3A_283 = tpu.vector_load %arg14[%get3A_281, %get3A_282] {strides = array<i32>} : memref<48x688xf32, #tpu.memory_space<vmem>>, vector<16xf32>,
        %get3A_284 = arith.constant 26 : i32
        %get3A_285 = arith.index_cast %get3A_284 : i32 to index
        %get3A_286 = arith.index_cast %mul3A_275 : i32 to index
        %get3A_287 = tpu.vector_load %arg14[%get3A_285, %get3A_286] {strides = array<i32>} : memref<48x688xf32, #tpu.memory_space<vmem>>, vector<16xf32>,
        %get3A_288 = arith.constant 27 : i32
        %get3A_289 = arith.index_cast %get3A_288 : i32 to index
        %get3A_290 = arith.index_cast %mul3A_275 : i32 to index
        %get3A_291 = tpu.vector_load %arg14[%get3A_289, %get3A_290] {strides = array<i32>} : memref<48x688xf32, #tpu.memory_space<vmem>>, vector<16xf32>,
        %get3A_292 = arith.constant 28 : i32
        %get3A_293 = arith.index_cast %get3A_292 : i32 to index
        %get3A_294 = arith.index_cast %mul3A_275 : i32 to index
        %get3A_295 = tpu.vector_load %arg14[%get3A_293, %get3A_294] {strides = array<i32>} : memref<48x688xf32, #tpu.memory_space<vmem>>, vector<16xf32>,
        %get3A_296 = arith.constant 29 : i32
        %get3A_297 = arith.index_cast %get3A_296 : i32 to index
        %get3A_298 = arith.index_cast %mul3A_275 : i32 to index
        %get3A_299 = tpu.vector_load %arg14[%get3A_297, %get3A_298] {strides = array<i32>} : memref<48x688xf32, #tpu.memory_space<vmem>>, vector<16xf32>,
        %mul3A_300 = arith.mulf %get3A_279, %get3A_9 : vector<16xf32>
        %add3A_301 = arith.addf %get3A_81, %mul3A_300 : vector<16xf32>
        %mul3A_302 = arith.mulf %get3A_283, %get3A_21 : vector<16xf32>
        %add3A_303 = arith.addf %add3A_301, %mul3A_302 : vector<16xf32>
        %mul3A_304 = arith.mulf %get3A_287, %get3A_33 : vector<16xf32>
        %add3A_305 = arith.addf %add3A_303, %mul3A_304 : vector<16xf32>
        %mul3A_306 = arith.mulf %get3A_291, %get3A_45 : vector<16xf32>
        %add3A_307 = arith.addf %add3A_305, %mul3A_306 : vector<16xf32>
        %mul3A_308 = arith.mulf %get3A_295, %get3A_57 : vector<16xf32>
        %add3A_309 = arith.addf %add3A_307, %mul3A_308 : vector<16xf32>
        %mul3A_310 = arith.mulf %get3A_299, %get3A_69 : vector<16xf32>
        %add3A_311 = arith.addf %add3A_309, %mul3A_310 : vector<16xf32>
        %max3A = arith.constant 0.000000e+00 : f32
        %max3A_312 = vector.broadcast %max3A : f32 to vector<16xf32>
        %max3A_313 = arith.maximumf %add3A_311, %max3A_312 : vector<16xf32>
        %mul3A_314 = arith.mulf %get3A_279, %get3A_13 : vector<16xf32>
        %add3A_315 = arith.addf %get3A_85, %mul3A_314 : vector<16xf32>
        %mul3A_316 = arith.mulf %get3A_283, %get3A_25 : vector<16xf32>
        %add3A_317 = arith.addf %add3A_315, %mul3A_316 : vector<16xf32>
        %mul3A_318 = arith.mulf %get3A_287, %get3A_37 : vector<16xf32>
        %add3A_319 = arith.addf %add3A_317, %mul3A_318 : vector<16xf32>
        %mul3A_320 = arith.mulf %get3A_291, %get3A_49 : vector<16xf32>
        %add3A_321 = arith.addf %add3A_319, %mul3A_320 : vector<16xf32>
        %mul3A_322 = arith.mulf %get3A_295, %get3A_61 : vector<16xf32>
        %add3A_323 = arith.addf %add3A_321, %mul3A_322 : vector<16xf32>
        %mul3A_324 = arith.mulf %get3A_299, %get3A_73 : vector<16xf32>
        %add3A_325 = arith.addf %add3A_323, %mul3A_324 : vector<16xf32>
        %max3A_326 = arith.constant 0.000000e+00 : f32
        %max3A_327 = vector.broadcast %max3A_326 : f32 to vector<16xf32>
        %max3A_328 = arith.maximumf %add3A_325, %max3A_327 : vector<16xf32>
        %mul3A_329 = arith.mulf %get3A_279, %get3A_17 : vector<16xf32>
        %add3A_330 = arith.addf %get3A_89, %mul3A_329 : vector<16xf32>
        %mul3A_331 = arith.mulf %get3A_283, %get3A_29 : vector<16xf32>
        %add3A_332 = arith.addf %add3A_330, %mul3A_331 : vector<16xf32>
        %mul3A_333 = arith.mulf %get3A_287, %get3A_41 : vector<16xf32>
        %add3A_334 = arith.addf %add3A_332, %mul3A_333 : vector<16xf32>
        %mul3A_335 = arith.mulf %get3A_291, %get3A_53 : vector<16xf32>
        %add3A_336 = arith.addf %add3A_334, %mul3A_335 : vector<16xf32>
        %mul3A_337 = arith.mulf %get3A_295, %get3A_65 : vector<16xf32>
        %add3A_338 = arith.addf %add3A_336, %mul3A_337 : vector<16xf32>
        %mul3A_339 = arith.mulf %get3A_299, %get3A_77 : vector<16xf32>
        %add3A_340 = arith.addf %add3A_338, %mul3A_339 : vector<16xf32>
        %max3A_341 = arith.constant 0.000000e+00 : f32
        %max3A_342 = vector.broadcast %max3A_341 : f32 to vector<16xf32>
        %max3A_343 = arith.maximumf %add3A_340, %max3A_342 : vector<16xf32>
        %mul3A_344 = arith.mulf %max3A_313, %get3A_93 : vector<16xf32>
        %add3A_345 = arith.addf %get3A_117, %mul3A_344 : vector<16xf32>
        %mul3A_346 = arith.mulf %max3A_328, %get3A_101 : vector<16xf32>
        %add3A_347 = arith.addf %add3A_345, %mul3A_346 : vector<16xf32>
        %mul3A_348 = arith.mulf %max3A_343, %get3A_109 : vector<16xf32>
        %add3A_349 = arith.addf %add3A_347, %mul3A_348 : vector<16xf32>
        %max3A_350 = arith.constant 0.000000e+00 : f32
        %max3A_351 = vector.broadcast %max3A_350 : f32 to vector<16xf32>
        %max3A_352 = arith.maximumf %add3A_349, %max3A_351 : vector<16xf32>
        %mul3A_353 = arith.mulf %max3A_313, %get3A_97 : vector<16xf32>
        %add3A_354 = arith.addf %get3A_121, %mul3A_353 : vector<16xf32>
        %mul3A_355 = arith.mulf %max3A_328, %get3A_105 : vector<16xf32>
        %add3A_356 = arith.addf %add3A_354, %mul3A_355 : vector<16xf32>
        %mul3A_357 = arith.mulf %max3A_343, %get3A_113 : vector<16xf32>
        %add3A_358 = arith.addf %add3A_356, %mul3A_357 : vector<16xf32>
        %max3A_359 = arith.constant 0.000000e+00 : f32
        %max3A_360 = vector.broadcast %max3A_359 : f32 to vector<16xf32>
        %max3A_361 = arith.maximumf %add3A_358, %max3A_360 : vector<16xf32>
        %mul3A_362 = arith.mulf %max3A_352, %get3A_125 : vector<16xf32>
        %add3A_363 = arith.addf %get3A_133, %mul3A_362 : vector<16xf32>
        %mul3A_364 = arith.mulf %max3A_361, %get3A_129 : vector<16xf32>
        %add3A_365 = arith.addf %add3A_363, %mul3A_364 : vector<16xf32>
        %swap3A = arith.constant 4 : i32
        %swap3A_366 = arith.index_cast %swap3A : i32 to index
        %swap3A_367 = arith.index_cast %mul3A_275 : i32 to index
        %swap3A_368 = tpu.vector_load %arg16[%swap3A_366, %swap3A_367] {strides = array<i32>} : memref<8x688xf32, #tpu.memory_space<vmem>>, vector<16xf32>,
        tpu.vector_store %arg16[%swap3A_366, %swap3A_367], %add3A_365 {strides = array<i32>} : memref<8x688xf32, #tpu.memory_space<vmem>>, vector<16xf32>,
      }
      %scan3A_251 = arith.constant 43 : i32
      %scan3A_252 = arith.constant 0 : i32
      %scan3A_253 = arith.constant 0 : i32
      %scan3A_254 = arith.constant 43 : i32
      %scan3A_255 = arith.addi %scan3A_253, %scan3A_254 : i32
      %scan3A_256 = arith.constant 1 : i32
      scf.for %scan3A_273 = %scan3A_253 to %scan3A_255 step %scan3A_256  : i32 {
        %mul3A_274 = arith.constant 16 : i32
        %mul3A_275 = arith.muli %scan3A_273, %mul3A_274 : i32
        %get3A_276 = arith.constant 30 : i32
        %get3A_277 = arith.index_cast %get3A_276 : i32 to index
        %get3A_278 = arith.index_cast %mul3A_275 : i32 to index
        %get3A_279 = tpu.vector_load %arg14[%get3A_277, %get3A_278] {strides = array<i32>} : memref<48x688xf32, #tpu.memory_space<vmem>>, vector<16xf32>,
        %get3A_280 = arith.constant 31 : i32
        %get3A_281 = arith.index_cast %get3A_280 : i32 to index
        %get3A_282 = arith.index_cast %mul3A_275 : i32 to index
        %get3A_283 = tpu.vector_load %arg14[%get3A_281, %get3A_282] {strides = array<i32>} : memref<48x688xf32, #tpu.memory_space<vmem>>, vector<16xf32>,
        %get3A_284 = arith.constant 32 : i32
        %get3A_285 = arith.index_cast %get3A_284 : i32 to index
        %get3A_286 = arith.index_cast %mul3A_275 : i32 to index
        %get3A_287 = tpu.vector_load %arg14[%get3A_285, %get3A_286] {strides = array<i32>} : memref<48x688xf32, #tpu.memory_space<vmem>>, vector<16xf32>,
        %get3A_288 = arith.constant 33 : i32
        %get3A_289 = arith.index_cast %get3A_288 : i32 to index
        %get3A_290 = arith.index_cast %mul3A_275 : i32 to index
        %get3A_291 = tpu.vector_load %arg14[%get3A_289, %get3A_290] {strides = array<i32>} : memref<48x688xf32, #tpu.memory_space<vmem>>, vector<16xf32>,
        %get3A_292 = arith.constant 34 : i32
        %get3A_293 = arith.index_cast %get3A_292 : i32 to index
        %get3A_294 = arith.index_cast %mul3A_275 : i32 to index
        %get3A_295 = tpu.vector_load %arg14[%get3A_293, %get3A_294] {strides = array<i32>} : memref<48x688xf32, #tpu.memory_space<vmem>>, vector<16xf32>,
        %get3A_296 = arith.constant 35 : i32
        %get3A_297 = arith.index_cast %get3A_296 : i32 to index
        %get3A_298 = arith.index_cast %mul3A_275 : i32 to index
        %get3A_299 = tpu.vector_load %arg14[%get3A_297, %get3A_298] {strides = array<i32>} : memref<48x688xf32, #tpu.memory_space<vmem>>, vector<16xf32>,
        %mul3A_300 = arith.mulf %get3A_279, %get3A_9 : vector<16xf32>
        %add3A_301 = arith.addf %get3A_81, %mul3A_300 : vector<16xf32>
        %mul3A_302 = arith.mulf %get3A_283, %get3A_21 : vector<16xf32>
        %add3A_303 = arith.addf %add3A_301, %mul3A_302 : vector<16xf32>
        %mul3A_304 = arith.mulf %get3A_287, %get3A_33 : vector<16xf32>
        %add3A_305 = arith.addf %add3A_303, %mul3A_304 : vector<16xf32>
        %mul3A_306 = arith.mulf %get3A_291, %get3A_45 : vector<16xf32>
        %add3A_307 = arith.addf %add3A_305, %mul3A_306 : vector<16xf32>
        %mul3A_308 = arith.mulf %get3A_295, %get3A_57 : vector<16xf32>
        %add3A_309 = arith.addf %add3A_307, %mul3A_308 : vector<16xf32>
        %mul3A_310 = arith.mulf %get3A_299, %get3A_69 : vector<16xf32>
        %add3A_311 = arith.addf %add3A_309, %mul3A_310 : vector<16xf32>
        %max3A = arith.constant 0.000000e+00 : f32
        %max3A_312 = vector.broadcast %max3A : f32 to vector<16xf32>
        %max3A_313 = arith.maximumf %add3A_311, %max3A_312 : vector<16xf32>
        %mul3A_314 = arith.mulf %get3A_279, %get3A_13 : vector<16xf32>
        %add3A_315 = arith.addf %get3A_85, %mul3A_314 : vector<16xf32>
        %mul3A_316 = arith.mulf %get3A_283, %get3A_25 : vector<16xf32>
        %add3A_317 = arith.addf %add3A_315, %mul3A_316 : vector<16xf32>
        %mul3A_318 = arith.mulf %get3A_287, %get3A_37 : vector<16xf32>
        %add3A_319 = arith.addf %add3A_317, %mul3A_318 : vector<16xf32>
        %mul3A_320 = arith.mulf %get3A_291, %get3A_49 : vector<16xf32>
        %add3A_321 = arith.addf %add3A_319, %mul3A_320 : vector<16xf32>
        %mul3A_322 = arith.mulf %get3A_295, %get3A_61 : vector<16xf32>
        %add3A_323 = arith.addf %add3A_321, %mul3A_322 : vector<16xf32>
        %mul3A_324 = arith.mulf %get3A_299, %get3A_73 : vector<16xf32>
        %add3A_325 = arith.addf %add3A_323, %mul3A_324 : vector<16xf32>
        %max3A_326 = arith.constant 0.000000e+00 : f32
        %max3A_327 = vector.broadcast %max3A_326 : f32 to vector<16xf32>
        %max3A_328 = arith.maximumf %add3A_325, %max3A_327 : vector<16xf32>
        %mul3A_329 = arith.mulf %get3A_279, %get3A_17 : vector<16xf32>
        %add3A_330 = arith.addf %get3A_89, %mul3A_329 : vector<16xf32>
        %mul3A_331 = arith.mulf %get3A_283, %get3A_29 : vector<16xf32>
        %add3A_332 = arith.addf %add3A_330, %mul3A_331 : vector<16xf32>
        %mul3A_333 = arith.mulf %get3A_287, %get3A_41 : vector<16xf32>
        %add3A_334 = arith.addf %add3A_332, %mul3A_333 : vector<16xf32>
        %mul3A_335 = arith.mulf %get3A_291, %get3A_53 : vector<16xf32>
        %add3A_336 = arith.addf %add3A_334, %mul3A_335 : vector<16xf32>
        %mul3A_337 = arith.mulf %get3A_295, %get3A_65 : vector<16xf32>
        %add3A_338 = arith.addf %add3A_336, %mul3A_337 : vector<16xf32>
        %mul3A_339 = arith.mulf %get3A_299, %get3A_77 : vector<16xf32>
        %add3A_340 = arith.addf %add3A_338, %mul3A_339 : vector<16xf32>
        %max3A_341 = arith.constant 0.000000e+00 : f32
        %max3A_342 = vector.broadcast %max3A_341 : f32 to vector<16xf32>
        %max3A_343 = arith.maximumf %add3A_340, %max3A_342 : vector<16xf32>
        %mul3A_344 = arith.mulf %max3A_313, %get3A_93 : vector<16xf32>
        %add3A_345 = arith.addf %get3A_117, %mul3A_344 : vector<16xf32>
        %mul3A_346 = arith.mulf %max3A_328, %get3A_101 : vector<16xf32>
        %add3A_347 = arith.addf %add3A_345, %mul3A_346 : vector<16xf32>
        %mul3A_348 = arith.mulf %max3A_343, %get3A_109 : vector<16xf32>
        %add3A_349 = arith.addf %add3A_347, %mul3A_348 : vector<16xf32>
        %max3A_350 = arith.constant 0.000000e+00 : f32
        %max3A_351 = vector.broadcast %max3A_350 : f32 to vector<16xf32>
        %max3A_352 = arith.maximumf %add3A_349, %max3A_351 : vector<16xf32>
        %mul3A_353 = arith.mulf %max3A_313, %get3A_97 : vector<16xf32>
        %add3A_354 = arith.addf %get3A_121, %mul3A_353 : vector<16xf32>
        %mul3A_355 = arith.mulf %max3A_328, %get3A_105 : vector<16xf32>
        %add3A_356 = arith.addf %add3A_354, %mul3A_355 : vector<16xf32>
        %mul3A_357 = arith.mulf %max3A_343, %get3A_113 : vector<16xf32>
        %add3A_358 = arith.addf %add3A_356, %mul3A_357 : vector<16xf32>
        %max3A_359 = arith.constant 0.000000e+00 : f32
        %max3A_360 = vector.broadcast %max3A_359 : f32 to vector<16xf32>
        %max3A_361 = arith.maximumf %add3A_358, %max3A_360 : vector<16xf32>
        %mul3A_362 = arith.mulf %max3A_352, %get3A_125 : vector<16xf32>
        %add3A_363 = arith.addf %get3A_133, %mul3A_362 : vector<16xf32>
        %mul3A_364 = arith.mulf %max3A_361, %get3A_129 : vector<16xf32>
        %add3A_365 = arith.addf %add3A_363, %mul3A_364 : vector<16xf32>
        %swap3A = arith.constant 5 : i32
        %swap3A_366 = arith.index_cast %swap3A : i32 to index
        %swap3A_367 = arith.index_cast %mul3A_275 : i32 to index
        %swap3A_368 = tpu.vector_load %arg16[%swap3A_366, %swap3A_367] {strides = array<i32>} : memref<8x688xf32, #tpu.memory_space<vmem>>, vector<16xf32>,
        tpu.vector_store %arg16[%swap3A_366, %swap3A_367], %add3A_365 {strides = array<i32>} : memref<8x688xf32, #tpu.memory_space<vmem>>, vector<16xf32>,
      }
      %scan3A_257 = arith.constant 43 : i32
      %scan3A_258 = arith.constant 0 : i32
      %scan3A_259 = arith.constant 0 : i32
      %scan3A_260 = arith.constant 43 : i32
      %scan3A_261 = arith.addi %scan3A_259, %scan3A_260 : i32
      %scan3A_262 = arith.constant 1 : i32
      scf.for %scan3A_273 = %scan3A_259 to %scan3A_261 step %scan3A_262  : i32 {
        %mul3A_274 = arith.constant 16 : i32
        %mul3A_275 = arith.muli %scan3A_273, %mul3A_274 : i32
        %get3A_276 = arith.constant 36 : i32
        %get3A_277 = arith.index_cast %get3A_276 : i32 to index
        %get3A_278 = arith.index_cast %mul3A_275 : i32 to index
        %get3A_279 = tpu.vector_load %arg14[%get3A_277, %get3A_278] {strides = array<i32>} : memref<48x688xf32, #tpu.memory_space<vmem>>, vector<16xf32>,
        %get3A_280 = arith.constant 37 : i32
        %get3A_281 = arith.index_cast %get3A_280 : i32 to index
        %get3A_282 = arith.index_cast %mul3A_275 : i32 to index
        %get3A_283 = tpu.vector_load %arg14[%get3A_281, %get3A_282] {strides = array<i32>} : memref<48x688xf32, #tpu.memory_space<vmem>>, vector<16xf32>,
        %get3A_284 = arith.constant 38 : i32
        %get3A_285 = arith.index_cast %get3A_284 : i32 to index
        %get3A_286 = arith.index_cast %mul3A_275 : i32 to index
        %get3A_287 = tpu.vector_load %arg14[%get3A_285, %get3A_286] {strides = array<i32>} : memref<48x688xf32, #tpu.memory_space<vmem>>, vector<16xf32>,
        %get3A_288 = arith.constant 39 : i32
        %get3A_289 = arith.index_cast %get3A_288 : i32 to index
        %get3A_290 = arith.index_cast %mul3A_275 : i32 to index
        %get3A_291 = tpu.vector_load %arg14[%get3A_289, %get3A_290] {strides = array<i32>} : memref<48x688xf32, #tpu.memory_space<vmem>>, vector<16xf32>,
        %get3A_292 = arith.constant 40 : i32
        %get3A_293 = arith.index_cast %get3A_292 : i32 to index
        %get3A_294 = arith.index_cast %mul3A_275 : i32 to index
        %get3A_295 = tpu.vector_load %arg14[%get3A_293, %get3A_294] {strides = array<i32>} : memref<48x688xf32, #tpu.memory_space<vmem>>, vector<16xf32>,
        %get3A_296 = arith.constant 41 : i32
        %get3A_297 = arith.index_cast %get3A_296 : i32 to index
        %get3A_298 = arith.index_cast %mul3A_275 : i32 to index
        %get3A_299 = tpu.vector_load %arg14[%get3A_297, %get3A_298] {strides = array<i32>} : memref<48x688xf32, #tpu.memory_space<vmem>>, vector<16xf32>,
        %mul3A_300 = arith.mulf %get3A_279, %get3A_9 : vector<16xf32>
        %add3A_301 = arith.addf %get3A_81, %mul3A_300 : vector<16xf32>
        %mul3A_302 = arith.mulf %get3A_283, %get3A_21 : vector<16xf32>
        %add3A_303 = arith.addf %add3A_301, %mul3A_302 : vector<16xf32>
        %mul3A_304 = arith.mulf %get3A_287, %get3A_33 : vector<16xf32>
        %add3A_305 = arith.addf %add3A_303, %mul3A_304 : vector<16xf32>
        %mul3A_306 = arith.mulf %get3A_291, %get3A_45 : vector<16xf32>
        %add3A_307 = arith.addf %add3A_305, %mul3A_306 : vector<16xf32>
        %mul3A_308 = arith.mulf %get3A_295, %get3A_57 : vector<16xf32>
        %add3A_309 = arith.addf %add3A_307, %mul3A_308 : vector<16xf32>
        %mul3A_310 = arith.mulf %get3A_299, %get3A_69 : vector<16xf32>
        %add3A_311 = arith.addf %add3A_309, %mul3A_310 : vector<16xf32>
        %max3A = arith.constant 0.000000e+00 : f32
        %max3A_312 = vector.broadcast %max3A : f32 to vector<16xf32>
        %max3A_313 = arith.maximumf %add3A_311, %max3A_312 : vector<16xf32>
        %mul3A_314 = arith.mulf %get3A_279, %get3A_13 : vector<16xf32>
        %add3A_315 = arith.addf %get3A_85, %mul3A_314 : vector<16xf32>
        %mul3A_316 = arith.mulf %get3A_283, %get3A_25 : vector<16xf32>
        %add3A_317 = arith.addf %add3A_315, %mul3A_316 : vector<16xf32>
        %mul3A_318 = arith.mulf %get3A_287, %get3A_37 : vector<16xf32>
        %add3A_319 = arith.addf %add3A_317, %mul3A_318 : vector<16xf32>
        %mul3A_320 = arith.mulf %get3A_291, %get3A_49 : vector<16xf32>
        %add3A_321 = arith.addf %add3A_319, %mul3A_320 : vector<16xf32>
        %mul3A_322 = arith.mulf %get3A_295, %get3A_61 : vector<16xf32>
        %add3A_323 = arith.addf %add3A_321, %mul3A_322 : vector<16xf32>
        %mul3A_324 = arith.mulf %get3A_299, %get3A_73 : vector<16xf32>
        %add3A_325 = arith.addf %add3A_323, %mul3A_324 : vector<16xf32>
        %max3A_326 = arith.constant 0.000000e+00 : f32
        %max3A_327 = vector.broadcast %max3A_326 : f32 to vector<16xf32>
        %max3A_328 = arith.maximumf %add3A_325, %max3A_327 : vector<16xf32>
        %mul3A_329 = arith.mulf %get3A_279, %get3A_17 : vector<16xf32>
        %add3A_330 = arith.addf %get3A_89, %mul3A_329 : vector<16xf32>
        %mul3A_331 = arith.mulf %get3A_283, %get3A_29 : vector<16xf32>
        %add3A_332 = arith.addf %add3A_330, %mul3A_331 : vector<16xf32>
        %mul3A_333 = arith.mulf %get3A_287, %get3A_41 : vector<16xf32>
        %add3A_334 = arith.addf %add3A_332, %mul3A_333 : vector<16xf32>
        %mul3A_335 = arith.mulf %get3A_291, %get3A_53 : vector<16xf32>
        %add3A_336 = arith.addf %add3A_334, %mul3A_335 : vector<16xf32>
        %mul3A_337 = arith.mulf %get3A_295, %get3A_65 : vector<16xf32>
        %add3A_338 = arith.addf %add3A_336, %mul3A_337 : vector<16xf32>
        %mul3A_339 = arith.mulf %get3A_299, %get3A_77 : vector<16xf32>
        %add3A_340 = arith.addf %add3A_338, %mul3A_339 : vector<16xf32>
        %max3A_341 = arith.constant 0.000000e+00 : f32
        %max3A_342 = vector.broadcast %max3A_341 : f32 to vector<16xf32>
        %max3A_343 = arith.maximumf %add3A_340, %max3A_342 : vector<16xf32>
        %mul3A_344 = arith.mulf %max3A_313, %get3A_93 : vector<16xf32>
        %add3A_345 = arith.addf %get3A_117, %mul3A_344 : vector<16xf32>
        %mul3A_346 = arith.mulf %max3A_328, %get3A_101 : vector<16xf32>
        %add3A_347 = arith.addf %add3A_345, %mul3A_346 : vector<16xf32>
        %mul3A_348 = arith.mulf %max3A_343, %get3A_109 : vector<16xf32>
        %add3A_349 = arith.addf %add3A_347, %mul3A_348 : vector<16xf32>
        %max3A_350 = arith.constant 0.000000e+00 : f32
        %max3A_351 = vector.broadcast %max3A_350 : f32 to vector<16xf32>
        %max3A_352 = arith.maximumf %add3A_349, %max3A_351 : vector<16xf32>
        %mul3A_353 = arith.mulf %max3A_313, %get3A_97 : vector<16xf32>
        %add3A_354 = arith.addf %get3A_121, %mul3A_353 : vector<16xf32>
        %mul3A_355 = arith.mulf %max3A_328, %get3A_105 : vector<16xf32>
        %add3A_356 = arith.addf %add3A_354, %mul3A_355 : vector<16xf32>
        %mul3A_357 = arith.mulf %max3A_343, %get3A_113 : vector<16xf32>
        %add3A_358 = arith.addf %add3A_356, %mul3A_357 : vector<16xf32>
        %max3A_359 = arith.constant 0.000000e+00 : f32
        %max3A_360 = vector.broadcast %max3A_359 : f32 to vector<16xf32>
        %max3A_361 = arith.maximumf %add3A_358, %max3A_360 : vector<16xf32>
        %mul3A_362 = arith.mulf %max3A_352, %get3A_125 : vector<16xf32>
        %add3A_363 = arith.addf %get3A_133, %mul3A_362 : vector<16xf32>
        %mul3A_364 = arith.mulf %max3A_361, %get3A_129 : vector<16xf32>
        %add3A_365 = arith.addf %add3A_363, %mul3A_364 : vector<16xf32>
        %swap3A = arith.constant 6 : i32
        %swap3A_366 = arith.index_cast %swap3A : i32 to index
        %swap3A_367 = arith.index_cast %mul3A_275 : i32 to index
        %swap3A_368 = tpu.vector_load %arg16[%swap3A_366, %swap3A_367] {strides = array<i32>} : memref<8x688xf32, #tpu.memory_space<vmem>>, vector<16xf32>,
        tpu.vector_store %arg16[%swap3A_366, %swap3A_367], %add3A_365 {strides = array<i32>} : memref<8x688xf32, #tpu.memory_space<vmem>>, vector<16xf32>,
      }
      %scan3A_263 = arith.constant 43 : i32
      %scan3A_264 = arith.constant 0 : i32
      %scan3A_265 = arith.constant 0 : i32
      %scan3A_266 = arith.constant 43 : i32
      %scan3A_267 = arith.addi %scan3A_265, %scan3A_266 : i32
      %scan3A_268 = arith.constant 1 : i32
      scf.for %scan3A_273 = %scan3A_265 to %scan3A_267 step %scan3A_268  : i32 {
        %mul3A_274 = arith.constant 16 : i32
        %mul3A_275 = arith.muli %scan3A_273, %mul3A_274 : i32
        %get3A_276 = arith.constant 42 : i32
        %get3A_277 = arith.index_cast %get3A_276 : i32 to index
        %get3A_278 = arith.index_cast %mul3A_275 : i32 to index
        %get3A_279 = tpu.vector_load %arg14[%get3A_277, %get3A_278] {strides = array<i32>} : memref<48x688xf32, #tpu.memory_space<vmem>>, vector<16xf32>,
        %get3A_280 = arith.constant 43 : i32
        %get3A_281 = arith.index_cast %get3A_280 : i32 to index
        %get3A_282 = arith.index_cast %mul3A_275 : i32 to index
        %get3A_283 = tpu.vector_load %arg14[%get3A_281, %get3A_282] {strides = array<i32>} : memref<48x688xf32, #tpu.memory_space<vmem>>, vector<16xf32>,
        %get3A_284 = arith.constant 44 : i32
        %get3A_285 = arith.index_cast %get3A_284 : i32 to index
        %get3A_286 = arith.index_cast %mul3A_275 : i32 to index
        %get3A_287 = tpu.vector_load %arg14[%get3A_285, %get3A_286] {strides = array<i32>} : memref<48x688xf32, #tpu.memory_space<vmem>>, vector<16xf32>,
        %get3A_288 = arith.constant 45 : i32
        %get3A_289 = arith.index_cast %get3A_288 : i32 to index
        %get3A_290 = arith.index_cast %mul3A_275 : i32 to index
        %get3A_291 = tpu.vector_load %arg14[%get3A_289, %get3A_290] {strides = array<i32>} : memref<48x688xf32, #tpu.memory_space<vmem>>, vector<16xf32>,
        %get3A_292 = arith.constant 46 : i32
        %get3A_293 = arith.index_cast %get3A_292 : i32 to index
        %get3A_294 = arith.index_cast %mul3A_275 : i32 to index
        %get3A_295 = tpu.vector_load %arg14[%get3A_293, %get3A_294] {strides = array<i32>} : memref<48x688xf32, #tpu.memory_space<vmem>>, vector<16xf32>,
        %get3A_296 = arith.constant 47 : i32
        %get3A_297 = arith.index_cast %get3A_296 : i32 to index
        %get3A_298 = arith.index_cast %mul3A_275 : i32 to index
        %get3A_299 = tpu.vector_load %arg14[%get3A_297, %get3A_298] {strides = array<i32>} : memref<48x688xf32, #tpu.memory_space<vmem>>, vector<16xf32>,
        %mul3A_300 = arith.mulf %get3A_279, %get3A_9 : vector<16xf32>
        %add3A_301 = arith.addf %get3A_81, %mul3A_300 : vector<16xf32>
        %mul3A_302 = arith.mulf %get3A_283, %get3A_21 : vector<16xf32>
        %add3A_303 = arith.addf %add3A_301, %mul3A_302 : vector<16xf32>
        %mul3A_304 = arith.mulf %get3A_287, %get3A_33 : vector<16xf32>
        %add3A_305 = arith.addf %add3A_303, %mul3A_304 : vector<16xf32>
        %mul3A_306 = arith.mulf %get3A_291, %get3A_45 : vector<16xf32>
        %add3A_307 = arith.addf %add3A_305, %mul3A_306 : vector<16xf32>
        %mul3A_308 = arith.mulf %get3A_295, %get3A_57 : vector<16xf32>
        %add3A_309 = arith.addf %add3A_307, %mul3A_308 : vector<16xf32>
        %mul3A_310 = arith.mulf %get3A_299, %get3A_69 : vector<16xf32>
        %add3A_311 = arith.addf %add3A_309, %mul3A_310 : vector<16xf32>
        %max3A = arith.constant 0.000000e+00 : f32
        %max3A_312 = vector.broadcast %max3A : f32 to vector<16xf32>
        %max3A_313 = arith.maximumf %add3A_311, %max3A_312 : vector<16xf32>
        %mul3A_314 = arith.mulf %get3A_279, %get3A_13 : vector<16xf32>
        %add3A_315 = arith.addf %get3A_85, %mul3A_314 : vector<16xf32>
        %mul3A_316 = arith.mulf %get3A_283, %get3A_25 : vector<16xf32>
        %add3A_317 = arith.addf %add3A_315, %mul3A_316 : vector<16xf32>
        %mul3A_318 = arith.mulf %get3A_287, %get3A_37 : vector<16xf32>
        %add3A_319 = arith.addf %add3A_317, %mul3A_318 : vector<16xf32>
        %mul3A_320 = arith.mulf %get3A_291, %get3A_49 : vector<16xf32>
        %add3A_321 = arith.addf %add3A_319, %mul3A_320 : vector<16xf32>
        %mul3A_322 = arith.mulf %get3A_295, %get3A_61 : vector<16xf32>
        %add3A_323 = arith.addf %add3A_321, %mul3A_322 : vector<16xf32>
        %mul3A_324 = arith.mulf %get3A_299, %get3A_73 : vector<16xf32>
        %add3A_325 = arith.addf %add3A_323, %mul3A_324 : vector<16xf32>
        %max3A_326 = arith.constant 0.000000e+00 : f32
        %max3A_327 = vector.broadcast %max3A_326 : f32 to vector<16xf32>
        %max3A_328 = arith.maximumf %add3A_325, %max3A_327 : vector<16xf32>
        %mul3A_329 = arith.mulf %get3A_279, %get3A_17 : vector<16xf32>
        %add3A_330 = arith.addf %get3A_89, %mul3A_329 : vector<16xf32>
        %mul3A_331 = arith.mulf %get3A_283, %get3A_29 : vector<16xf32>
        %add3A_332 = arith.addf %add3A_330, %mul3A_331 : vector<16xf32>
        %mul3A_333 = arith.mulf %get3A_287, %get3A_41 : vector<16xf32>
        %add3A_334 = arith.addf %add3A_332, %mul3A_333 : vector<16xf32>
        %mul3A_335 = arith.mulf %get3A_291, %get3A_53 : vector<16xf32>
        %add3A_336 = arith.addf %add3A_334, %mul3A_335 : vector<16xf32>
        %mul3A_337 = arith.mulf %get3A_295, %get3A_65 : vector<16xf32>
        %add3A_338 = arith.addf %add3A_336, %mul3A_337 : vector<16xf32>
        %mul3A_339 = arith.mulf %get3A_299, %get3A_77 : vector<16xf32>
        %add3A_340 = arith.addf %add3A_338, %mul3A_339 : vector<16xf32>
        %max3A_341 = arith.constant 0.000000e+00 : f32
        %max3A_342 = vector.broadcast %max3A_341 : f32 to vector<16xf32>
        %max3A_343 = arith.maximumf %add3A_340, %max3A_342 : vector<16xf32>
        %mul3A_344 = arith.mulf %max3A_313, %get3A_93 : vector<16xf32>
        %add3A_345 = arith.addf %get3A_117, %mul3A_344 : vector<16xf32>
        %mul3A_346 = arith.mulf %max3A_328, %get3A_101 : vector<16xf32>
        %add3A_347 = arith.addf %add3A_345, %mul3A_346 : vector<16xf32>
        %mul3A_348 = arith.mulf %max3A_343, %get3A_109 : vector<16xf32>
        %add3A_349 = arith.addf %add3A_347, %mul3A_348 : vector<16xf32>
        %max3A_350 = arith.constant 0.000000e+00 : f32
        %max3A_351 = vector.broadcast %max3A_350 : f32 to vector<16xf32>
        %max3A_352 = arith.maximumf %add3A_349, %max3A_351 : vector<16xf32>
        %mul3A_353 = arith.mulf %max3A_313, %get3A_97 : vector<16xf32>
        %add3A_354 = arith.addf %get3A_121, %mul3A_353 : vector<16xf32>
        %mul3A_355 = arith.mulf %max3A_328, %get3A_105 : vector<16xf32>
        %add3A_356 = arith.addf %add3A_354, %mul3A_355 : vector<16xf32>
        %mul3A_357 = arith.mulf %max3A_343, %get3A_113 : vector<16xf32>
        %add3A_358 = arith.addf %add3A_356, %mul3A_357 : vector<16xf32>
        %max3A_359 = arith.constant 0.000000e+00 : f32
        %max3A_360 = vector.broadcast %max3A_359 : f32 to vector<16xf32>
        %max3A_361 = arith.maximumf %add3A_358, %max3A_360 : vector<16xf32>
        %mul3A_362 = arith.mulf %max3A_352, %get3A_125 : vector<16xf32>
        %add3A_363 = arith.addf %get3A_133, %mul3A_362 : vector<16xf32>
        %mul3A_364 = arith.mulf %max3A_361, %get3A_129 : vector<16xf32>
        %add3A_365 = arith.addf %add3A_363, %mul3A_364 : vector<16xf32>
        %swap3A = arith.constant 7 : i32
        %swap3A_366 = arith.index_cast %swap3A : i32 to index
        %swap3A_367 = arith.index_cast %mul3A_275 : i32 to index
        %swap3A_368 = tpu.vector_load %arg16[%swap3A_366, %swap3A_367] {strides = array<i32>} : memref<8x688xf32, #tpu.memory_space<vmem>>, vector<16xf32>,
        tpu.vector_store %arg16[%swap3A_366, %swap3A_367], %add3A_365 {strides = array<i32>} : memref<8x688xf32, #tpu.memory_space<vmem>>, vector<16xf32>,
      }
      %scan3A_269 = arith.constant 43 : i32
      %mul3A_270 = arith.constant 8 : i32
      %mul3A_271 = arith.muli %add3A_212, %mul3A_270 : i32
      %add3A_272 = arith.addi %mul3A_2, %mul3A_271 : i32
      "tpu.region"() ({
        %run_scoped3A = tpu.sem_alloc : memref<!tpu.dma_semaphore, #tpu.memory_space<semaphore_mem>>
        %dma_start3A_273 = arith.constant 0 : i32
        %dma_start3A_274 = tpu.memref_slice %arg7[%add3A_272, %dma_start3A_273] : memref<10240x688xf32, #tpu.memory_space<hbm>> -> memref<8x688xf32, #tpu.memory_space<hbm>>
        %dma_start3A_275 = arith.constant 0 : i32
        %dma_start3A_276 = tpu.memref_slice %arg7[%add3A_272, %dma_start3A_275] : memref<10240x688xf32, #tpu.memory_space<hbm>> -> memref<8x688xf32, #tpu.memory_space<hbm>>
        tpu.enqueue_dma source(%arg16 : memref<8x688xf32, #tpu.memory_space<vmem>>) target(%dma_start3A_276 : memref<8x688xf32, #tpu.memory_space<hbm>>) target_semaphore(%run_scoped3A : memref<!tpu.dma_semaphore, #tpu.memory_space<semaphore_mem>>)
        %dma_wait3A_277 = arith.constant 0 : i32
        %dma_wait3A_278 = tpu.memref_slice %arg7[%add3A_272, %dma_wait3A_277] : memref<10240x688xf32, #tpu.memory_space<hbm>> -> memref<8x688xf32, #tpu.memory_space<hbm>>
        %dma_wait3A_279 = arith.constant 0 : i32
        %dma_wait3A_280 = tpu.memref_slice %arg7[%add3A_272, %dma_wait3A_279] : memref<10240x688xf32, #tpu.memory_space<hbm>> -> memref<8x688xf32, #tpu.memory_space<hbm>>
        tpu.wait_dma2 semaphore(%run_scoped3A : memref<!tpu.dma_semaphore, #tpu.memory_space<semaphore_mem>>) src(%arg16 : memref<8x688xf32, #tpu.memory_space<vmem>>) dst(%dma_wait3A_280 : memref<8x688xf32, #tpu.memory_space<hbm>>)
        tpu.yield
      }) : () -> ()
    }
    %scan3A_143 = arith.constant 20 : i32
    return
  }
}

#map = affine_map<(d0, d1) -> (0)>
#map1 = affine_map<(d0, d1) -> (0, 0)>
module attributes {stable_mosaic.version = 14 : i64} {
  func.func @_sc_boundaries(%arg0: i32, %arg1: i32, %arg2: memref<100000xi32, #tpu.memory_space<hbm>>, %arg3: memref<32x10240xi32, #tpu.memory_space<hbm>>, %arg4: memref<3136xi32, #tpu.memory_space<vmem>>, %arg5: memref<10240xi32, #tpu.memory_space<vmem>>) attributes {dimension_semantics = [#tpu.dimension_semantics<core_parallel>, #tpu.dimension_semantics<subcore_parallel>], iteration_bounds = array<i64: 2, 16>, scalar_prefetch = 0 : i64, scratch_operands = 2 : i64, tpu.core_type = #tpu.core_type<sc_vector_subcore>, window_params = [{transform_indices = #map}, {transform_indices = #map1}]} {
    %mul3A = arith.constant 2 : i32
    %mul3A_0 = arith.muli %arg1, %mul3A : i32
    %add3A = arith.addi %mul3A_0, %arg0 : i32
    %iota3A = tpu.iota {dimensions = array<i32: 0>} : vector<16xi32>
    %scan3A = arith.constant 0 : i32
    %scan3A_1 = arith.constant 0 : i32
    %scan3A_2 = arith.constant 640 : i32
    %scan3A_3 = arith.addi %scan3A_1, %scan3A_2 : i32
    %scan3A_4 = arith.constant 1 : i32
    scf.for %scan3A_17 = %scan3A_1 to %scan3A_3 step %scan3A_4  : i32 {
      %broadcast_in_dim3A = arith.constant -1 : i32
      %broadcast_in_dim3A_18 = vector.broadcast %broadcast_in_dim3A : i32 to vector<16xi32>
      %mul3A_19 = arith.constant 16 : i32
      %mul3A_20 = arith.muli %scan3A_17, %mul3A_19 : i32
      %swap3A = arith.index_cast %mul3A_20 : i32 to index
      %swap3A_21 = tpu.vector_load %arg5[%swap3A] {strides = array<i32>} : memref<10240xi32, #tpu.memory_space<vmem>>, vector<16xi32>,
      tpu.vector_store %arg5[%swap3A], %broadcast_in_dim3A_18 {strides = array<i32>} : memref<10240xi32, #tpu.memory_space<vmem>>, vector<16xi32>,
    }
    %scan3A_5 = arith.constant 640 : i32
    %mul3A_6 = arith.constant 3120 : i32
    %mul3A_7 = arith.muli %add3A, %mul3A_6 : i32
    "tpu.region"() ({
      %run_scoped3A = tpu.sem_alloc : memref<!tpu.dma_semaphore, #tpu.memory_space<semaphore_mem>>
      %dma_start3A = tpu.memref_slice %arg2[%mul3A_7] : memref<100000xi32, #tpu.memory_space<hbm>> -> memref<3136xi32, #tpu.memory_space<hbm>>
      %dma_start3A_17 = tpu.memref_slice %arg2[%mul3A_7] : memref<100000xi32, #tpu.memory_space<hbm>> -> memref<3136xi32, #tpu.memory_space<hbm>>
      tpu.enqueue_dma source(%dma_start3A_17 : memref<3136xi32, #tpu.memory_space<hbm>>) target(%arg4 : memref<3136xi32, #tpu.memory_space<vmem>>) target_semaphore(%run_scoped3A : memref<!tpu.dma_semaphore, #tpu.memory_space<semaphore_mem>>)
      %dma_wait3A = tpu.memref_slice %arg2[%mul3A_7] : memref<100000xi32, #tpu.memory_space<hbm>> -> memref<3136xi32, #tpu.memory_space<hbm>>
      %dma_wait3A_18 = tpu.memref_slice %arg2[%mul3A_7] : memref<100000xi32, #tpu.memory_space<hbm>> -> memref<3136xi32, #tpu.memory_space<hbm>>
      tpu.wait_dma2 semaphore(%run_scoped3A : memref<!tpu.dma_semaphore, #tpu.memory_space<semaphore_mem>>) src(%dma_wait3A_18 : memref<3136xi32, #tpu.memory_space<hbm>>) dst(%arg4 : memref<3136xi32, #tpu.memory_space<vmem>>)
      tpu.yield
    }) : () -> ()
    %get3A = arith.constant 0 : index
    %get3A_8 = tpu.vector_load %arg4[%get3A] {strides = array<i32>} : memref<3136xi32, #tpu.memory_space<vmem>>, vector<16xi32>,
    %scan3A_9 = arith.constant 1 : i32
    %scan3A_10 = arith.constant 195 : i32
    %scan3A_11 = arith.addi %scan3A_9, %scan3A_10 : i32
    %scan3A_12 = arith.constant 1 : i32
    %scan3A_13 = scf.for %scan3A_17 = %scan3A_9 to %scan3A_11 step %scan3A_12 iter_args(%scan3A_18 = %get3A_8) -> (vector<16xi32>)  : i32 {
      %mul3A_19 = arith.constant 16 : i32
      %mul3A_20 = arith.muli %scan3A_17, %mul3A_19 : i32
      %get3A_21 = arith.index_cast %mul3A_20 : i32 to index
      %get3A_22 = tpu.vector_load %arg4[%get3A_21] {strides = array<i32>} : memref<3136xi32, #tpu.memory_space<vmem>>, vector<16xi32>,
      %add3A_23 = arith.constant 1 : i32
      %add3A_24 = vector.broadcast %add3A_23 : i32 to vector<16xi32>
      %add3A_25 = arith.addi %iota3A, %add3A_24 : vector<16xi32>
      %and3A = arith.constant 15 : i32
      %and3A_26 = vector.broadcast %and3A : i32 to vector<16xi32>
      %and3A_27 = arith.andi %add3A_25, %and3A_26 : vector<16xi32>
      %broadcast_in_dim3A = vector.shape_cast %and3A_27 : vector<16xi32> to vector<16x1xi32>
      %gather3A = vector.shape_cast %broadcast_in_dim3A : vector<16x1xi32> to vector<16xi32>
      %gather3A_28 = tpu.dynamic_gather %scan3A_18[%gather3A] in [0] : vector<16xi32>, vector<16xi32> -> vector<16xi32>
      %lt3A = arith.constant 15 : i32
      %lt3A_29 = vector.broadcast %lt3A : i32 to vector<16xi32>
      %lt3A_30 = arith.cmpi slt, %iota3A, %lt3A_29 : vector<16xi32>
      %mul3A_31 = arith.constant 0 : i32
      %mul3A_32 = vector.broadcast %mul3A_31 : i32 to vector<16xi32>
      %mul3A_33 = arith.muli %iota3A, %mul3A_32 : vector<16xi32>
      %broadcast_in_dim3A_34 = vector.shape_cast %mul3A_33 : vector<16xi32> to vector<16x1xi32>
      %gather3A_35 = vector.shape_cast %broadcast_in_dim3A_34 : vector<16x1xi32> to vector<16xi32>
      %gather3A_36 = tpu.dynamic_gather %get3A_22[%gather3A_35] in [0] : vector<16xi32>, vector<16xi32> -> vector<16xi32>
      %select_n3A = arith.select %lt3A_30, %gather3A_28, %gather3A_36 : vector<16xi1>, vector<16xi32>
      %ne3A = arith.cmpi ne, %scan3A_18, %select_n3A : vector<16xi32>
      %sub3A = arith.constant 1 : i32
      %sub3A_37 = arith.subi %scan3A_17, %sub3A : i32
      %mul3A_38 = arith.constant 16 : i32
      %mul3A_39 = arith.muli %sub3A_37, %mul3A_38 : i32
      %add3A_40 = arith.addi %mul3A_7, %mul3A_39 : i32
      %add3A_41 = vector.broadcast %add3A_40 : i32 to vector<16xi32>
      %add3A_42 = arith.addi %iota3A, %add3A_41 : vector<16xi32>
      tpu.vector_store_idx %arg5[%scan3A_18], %add3A_42 masked %ne3A : memref<10240xi32, #tpu.memory_space<vmem>>[vector<16xi32>], vector<16xi32>, vector<16xi1>
      scf.yield %get3A_22 : vector<16xi32>
    }
    %scan3A_14 = arith.constant 195 : i32
    %eq3A = arith.constant 31 : i32
    %eq3A_15 = arith.cmpi eq, %add3A, %eq3A : i32
    %convert_element_type3A = arith.extui %eq3A_15 : i1 to i32
    %cond3A = arith.constant 0 : i32
    %cond3A_16 = arith.cmpi ne, %convert_element_type3A, %cond3A : i32
    scf.if %cond3A_16 {
      "tpu.region"() ({
        %run_scoped3A = tpu.sem_alloc : memref<!tpu.dma_semaphore, #tpu.memory_space<semaphore_mem>>
        %dma_start3A = arith.constant 96864 : i32
        %dma_start3A_55 = tpu.memref_slice %arg2[%dma_start3A] : memref<100000xi32, #tpu.memory_space<hbm>> -> memref<3136xi32, #tpu.memory_space<hbm>>
        %dma_start3A_56 = arith.constant 96864 : i32
        %dma_start3A_57 = tpu.memref_slice %arg2[%dma_start3A_56] : memref<100000xi32, #tpu.memory_space<hbm>> -> memref<3136xi32, #tpu.memory_space<hbm>>
        tpu.enqueue_dma source(%dma_start3A_57 : memref<3136xi32, #tpu.memory_space<hbm>>) target(%arg4 : memref<3136xi32, #tpu.memory_space<vmem>>) target_semaphore(%run_scoped3A : memref<!tpu.dma_semaphore, #tpu.memory_space<semaphore_mem>>)
        %dma_wait3A = arith.constant 96864 : i32
        %dma_wait3A_58 = tpu.memref_slice %arg2[%dma_wait3A] : memref<100000xi32, #tpu.memory_space<hbm>> -> memref<3136xi32, #tpu.memory_space<hbm>>
        %dma_wait3A_59 = arith.constant 96864 : i32
        %dma_wait3A_60 = tpu.memref_slice %arg2[%dma_wait3A_59] : memref<100000xi32, #tpu.memory_space<hbm>> -> memref<3136xi32, #tpu.memory_space<hbm>>
        tpu.wait_dma2 semaphore(%run_scoped3A : memref<!tpu.dma_semaphore, #tpu.memory_space<semaphore_mem>>) src(%dma_wait3A_60 : memref<3136xi32, #tpu.memory_space<hbm>>) dst(%arg4 : memref<3136xi32, #tpu.memory_space<vmem>>)
        tpu.yield
      }) : () -> ()
      %get3A_17 = arith.constant 0 : index
      %get3A_18 = tpu.vector_load %arg4[%get3A_17] {strides = array<i32>} : memref<3136xi32, #tpu.memory_space<vmem>>, vector<16xi32>,
      %scan3A_19 = arith.constant 1 : i32
      %scan3A_20 = arith.constant 195 : i32
      %scan3A_21 = arith.addi %scan3A_19, %scan3A_20 : i32
      %scan3A_22 = arith.constant 1 : i32
      %scan3A_23 = scf.for %scan3A_55 = %scan3A_19 to %scan3A_21 step %scan3A_22 iter_args(%scan3A_56 = %get3A_18) -> (vector<16xi32>)  : i32 {
        %mul3A_57 = arith.constant 16 : i32
        %mul3A_58 = arith.muli %scan3A_55, %mul3A_57 : i32
        %get3A_59 = arith.index_cast %mul3A_58 : i32 to index
        %get3A_60 = tpu.vector_load %arg4[%get3A_59] {strides = array<i32>} : memref<3136xi32, #tpu.memory_space<vmem>>, vector<16xi32>,
        %add3A_61 = arith.constant 1 : i32
        %add3A_62 = vector.broadcast %add3A_61 : i32 to vector<16xi32>
        %add3A_63 = arith.addi %iota3A, %add3A_62 : vector<16xi32>
        %and3A_64 = arith.constant 15 : i32
        %and3A_65 = vector.broadcast %and3A_64 : i32 to vector<16xi32>
        %and3A_66 = arith.andi %add3A_63, %and3A_65 : vector<16xi32>
        %broadcast_in_dim3A_67 = vector.shape_cast %and3A_66 : vector<16xi32> to vector<16x1xi32>
        %gather3A_68 = vector.shape_cast %broadcast_in_dim3A_67 : vector<16x1xi32> to vector<16xi32>
        %gather3A_69 = tpu.dynamic_gather %scan3A_56[%gather3A_68] in [0] : vector<16xi32>, vector<16xi32> -> vector<16xi32>
        %lt3A_70 = arith.constant 15 : i32
        %lt3A_71 = vector.broadcast %lt3A_70 : i32 to vector<16xi32>
        %lt3A_72 = arith.cmpi slt, %iota3A, %lt3A_71 : vector<16xi32>
        %mul3A_73 = arith.constant 0 : i32
        %mul3A_74 = vector.broadcast %mul3A_73 : i32 to vector<16xi32>
        %mul3A_75 = arith.muli %iota3A, %mul3A_74 : vector<16xi32>
        %broadcast_in_dim3A_76 = vector.shape_cast %mul3A_75 : vector<16xi32> to vector<16x1xi32>
        %gather3A_77 = vector.shape_cast %broadcast_in_dim3A_76 : vector<16x1xi32> to vector<16xi32>
        %gather3A_78 = tpu.dynamic_gather %get3A_60[%gather3A_77] in [0] : vector<16xi32>, vector<16xi32> -> vector<16xi32>
        %select_n3A = arith.select %lt3A_72, %gather3A_69, %gather3A_78 : vector<16xi1>, vector<16xi32>
        %ne3A_79 = arith.cmpi ne, %scan3A_56, %select_n3A : vector<16xi32>
        %sub3A = arith.constant 1 : i32
        %sub3A_80 = arith.subi %scan3A_55, %sub3A : i32
        %mul3A_81 = arith.constant 16 : i32
        %mul3A_82 = arith.muli %sub3A_80, %mul3A_81 : i32
        %add3A_83 = arith.constant 96864 : i32
        %add3A_84 = arith.addi %add3A_83, %mul3A_82 : i32
        %add3A_85 = vector.broadcast %add3A_84 : i32 to vector<16xi32>
        %add3A_86 = arith.addi %iota3A, %add3A_85 : vector<16xi32>
        tpu.vector_store_idx %arg5[%scan3A_56], %add3A_86 masked %ne3A_79 : memref<10240xi32, #tpu.memory_space<vmem>>[vector<16xi32>], vector<16xi32>, vector<16xi1>
        scf.yield %get3A_60 : vector<16xi32>
      }
      %scan3A_24 = arith.constant 195 : i32
      %add3A_25 = arith.constant 1 : i32
      %add3A_26 = vector.broadcast %add3A_25 : i32 to vector<16xi32>
      %add3A_27 = arith.addi %iota3A, %add3A_26 : vector<16xi32>
      %and3A = arith.constant 15 : i32
      %and3A_28 = vector.broadcast %and3A : i32 to vector<16xi32>
      %and3A_29 = arith.andi %add3A_27, %and3A_28 : vector<16xi32>
      %broadcast_in_dim3A = vector.shape_cast %and3A_29 : vector<16xi32> to vector<16x1xi32>
      %gather3A = vector.shape_cast %broadcast_in_dim3A : vector<16x1xi32> to vector<16xi32>
      %gather3A_30 = tpu.dynamic_gather %scan3A_23[%gather3A] in [0] : vector<16xi32>, vector<16xi32> -> vector<16xi32>
      %ne3A = arith.cmpi ne, %scan3A_23, %gather3A_30 : vector<16xi32>
      %lt3A = arith.constant 15 : i32
      %lt3A_31 = vector.broadcast %lt3A : i32 to vector<16xi32>
      %lt3A_32 = arith.cmpi slt, %iota3A, %lt3A_31 : vector<16xi32>
      %and3A_33 = arith.andi %ne3A, %lt3A_32 : vector<16xi1>
      %add3A_34 = arith.constant 99984 : i32
      %add3A_35 = vector.broadcast %add3A_34 : i32 to vector<16xi32>
      %add3A_36 = arith.addi %iota3A, %add3A_35 : vector<16xi32>
      tpu.vector_store_idx %arg5[%scan3A_23], %add3A_36 masked %and3A_33 : memref<10240xi32, #tpu.memory_space<vmem>>[vector<16xi32>], vector<16xi32>, vector<16xi1>
      %mul3A_37 = arith.constant 0 : i32
      %mul3A_38 = vector.broadcast %mul3A_37 : i32 to vector<16xi32>
      %mul3A_39 = arith.muli %iota3A, %mul3A_38 : vector<16xi32>
      %add3A_40 = arith.constant 15 : i32
      %add3A_41 = vector.broadcast %add3A_40 : i32 to vector<16xi32>
      %add3A_42 = arith.addi %mul3A_39, %add3A_41 : vector<16xi32>
      %broadcast_in_dim3A_43 = vector.shape_cast %add3A_42 : vector<16xi32> to vector<16x1xi32>
      %gather3A_44 = vector.shape_cast %broadcast_in_dim3A_43 : vector<16x1xi32> to vector<16xi32>
      %gather3A_45 = tpu.dynamic_gather %scan3A_23[%gather3A_44] in [0] : vector<16xi32>, vector<16xi32> -> vector<16xi32>
      %mul3A_46 = arith.constant 0 : i32
      %mul3A_47 = vector.broadcast %mul3A_46 : i32 to vector<16xi32>
      %mul3A_48 = arith.muli %iota3A, %mul3A_47 : vector<16xi32>
      %add3A_49 = arith.constant 99999 : i32
      %add3A_50 = vector.broadcast %add3A_49 : i32 to vector<16xi32>
      %add3A_51 = arith.addi %mul3A_48, %add3A_50 : vector<16xi32>
      %lt3A_52 = arith.constant 1 : i32
      %lt3A_53 = vector.broadcast %lt3A_52 : i32 to vector<16xi32>
      %lt3A_54 = arith.cmpi slt, %iota3A, %lt3A_53 : vector<16xi32>
      tpu.vector_store_idx %arg5[%gather3A_45], %add3A_51 masked %lt3A_54 : memref<10240xi32, #tpu.memory_space<vmem>>[vector<16xi32>], vector<16xi32>, vector<16xi1>
    } else {
    }
    "tpu.region"() ({
      %run_scoped3A = tpu.sem_alloc : memref<!tpu.dma_semaphore, #tpu.memory_space<semaphore_mem>>
      %dma_start3A = arith.constant 0 : i32
      %dma_start3A_17 = tpu.memref_slice %arg3[%add3A, %dma_start3A] : memref<32x10240xi32, #tpu.memory_space<hbm>> -> memref<1x10240xi32, #tpu.memory_space<hbm>>
      %dma_start3A_18 = tpu.memref_squeeze %dma_start3A_17 : memref<1x10240xi32, #tpu.memory_space<hbm>> -> memref<10240xi32, #tpu.memory_space<hbm>>
      %dma_start3A_19 = arith.constant 0 : i32
      %dma_start3A_20 = tpu.memref_slice %arg3[%add3A, %dma_start3A_19] : memref<32x10240xi32, #tpu.memory_space<hbm>> -> memref<1x10240xi32, #tpu.memory_space<hbm>>
      %dma_start3A_21 = tpu.memref_squeeze %dma_start3A_20 : memref<1x10240xi32, #tpu.memory_space<hbm>> -> memref<10240xi32, #tpu.memory_space<hbm>>
      tpu.enqueue_dma source(%arg5 : memref<10240xi32, #tpu.memory_space<vmem>>) target(%dma_start3A_21 : memref<10240xi32, #tpu.memory_space<hbm>>) target_semaphore(%run_scoped3A : memref<!tpu.dma_semaphore, #tpu.memory_space<semaphore_mem>>)
      %dma_wait3A = arith.constant 0 : i32
      %dma_wait3A_22 = tpu.memref_slice %arg3[%add3A, %dma_wait3A] : memref<32x10240xi32, #tpu.memory_space<hbm>> -> memref<1x10240xi32, #tpu.memory_space<hbm>>
      %dma_wait3A_23 = tpu.memref_squeeze %dma_wait3A_22 : memref<1x10240xi32, #tpu.memory_space<hbm>> -> memref<10240xi32, #tpu.memory_space<hbm>>
      %dma_wait3A_24 = arith.constant 0 : i32
      %dma_wait3A_25 = tpu.memref_slice %arg3[%add3A, %dma_wait3A_24] : memref<32x10240xi32, #tpu.memory_space<hbm>> -> memref<1x10240xi32, #tpu.memory_space<hbm>>
      %dma_wait3A_26 = tpu.memref_squeeze %dma_wait3A_25 : memref<1x10240xi32, #tpu.memory_space<hbm>> -> memref<10240xi32, #tpu.memory_space<hbm>>
      tpu.wait_dma2 semaphore(%run_scoped3A : memref<!tpu.dma_semaphore, #tpu.memory_space<semaphore_mem>>) src(%arg5 : memref<10240xi32, #tpu.memory_space<vmem>>) dst(%dma_wait3A_26 : memref<10240xi32, #tpu.memory_space<hbm>>)
      tpu.yield
    }) : () -> ()
    return
  }
}

module attributes {stable_mosaic.version = 14 : i64} {
  func.func @_tc_table_body(%arg0: i32, %arg1: memref<688x2048xf32, #tpu.memory_space<vmem>>, %arg2: memref<2048x688xf32, #tpu.memory_space<vmem>>) attributes {dimension_semantics = [#tpu.dimension_semantics<arbitrary>], iteration_bounds = array<i64: 49>, scalar_prefetch = 0 : i64, scratch_operands = 0 : i64, tpu.core_type = #tpu.core_type<tc>, window_params = [{transform_indices = @transform_0, window_bounds = array<i64: 688, 2048>}, {transform_indices = @transform_1, window_bounds = array<i64: 2048, 688>}]} {
    %get3A = arith.constant 0 : index
    %get3A_0 = arith.constant 0 : index
    %get3A_1 = vector.load %arg1[%get3A, %get3A_0] : memref<688x2048xf32, #tpu.memory_space<vmem>>, vector<688x2048xf32>
    %transpose3A = tpu.transpose %get3A_1, [1, 0] : vector<688x2048xf32> -> vector<2048x688xf32>
    %swap3A = arith.constant 0 : index
    %swap3A_2 = arith.constant 0 : index
    %swap3A_3 = vector.load %arg2[%swap3A, %swap3A_2] : memref<2048x688xf32, #tpu.memory_space<vmem>>, vector<2048x688xf32>
    tpu.vector_store %arg2[%swap3A, %swap3A_2], %transpose3A {strides = array<i32>} : memref<2048x688xf32, #tpu.memory_space<vmem>>, vector<2048x688xf32>,
    %eq3A = arith.constant 48 : i32
    %eq3A_4 = arith.cmpi eq, %arg0, %eq3A : i32
    %convert_element_type3A = arith.extui %eq3A_4 : i1 to i32
    %cond3A = arith.constant 0 : i32
    %cond3A_5 = arith.cmpi ne, %convert_element_type3A, %cond3A : i32
    scf.if %cond3A_5 {
      %mul3A = arith.constant 2048 : i32
      %mul3A_6 = arith.muli %arg0, %mul3A : i32
      %iota3A = tpu.iota {dimensions = array<i32: 0>} : vector<2048x688xi32>
      %add3A = vector.broadcast %mul3A_6 : i32 to vector<2048x688xi32>
      %add3A_7 = arith.addi %add3A, %iota3A : vector<2048x688xi32>
      %lt3A = arith.constant 100000 : i32
      %lt3A_8 = vector.broadcast %lt3A : i32 to vector<2048x688xi32>
      %lt3A_9 = arith.cmpi slt, %add3A_7, %lt3A_8 : vector<2048x688xi32>
      %jit3A = arith.constant 0.000000e+00 : f32
      %broadcast_in_dim3A = vector.broadcast %jit3A : f32 to vector<2048x688xf32>
      %select_n3A = arith.select %lt3A_9, %transpose3A, %broadcast_in_dim3A : vector<2048x688xi1>, vector<2048x688xf32>
      %swap3A_10 = arith.constant 0 : index
      %swap3A_11 = arith.constant 0 : index
      %swap3A_12 = vector.load %arg2[%swap3A_10, %swap3A_11] : memref<2048x688xf32, #tpu.memory_space<vmem>>, vector<2048x688xf32>
      tpu.vector_store %arg2[%swap3A_10, %swap3A_11], %select_n3A {strides = array<i32>} : memref<2048x688xf32, #tpu.memory_space<vmem>>, vector<2048x688xf32>,
    } else {
    }
    return
  }
  func.func @transform_0(%arg0: i32) -> (i32, i32) {
    %c0_i32 = arith.constant 0 : i32
    %c0_i32_0 = arith.constant 0 : i32
    return %c0_i32, %arg0 : i32, i32
  }
  func.func @transform_1(%arg0: i32) -> (i32, i32) {
    %c0_i32 = arith.constant 0 : i32
    %c0_i32_0 = arith.constant 0 : i32
    return %arg0, %c0_i32 : i32, i32
  }
}

module attributes {stable_mosaic.version = 14 : i64} {
  func.func @_tc_transpose_body(%arg0: i32, %arg1: memref<512x688xf32, #tpu.memory_space<vmem>>, %arg2: memref<688x512xf32, #tpu.memory_space<vmem>>) attributes {dimension_semantics = [#tpu.dimension_semantics<arbitrary>], iteration_bounds = array<i64: 20>, scalar_prefetch = 0 : i64, scratch_operands = 0 : i64, tpu.core_type = #tpu.core_type<tc>, window_params = [{transform_indices = @transform_0, window_bounds = array<i64: 512, 688>}, {transform_indices = @transform_1, window_bounds = array<i64: 688, 512>}]} {
    %get3A = arith.constant 0 : index
    %get3A_0 = arith.constant 0 : index
    %get3A_1 = vector.load %arg1[%get3A, %get3A_0] : memref<512x688xf32, #tpu.memory_space<vmem>>, vector<512x688xf32>
    %transpose3A = tpu.transpose %get3A_1, [1, 0] : vector<512x688xf32> -> vector<688x512xf32>
    %swap3A = arith.constant 0 : index
    %swap3A_2 = arith.constant 0 : index
    %swap3A_3 = vector.load %arg2[%swap3A, %swap3A_2] : memref<688x512xf32, #tpu.memory_space<vmem>>, vector<688x512xf32>
    tpu.vector_store %arg2[%swap3A, %swap3A_2], %transpose3A {strides = array<i32>} : memref<688x512xf32, #tpu.memory_space<vmem>>, vector<688x512xf32>,
    return
  }
  func.func @transform_0(%arg0: i32) -> (i32, i32) {
    %c0_i32 = arith.constant 0 : i32
    %c0_i32_0 = arith.constant 0 : i32
    return %arg0, %c0_i32 : i32, i32
  }
  func.func @transform_1(%arg0: i32) -> (i32, i32) {
    %c0_i32 = arith.constant 0 : i32
    %c0_i32_0 = arith.constant 0 : i32
    return %c0_i32, %arg0 : i32, i32
  }
}

</mosaic_0001>

<sc_bundles>
// kernel: kernel.6.cloned.1.call-start
scs
__scs_entry_jumppad:
0x0: {  	(pc) =	sbr.rel $0x88, $3  }
0x1: {  	(tag) =	ssettag $0x0;
	lr =	simm.s32 $0x1  }
0x2: {  	[smem:$0x3F98] =	sst lr;
	_ =	strace $0xD0000000  }
0x3: {  	_ = 	snop  }
0x4: {  	_ = 	snop  }
0x5: {  	_ = 	snop  }
0x6: {  	_ = 	snop  }
0x7: {  	_ = 	snop  }
__scs_overlays_trampoline_lowered:
0x8: {  	[smem:$0x3FA7] =	sst s0  }
0x9: {  	[smem:$0x3FA8] =	sst s1  }
0xa: {  	[smem:$0x3FA9] =	sst s2  }
0xb: {  	[smem:$0x3FAA] =	sst s3  }
0xc: {  	[smem:$0x3FAB] =	sst s4  }
0xd: {  	[smem:$0x3FAC] =	sst s5  }
0xe: {  	[smem:$0x3FAD] =	sst s6  }
0xf: {  	[smem:$0x3FAE] =	sst s7  }
0x10: {  	[smem:$0x3FAF] =	sst s8  }
0x11: {  	[smem:$0x3FB0] =	sst s9;
	s0 =	simm.s32 @!p0 $0x0  }
0x12: {  	s1 =	sld [smem:$0x3F96];
	s0 =	simm.s32 @p0 $0x1  }
0x13: {  	[smem:$0x3FB1] =	sst s0;
	s0 =	simm.s32 @!p1 $0x0  }
0x14: {  	s2 =	sld [smem:$0x3F95];
	s0 =	simm.s32 @p1 $0x1  }
0x15: {  	[smem:$0x3FB2] =	sst s0;
	s0 =	simm.s32 @!p2 $0x0  }
0x16: {  	s3 =	sld [smem:$0x3FDB];
	s0 =	simm.s32 @p2 $0x1  }
0x17: {  	s4 =	simm.s32 $0x1BF5;
	[smem:$0x3FB4] =	sst s0  }
0x18: {  	s0 =	sld [smem:$0x3F97];
	_ =	swait.ge [sflag:s4], $0x0  }
0x19: {  	s7 =	sld [smem:$0x3F98]  }
0x1a: {  	s8 =	sadd.s32 $0xFFFFE003, lr  }
0x1b: {  	s9 =	sadd.s32 $0xFFFFFEF7, lr;
	s5 =	simm.s32 $0xFFFFFFFF;
	p2 =	slt.u32 s8, $0xFFFFF086  }
0x1c: {  	p1 =	slt.u32 s9, $0xF7A;
	s5 =	simm.s32 @!p2 $0x0  }
0x1d: {  	s5 =	simm.s32 @p1 $0x1;
	p0 =	seq.s32 s7, s2  }
0x1e: {  	s7 =	smul.u32 @!p0 $0xF7A, s2;
	p2 =	seq.s32 @!p0 s5, $0x0  }
0x1f: {  	s9 =	smul.u32 $0xF7A, s1;
	s8 =	simm.s32 @!p0 $0x1BF5;
	p2 =	por !p2, p0  }
0x20: {  	[sflag:s8] =	ssyncset.s32 @!p0 $0xFFFFF086;
	s6 =	sadd.s32 @!p0 s3, s7;
	s7 =	simm.s32 @!p0 $0x108  }
0x21: {  	s3 =	sadd.s32 s3, s9;
	s6 =	sadd.s32 @!p0 $0x88, s6;
	s7 =	simm.s32 @p2 $0x1082  }
0x22: {  	[simem:s7], [sflag:s8] =	dma.local @!p0 [hbm:s6], $0xF7A  }
0x23: {  	s9 =	sor.u32 $0xD0000000, s2;
	s6 =	simm.s32 $0x108;
	_ =	swait.ge @!p0 [sflag:s8], $0x0  }
0x24: {  	s3 =	sadd.s32 $0x88, s3;
	s6 =	simm.s32 @!p1 $0x1082;
	[sflag:s4] =	ssyncset.s32 $0xFFFFF086  }
0x25: {  	[simem:s6], [sflag:s4] =	dma.local [hbm:s3], $0xF7A  }
0x26: {  	[smem:$0x3F98] =	sst s1;
	(tag) =	ssettag s2;
	_ =	strace s9  }
0x27: {  	s1 =	sld [smem:$0x3FA8]  }
0x28: {  	s2 =	sld [smem:$0x3FA9]  }
0x29: {  	s4 =	sld [smem:$0x3FAB]  }
0x2a: {  	p0 =	seq.s32 s5, $0x0;
	s5 =	sld [smem:$0x3FAC]  }
0x2b: {  	s6 =	sld [smem:$0x3FAD]  }
0x2c: {  	s7 =	sld [smem:$0x3FAE]  }
0x2d: {  	s3 =	simm.s32 $0x108;
	s8 =	sld [smem:$0x3FAF]  }
0x2e: {  	s3 =	simm.s32 @!p0 $0x1082;
	s9 =	sld [smem:$0x3FB0]  }
0x2f: {  	lr =	sadd.s32 s0, s3;
	s0 =	sld [smem:$0x3FA7]  }
0x30: {  	s3 =	sld [smem:$0x3FAA]  }
0x31: {  	[smem:$0x3FB3] =	sst s10  }
0x32: {  	s10 =	sld [smem:$0x3FB1];
	_ =	sdelay $0x3  }
0x33: {  	p0 =	seq.s32 s10, $0x1;
	s10 =	sld [smem:$0x3FB3];
	_ =	sdelay $0x3  }
0x34: {  	[smem:$0x3FB3] =	sst s10  }
0x35: {  	s10 =	sld [smem:$0x3FB2];
	_ =	sdelay $0x3  }
0x36: {  	p1 =	seq.s32 s10, $0x1;
	s10 =	sld [smem:$0x3FB3];
	_ =	sdelay $0x3  }
0x37: {  	[smem:$0x3FB3] =	sst s10  }
0x38: {  	s10 =	sld [smem:$0x3FB4]  }
0x39: {  	_ = 	snop;
	(pc) =	sbr.ind lr, $3  }
0x3a: {  	_ = 	snop  }
0x3b: {  	_ = 	snop  }
0x3c: {  	p2 =	seq.s32 s10, $0x1;
	s10 =	sld [smem:$0x3FB3]  }
0x3d: {  	_ =	shalt  }
0x3e: {  	_ =	shalt  }
0x3f: {  	_ =	shalt  }
0x40: {  	_ =	shalt  }
0x41: {  	_ =	shalt  }
0x42: {  	_ =	shalt  }
0x43: {  	_ =	shalt  }
0x44: {  	_ =	shalt  }
0x45: {  	_ =	shalt  }
0x46: {  	_ =	shalt  }
0x47: {  	_ =	shalt  }
0x48: {  	_ =	shalt  }
0x49: {  	_ =	shalt  }
0x4a: {  	_ =	shalt  }
0x4b: {  	_ =	shalt  }
0x4c: {  	_ =	shalt  }
0x4d: {  	_ =	shalt  }
0x4e: {  	_ =	shalt  }
0x4f: {  	_ =	shalt  }
0x50: {  	_ =	shalt  }
0x51: {  	_ =	shalt  }
0x52: {  	_ =	shalt  }
0x53: {  	_ =	shalt  }
0x54: {  	_ =	shalt  }
0x55: {  	_ =	shalt  }
0x56: {  	_ =	shalt  }
0x57: {  	_ =	shalt  }
0x58: {  	_ =	shalt  }
0x59: {  	_ =	shalt  }
0x5a: {  	_ =	shalt  }
0x5b: {  	_ =	shalt  }
0x5c: {  	_ =	shalt  }
0x5d: {  	_ =	shalt  }
0x5e: {  	_ =	shalt  }
0x5f: {  	_ =	shalt  }
0x60: {  	_ =	shalt  }
0x61: {  	_ =	shalt  }
0x62: {  	_ =	shalt  }
0x63: {  	_ =	shalt  }
0x64: {  	_ =	shalt  }
0x65: {  	_ =	shalt  }
0x66: {  	_ =	shalt  }
0x67: {  	_ =	shalt  }
0x68: {  	_ =	shalt  }
0x69: {  	_ =	shalt  }
0x6a: {  	_ =	shalt  }
0x6b: {  	_ =	shalt  }
0x6c: {  	_ =	shalt  }
0x6d: {  	_ =	shalt  }
0x6e: {  	_ =	shalt  }
0x6f: {  	_ =	shalt  }
0x70: {  	_ =	shalt  }
0x71: {  	_ =	shalt  }
0x72: {  	_ =	shalt  }
0x73: {  	_ =	shalt  }
0x74: {  	_ =	shalt  }
0x75: {  	_ =	shalt  }
0x76: {  	_ =	shalt  }
0x77: {  	_ =	shalt  }
0x78: {  	_ =	shalt  }
0x79: {  	_ =	shalt  }
0x7a: {  	_ =	shalt  }
0x7b: {  	_ =	shalt  }
0x7c: {  	_ =	shalt  }
0x7d: {  	_ =	shalt  }
0x7e: {  	_ =	shalt  }
0x7f: {  	_ =	shalt  }
0x80: {  	_ =	shalt  }
0x81: {  	_ =	shalt  }
0x82: {  	_ =	shalt  }
0x83: {  	_ =	shalt  }
0x84: {  	_ =	shalt  }
0x85: {  	_ =	shalt  }
0x86: {  	_ =	shalt  }
0x87: {  	_ =	shalt  }
.Lfunc_end0:
.L_simem_size_0:
called_computation_lowered:
.L_overlay_start_0:
0x88: {  	s2 =	sld [smem:$0x3FD9]  }
0x89: {  	s3 =	sld [smem:$0x3FFE];
	_ =	sdelay $0x1  }
0x8a: {  	s1 =	srdreg.scid  }
0x8b: {  	s0 =	sand.u32 $0x1, s1  }
0x8c: {  	s15 =	sshll.u32 s0, $0xA;
	s2 =	sadd.s32 s3, s2  }
0x8d: {  	s2 =	sadd.s32 s2, s15  }
0x8e: {  	[smem:$0x3FBF] =	sst s2  }
0x8f: {  	_ = 	snop  }
0x90: {  	s2 =	sld [smem:$0x3FD0];
	_ =	sdelay $0x2  }
0x91: {  	s4 =	simm.s32 $0xA;
	s5 =	simm.s32 $0x10;
	s16 =	sld [smem:$0x3FC7]  }
0x92: {  	[smem:s5], [sflag:s4] =	dma.local [hbm:s2], $0x1  }
0x93: {  	_ =	swait.eq [sflag:s4], $0x1  }
0x94: {  	[sflag:s4] =	ssyncset.done $0x0  }
0x95: {  	[sflag:s4] =	ssyncadd.s32 $0xFFFFFFFF  }
0x96: {  	s17 =	sld [smem:$0x10];
	(tm) =	ssettm $0x1  }
0x97: {  	s18 =	sld [smem:$0x3FFB];
	_ =	sdelay $0x3  }
0x98: {  	_ =	strace s18  }
0x99: {  	s4 =	sld [smem:$0x3FFC];
	_ =	sdelay $0x3  }
0x9a: {  	_ =	strace s4  }
0x9b: {  	s4 =	sld [smem:$0x3FFD];
	_ =	sdelay $0x3  }
0x9c: {  	_ =	strace s4  }
0x9d: {  	_ =	strace $0x8FFFFFFF  }
0x9e: {  	s19 =	sld [smem:$0x3FDB];
	_ =	sdelay $0x1  }
0x9f: {  	s20 =	simm.s32 $_scs_section_size  }
0xa0: {  	s6 =	simm.s32 $_size__tile_overlayer_lowered;
	s7 =	simm.s32 $_tile_overlayer_lowered  }
0xa1: {  	s23 =	simm.s32 $0x1BFF;
	s22 =	sshll.u32 s7, $0x1;
	s4 =	sadd.s32 s20, s19  }
0xa2: {  	s8 =	simm.s32 $0x0;
	s21 =	sshll.u32 s6, $0x1;
	s6 =	sadd.s32 s22, s4  }
0xa3: {  	[timem:s8], [sflag:s23] =	dma.local [hbm:s6], s21  }
0xa4: {  	_ =	swait.ge [sflag:s23], s21  }
0xa5: {  	s5 =	ssub.s32 $0x0, s21;
	[sflag:s23] =	ssyncset.done $0x0  }
0xa6: {  	[sflag:s23] =	ssyncadd.s32 s5;
	_ =	sdelay $0x1  }
0xa7: {  	s24 =	simm.s32 $0x1B8B  }
0xa8: {  	_ =	swait.ge [sflag:s24], $0x1  }
0xa9: {  	[sflag:s24] =	ssyncset.done $0x0  }
0xaa: {  	s25 =	simm.s32 $0x1B8E;
	[sflag:s24] =	ssyncadd.s32 $0xFFFFFFFF  }
0xab: {  	s26 =	simm.s32 $execute0_lowered;
	[smem:$0x3FD2] =	sst s25  }
0xac: {  	s5 =	sshll.u32 s26, $0x1;
	_ =	strace $0x80000046;
	[dreg:$0x1] =	wrdreg $0xFFFFFFFF  }
0xad: {  	s28 =	simm.s32 $_size_execute0_lowered;
	s4 =	sadd.s32 s4, s5;
	[dreg:$0x0] =	wrdreg $0x0  }
0xae: {  	s5 =	sshll.u32 s28, $0x1;
	[dreg:$0x2] =	wrdreg s4  }
0xaf: {  	[dreg:$0x3] =	wrdreg s5  }
0xb0: {  	[dreg:$0x4] =	wrdreg $0xC0  }
0xb1: {  	_ =	task [dreg:s8], $0x5FFFF  }
0xb2: {  	[dreg:$0x1] =	wrdreg $0xFFFFFFFF  }
0xb3: {  	[dreg:$0x0] =	wrdreg $0x60  }
0xb4: {  	[dreg:$0x2] =	wrdreg s16  }
0xb5: {  	[dreg:$0x3] =	wrdreg s17  }
0xb6: {  	[dreg:$0x4] =	wrdreg $0x9  }
0xb7: {  	_ =	task.clear_ibuf [dreg:s8], $0x5FFFF;
	_ =	strace $0x90000046  }
0xb8: {  	s29 =	simm.s32 $0x9;
	_ =	strace $0x80000048  }
0xb9: {  	_ =	swait.ge [sflag:s29], $0x1  }
0xba: {  	[sflag:s29] =	ssyncadd.s32 $0xFFFFFFFF  }
0xbb: {  	_ =	strace $0x90000048  }
0xbc: {  	_ =	sfence  }
0xbd: {  	s30 =	sld [smem:$0x0];
	_ =	sdelay $0x2  }
0xbe: {  	s31 =	sshll.u32 s1, $0xD;
	s1 =	sshrl.u32 s1, $0x2  }
0xbf: {  	s3 =	sand.u32 $0x4000, s31;
	s1 =	sadd.s32 s1, s30  }
0xc0: {  	s0 =	sor.u32 s3, s0;
	s1 =	sshll.u32 s1, $0x11  }
0xc1: {  	s0 =	sor.u32 s1, s0  }
0xc2: {  	s0 =	sadd.s32 $0x8F2B, s0  }
0xc3: {  	[sflag:s0] =	ssyncadd.remote.s32 $0x1  }
0xc4: {  	_ =	sfence.sel $0xFFFF  }
0xc5: {  	[dreg:$0x0] =	wrdreg $0xFFFFFFFF;
	(pc) =	sbr.abs _section_cstart, $3  }
0xc6: {  	[dreg:$0x1] =	wrdreg $0xFFFFFFFF  }
0xc7: {  	_ =	task.clear_ibuf [dreg:s8], $0x2FFFF;
	_ =	strace $0x9FFFFFFF  }
0xc8: {  	(tm) =	ssettm $0x7FFFFFFF  }
0xc9: {  	_ =	shalt  }
tec
execute0_lowered:
.L_overlay_start_1:
0x0: {  	(tag) =	ssettag $0x1  }
0x1: {  	s1 =	srdreg.scid;
	s4 =	rddreg [dreg:$0x0]  }
0x2: {  	s0 =	stileid.u32;
	s5 =	rddreg [dreg:$0x1];
	s2 =	simm.s32 $0x0  }
0x3: {  	s3 =	sand.u32 $0x1, s1;
	s30 =	sshll.u32 s0, $0x1;
	s31 =	smul.u32 $0x1860, s0  }
0x4: {  	s1 =	rddreg [dreg:$0x2];
	s10 =	sor.u32 s3, s30;
	s11 =	smul.u32 $0xC30, s3  }
0x5: {  	v0 =	vimm.s32 $0xFEDCBA9;
	v1 =	vimm.s32 $0x87654321;
	[smem:$0x7FF] =	sst s2;
	s6 =	ssub.s32 $0x2, s3;
	s7 =	smul.u32 $0xC30, s10  }
.Ltmp0:
0x6: {  	v0 =	vunpack.c.l.s4.s8 v0;
	v1 =	vunpack.c.l.s4.s8 v1;
	_ =	strace $0x80000047;
	s8 =	sshrl.u32 s6, $0x1;
	(pc) =	sbr.rel .LBB2_1-.Ltmp0, $4  }
0x7: {  	vm0 =	vmmov $0x7fff;
	s9 =	smul.u32 $0x500, s10;
	p0 =	sne.s32 s10, $0x1F;
	s10 =	simm.s32 $0x0  }
0x8: {  	v3 =	vlaneseq.u32;
	v2 =	vunpack.c.0.s8.s32 v0;
	v1 =	vunpack.c.0.s8.s32 v1;
	s6 =	ssub.s32 s6, s8;
	s8 =	simm.s32 $0x1;
	s7 =	sshrl.u32 s7, $0x3  }
0x9: {  	v5 =	vimm.s32 $0xF;
	v6 =	vimm.s32 $0x1869F;
	v4 =	vor.u32 $0x18690, v3;
	s5 =	sadd.s32 s5, s9;
	s6 =	smax.u32 s6, $0x1;
	s9 =	simm.s32 $0xC40  }
0xa: {  	v0 =	vimm.s32 $0xFFFFFFFF;
	v1 =	vcombine.low v1, v2;
	v2 =	vimm.s32 $0x0;
	s3 =	sadd.s32 s4, s7;
	s4 =	sadd.s32 $0x2F4C, s4;
	s7 =	sadd.s32 s11, s31  }
.LBB2_8:
0xb: {  	v9 =	vperm.xlane v7, v1;
	v10 =	vperm.xlane v8, v2  }
0xc: {  	v11 =	vperm.xlane v8, v1  }
0xd: {  	v9 =	vsel vm0, v9, v10  }
0xe: {  	vm2 =	vne.s32 v8, v11;
	vm1 =	vne.s32 v7, v9  }
0xf: {  	vm2 =	vmand vm2, vm0  }
0x10: {  	v62 =	vperm.xlane v8, v5;
	_ =	sdelay $0x2  }
0x11: {  	v63 =	vor.u32 s11, v3  }
0x12: {  	[tilespmem:v7+s9+$0x0] =	vst.idx.msk vm1, v63  }
0x13: {  	[tilespmem:v8+s9+$0x0] =	vst.idx.msk vm2, v4  }
0x14: {  	[tilespmem:v62+s9+$0x0] =	vst.idx.msk $0x1, v6  }
.LBB2_9:
0x15: {  	s10 =	sadd.s32 $0x1, s10  }
0x16: {  	p1 =	sne.s32 s10, s6  }
.Ltmp1:
0x17: {  	_ = 	snop;
	(pc) =	sbr.rel @!p1 .LBB2_10-.Ltmp1, $4  }
0x18: {  	[hbm4b:s5+s2] =	stream.linear.scatter [tilespmem:s9], [sflag:$0x1], $0x2800, $0x38;
	[tilespmem:$0x3440] =	vst v63  }
0x19: {  	_ =	swait.ge [sflag:s8], $0x2800  }
0x1a: {  	[sflag:s8] =	ssyncset.done $0x0  }
0x1b: {  	[sflag:s8] =	ssyncadd.s32 $0xFFFFD800  }
.LBB2_1:
0x1c: {  	s11 =	simm.s32 $0x40;
	s12 =	simm.s32 $0x0  }
.LBB2_2:
0x1d: {  	p1 =	sne.s32 s11, $0x9FC0;
	[tilespmem:s12+$0xC40] =	vst v0;
	s12 =	smov.u32 s11;
	s11 =	sadd.s32 $0x40, s11  }
.Ltmp2:
0x1e: {  	(pc) =	sbr.rel @p1 .LBB2_2-.Ltmp2, $2  }
0x1f: {  	_ =	sdelay $0x2  }
0x20: {  	s12 =	sshra.s32 s12, $0x2  }
0x21: {  	[tilespmem:s12+$0xC40] =	vst v0  }
0x22: {  	[tilespmem:s2], [sflag:$0x1] =	stream.linear.gather [hbm4b:s3+s2], $0xC40, $0x38;
	[tilespmem:$0x3440] =	vst v63  }
0x23: {  	_ =	swait.ge [sflag:s8], $0xC40  }
0x24: {  	[sflag:s8] =	ssyncset.done $0x0  }
0x25: {  	[sflag:s8] =	ssyncadd.s32 $0xFFFFF3C0  }
0x26: {  	s11 =	simm.s32 $0x10;
	v8 =	vld [tilespmem:$0x0]  }
0x27: {  	v7 =	vld [tilespmem:s11+$0x0];
	_ =	sdelay $0x4  }
0x28: {  	v9 =	vperm.xlane v8, v1;
	v10 =	vperm.xlane v7, v2;
	_ =	sdelay $0x1  }
0x29: {  	v9 =	vsel vm0, v9, v10  }
0x2a: {  	vm1 =	vne.s32 v8, v9;
	_ =	sdelay $0x4  }
0x2b: {  	v63 =	vor.u32 s7, v3  }
0x2c: {  	s13 =	simm.s32 $0x20;
	s12 =	simm.s32 $0xC0;
	s11 =	smov.u32 s7;
	[tilespmem:v8+s9+$0x0] =	vst.idx.msk vm1, v63  }
.LBB2_4:
0x2d: {  	p1 =	sne.s32 s12, $0x30C0;
	v8 =	vld [tilespmem:s13+$0x0];
	_ =	sdelay $0x4  }
0x2e: {  	v9 =	vperm.xlane v7, v1;
	v10 =	vperm.xlane v8, v2;
	_ =	sdelay $0x1  }
0x2f: {  	v9 =	vsel vm0, v9, v10  }
0x30: {  	vm1 =	vne.s32 v7, v9;
	_ =	sdelay $0x1  }
.Ltmp3:
0x31: {  	(pc) =	sbr.rel @p1 .LBB2_4-.Ltmp3, $4  }
0x32: {  	_ = 	snop  }
0x33: {  	s11 =	sadd.s32 $0x10, s11  }
0x34: {  	v9 =	vor.u32 s11, v3  }
0x35: {  	s13 =	sshra.s32 s12, $0x2;
	s12 =	sadd.s32 $0x40, s12;
	[tilespmem:v7+s9+$0x0] =	vst.idx.msk vm1, v9;
	v7 =	vmov v8  }
0x36: {  	v8 =	vld [tilespmem:s13+$0x0];
	_ =	sdelay $0x4  }
0x37: {  	v9 =	vperm.xlane v7, v1;
	v8 =	vperm.xlane v8, v2;
	_ =	sdelay $0x1  }
0x38: {  	v8 =	vsel vm0, v9, v8  }
0x39: {  	vm1 =	vne.s32 v7, v8;
	_ =	sdelay $0x1  }
.Ltmp4:
0x3a: {  	_ = 	snop;
	(pc) =	sbr.rel @p0 .LBB2_9-.Ltmp4, $4  }
0x3b: {  	_ = 	snop  }
0x3c: {  	s11 =	sadd.s32 $0x10, s11  }
0x3d: {  	v8 =	vor.u32 s11, v3  }
0x3e: {  	[tilespmem:v7+s9+$0x0] =	vst.idx.msk vm1, v8  }
0x3f: {  	[tilespmem:s2], [sflag:$0x1] =	stream.linear.gather [hbm4b:s4+s2], $0xC40, $0x38;
	[tilespmem:$0x3440] =	vst v63  }
0x40: {  	_ =	swait.ge [sflag:s8], $0xC40  }
0x41: {  	[sflag:s8] =	ssyncset.done $0x0  }
0x42: {  	[sflag:s8] =	ssyncadd.s32 $0xFFFFF3C0  }
0x43: {  	s12 =	simm.s32 $0x10;
	v7 =	vld [tilespmem:$0x0]  }
0x44: {  	s11 =	simm.s32 $0x17A60;
	s13 =	simm.s32 $0x17A70;
	v8 =	vld [tilespmem:s12+$0x0]  }
.LBB2_7:
0x45: {  	p1 =	sne.s32 s13, $0x18680;
	_ =	sdelay $0x3  }
0x46: {  	v9 =	vperm.xlane v7, v1;
	v10 =	vperm.xlane v8, v2;
	_ =	sdelay $0x1  }
0x47: {  	v9 =	vsel vm0, v9, v10  }
0x48: {  	vm1 =	vne.s32 v7, v9;
	_ =	sdelay $0x2  }
.Ltmp5:
0x49: {  	(pc) =	sbr.rel @p1 .LBB2_7-.Ltmp5, $4  }
0x4a: {  	_ = 	snop  }
0x4b: {  	v9 =	vor.u32 s11, v3;
	s11 =	smov.u32 s13  }
0x4c: {  	s12 =	sadd.s32 $0x10, s12;
	[tilespmem:v7+s9+$0x0] =	vst.idx.msk vm1, v9;
	v7 =	vmov v8  }
0x4d: {  	s13 =	sadd.s32 $0x10, s13;
	v8 =	vld [tilespmem:s12+$0x0]  }
.Ltmp6:
0x4e: {  	_ = 	snop;
	(pc) =	sbr.rel .LBB2_8-.Ltmp6, $1  }
0x4f: {  	_ =	sdelay $0x3  }
.LBB2_10:
0x50: {  	_ =	sfence.sel $0x180000  }
0x51: {  	[bflag:$0x0] =	sbarrier.arrive $0xFFFF  }
0x52: {  	p0 =	sne.s32 s0, $0x0;
	_ =	strace $0x90000047  }
0x53: {  	s0 =	sadd.s32 @!p0 $0x100000, s1;
	[bflag:$0x2] =	sbarrier.arrive $0xFFFF  }
0x54: {  	[sflag:s0] =	ssyncadd.tile.s32 @!p0 $0x1;
	_ =	shalt  }
.Lfunc_end2:
_tile_overlayer_lowered:
.L_overlay_start_2:
0x55: {  	(tag) =	ssettag $0x2  }
0x56: {  	s0 =	rddreg [dreg:$0x0];
	s2 =	stileid.u32  }
0x57: {  	s1 =	rddreg [dreg:$0x1];
	p0 =	sne.s32 s2, $0x0  }
0x58: {  	s3 =	rddreg [dreg:$0x2];
	[bflag:$0x3] =	sbarrier.arrive $0xFFFF;
	s2 =	simm.s32 @!p0 $0x1C01  }
0x59: {  	[timem:s3], [sflag:s2] =	dma.local @!p0 [hbm:s0], s1  }
0x5a: {  	s0 =	simm.s32 @!p0 $0x1  }
0x5b: {  	_ =	swait.ge @!p0 [sflag:s0], s1  }
0x5c: {  	s1 =	ssub.s32 @!p0 $0x0, s1;
	[sflag:s0] =	ssyncset.done @!p0 $0x0  }
0x5d: {  	[sflag:s0] =	ssyncadd.s32 @!p0 s1  }
0x5e: {  	[bflag:$0x3] =	sbarrier.arrive $0xFFFF  }
0x5f: {  	_ =	shalt  }

// kernel: kernel.9.cloned.1.call-start
scs
__scs_entry_jumppad:
0x0: {  	(pc) =	sbr.rel $0x88, $3  }
0x1: {  	(tag) =	ssettag $0x0;
	lr =	simm.s32 $0x1  }
0x2: {  	[smem:$0x3F98] =	sst lr;
	_ =	strace $0xD0000000  }
0x3: {  	_ = 	snop  }
0x4: {  	_ = 	snop  }
0x5: {  	_ = 	snop  }
0x6: {  	_ = 	snop  }
0x7: {  	_ = 	snop  }
__scs_overlays_trampoline_lowered:
0x8: {  	[smem:$0x3FA7] =	sst s0  }
0x9: {  	[smem:$0x3FA8] =	sst s1  }
0xa: {  	[smem:$0x3FA9] =	sst s2  }
0xb: {  	[smem:$0x3FAA] =	sst s3  }
0xc: {  	[smem:$0x3FAB] =	sst s4  }
0xd: {  	[smem:$0x3FAC] =	sst s5  }
0xe: {  	[smem:$0x3FAD] =	sst s6  }
0xf: {  	[smem:$0x3FAE] =	sst s7  }
0x10: {  	[smem:$0x3FAF] =	sst s8  }
0x11: {  	[smem:$0x3FB0] =	sst s9;
	s0 =	simm.s32 @!p0 $0x0  }
0x12: {  	s1 =	sld [smem:$0x3F96];
	s0 =	simm.s32 @p0 $0x1  }
0x13: {  	[smem:$0x3FB1] =	sst s0;
	s0 =	simm.s32 @!p1 $0x0  }
0x14: {  	s2 =	sld [smem:$0x3F95];
	s0 =	simm.s32 @p1 $0x1  }
0x15: {  	[smem:$0x3FB2] =	sst s0;
	s0 =	simm.s32 @!p2 $0x0  }
0x16: {  	s3 =	sld [smem:$0x3FDB];
	s0 =	simm.s32 @p2 $0x1  }
0x17: {  	s4 =	simm.s32 $0x1BF5;
	[smem:$0x3FB4] =	sst s0  }
0x18: {  	s0 =	sld [smem:$0x3F97];
	_ =	swait.ge [sflag:s4], $0x0  }
0x19: {  	s7 =	sld [smem:$0x3F98]  }
0x1a: {  	s8 =	sadd.s32 $0xFFFFE003, lr  }
0x1b: {  	s9 =	sadd.s32 $0xFFFFFEF7, lr;
	s5 =	simm.s32 $0xFFFFFFFF;
	p2 =	slt.u32 s8, $0xFFFFF086  }
0x1c: {  	p1 =	slt.u32 s9, $0xF7A;
	s5 =	simm.s32 @!p2 $0x0  }
0x1d: {  	s5 =	simm.s32 @p1 $0x1;
	p0 =	seq.s32 s7, s2  }
0x1e: {  	s7 =	smul.u32 @!p0 $0xF7A, s2;
	p2 =	seq.s32 @!p0 s5, $0x0  }
0x1f: {  	s9 =	smul.u32 $0xF7A, s1;
	s8 =	simm.s32 @!p0 $0x1BF5;
	p2 =	por !p2, p0  }
0x20: {  	[sflag:s8] =	ssyncset.s32 @!p0 $0xFFFFF086;
	s6 =	sadd.s32 @!p0 s3, s7;
	s7 =	simm.s32 @!p0 $0x108  }
0x21: {  	s3 =	sadd.s32 s3, s9;
	s6 =	sadd.s32 @!p0 $0x88, s6;
	s7 =	simm.s32 @p2 $0x1082  }
0x22: {  	[simem:s7], [sflag:s8] =	dma.local @!p0 [hbm:s6], $0xF7A  }
0x23: {  	s9 =	sor.u32 $0xD0000000, s2;
	s6 =	simm.s32 $0x108;
	_ =	swait.ge @!p0 [sflag:s8], $0x0  }
0x24: {  	s3 =	sadd.s32 $0x88, s3;
	s6 =	simm.s32 @!p1 $0x1082;
	[sflag:s4] =	ssyncset.s32 $0xFFFFF086  }
0x25: {  	[simem:s6], [sflag:s4] =	dma.local [hbm:s3], $0xF7A  }
0x26: {  	[smem:$0x3F98] =	sst s1;
	(tag) =	ssettag s2;
	_ =	strace s9  }
0x27: {  	s1 =	sld [smem:$0x3FA8]  }
0x28: {  	s2 =	sld [smem:$0x3FA9]  }
0x29: {  	s4 =	sld [smem:$0x3FAB]  }
0x2a: {  	p0 =	seq.s32 s5, $0x0;
	s5 =	sld [smem:$0x3FAC]  }
0x2b: {  	s6 =	sld [smem:$0x3FAD]  }
0x2c: {  	s7 =	sld [smem:$0x3FAE]  }
0x2d: {  	s3 =	simm.s32 $0x108;
	s8 =	sld [smem:$0x3FAF]  }
0x2e: {  	s3 =	simm.s32 @!p0 $0x1082;
	s9 =	sld [smem:$0x3FB0]  }
0x2f: {  	lr =	sadd.s32 s0, s3;
	s0 =	sld [smem:$0x3FA7]  }
0x30: {  	s3 =	sld [smem:$0x3FAA]  }
0x31: {  	[smem:$0x3FB3] =	sst s10  }
0x32: {  	s10 =	sld [smem:$0x3FB1];
	_ =	sdelay $0x3  }
0x33: {  	p0 =	seq.s32 s10, $0x1;
	s10 =	sld [smem:$0x3FB3];
	_ =	sdelay $0x3  }
0x34: {  	[smem:$0x3FB3] =	sst s10  }
0x35: {  	s10 =	sld [smem:$0x3FB2];
	_ =	sdelay $0x3  }
0x36: {  	p1 =	seq.s32 s10, $0x1;
	s10 =	sld [smem:$0x3FB3];
	_ =	sdelay $0x3  }
0x37: {  	[smem:$0x3FB3] =	sst s10  }
0x38: {  	s10 =	sld [smem:$0x3FB4]  }
0x39: {  	_ = 	snop;
	(pc) =	sbr.ind lr, $3  }
0x3a: {  	_ = 	snop  }
0x3b: {  	_ = 	snop  }
0x3c: {  	p2 =	seq.s32 s10, $0x1;
	s10 =	sld [smem:$0x3FB3]  }
0x3d: {  	_ =	shalt  }
0x3e: {  	_ =	shalt  }
0x3f: {  	_ =	shalt  }
0x40: {  	_ =	shalt  }
0x41: {  	_ =	shalt  }
0x42: {  	_ =	shalt  }
0x43: {  	_ =	shalt  }
0x44: {  	_ =	shalt  }
0x45: {  	_ =	shalt  }
0x46: {  	_ =	shalt  }
0x47: {  	_ =	shalt  }
0x48: {  	_ =	shalt  }
0x49: {  	_ =	shalt  }
0x4a: {  	_ =	shalt  }
0x4b: {  	_ =	shalt  }
0x4c: {  	_ =	shalt  }
0x4d: {  	_ =	shalt  }
0x4e: {  	_ =	shalt  }
0x4f: {  	_ =	shalt  }
0x50: {  	_ =	shalt  }
0x51: {  	_ =	shalt  }
0x52: {  	_ =	shalt  }
0x53: {  	_ =	shalt  }
0x54: {  	_ =	shalt  }
0x55: {  	_ =	shalt  }
0x56: {  	_ =	shalt  }
0x57: {  	_ =	shalt  }
0x58: {  	_ =	shalt  }
0x59: {  	_ =	shalt  }
0x5a: {  	_ =	shalt  }
0x5b: {  	_ =	shalt  }
0x5c: {  	_ =	shalt  }
0x5d: {  	_ =	shalt  }
0x5e: {  	_ =	shalt  }
0x5f: {  	_ =	shalt  }
0x60: {  	_ =	shalt  }
0x61: {  	_ =	shalt  }
0x62: {  	_ =	shalt  }
0x63: {  	_ =	shalt  }
0x64: {  	_ =	shalt  }
0x65: {  	_ =	shalt  }
0x66: {  	_ =	shalt  }
0x67: {  	_ =	shalt  }
0x68: {  	_ =	shalt  }
0x69: {  	_ =	shalt  }
0x6a: {  	_ =	shalt  }
0x6b: {  	_ =	shalt  }
0x6c: {  	_ =	shalt  }
0x6d: {  	_ =	shalt  }
0x6e: {  	_ =	shalt  }
0x6f: {  	_ =	shalt  }
0x70: {  	_ =	shalt  }
0x71: {  	_ =	shalt  }
0x72: {  	_ =	shalt  }
0x73: {  	_ =	shalt  }
0x74: {  	_ =	shalt  }
0x75: {  	_ =	shalt  }
0x76: {  	_ =	shalt  }
0x77: {  	_ =	shalt  }
0x78: {  	_ =	shalt  }
0x79: {  	_ =	shalt  }
0x7a: {  	_ =	shalt  }
0x7b: {  	_ =	shalt  }
0x7c: {  	_ =	shalt  }
0x7d: {  	_ =	shalt  }
0x7e: {  	_ =	shalt  }
0x7f: {  	_ =	shalt  }
0x80: {  	_ =	shalt  }
0x81: {  	_ =	shalt  }
0x82: {  	_ =	shalt  }
0x83: {  	_ =	shalt  }
0x84: {  	_ =	shalt  }
0x85: {  	_ =	shalt  }
0x86: {  	_ =	shalt  }
0x87: {  	_ =	shalt  }
.Lfunc_end0:
.L_simem_size_0:
called_computation.1_lowered:
.L_overlay_start_0:
0x88: {  	s2 =	sld [smem:$0x3FD9]  }
0x89: {  	s3 =	sld [smem:$0x3FFE];
	_ =	sdelay $0x1  }
0x8a: {  	s1 =	srdreg.scid  }
0x8b: {  	s0 =	sand.u32 $0x1, s1  }
0x8c: {  	s14 =	sshll.u32 s0, $0xA;
	s2 =	sadd.s32 s3, s2  }
0x8d: {  	s2 =	sadd.s32 s2, s14  }
0x8e: {  	[smem:$0x3FBF] =	sst s2  }
0x8f: {  	_ = 	snop  }
0x90: {  	s2 =	sld [smem:$0x3FD0];
	_ =	sdelay $0x2  }
0x91: {  	s4 =	simm.s32 $0xA;
	s5 =	simm.s32 $0x10;
	s15 =	sld [smem:$0x3FC8]  }
0x92: {  	[smem:s5], [sflag:s4] =	dma.local [hbm:s2], $0x1  }
0x93: {  	_ =	swait.eq [sflag:s4], $0x1  }
0x94: {  	[sflag:s4] =	ssyncset.done $0x0  }
0x95: {  	s16 =	sld [smem:$0x10];
	[sflag:s4] =	ssyncadd.s32 $0xFFFFFFFF  }
0x96: {  	s17 =	sld [smem:$0x11];
	(tm) =	ssettm $0x1  }
0x97: {  	s18 =	sld [smem:$0x3FFB];
	_ =	sdelay $0x3  }
0x98: {  	_ =	strace s18  }
0x99: {  	s5 =	sld [smem:$0x3FFC];
	_ =	sdelay $0x3  }
0x9a: {  	_ =	strace s5  }
0x9b: {  	s5 =	sld [smem:$0x3FFD];
	_ =	sdelay $0x3  }
0x9c: {  	_ =	strace s5  }
0x9d: {  	_ =	strace $0x8FFFFFFF  }
0x9e: {  	s19 =	sld [smem:$0x3FDB];
	_ =	sdelay $0x1  }
0x9f: {  	s6 =	simm.s32 $_scs_section_size  }
0xa0: {  	s7 =	simm.s32 $_size__tile_overlayer_lowered;
	s8 =	simm.s32 $_tile_overlayer_lowered  }
0xa1: {  	s22 =	simm.s32 $0x1BFF;
	s21 =	sshll.u32 s8, $0x1;
	s5 =	sadd.s32 s6, s19  }
0xa2: {  	s9 =	simm.s32 $0x0;
	s20 =	sshll.u32 s7, $0x1;
	s7 =	sadd.s32 s21, s5  }
0xa3: {  	[timem:s9], [sflag:s22] =	dma.local [hbm:s7], s20  }
0xa4: {  	_ =	swait.ge [sflag:s22], s20  }
0xa5: {  	s6 =	ssub.s32 $0x0, s20;
	[sflag:s22] =	ssyncset.done $0x0  }
0xa6: {  	[sflag:s22] =	ssyncadd.s32 s6;
	_ =	sdelay $0x1  }
0xa7: {  	s23 =	simm.s32 $0x1B8B  }
0xa8: {  	_ =	swait.ge [sflag:s23], $0x1  }
0xa9: {  	[sflag:s23] =	ssyncset.done $0x0  }
0xaa: {  	s25 =	simm.s32 $0x1B8E;
	s24 =	sld [smem:$0x3FFE];
	[sflag:s23] =	ssyncadd.s32 $0xFFFFFFFF  }
0xab: {  	s26 =	simm.s32 $execute0_lowered;
	[smem:$0x3FD2] =	sst s25  }
0xac: {  	s7 =	sshll.u32 s26, $0x1;
	_ =	strace $0x80000049;
	[dreg:$0x1] =	wrdreg $0xFFFFFFFF  }
0xad: {  	s28 =	simm.s32 $_size_execute0_lowered;
	s5 =	sadd.s32 s5, s7;
	[dreg:$0x0] =	wrdreg $0x0  }
0xae: {  	s7 =	sshll.u32 s28, $0x1;
	[dreg:$0x2] =	wrdreg s5  }
0xaf: {  	[dreg:$0x3] =	wrdreg s7  }
0xb0: {  	[dreg:$0x4] =	wrdreg $0xC0  }
0xb1: {  	_ =	task [dreg:s9], $0x5FFFF  }
0xb2: {  	[dreg:$0x1] =	wrdreg $0xFFFFFFFF  }
0xb3: {  	[dreg:$0x0] =	wrdreg $0x60  }
0xb4: {  	[dreg:$0x2] =	wrdreg s24  }
0xb5: {  	[dreg:$0x3] =	wrdreg s15  }
0xb6: {  	[dreg:$0x4] =	wrdreg s16  }
0xb7: {  	[dreg:$0x5] =	wrdreg s17  }
0xb8: {  	[dreg:$0x6] =	wrdreg $0x9  }
0xb9: {  	_ =	task.clear_ibuf [dreg:s9], $0x7FFFF;
	_ =	strace $0x90000049  }
0xba: {  	s29 =	simm.s32 $0x9;
	_ =	strace $0x8000004B  }
0xbb: {  	_ =	swait.ge [sflag:s29], $0x1  }
0xbc: {  	[sflag:s29] =	ssyncadd.s32 $0xFFFFFFFF  }
0xbd: {  	_ =	strace $0x9000004B  }
0xbe: {  	_ =	sfence  }
0xbf: {  	s30 =	sld [smem:$0x0];
	_ =	sdelay $0x2  }
0xc0: {  	s31 =	sshll.u32 s1, $0xD;
	s1 =	sshrl.u32 s1, $0x2  }
0xc1: {  	s3 =	sand.u32 $0x4000, s31;
	s1 =	sadd.s32 s1, s30  }
0xc2: {  	s0 =	sor.u32 s3, s0;
	s1 =	sshll.u32 s1, $0x11  }
0xc3: {  	s0 =	sor.u32 s1, s0  }
0xc4: {  	s0 =	sadd.s32 $0x8F2B, s0  }
0xc5: {  	[sflag:s0] =	ssyncadd.remote.s32 $0x1  }
0xc6: {  	_ =	sfence.sel $0xFFFF  }
0xc7: {  	[dreg:$0x0] =	wrdreg $0xFFFFFFFF;
	(pc) =	sbr.abs _section_cstart, $3  }
0xc8: {  	[dreg:$0x1] =	wrdreg $0xFFFFFFFF  }
0xc9: {  	_ =	task.clear_ibuf [dreg:s9], $0x2FFFF;
	_ =	strace $0x9FFFFFFF  }
0xca: {  	(tm) =	ssettm $0x7FFFFFFF  }
0xcb: {  	_ =	shalt  }
tec
execute0_lowered:
.L_overlay_start_1:
0x0: {  	(tag) =	ssettag $0x1  }
0x1: {  	s0 =	rddreg [dreg:$0x0]  }
0x2: {  	s1 =	rddreg [dreg:$0x2]  }
0x3: {  	s2 =	srdreg.scid;
	s3 =	stileid.u32  }
0x4: {  	s10 =	rddreg [dreg:$0x3];
	s13 =	simm.s32 $0x780;
	s14 =	simm.s32 $0xA00  }
0x5: {  	s15 =	simm.s32 $0x140;
	s16 =	simm.s32 $0x8C0;
	s17 =	simm.s32 $0x3  }
0x6: {  	s18 =	simm.s32 $0x30;
	s19 =	simm.s32 $0xC00;
	s20 =	simm.s32 $0x1  }
0x7: {  	s21 =	simm.s32 $0x8D00;
	s22 =	simm.s32 $0x10E00;
	s23 =	simm.s32 $0x2  }
0x8: {  	s24 =	simm.s32 $0x12380;
	s2 =	sand.u32 $0x1, s2;
	s4 =	sshll.u32 s3, $0x1  }
0x9: {  	s25 =	simm.s32 $0x0;
	s3 =	simm.s32 $0x0;
	s6 =	sor.u32 s2, s4  }
0xa: {  	s5 =	sadd.s32 $0x928200, s0;
	s7 =	sadd.s32 $0xA00, s0;
	s4 =	smul.u32 $0x140, s6  }
.Ltmp0:
0xb: {  	[smem:$0x7FF] =	sst s3;
	s2 =	ssub.s32 $0x2, s2;
	(pc) =	sbr.rel .LBB2_1-.Ltmp0, $4  }
0xc: {  	_ =	strace $0x8000004A;
	s8 =	sshrl.u32 s2, $0x1;
	s12 =	smul.u32 $0xF0, s6  }
0xd: {  	s6 =	sadd.s32 $0x200, s0;
	s31 =	ssub.s32 s2, s8;
	s11 =	sshrl.u32 s4, $0x3  }
0xe: {  	s8 =	sadd.s32 s1, s12;
	s12 =	simm.s32 $0x4;
	s9 =	sadd.s32 s11, s0  }
0xf: {  	s10 =	sadd.s32 s10, s11;
	s11 =	smax.u32 s31, $0x1;
	s9 =	sadd.s32 $0x400, s9  }
.LBB2_77:
0x10: {  	s25 =	sadd.s32 $0x1, s25  }
0x11: {  	p0 =	sne.s32 s25, s11  }
.Ltmp1:
0x12: {  	_ = 	snop;
	(pc) =	sbr.rel @!p0 .LBB2_78-.Ltmp1, $1  }
0x13: {  	_ =	sdelay $0x3  }
.LBB2_1:
0x14: {  	[tilespmem:s3], [sflag:$0x4] =	stream.linear.gather [hbm4b:s8+s3], $0x780, $0x38;
	[tilespmem:$0x13900] =	vst v63  }
0x15: {  	_ =	swait.ge [sflag:s12], $0x780  }
0x16: {  	[sflag:s12] =	ssyncset.done $0x0  }
0x17: {  	[sflag:s12] =	ssyncadd.s32 $0xFFFFF880  }
0x18: {  	[tilespmem:s13], [sflag:$0x4] =	stream.linear.gather [hbm4b:s9+s3], $0x140, $0x38;
	[tilespmem:$0x13900] =	vst v63  }
0x19: {  	_ =	swait.ge [sflag:s12], $0x140  }
0x1a: {  	[sflag:s12] =	ssyncset.done $0x0  }
0x1b: {  	[sflag:s12] =	ssyncadd.s32 $0xFFFFFEC0  }
0x1c: {  	[tilespmem:s14], [sflag:$0x4] =	stream.linear.gather [hbm4b:s6+s3], $0x200, $0x38;
	[tilespmem:$0x13900] =	vst v63  }
0x1d: {  	_ =	swait.ge [sflag:s12], $0x200  }
0x1e: {  	[sflag:s12] =	ssyncset.done $0x0  }
0x1f: {  	[sflag:s12] =	ssyncadd.s32 $0xFFFFFE00  }
0x20: {  	s0 =	rddreg [dreg:$0x1]  }
0x21: {  	[tilespmem:s16], [sflag:$0x3] =	stream.indirect.gather [hbm4b:s0+s15], $0x1, s13, s15, $0xb8;
	[tilespmem:$0x13900] =	vst v63  }
0x22: {  	_ =	swait.ge [sflag:s17], $0x140  }
0x23: {  	[sflag:s17] =	ssyncset.done $0x0  }
0x24: {  	[sflag:s17] =	ssyncadd.s32 $0xFFFFFEC0  }
0x25: {  	[hbm4b:s10+s3] =	stream.linear.scatter [tilespmem:s16], [sflag:$0x4], $0x140, $0x38;
	[tilespmem:$0x13900] =	vst v63  }
0x26: {  	_ =	swait.ge [sflag:s12], $0x140  }
0x27: {  	[sflag:s12] =	ssyncset.done $0x0  }
0x28: {  	[sflag:s12] =	ssyncadd.s32 $0xFFFFFEC0  }
0x29: {  	v0 =	vld [tilespmem:$0xA00]  }
0x2a: {  	v1 =	vld [tilespmem:$0xA10]  }
0x2b: {  	v2 =	vld [tilespmem:$0xA20]  }
0x2c: {  	v3 =	vld [tilespmem:$0xA30]  }
0x2d: {  	v4 =	vld [tilespmem:$0xA40]  }
0x2e: {  	v5 =	vld [tilespmem:$0xA50]  }
0x2f: {  	v6 =	vld [tilespmem:$0xA60]  }
0x30: {  	v7 =	vld [tilespmem:$0xA70]  }
0x31: {  	v8 =	vld [tilespmem:$0xA80]  }
0x32: {  	v9 =	vld [tilespmem:$0xA90]  }
0x33: {  	v10 =	vld [tilespmem:$0xAA0]  }
0x34: {  	v11 =	vld [tilespmem:$0xAB0]  }
0x35: {  	v12 =	vld [tilespmem:$0xAC0]  }
0x36: {  	v13 =	vld [tilespmem:$0xAD0]  }
0x37: {  	v14 =	vld [tilespmem:$0xAE0]  }
0x38: {  	v15 =	vld [tilespmem:$0xAF0]  }
0x39: {  	v16 =	vld [tilespmem:$0xB00]  }
0x3a: {  	v17 =	vld [tilespmem:$0xB10]  }
0x3b: {  	v18 =	vld [tilespmem:$0xB20]  }
0x3c: {  	v19 =	vld [tilespmem:$0xB30]  }
0x3d: {  	v20 =	vld [tilespmem:$0xB40]  }
0x3e: {  	v21 =	vld [tilespmem:$0xB50]  }
0x3f: {  	v22 =	vld [tilespmem:$0xB60]  }
0x40: {  	v23 =	vld [tilespmem:$0xB70]  }
0x41: {  	v24 =	vld [tilespmem:$0xB80]  }
0x42: {  	v25 =	vld [tilespmem:$0xB90]  }
0x43: {  	v26 =	vld [tilespmem:$0xBA0]  }
0x44: {  	v27 =	vld [tilespmem:$0xBB0]  }
0x45: {  	v28 =	vld [tilespmem:$0xBC0]  }
0x46: {  	v29 =	vld [tilespmem:$0xBD0]  }
0x47: {  	s26 =	simm.s32 $0x0;
	v30 =	vld [tilespmem:$0xBE0]  }
0x48: {  	v31 =	vld [tilespmem:$0xBF0];
	[tilespmem:s19], [sflag:$0x1] =	stream.indirect.gather [hbm4b:s5+s18], $0x2B0, s3, s18, $0xb8  }
.LBB2_2:
0x49: {  	s28 =	sshllo.u32 s26, $0x1  }
0x4a: {  	_ =	swait.ge [sflag:s20], $0x8100;
	s0 =	smul.u32 $0xC0, s28  }
0x4b: {  	[sflag:s20] =	ssyncset.done $0x0  }
0x4c: {  	s29 =	simm.s32 $0x0;
	[sflag:s20] =	ssyncadd.s32 $0xFFFF7F00;
	s0 =	sshra.s32 s0, $0x2  }
0x4d: {  	[tilespmem:s21], [sflag:$0x2] =	stream.indirect.gather [hbm4b:s5+s18], $0x2B0, s0, s18, $0xb8;
	[tilespmem:$0x13900] =	vst v63  }
0x4e: {  	v32 =	vld [tilespmem:s29+$0xC00]  }
0x4f: {  	v33 =	vld [tilespmem:s29+$0xEB0]  }
0x50: {  	v34 =	vld [tilespmem:s29+$0x1160]  }
0x51: {  	v36 =	vld [tilespmem:s29+$0x1410];
	_ =	sdelay $0x1  }
0x52: {  	v39 =	vld [tilespmem:s29+$0x16C0]  }
0x53: {  	v35 =	vmul.f32 v32, v0;
	v37 =	vmul.f32 v33, v3  }
0x54: {  	v40 =	vld [tilespmem:s29+$0x1970];
	v38 =	vmul.f32 v32, v1;
	v52 =	vmul.f32 v34, v6  }
0x55: {  	v41 =	vmul.f32 v33, v4;
	v53 =	vmul.f32 v36, v9  }
0x56: {  	v32 =	vmul.f32 v32, v2;
	v54 =	vmul.f32 v34, v7;
	v35 =	vadd.f32 v35, v18  }
0x57: {  	s30 =	simm.s32 $0x10;
	v55 =	vmul.f32 v39, v12;
	v33 =	vmul.f32 v33, v5  }
0x58: {  	v60 =	vld [tilespmem:s30+$0xC00];
	v34 =	vmul.f32 v34, v8;
	v38 =	vadd.f32 v38, v19;
	v35 =	vadd.f32 v37, v35  }
0x59: {  	v63 =	vld [tilespmem:s30+$0xEB0];
	v56 =	vmul.f32 v36, v10;
	v57 =	vmul.f32 v40, v15;
	v32 =	vadd.f32 v32, v20  }
0x5a: {  	v59 =	vmul.f32 v39, v13;
	v38 =	vadd.f32 v41, v38;
	v35 =	vadd.f32 v52, v35  }
0x5b: {  	v61 =	vmul.f32 v36, v11;
	v62 =	vmul.f32 v40, v16;
	v32 =	vadd.f32 v33, v32  }
0x5c: {  	v48 =	vld [tilespmem:s30+$0x1160];
	v46 =	vmul.f32 v39, v14;
	v38 =	vadd.f32 v54, v38;
	v35 =	vadd.f32 v53, v35  }
0x5d: {  	v50 =	vmul.f32 v60, v0;
	v51 =	vmul.f32 v40, v17;
	v32 =	vadd.f32 v34, v32  }
0x5e: {  	v42 =	vmul.f32 v63, v3;
	v58 =	vadd.f32 v56, v38;
	v35 =	vadd.f32 v55, v35  }
0x5f: {  	v45 =	vmul.f32 v60, v2;
	v52 =	vmul.f32 v60, v1;
	v34 =	vld [tilespmem:s30+$0x16C0];
	v32 =	vadd.f32 v61, v32  }
0x60: {  	v54 =	vmul.f32 v63, v4;
	v33 =	vadd.f32 v59, v58;
	v35 =	vadd.f32 v57, v35  }
0x61: {  	v63 =	vmul.f32 v63, v5;
	v53 =	vadd.f32 v52, v19;
	v56 =	vmul.f32 v48, v6  }
0x62: {  	v32 =	vadd.f32 v46, v32;
	v36 =	vadd.f32 v62, v33;
	v33 =	vld [tilespmem:s30+$0x1410];
	v35 =	vmax.f32 v35, $0.0e+00  }
0x63: {  	v47 =	vmul.f32 v35, v22;
	v49 =	vmul.f32 v35, v21;
	v35 =	vadd.f32 v50, v18  }
0x64: {  	v40 =	vadd.f32 v54, v53;
	v46 =	vmul.f32 v48, v7;
	v61 =	vmul.f32 v34, v12  }
0x65: {  	v38 =	vadd.f32 v51, v32;
	v36 =	vmax.f32 v36, $0.0e+00;
	v55 =	vadd.f32 v42, v35  }
0x66: {  	v32 =	vld [tilespmem:s30+$0x1970];
	v40 =	vadd.f32 v46, v40;
	v62 =	vadd.f32 v45, v20;
	v60 =	vmul.f32 v36, v23  }
0x67: {  	v43 =	vadd.f32 v47, v28;
	v58 =	vmul.f32 v33, v9;
	v57 =	vadd.f32 v56, v55  }
0x68: {  	v44 =	vadd.f32 v49, v27;
	v59 =	vmul.f32 v33, v10;
	v47 =	vmul.f32 v36, v24  }
0x69: {  	v35 =	vmul.f32 v48, v8;
	v48 =	vmul.f32 v34, v13;
	v39 =	vadd.f32 v58, v57  }
0x6a: {  	v36 =	vmax.f32 v38, $0.0e+00;
	v40 =	vadd.f32 v59, v40;
	v37 =	vadd.f32 v43, v47  }
0x6b: {  	v42 =	vmul.f32 v32, v15;
	v43 =	vadd.f32 v63, v62;
	v41 =	vadd.f32 v61, v39  }
0x6c: {  	s31 =	simm.s32 $0x0;
	s2 =	simm.s32 $0x10;
	s0 =	simm.s32 $0x80;
	v38 =	vadd.f32 v44, v60;
	v40 =	vadd.f32 v48, v40;
	v39 =	vmul.f32 v36, v25  }
.LBB2_3:
0x6d: {  	s1 =	sshra.s32 s0, $0x2;
	p0 =	sne.s32 s0, $0xA80;
	s0 =	sadd.s32 $0x40, s0;
	v41 =	vadd.f32 v42, v41;
	v42 =	vmul.f32 v32, v16;
	v34 =	vmul.f32 v34, v14  }
0x6e: {  	v33 =	vmul.f32 v33, v11;
	v44 =	vld [tilespmem:s1+$0xC00];
	v35 =	vadd.f32 v35, v43;
	v38 =	vadd.f32 v38, v39  }
0x6f: {  	v36 =	vmul.f32 v36, v26;
	v39 =	vld [tilespmem:s1+$0x1970];
	v41 =	vmax.f32 v41, $0.0e+00;
	v40 =	vadd.f32 v42, v40  }
0x70: {  	v42 =	vld [tilespmem:s1+$0xEB0];
	v33 =	vadd.f32 v33, v35;
	v35 =	vmul.f32 v41, v22;
	v38 =	vmax.f32 v38, $0.0e+00  }
0x71: {  	v36 =	vadd.f32 v37, v36;
	v41 =	vmul.f32 v41, v21;
	v37 =	vmul.f32 v38, v29  }
0x72: {  	v47 =	vmul.f32 v32, v17;
	v38 =	vld [tilespmem:s1+$0x1160];
	v34 =	vadd.f32 v34, v33;
	v43 =	vadd.f32 v35, v28  }
0x73: {  	v36 =	vmax.f32 v36, $0.0e+00;
	v45 =	vadd.f32 v41, v27;
	v35 =	vmul.f32 v44, v0  }
0x74: {  	v36 =	vmul.f32 v36, v30;
	v41 =	vmul.f32 v44, v1;
	v33 =	vld [tilespmem:s1+$0x1410];
	v46 =	vadd.f32 v47, v34;
	v32 =	vmovc v39  }
0x75: {  	v37 =	vadd.f32 v37, v31;
	v35 =	vadd.f32 v35, v18;
	v39 =	vmul.f32 v42, v3  }
0x76: {  	v44 =	vmul.f32 v44, v2;
	v41 =	vadd.f32 v41, v19;
	v47 =	vmul.f32 v42, v4;
	v34 =	vld [tilespmem:s1+$0x16C0]  }
0x77: {  	v36 =	vadd.f32 v37, v36;
	v39 =	vadd.f32 v39, v35;
	v48 =	vmul.f32 v38, v6  }
0x78: {  	v37 =	vadd.f32 v47, v41;
	v41 =	vmul.f32 v38, v7;
	v35 =	vmul.f32 v38, v8  }
0x79: {  	v40 =	vmax.f32 v40, $0.0e+00;
	v38 =	vadd.f32 v48, v39;
	v39 =	vmul.f32 v33, v9;
	[tilespmem:s31+$0x10E00] =	vst v36;
	s31 =	smov.u32 s2;
	s2 =	smov.u32 s1  }
0x7a: {  	v47 =	vmul.f32 v40, v23;
	v36 =	vadd.f32 v41, v37;
	v37 =	vmul.f32 v33, v10  }
.Ltmp2:
0x7b: {  	v48 =	vmul.f32 v40, v24;
	v38 =	vadd.f32 v39, v38;
	v39 =	vmul.f32 v34, v12;
	(pc) =	sbr.rel @p0 .LBB2_3-.Ltmp2, $4  }
0x7c: {  	v37 =	vadd.f32 v37, v36;
	v40 =	vmul.f32 v34, v13;
	v36 =	vmax.f32 v46, $0.0e+00  }
0x7d: {  	v41 =	vadd.f32 v39, v38;
	v38 =	vadd.f32 v44, v20;
	v39 =	vmul.f32 v42, v5  }
0x7e: {  	v42 =	vmul.f32 v32, v15;
	v40 =	vadd.f32 v40, v37;
	v37 =	vadd.f32 v43, v48  }
0x7f: {  	v43 =	vadd.f32 v39, v38;
	v38 =	vadd.f32 v45, v47;
	v39 =	vmul.f32 v36, v25  }
0x80: {  	_ = 	snop  }
0x81: {  	v33 =	vmul.f32 v33, v11;
	v35 =	vadd.f32 v35, v43  }
0x82: {  	v41 =	vadd.f32 v42, v41  }
0x83: {  	v54 =	vmul.f32 v32, v16;
	v34 =	vmul.f32 v34, v14;
	v33 =	vadd.f32 v33, v35  }
0x84: {  	v56 =	vmul.f32 v32, v17  }
0x85: {  	v55 =	vmax.f32 v41, $0.0e+00;
	v40 =	vadd.f32 v54, v40;
	v33 =	vadd.f32 v34, v33  }
0x86: {  	v57 =	vmul.f32 v55, v21  }
0x87: {  	v35 =	vmul.f32 v55, v22;
	v58 =	vmax.f32 v40, $0.0e+00;
	v32 =	vadd.f32 v56, v33  }
0x88: {  	v34 =	vadd.f32 v57, v27;
	v40 =	vmul.f32 v58, v23  }
0x89: {  	v35 =	vadd.f32 v35, v28;
	v32 =	vmax.f32 v32, $0.0e+00  }
0x8a: {  	v33 =	vmul.f32 v58, v24;
	v34 =	vadd.f32 v34, v40;
	v59 =	vmul.f32 v32, v25  }
0x8b: {  	v36 =	vmul.f32 v36, v26;
	v38 =	vadd.f32 v38, v39  }
0x8c: {  	v33 =	vadd.f32 v35, v33;
	v32 =	vmul.f32 v32, v26;
	v34 =	vadd.f32 v34, v59  }
0x8d: {  	v36 =	vadd.f32 v37, v36;
	v60 =	vmax.f32 v38, $0.0e+00  }
0x8e: {  	v35 =	vmul.f32 v60, v29;
	v32 =	vadd.f32 v33, v32;
	v34 =	vmax.f32 v34, $0.0e+00  }
0x8f: {  	v61 =	vmax.f32 v36, $0.0e+00;
	v34 =	vmul.f32 v34, v29  }
0x90: {  	v35 =	vadd.f32 v35, v31;
	v33 =	vmul.f32 v61, v30;
	v32 =	vmax.f32 v32, $0.0e+00  }
0x91: {  	v32 =	vmul.f32 v32, v30;
	v34 =	vadd.f32 v34, v31  }
0x92: {  	v33 =	vadd.f32 v35, v33  }
0x93: {  	v32 =	vadd.f32 v34, v32  }
0x94: {  	[tilespmem:s31+$0x10E00] =	vst v33  }
0x95: {  	[tilespmem:s2+$0x10E00] =	vst v32  }
0x96: {  	v32 =	vld [tilespmem:s29+$0x1C20];
	_ =	sdelay $0x1  }
0x97: {  	v33 =	vld [tilespmem:s29+$0x1ED0];
	_ =	sdelay $0x1  }
0x98: {  	v34 =	vld [tilespmem:s29+$0x2180]  }
0x99: {  	v63 =	vld [tilespmem:s29+$0x2430];
	v62 =	vmul.f32 v32, v0  }
0x9a: {  	v48 =	vld [tilespmem:s29+$0x26E0]  }
0x9b: {  	v50 =	vld [tilespmem:s29+$0x2990];
	v47 =	vmul.f32 v33, v3;
	v35 =	vadd.f32 v62, v18;
	_ =	sdelay $0x1  }
0x9c: {  	v49 =	vmul.f32 v34, v6;
	v51 =	vmul.f32 v32, v1;
	v35 =	vadd.f32 v47, v35  }
0x9d: {  	v52 =	vmul.f32 v63, v9;
	v53 =	vmul.f32 v33, v4  }
0x9e: {  	v54 =	vmul.f32 v48, v12;
	v55 =	vmul.f32 v34, v7;
	v35 =	vadd.f32 v49, v35  }
0x9f: {  	v60 =	vld [tilespmem:s30+$0x1C20];
	v56 =	vmul.f32 v50, v15;
	v32 =	vmul.f32 v32, v2  }
0xa0: {  	v44 =	vld [tilespmem:s30+$0x1ED0];
	v58 =	vmul.f32 v63, v10;
	v33 =	vmul.f32 v33, v5;
	v35 =	vadd.f32 v52, v35  }
0xa1: {  	v61 =	vmul.f32 v48, v13;
	v39 =	vmul.f32 v50, v16;
	v40 =	vadd.f32 v51, v19  }
0xa2: {  	v38 =	vmul.f32 v48, v14;
	v59 =	vadd.f32 v32, v20;
	v35 =	vadd.f32 v54, v35  }
0xa3: {  	v34 =	vmul.f32 v34, v8;
	v63 =	vmul.f32 v63, v11;
	v40 =	vadd.f32 v53, v40  }
0xa4: {  	v46 =	vmul.f32 v60, v0;
	v41 =	vadd.f32 v33, v59;
	v35 =	vadd.f32 v56, v35  }
0xa5: {  	v48 =	vmul.f32 v44, v3;
	v42 =	vmul.f32 v60, v2;
	v57 =	vadd.f32 v55, v40  }
0xa6: {  	v46 =	vadd.f32 v46, v18;
	v41 =	vadd.f32 v34, v41;
	v35 =	vmax.f32 v35, $0.0e+00  }
0xa7: {  	v33 =	vld [tilespmem:s30+$0x2180];
	v37 =	vadd.f32 v58, v57;
	v45 =	vmul.f32 v35, v21;
	v35 =	vmul.f32 v35, v22  }
0xa8: {  	v32 =	vld [tilespmem:s30+$0x2990];
	v42 =	vadd.f32 v42, v20;
	v47 =	vmul.f32 v60, v1;
	v40 =	vadd.f32 v63, v41  }
0xa9: {  	v62 =	vmul.f32 v50, v17;
	v37 =	vadd.f32 v61, v37;
	v34 =	vadd.f32 v35, v28;
	v35 =	vld [tilespmem:s30+$0x2430]  }
0xaa: {  	v46 =	vadd.f32 v48, v46;
	v47 =	vadd.f32 v47, v19;
	v49 =	vmul.f32 v44, v4  }
0xab: {  	v55 =	vmul.f32 v44, v5;
	v38 =	vadd.f32 v38, v40;
	v39 =	vadd.f32 v39, v37;
	v37 =	vld [tilespmem:s30+$0x26E0]  }
0xac: {  	v53 =	vadd.f32 v49, v47;
	v52 =	vmul.f32 v33, v6;
	v54 =	vmul.f32 v33, v7  }
0xad: {  	v36 =	vmul.f32 v32, v15;
	v41 =	vadd.f32 v55, v42;
	v43 =	vadd.f32 v62, v38  }
0xae: {  	v56 =	vadd.f32 v52, v46;
	v58 =	vadd.f32 v54, v53;
	v57 =	vmul.f32 v35, v9  }
0xaf: {  	v39 =	vmax.f32 v39, $0.0e+00;
	v63 =	vmax.f32 v43, $0.0e+00;
	v59 =	vmul.f32 v35, v10  }
0xb0: {  	v62 =	vmul.f32 v39, v23;
	v60 =	vmul.f32 v37, v12;
	v44 =	vadd.f32 v57, v56  }
0xb1: {  	v45 =	vadd.f32 v45, v27;
	v61 =	vmul.f32 v37, v13;
	v40 =	vadd.f32 v59, v58  }
0xb2: {  	v39 =	vmul.f32 v39, v24;
	v43 =	vmul.f32 v63, v25;
	v44 =	vadd.f32 v60, v44  }
0xb3: {  	s0 =	simm.s32 $0x80;
	v42 =	vadd.f32 v45, v62;
	v38 =	vadd.f32 v61, v40;
	v40 =	vmul.f32 v63, v26  }
.LBB2_5:
0xb4: {  	s1 =	sshra.s32 s0, $0x2;
	p0 =	sne.s32 s0, $0xA80;
	s0 =	sadd.s32 $0x40, s0;
	v36 =	vadd.f32 v36, v44;
	v44 =	vmul.f32 v32, v17;
	v34 =	vadd.f32 v34, v39  }
0xb5: {  	v45 =	vmul.f32 v32, v16;
	v46 =	vmul.f32 v37, v14;
	v39 =	vld [tilespmem:s1+$0x1C20];
	v37 =	vadd.f32 v42, v43  }
0xb6: {  	v42 =	vmul.f32 v35, v11;
	v32 =	vld [tilespmem:s1+$0x2990];
	v36 =	vmax.f32 v36, $0.0e+00;
	v34 =	vadd.f32 v34, v40  }
0xb7: {  	v35 =	vmul.f32 v33, v8;
	v40 =	vld [tilespmem:s1+$0x1ED0];
	v43 =	vmul.f32 v36, v21;
	v33 =	vmax.f32 v37, $0.0e+00  }
0xb8: {  	v36 =	vmul.f32 v36, v22;
	v34 =	vmax.f32 v34, $0.0e+00;
	v37 =	vmul.f32 v33, v29  }
0xb9: {  	v41 =	vadd.f32 v35, v41;
	v33 =	vld [tilespmem:s1+$0x2180];
	v43 =	vadd.f32 v43, v27;
	v47 =	vmul.f32 v34, v30  }
0xba: {  	v34 =	vadd.f32 v36, v28;
	v48 =	vmul.f32 v39, v0;
	v49 =	vadd.f32 v37, v31  }
0xbb: {  	v38 =	vadd.f32 v45, v38;
	v50 =	vmul.f32 v39, v1;
	v35 =	vld [tilespmem:s1+$0x2430];
	v36 =	vmul.f32 v32, v15  }
0xbc: {  	v39 =	vmul.f32 v39, v2;
	v45 =	vadd.f32 v48, v18;
	v48 =	vmul.f32 v40, v3  }
0xbd: {  	v50 =	vadd.f32 v50, v19;
	v51 =	vmul.f32 v40, v4;
	v47 =	vadd.f32 v49, v47;
	v37 =	vld [tilespmem:s1+$0x26E0]  }
0xbe: {  	v41 =	vadd.f32 v42, v41;
	v45 =	vadd.f32 v48, v45;
	v48 =	vmul.f32 v33, v6  }
0xbf: {  	v40 =	vmul.f32 v40, v5;
	v42 =	vadd.f32 v51, v50;
	v49 =	vmul.f32 v33, v7;
	[tilespmem:s29+$0x110B0] =	vst v47;
	s29 =	smov.u32 s30;
	s30 =	smov.u32 s1  }
0xc0: {  	v41 =	vadd.f32 v46, v41;
	v45 =	vadd.f32 v48, v45;
	v47 =	vmul.f32 v35, v9  }
0xc1: {  	v38 =	vmax.f32 v38, $0.0e+00;
	v42 =	vadd.f32 v49, v42;
	v46 =	vmul.f32 v35, v10  }
.Ltmp3:
0xc2: {  	v48 =	vadd.f32 v39, v20;
	v45 =	vadd.f32 v47, v45;
	v47 =	vmul.f32 v37, v12;
	(pc) =	sbr.rel @p0 .LBB2_5-.Ltmp3, $4  }
0xc3: {  	v49 =	vadd.f32 v44, v41;
	v42 =	vadd.f32 v46, v42;
	v46 =	vmul.f32 v37, v13  }
0xc4: {  	v39 =	vmul.f32 v38, v24;
	v44 =	vadd.f32 v47, v45;
	v45 =	vmul.f32 v38, v23  }
0xc5: {  	v41 =	vadd.f32 v40, v48;
	v40 =	vmax.f32 v49, $0.0e+00;
	v38 =	vadd.f32 v46, v42  }
0xc6: {  	v42 =	vadd.f32 v43, v45;
	v43 =	vmul.f32 v40, v25;
	v40 =	vmul.f32 v40, v26  }
0xc7: {  	v33 =	vmul.f32 v33, v8;
	_ =	sdelay $0x1  }
0xc8: {  	v35 =	vmul.f32 v35, v11;
	v33 =	vadd.f32 v33, v41  }
0xc9: {  	v36 =	vadd.f32 v36, v44  }
0xca: {  	v59 =	vmul.f32 v32, v16;
	v37 =	vmul.f32 v37, v14;
	v33 =	vadd.f32 v35, v33  }
0xcb: {  	v60 =	vmul.f32 v32, v17  }
0xcc: {  	v61 =	vmax.f32 v36, $0.0e+00;
	v62 =	vadd.f32 v59, v38;
	v33 =	vadd.f32 v37, v33  }
0xcd: {  	v63 =	vmul.f32 v61, v21  }
0xce: {  	v36 =	vmax.f32 v62, $0.0e+00;
	v32 =	vadd.f32 v60, v33  }
0xcf: {  	v35 =	vmul.f32 v61, v22;
	v41 =	vadd.f32 v63, v27;
	v44 =	vmul.f32 v36, v23  }
0xd0: {  	v36 =	vmul.f32 v36, v24;
	v32 =	vmax.f32 v32, $0.0e+00  }
0xd1: {  	v35 =	vadd.f32 v35, v28;
	v33 =	vadd.f32 v41, v44;
	v45 =	vmul.f32 v32, v25  }
0xd2: {  	v34 =	vadd.f32 v34, v39;
	v46 =	vadd.f32 v42, v43  }
0xd3: {  	v35 =	vadd.f32 v35, v36;
	v32 =	vmul.f32 v32, v26;
	v33 =	vadd.f32 v33, v45  }
0xd4: {  	v34 =	vadd.f32 v34, v40;
	v47 =	vmax.f32 v46, $0.0e+00  }
0xd5: {  	v36 =	vmul.f32 v47, v29;
	v32 =	vadd.f32 v35, v32;
	v33 =	vmax.f32 v33, $0.0e+00  }
0xd6: {  	v34 =	vmax.f32 v34, $0.0e+00;
	v33 =	vmul.f32 v33, v29  }
0xd7: {  	v34 =	vmul.f32 v34, v30;
	v48 =	vadd.f32 v36, v31;
	v32 =	vmax.f32 v32, $0.0e+00  }
0xd8: {  	v32 =	vmul.f32 v32, v30;
	v33 =	vadd.f32 v33, v31  }
0xd9: {  	v34 =	vadd.f32 v48, v34  }
0xda: {  	v32 =	vadd.f32 v33, v32  }
0xdb: {  	[tilespmem:s29+$0x110B0] =	vst v34  }
0xdc: {  	s29 =	simm.s32 $0x0;
	[tilespmem:s30+$0x110B0] =	vst v32  }
0xdd: {  	v49 =	vld [tilespmem:s29+$0x2C40]  }
0xde: {  	v50 =	vld [tilespmem:s29+$0x2EF0];
	_ =	sdelay $0x1  }
0xdf: {  	v51 =	vld [tilespmem:s29+$0x31A0];
	_ =	sdelay $0x1  }
0xe0: {  	v32 =	vld [tilespmem:s29+$0x3450];
	v52 =	vmul.f32 v49, v0;
	v53 =	vmul.f32 v49, v1  }
0xe1: {  	v55 =	vmul.f32 v50, v3  }
0xe2: {  	v33 =	vld [tilespmem:s29+$0x3700];
	v56 =	vmul.f32 v50, v4;
	v54 =	vadd.f32 v52, v18;
	v34 =	vadd.f32 v53, v19  }
0xe3: {  	v57 =	vmul.f32 v51, v6  }
0xe4: {  	v58 =	vmul.f32 v51, v7;
	v38 =	vadd.f32 v55, v54;
	v40 =	vadd.f32 v56, v34  }
0xe5: {  	p1 =	por $0x1, $0x1;
	v59 =	vmul.f32 v32, v9;
	v35 =	vmul.f32 v49, v2;
	v34 =	vld [tilespmem:s29+$0x39B0]  }
.Ltmp4:
0xe6: {  	v60 =	vmul.f32 v32, v10;
	v38 =	vadd.f32 v57, v38;
	v40 =	vadd.f32 v58, v40;
	(pc) =	sbr.rel @!p1 .LBB2_7-.Ltmp4, $4  }
0xe7: {  	v61 =	vmul.f32 v33, v12;
	v36 =	vmul.f32 v50, v5;
	v63 =	vadd.f32 v35, v20  }
0xe8: {  	v62 =	vmul.f32 v33, v13;
	v38 =	vadd.f32 v59, v38;
	v40 =	vadd.f32 v60, v40  }
0xe9: {  	v35 =	vmul.f32 v51, v8;
	v43 =	vadd.f32 v36, v63  }
0xea: {  	p0 =	por $0x0, $0x0;
	v42 =	vmul.f32 v34, v15;
	v39 =	vadd.f32 v61, v38;
	v38 =	vadd.f32 v62, v40  }
0xeb: {  	s30 =	simm.s32 $0x10  }
0xec: {  	v36 =	vld [tilespmem:s30+$0x2C40]  }
0xed: {  	v37 =	vadd.f32 v42, v39  }
0xee: {  	v35 =	vadd.f32 v35, v43;
	v32 =	vmul.f32 v32, v11;
	v61 =	vmul.f32 v34, v16;
	v40 =	vld [tilespmem:s30+$0x2EF0]  }
0xef: {  	v33 =	vmul.f32 v33, v14;
	v48 =	vmul.f32 v34, v17;
	v37 =	vmax.f32 v37, $0.0e+00  }
0xf0: {  	v63 =	vld [tilespmem:s30+$0x31A0];
	v32 =	vadd.f32 v32, v35;
	v38 =	vadd.f32 v61, v38;
	v62 =	vmul.f32 v37, v22  }
0xf1: {  	v37 =	vmul.f32 v37, v21;
	v41 =	vmul.f32 v36, v0  }
0xf2: {  	v33 =	vadd.f32 v33, v32;
	v32 =	vld [tilespmem:s30+$0x3450];
	v38 =	vmax.f32 v38, $0.0e+00;
	v49 =	vmul.f32 v36, v1  }
0xf3: {  	v61 =	vmul.f32 v38, v23;
	v51 =	vmul.f32 v40, v3;
	v50 =	vadd.f32 v41, v18  }
0xf4: {  	v52 =	vadd.f32 v48, v33;
	v33 =	vld [tilespmem:s30+$0x3700];
	v54 =	vmul.f32 v40, v4;
	v53 =	vadd.f32 v49, v19  }
0xf5: {  	v43 =	vadd.f32 v62, v28;
	v56 =	vmul.f32 v63, v6;
	v55 =	vadd.f32 v51, v50  }
0xf6: {  	v34 =	vld [tilespmem:s30+$0x39B0];
	v44 =	vadd.f32 v37, v27;
	v46 =	vmul.f32 v63, v7;
	v57 =	vadd.f32 v54, v53  }
0xf7: {  	v45 =	vmul.f32 v36, v2;
	v58 =	vmul.f32 v32, v9;
	v36 =	vadd.f32 v56, v55  }
0xf8: {  	p3 =	por $0x1, $0x1;
	v35 =	vmul.f32 v63, v8;
	v60 =	vmul.f32 v32, v10;
	v59 =	vadd.f32 v46, v57  }
.Ltmp5:
0xf9: {  	v48 =	vmul.f32 v38, v24;
	v47 =	vmul.f32 v33, v12;
	v37 =	vadd.f32 v58, v36;
	(pc) =	sbr.rel @!p3 .LBB2_9-.Ltmp5, $4  }
0xfa: {  	v40 =	vmul.f32 v40, v5;
	v63 =	vmul.f32 v33, v13;
	v62 =	vadd.f32 v60, v59  }
0xfb: {  	v42 =	vmul.f32 v34, v15;
	v45 =	vadd.f32 v45, v20;
	v39 =	vadd.f32 v47, v37  }
0xfc: {  	v36 =	vmax.f32 v52, $0.0e+00;
	v38 =	vadd.f32 v63, v62;
	v37 =	vadd.f32 v43, v48  }
0xfd: {  	s0 =	simm.s32 $0x80;
	p2 =	por $0x1, $0x1;
	s31 =	simm.s32 $0x0;
	v41 =	vmul.f32 v36, v25;
	v43 =	vadd.f32 v40, v45;
	v40 =	vadd.f32 v44, v61  }
.LBB2_10:
0xfe: {  	s1 =	sshra.s32 s0, $0x2;
	p3 =	sne.s32 s0, $0xA80;
	s0 =	sadd.s32 $0x40, s0;
	v39 =	vadd.f32 v42, v39;
	v42 =	vmul.f32 v34, v16;
	v33 =	vmul.f32 v33, v14  }
0xff: {  	v32 =	vmul.f32 v32, v11;
	v44 =	vld [tilespmem:s1+$0x2C40];
	v35 =	vadd.f32 v35, v43;
	v40 =	vadd.f32 v40, v41  }
0x100: {  	v36 =	vmul.f32 v36, v26;
	v41 =	vld [tilespmem:s1+$0x39B0];
	v39 =	vmax.f32 v39, $0.0e+00;
	v38 =	vadd.f32 v42, v38  }
0x101: {  	v42 =	vld [tilespmem:s1+$0x2EF0];
	v32 =	vadd.f32 v32, v35;
	v35 =	vmul.f32 v39, v22;
	v40 =	vmax.f32 v40, $0.0e+00  }
0x102: {  	v36 =	vadd.f32 v37, v36;
	v39 =	vmul.f32 v39, v21;
	v37 =	vmul.f32 v40, v29  }
0x103: {  	v47 =	vmul.f32 v34, v17;
	v40 =	vld [tilespmem:s1+$0x31A0];
	v33 =	vadd.f32 v33, v32;
	v43 =	vadd.f32 v35, v28  }
0x104: {  	v36 =	vmax.f32 v36, $0.0e+00;
	v45 =	vadd.f32 v39, v27;
	v35 =	vmul.f32 v44, v0  }
0x105: {  	v36 =	vmul.f32 v36, v30;
	v39 =	vmul.f32 v44, v1;
	v32 =	vld [tilespmem:s1+$0x3450];
	v46 =	vadd.f32 v47, v33;
	v34 =	vmovc v41  }
0x106: {  	v37 =	vadd.f32 v37, v31;
	v35 =	vadd.f32 v35, v18;
	v41 =	vmul.f32 v42, v3  }
0x107: {  	v44 =	vmul.f32 v44, v2;
	v39 =	vadd.f32 v39, v19;
	v47 =	vmul.f32 v42, v4;
	v33 =	vld [tilespmem:s1+$0x3700]  }
0x108: {  	v36 =	vadd.f32 v37, v36;
	v41 =	vadd.f32 v41, v35;
	v48 =	vmul.f32 v40, v6  }
0x109: {  	v37 =	vadd.f32 v47, v39;
	v39 =	vmul.f32 v40, v7;
	v35 =	vmul.f32 v40, v8  }
0x10a: {  	v38 =	vmax.f32 v38, $0.0e+00;
	v40 =	vadd.f32 v48, v41;
	v41 =	vmul.f32 v32, v9;
	[tilespmem:s31+$0x11360] =	vst v36;
	s31 =	smov.u32 s30;
	s30 =	smov.u32 s1  }
0x10b: {  	v47 =	vmul.f32 v38, v23;
	v36 =	vadd.f32 v39, v37;
	v37 =	vmul.f32 v32, v10  }
.Ltmp6:
0x10c: {  	v39 =	vadd.f32 v41, v40;
	v40 =	vmul.f32 v33, v12;
	v41 =	vmul.f32 v38, v24;
	(pc) =	sbr.rel @p3 .LBB2_10-.Ltmp6, $4  }
0x10d: {  	v37 =	vadd.f32 v37, v36;
	v38 =	vmul.f32 v33, v13;
	v36 =	vmax.f32 v46, $0.0e+00  }
0x10e: {  	v39 =	vadd.f32 v40, v39;
	v40 =	vadd.f32 v44, v20;
	v44 =	vmul.f32 v42, v5  }
0x10f: {  	v42 =	vmul.f32 v34, v15;
	v38 =	vadd.f32 v38, v37;
	v37 =	vadd.f32 v43, v41  }
0x110: {  	v41 =	vmul.f32 v36, v25;
	v43 =	vadd.f32 v44, v40;
	v40 =	vadd.f32 v45, v47  }
.LBB2_11:
0x111: {  	_ = 	snop  }
0x112: {  	v32 =	vmul.f32 v32, v11;
	v35 =	vadd.f32 v35, v43  }
0x113: {  	v39 =	vadd.f32 v42, v39  }
0x114: {  	v63 =	vmul.f32 v34, v16;
	v33 =	vmul.f32 v33, v14;
	v32 =	vadd.f32 v32, v35  }
0x115: {  	v46 =	vmul.f32 v34, v17  }
0x116: {  	v45 =	vmax.f32 v39, $0.0e+00;
	v38 =	vadd.f32 v63, v38;
	v32 =	vadd.f32 v33, v32  }
0x117: {  	v47 =	vmul.f32 v45, v21  }
0x118: {  	v35 =	vmul.f32 v45, v22;
	v48 =	vmax.f32 v38, $0.0e+00;
	v32 =	vadd.f32 v46, v32  }
0x119: {  	v34 =	vadd.f32 v47, v27;
	v38 =	vmul.f32 v48, v23  }
0x11a: {  	v35 =	vadd.f32 v35, v28;
	v32 =	vmax.f32 v32, $0.0e+00  }
0x11b: {  	v33 =	vmul.f32 v48, v24;
	v34 =	vadd.f32 v34, v38;
	v49 =	vmul.f32 v32, v25  }
0x11c: {  	v36 =	vmul.f32 @p2 v36, v26;
	v39 =	vadd.f32 @p2 v40, v41  }
0x11d: {  	v33 =	vadd.f32 v35, v33;
	v32 =	vmul.f32 v32, v26;
	v34 =	vadd.f32 v34, v49  }
0x11e: {  	v36 =	vadd.f32 @p2 v37, v36;
	v35 =	vmax.f32 @p2 v39, $0.0e+00  }
0x11f: {  	v35 =	vmul.f32 @p2 v35, v29;
	v32 =	vadd.f32 v33, v32;
	v34 =	vmax.f32 v34, $0.0e+00  }
0x120: {  	v33 =	vmax.f32 @p2 v36, $0.0e+00;
	v34 =	vmul.f32 v34, v29  }
0x121: {  	v35 =	vadd.f32 @p2 v35, v31;
	v33 =	vmul.f32 @p2 v33, v30;
	v32 =	vmax.f32 v32, $0.0e+00  }
0x122: {  	v32 =	vmul.f32 v32, v30;
	v34 =	vadd.f32 v34, v31  }
0x123: {  	v33 =	vadd.f32 @p2 v35, v33  }
0x124: {  	v32 =	vadd.f32 v34, v32  }
0x125: {  	[tilespmem:s31+$0x11360] =	vst @p2 v33  }
0x126: {  	[tilespmem:s30+$0x11360] =	vst v32  }
0x127: {  	v50 =	vld [tilespmem:s29+$0x3C60]  }
0x128: {  	v51 =	vld [tilespmem:s29+$0x3F10];
	_ =	sdelay $0x1  }
0x129: {  	v33 =	vld [tilespmem:s29+$0x41C0];
	_ =	sdelay $0x1  }
0x12a: {  	v34 =	vld [tilespmem:s29+$0x4470];
	v52 =	vmul.f32 v50, v0;
	v53 =	vmul.f32 v50, v1  }
0x12b: {  	v54 =	vmul.f32 v51, v3  }
0x12c: {  	v35 =	vld [tilespmem:s29+$0x4720];
	v55 =	vmul.f32 v51, v4;
	v32 =	vadd.f32 v52, v18;
	v38 =	vadd.f32 v53, v19  }
0x12d: {  	v56 =	vmul.f32 v33, v6  }
0x12e: {  	v57 =	vmul.f32 v33, v7;
	v39 =	vadd.f32 v54, v32;
	v38 =	vadd.f32 v55, v38  }
0x12f: {  	v58 =	vmul.f32 v34, v9;
	v36 =	vmul.f32 v50, v2;
	v32 =	vld [tilespmem:s29+$0x49D0]  }
.Ltmp7:
0x130: {  	v59 =	vmul.f32 v34, v10;
	v39 =	vadd.f32 v56, v39;
	v38 =	vadd.f32 v57, v38;
	(pc) =	sbr.rel @!p1 .LBB2_12-.Ltmp7, $4  }
0x131: {  	v60 =	vmul.f32 v51, v5;
	v62 =	vmul.f32 v35, v12;
	v36 =	vadd.f32 v36, v20  }
0x132: {  	v63 =	vmul.f32 v35, v13;
	v61 =	vadd.f32 v58, v39;
	v38 =	vadd.f32 v59, v38  }
0x133: {  	v39 =	vadd.f32 v60, v36  }
0x134: {  	v37 =	vmul.f32 v32, v15;
	v42 =	vadd.f32 v62, v61;
	v38 =	vadd.f32 v63, v38  }
0x135: {  	s30 =	simm.s32 $0x10  }
0x136: {  	v62 =	vmul.f32 v32, v16;
	v41 =	vld [tilespmem:s30+$0x3C60]  }
0x137: {  	v40 =	vmul.f32 v32, v17;
	v48 =	vmul.f32 v33, v8;
	v36 =	vadd.f32 v37, v42;
	v32 =	vld [tilespmem:s30+$0x49D0]  }
0x138: {  	v43 =	vmul.f32 v35, v14;
	v44 =	vld [tilespmem:s30+$0x3F10];
	v38 =	vadd.f32 v62, v38  }
0x139: {  	v45 =	vmul.f32 v34, v11;
	v39 =	vadd.f32 v48, v39;
	v63 =	vmax.f32 v36, $0.0e+00  }
0x13a: {  	v33 =	vld [tilespmem:s30+$0x41C0];
	v49 =	vmul.f32 v63, v21;
	v50 =	vmul.f32 v63, v22;
	v38 =	vmax.f32 v38, $0.0e+00  }
0x13b: {  	v39 =	vadd.f32 v45, v39;
	v62 =	vmul.f32 v38, v23;
	v51 =	vmul.f32 v41, v0  }
0x13c: {  	v34 =	vld [tilespmem:s30+$0x4470];
	v46 =	vadd.f32 v49, v27;
	v36 =	vadd.f32 v50, v28;
	v47 =	vmul.f32 v41, v1  }
0x13d: {  	v35 =	vld [tilespmem:s30+$0x4720];
	v37 =	vmul.f32 v32, v15;
	v48 =	vmul.f32 v44, v3;
	v52 =	vadd.f32 v51, v18  }
0x13e: {  	v41 =	vmul.f32 v41, v2;
	v49 =	vmul.f32 v44, v4;
	v47 =	vadd.f32 v47, v19  }
0x13f: {  	v53 =	vmul.f32 v33, v6;
	v55 =	vmul.f32 v33, v7;
	v42 =	vadd.f32 v48, v52  }
0x140: {  	v44 =	vmul.f32 v44, v5;
	v39 =	vadd.f32 v43, v39;
	v54 =	vadd.f32 v49, v47  }
0x141: {  	p1 =	por $0x1, $0x1;
	v56 =	vmul.f32 v34, v9;
	v58 =	vmul.f32 v34, v10;
	v42 =	vadd.f32 v53, v42  }
.Ltmp8:
0x142: {  	v59 =	vmul.f32 v35, v12;
	v61 =	vadd.f32 v40, v39;
	v57 =	vadd.f32 v55, v54;
	(pc) =	sbr.rel @!p1 .LBB2_14-.Ltmp8, $4  }
0x143: {  	v60 =	vmul.f32 v35, v13;
	v41 =	vadd.f32 v41, v20;
	v42 =	vadd.f32 v56, v42  }
0x144: {  	v40 =	vmul.f32 v38, v24;
	v63 =	vmax.f32 v61, $0.0e+00;
	v43 =	vadd.f32 v58, v57  }
0x145: {  	v39 =	vadd.f32 v44, v41;
	v44 =	vmul.f32 v63, v25;
	v42 =	vadd.f32 v59, v42  }
0x146: {  	s0 =	simm.s32 $0x80;
	p0 =	por $0x1, $0x1;
	v41 =	vmul.f32 v63, v26;
	v38 =	vadd.f32 v60, v43;
	v43 =	vadd.f32 v46, v62  }
.LBB2_15:
0x147: {  	s1 =	sshra.s32 s0, $0x2;
	p1 =	sne.s32 s0, $0xA80;
	s0 =	sadd.s32 $0x40, s0;
	v37 =	vadd.f32 v37, v42;
	v42 =	vmul.f32 v32, v17;
	v36 =	vadd.f32 v36, v40  }
0x148: {  	v45 =	vmul.f32 v32, v16;
	v46 =	vmul.f32 v35, v14;
	v40 =	vld [tilespmem:s1+$0x3C60];
	v35 =	vadd.f32 v43, v44  }
0x149: {  	v43 =	vmul.f32 v34, v11;
	v32 =	vld [tilespmem:s1+$0x49D0];
	v37 =	vmax.f32 v37, $0.0e+00;
	v34 =	vadd.f32 v36, v41  }
0x14a: {  	v36 =	vmul.f32 v33, v8;
	v41 =	vld [tilespmem:s1+$0x3F10];
	v44 =	vmul.f32 v37, v21;
	v33 =	vmax.f32 v35, $0.0e+00  }
0x14b: {  	v35 =	vmul.f32 v37, v22;
	v34 =	vmax.f32 v34, $0.0e+00;
	v37 =	vmul.f32 v33, v29  }
0x14c: {  	v39 =	vadd.f32 v36, v39;
	v33 =	vld [tilespmem:s1+$0x41C0];
	v44 =	vadd.f32 v44, v27;
	v47 =	vmul.f32 v34, v30  }
0x14d: {  	v36 =	vadd.f32 v35, v28;
	v48 =	vmul.f32 v40, v0;
	v49 =	vadd.f32 v37, v31  }
0x14e: {  	v38 =	vadd.f32 v45, v38;
	v50 =	vmul.f32 v40, v1;
	v34 =	vld [tilespmem:s1+$0x4470];
	v37 =	vmul.f32 v32, v15  }
0x14f: {  	v40 =	vmul.f32 v40, v2;
	v45 =	vadd.f32 v48, v18;
	v48 =	vmul.f32 v41, v3  }
0x150: {  	v50 =	vadd.f32 v50, v19;
	v51 =	vmul.f32 v41, v4;
	v47 =	vadd.f32 v49, v47;
	v35 =	vld [tilespmem:s1+$0x4720]  }
0x151: {  	v39 =	vadd.f32 v43, v39;
	v45 =	vadd.f32 v48, v45;
	v48 =	vmul.f32 v33, v6  }
0x152: {  	v41 =	vmul.f32 v41, v5;
	v43 =	vadd.f32 v51, v50;
	v49 =	vmul.f32 v33, v7;
	[tilespmem:s29+$0x11610] =	vst v47;
	s29 =	smov.u32 s30;
	s30 =	smov.u32 s1  }
0x153: {  	v39 =	vadd.f32 v46, v39;
	v45 =	vadd.f32 v48, v45;
	v47 =	vmul.f32 v34, v9  }
0x154: {  	v38 =	vmax.f32 v38, $0.0e+00;
	v43 =	vadd.f32 v49, v43;
	v46 =	vmul.f32 v34, v10  }
.Ltmp9:
0x155: {  	v48 =	vadd.f32 v40, v20;
	v45 =	vadd.f32 v47, v45;
	v47 =	vmul.f32 v35, v12;
	(pc) =	sbr.rel @p1 .LBB2_15-.Ltmp9, $4  }
0x156: {  	v49 =	vadd.f32 v42, v39;
	v43 =	vadd.f32 v46, v43;
	v46 =	vmul.f32 v35, v13  }
0x157: {  	v40 =	vmul.f32 v38, v24;
	v42 =	vadd.f32 v47, v45;
	v45 =	vmul.f32 v38, v23  }
0x158: {  	v39 =	vadd.f32 v41, v48;
	v41 =	vmax.f32 v49, $0.0e+00;
	v38 =	vadd.f32 v46, v43  }
0x159: {  	v43 =	vadd.f32 v44, v45;
	v44 =	vmul.f32 v41, v25;
	v41 =	vmul.f32 v41, v26  }
0x15a: {  	s0 =	smov.u32 s29;
	s29 =	smov.u32 s30  }
.LBB2_17:
0x15b: {  	v33 =	vmul.f32 v33, v8;
	_ =	sdelay $0x1  }
0x15c: {  	v34 =	vmul.f32 v34, v11;
	v33 =	vadd.f32 v33, v39  }
0x15d: {  	v37 =	vadd.f32 v37, v42  }
0x15e: {  	v61 =	vmul.f32 v32, v16;
	v35 =	vmul.f32 v35, v14;
	v33 =	vadd.f32 v34, v33  }
0x15f: {  	v62 =	vmul.f32 v32, v17  }
0x160: {  	v63 =	vmax.f32 v37, $0.0e+00;
	v42 =	vadd.f32 v61, v38;
	v33 =	vadd.f32 v35, v33  }
0x161: {  	v45 =	vmul.f32 v63, v21  }
0x162: {  	v37 =	vmax.f32 v42, $0.0e+00;
	v32 =	vadd.f32 v62, v33  }
0x163: {  	v34 =	vmul.f32 v63, v22;
	v46 =	vadd.f32 v45, v27;
	v47 =	vmul.f32 v37, v23  }
0x164: {  	v37 =	vmul.f32 v37, v24;
	v32 =	vmax.f32 v32, $0.0e+00  }
0x165: {  	v34 =	vadd.f32 v34, v28;
	v33 =	vadd.f32 v46, v47;
	v48 =	vmul.f32 v32, v25  }
0x166: {  	v36 =	vadd.f32 @p0 v36, v40;
	v38 =	vadd.f32 @p0 v43, v44  }
0x167: {  	v34 =	vadd.f32 v34, v37;
	v32 =	vmul.f32 v32, v26;
	v33 =	vadd.f32 v33, v48  }
0x168: {  	v35 =	vadd.f32 @p0 v36, v41;
	v36 =	vmax.f32 @p0 v38, $0.0e+00  }
0x169: {  	v36 =	vmul.f32 @p0 v36, v29;
	v32 =	vadd.f32 v34, v32;
	v33 =	vmax.f32 v33, $0.0e+00  }
0x16a: {  	v34 =	vmax.f32 @p0 v35, $0.0e+00;
	v33 =	vmul.f32 v33, v29  }
0x16b: {  	v35 =	vadd.f32 @p0 v36, v31;
	v34 =	vmul.f32 @p0 v34, v30;
	v32 =	vmax.f32 v32, $0.0e+00  }
0x16c: {  	v32 =	vmul.f32 v32, v30;
	v33 =	vadd.f32 v33, v31  }
0x16d: {  	v34 =	vadd.f32 @p0 v35, v34  }
0x16e: {  	v32 =	vadd.f32 v33, v32  }
0x16f: {  	[tilespmem:s0+$0x11610] =	vst @p0 v34  }
0x170: {  	[tilespmem:s29+$0x11610] =	vst v32;
	s29 =	simm.s32 $0x0  }
0x171: {  	v49 =	vld [tilespmem:s29+$0x4C80]  }
0x172: {  	v50 =	vld [tilespmem:s29+$0x4F30];
	_ =	sdelay $0x1  }
0x173: {  	v51 =	vld [tilespmem:s29+$0x51E0];
	_ =	sdelay $0x1  }
0x174: {  	v32 =	vld [tilespmem:s29+$0x5490];
	v52 =	vmul.f32 v49, v0;
	v53 =	vmul.f32 v49, v1  }
0x175: {  	v55 =	vmul.f32 v50, v3  }
0x176: {  	v33 =	vld [tilespmem:s29+$0x5740];
	v56 =	vmul.f32 v50, v4;
	v54 =	vadd.f32 v52, v18;
	v34 =	vadd.f32 v53, v19  }
0x177: {  	v57 =	vmul.f32 v51, v6  }
0x178: {  	v58 =	vmul.f32 v51, v7;
	v38 =	vadd.f32 v55, v54;
	v40 =	vadd.f32 v56, v34  }
0x179: {  	p1 =	por $0x1, $0x1;
	v59 =	vmul.f32 v32, v9;
	v35 =	vmul.f32 v49, v2;
	v34 =	vld [tilespmem:s29+$0x59F0]  }
.Ltmp10:
0x17a: {  	v60 =	vmul.f32 v32, v10;
	v38 =	vadd.f32 v57, v38;
	v40 =	vadd.f32 v58, v40;
	(pc) =	sbr.rel @!p1 .LBB2_18-.Ltmp10, $4  }
0x17b: {  	v61 =	vmul.f32 v33, v12;
	v36 =	vmul.f32 v50, v5;
	v63 =	vadd.f32 v35, v20  }
0x17c: {  	v62 =	vmul.f32 v33, v13;
	v38 =	vadd.f32 v59, v38;
	v40 =	vadd.f32 v60, v40  }
0x17d: {  	v35 =	vmul.f32 v51, v8;
	v43 =	vadd.f32 v36, v63  }
0x17e: {  	p0 =	por $0x0, $0x0;
	v42 =	vmul.f32 v34, v15;
	v39 =	vadd.f32 v61, v38;
	v38 =	vadd.f32 v62, v40  }
0x17f: {  	s30 =	simm.s32 $0x10  }
0x180: {  	v36 =	vld [tilespmem:s30+$0x4C80]  }
0x181: {  	v37 =	vadd.f32 v42, v39  }
0x182: {  	v35 =	vadd.f32 v35, v43;
	v32 =	vmul.f32 v32, v11;
	v61 =	vmul.f32 v34, v16;
	v40 =	vld [tilespmem:s30+$0x4F30]  }
0x183: {  	v33 =	vmul.f32 v33, v14;
	v48 =	vmul.f32 v34, v17;
	v37 =	vmax.f32 v37, $0.0e+00  }
0x184: {  	v63 =	vld [tilespmem:s30+$0x51E0];
	v32 =	vadd.f32 v32, v35;
	v38 =	vadd.f32 v61, v38;
	v62 =	vmul.f32 v37, v22  }
0x185: {  	v37 =	vmul.f32 v37, v21;
	v41 =	vmul.f32 v36, v0  }
0x186: {  	v33 =	vadd.f32 v33, v32;
	v32 =	vld [tilespmem:s30+$0x5490];
	v38 =	vmax.f32 v38, $0.0e+00;
	v49 =	vmul.f32 v36, v1  }
0x187: {  	v61 =	vmul.f32 v38, v23;
	v51 =	vmul.f32 v40, v3;
	v50 =	vadd.f32 v41, v18  }
0x188: {  	v52 =	vadd.f32 v48, v33;
	v33 =	vld [tilespmem:s30+$0x5740];
	v54 =	vmul.f32 v40, v4;
	v53 =	vadd.f32 v49, v19  }
0x189: {  	v43 =	vadd.f32 v62, v28;
	v56 =	vmul.f32 v63, v6;
	v55 =	vadd.f32 v51, v50  }
0x18a: {  	v34 =	vld [tilespmem:s30+$0x59F0];
	v44 =	vadd.f32 v37, v27;
	v46 =	vmul.f32 v63, v7;
	v57 =	vadd.f32 v54, v53  }
0x18b: {  	v45 =	vmul.f32 v36, v2;
	v58 =	vmul.f32 v32, v9;
	v36 =	vadd.f32 v56, v55  }
0x18c: {  	p3 =	por $0x1, $0x1;
	v35 =	vmul.f32 v63, v8;
	v60 =	vmul.f32 v32, v10;
	v59 =	vadd.f32 v46, v57  }
.Ltmp11:
0x18d: {  	v48 =	vmul.f32 v38, v24;
	v47 =	vmul.f32 v33, v12;
	v37 =	vadd.f32 v58, v36;
	(pc) =	sbr.rel @!p3 .LBB2_20-.Ltmp11, $4  }
0x18e: {  	v40 =	vmul.f32 v40, v5;
	v63 =	vmul.f32 v33, v13;
	v62 =	vadd.f32 v60, v59  }
0x18f: {  	v42 =	vmul.f32 v34, v15;
	v45 =	vadd.f32 v45, v20;
	v39 =	vadd.f32 v47, v37  }
0x190: {  	v36 =	vmax.f32 v52, $0.0e+00;
	v38 =	vadd.f32 v63, v62;
	v37 =	vadd.f32 v43, v48  }
0x191: {  	s0 =	simm.s32 $0x80;
	p2 =	por $0x1, $0x1;
	s31 =	simm.s32 $0x0;
	v41 =	vmul.f32 v36, v25;
	v43 =	vadd.f32 v40, v45;
	v40 =	vadd.f32 v44, v61  }
.LBB2_21:
0x192: {  	s1 =	sshra.s32 s0, $0x2;
	p3 =	sne.s32 s0, $0xA80;
	s0 =	sadd.s32 $0x40, s0;
	v39 =	vadd.f32 v42, v39;
	v42 =	vmul.f32 v34, v16;
	v33 =	vmul.f32 v33, v14  }
0x193: {  	v32 =	vmul.f32 v32, v11;
	v44 =	vld [tilespmem:s1+$0x4C80];
	v35 =	vadd.f32 v35, v43;
	v40 =	vadd.f32 v40, v41  }
0x194: {  	v36 =	vmul.f32 v36, v26;
	v41 =	vld [tilespmem:s1+$0x59F0];
	v39 =	vmax.f32 v39, $0.0e+00;
	v38 =	vadd.f32 v42, v38  }
0x195: {  	v42 =	vld [tilespmem:s1+$0x4F30];
	v32 =	vadd.f32 v32, v35;
	v35 =	vmul.f32 v39, v22;
	v40 =	vmax.f32 v40, $0.0e+00  }
0x196: {  	v36 =	vadd.f32 v37, v36;
	v39 =	vmul.f32 v39, v21;
	v37 =	vmul.f32 v40, v29  }
0x197: {  	v47 =	vmul.f32 v34, v17;
	v40 =	vld [tilespmem:s1+$0x51E0];
	v33 =	vadd.f32 v33, v32;
	v43 =	vadd.f32 v35, v28  }
0x198: {  	v36 =	vmax.f32 v36, $0.0e+00;
	v45 =	vadd.f32 v39, v27;
	v35 =	vmul.f32 v44, v0  }
0x199: {  	v36 =	vmul.f32 v36, v30;
	v39 =	vmul.f32 v44, v1;
	v32 =	vld [tilespmem:s1+$0x5490];
	v46 =	vadd.f32 v47, v33;
	v34 =	vmovc v41  }
0x19a: {  	v37 =	vadd.f32 v37, v31;
	v35 =	vadd.f32 v35, v18;
	v41 =	vmul.f32 v42, v3  }
0x19b: {  	v44 =	vmul.f32 v44, v2;
	v39 =	vadd.f32 v39, v19;
	v47 =	vmul.f32 v42, v4;
	v33 =	vld [tilespmem:s1+$0x5740]  }
0x19c: {  	v36 =	vadd.f32 v37, v36;
	v41 =	vadd.f32 v41, v35;
	v48 =	vmul.f32 v40, v6  }
0x19d: {  	v37 =	vadd.f32 v47, v39;
	v39 =	vmul.f32 v40, v7;
	v35 =	vmul.f32 v40, v8  }
0x19e: {  	v38 =	vmax.f32 v38, $0.0e+00;
	v40 =	vadd.f32 v48, v41;
	v41 =	vmul.f32 v32, v9;
	[tilespmem:s31+$0x118C0] =	vst v36;
	s31 =	smov.u32 s30;
	s30 =	smov.u32 s1  }
0x19f: {  	v47 =	vmul.f32 v38, v23;
	v36 =	vadd.f32 v39, v37;
	v37 =	vmul.f32 v32, v10  }
.Ltmp12:
0x1a0: {  	v39 =	vadd.f32 v41, v40;
	v40 =	vmul.f32 v33, v12;
	v41 =	vmul.f32 v38, v24;
	(pc) =	sbr.rel @p3 .LBB2_21-.Ltmp12, $4  }
0x1a1: {  	v37 =	vadd.f32 v37, v36;
	v38 =	vmul.f32 v33, v13;
	v36 =	vmax.f32 v46, $0.0e+00  }
0x1a2: {  	v39 =	vadd.f32 v40, v39;
	v40 =	vadd.f32 v44, v20;
	v44 =	vmul.f32 v42, v5  }
0x1a3: {  	v42 =	vmul.f32 v34, v15;
	v38 =	vadd.f32 v38, v37;
	v37 =	vadd.f32 v43, v41  }
0x1a4: {  	v41 =	vmul.f32 v36, v25;
	v43 =	vadd.f32 v44, v40;
	v40 =	vadd.f32 v45, v47  }
.LBB2_22:
0x1a5: {  	_ = 	snop  }
0x1a6: {  	v32 =	vmul.f32 v32, v11;
	v35 =	vadd.f32 v35, v43  }
0x1a7: {  	v39 =	vadd.f32 v42, v39  }
0x1a8: {  	v63 =	vmul.f32 v34, v16;
	v33 =	vmul.f32 v33, v14;
	v32 =	vadd.f32 v32, v35  }
0x1a9: {  	v46 =	vmul.f32 v34, v17  }
0x1aa: {  	v45 =	vmax.f32 v39, $0.0e+00;
	v38 =	vadd.f32 v63, v38;
	v32 =	vadd.f32 v33, v32  }
0x1ab: {  	v47 =	vmul.f32 v45, v21  }
0x1ac: {  	v35 =	vmul.f32 v45, v22;
	v48 =	vmax.f32 v38, $0.0e+00;
	v32 =	vadd.f32 v46, v32  }
0x1ad: {  	v34 =	vadd.f32 v47, v27;
	v38 =	vmul.f32 v48, v23  }
0x1ae: {  	v35 =	vadd.f32 v35, v28;
	v32 =	vmax.f32 v32, $0.0e+00  }
0x1af: {  	v33 =	vmul.f32 v48, v24;
	v34 =	vadd.f32 v34, v38;
	v49 =	vmul.f32 v32, v25  }
0x1b0: {  	v36 =	vmul.f32 @p2 v36, v26;
	v39 =	vadd.f32 @p2 v40, v41  }
0x1b1: {  	v33 =	vadd.f32 v35, v33;
	v32 =	vmul.f32 v32, v26;
	v34 =	vadd.f32 v34, v49  }
0x1b2: {  	v36 =	vadd.f32 @p2 v37, v36;
	v35 =	vmax.f32 @p2 v39, $0.0e+00  }
0x1b3: {  	v35 =	vmul.f32 @p2 v35, v29;
	v32 =	vadd.f32 v33, v32;
	v34 =	vmax.f32 v34, $0.0e+00  }
0x1b4: {  	v33 =	vmax.f32 @p2 v36, $0.0e+00;
	v34 =	vmul.f32 v34, v29  }
0x1b5: {  	v35 =	vadd.f32 @p2 v35, v31;
	v33 =	vmul.f32 @p2 v33, v30;
	v32 =	vmax.f32 v32, $0.0e+00  }
0x1b6: {  	v32 =	vmul.f32 v32, v30;
	v34 =	vadd.f32 v34, v31  }
0x1b7: {  	v33 =	vadd.f32 @p2 v35, v33  }
0x1b8: {  	v32 =	vadd.f32 v34, v32  }
0x1b9: {  	[tilespmem:s31+$0x118C0] =	vst @p2 v33  }
0x1ba: {  	[tilespmem:s30+$0x118C0] =	vst v32  }
0x1bb: {  	v50 =	vld [tilespmem:s29+$0x5CA0]  }
0x1bc: {  	v51 =	vld [tilespmem:s29+$0x5F50];
	_ =	sdelay $0x1  }
0x1bd: {  	v33 =	vld [tilespmem:s29+$0x6200];
	_ =	sdelay $0x1  }
0x1be: {  	v34 =	vld [tilespmem:s29+$0x64B0];
	v52 =	vmul.f32 v50, v0;
	v53 =	vmul.f32 v50, v1  }
0x1bf: {  	v54 =	vmul.f32 v51, v3  }
0x1c0: {  	v35 =	vld [tilespmem:s29+$0x6760];
	v55 =	vmul.f32 v51, v4;
	v32 =	vadd.f32 v52, v18;
	v38 =	vadd.f32 v53, v19  }
0x1c1: {  	v56 =	vmul.f32 v33, v6  }
0x1c2: {  	v57 =	vmul.f32 v33, v7;
	v39 =	vadd.f32 v54, v32;
	v38 =	vadd.f32 v55, v38  }
0x1c3: {  	v58 =	vmul.f32 v34, v9;
	v36 =	vmul.f32 v50, v2;
	v32 =	vld [tilespmem:s29+$0x6A10]  }
.Ltmp13:
0x1c4: {  	v59 =	vmul.f32 v34, v10;
	v39 =	vadd.f32 v56, v39;
	v38 =	vadd.f32 v57, v38;
	(pc) =	sbr.rel @!p1 .LBB2_23-.Ltmp13, $4  }
0x1c5: {  	v60 =	vmul.f32 v51, v5;
	v62 =	vmul.f32 v35, v12;
	v36 =	vadd.f32 v36, v20  }
0x1c6: {  	v63 =	vmul.f32 v35, v13;
	v61 =	vadd.f32 v58, v39;
	v38 =	vadd.f32 v59, v38  }
0x1c7: {  	v39 =	vadd.f32 v60, v36  }
0x1c8: {  	v37 =	vmul.f32 v32, v15;
	v42 =	vadd.f32 v62, v61;
	v38 =	vadd.f32 v63, v38  }
0x1c9: {  	s30 =	simm.s32 $0x10  }
0x1ca: {  	v62 =	vmul.f32 v32, v16;
	v41 =	vld [tilespmem:s30+$0x5CA0]  }
0x1cb: {  	v40 =	vmul.f32 v32, v17;
	v48 =	vmul.f32 v33, v8;
	v36 =	vadd.f32 v37, v42;
	v32 =	vld [tilespmem:s30+$0x6A10]  }
0x1cc: {  	v43 =	vmul.f32 v35, v14;
	v44 =	vld [tilespmem:s30+$0x5F50];
	v38 =	vadd.f32 v62, v38  }
0x1cd: {  	v45 =	vmul.f32 v34, v11;
	v39 =	vadd.f32 v48, v39;
	v63 =	vmax.f32 v36, $0.0e+00  }
0x1ce: {  	v33 =	vld [tilespmem:s30+$0x6200];
	v49 =	vmul.f32 v63, v21;
	v50 =	vmul.f32 v63, v22;
	v38 =	vmax.f32 v38, $0.0e+00  }
0x1cf: {  	v39 =	vadd.f32 v45, v39;
	v62 =	vmul.f32 v38, v23;
	v51 =	vmul.f32 v41, v0  }
0x1d0: {  	v34 =	vld [tilespmem:s30+$0x64B0];
	v46 =	vadd.f32 v49, v27;
	v36 =	vadd.f32 v50, v28;
	v47 =	vmul.f32 v41, v1  }
0x1d1: {  	v35 =	vld [tilespmem:s30+$0x6760];
	v37 =	vmul.f32 v32, v15;
	v48 =	vmul.f32 v44, v3;
	v52 =	vadd.f32 v51, v18  }
0x1d2: {  	v41 =	vmul.f32 v41, v2;
	v49 =	vmul.f32 v44, v4;
	v47 =	vadd.f32 v47, v19  }
0x1d3: {  	v53 =	vmul.f32 v33, v6;
	v55 =	vmul.f32 v33, v7;
	v42 =	vadd.f32 v48, v52  }
0x1d4: {  	v44 =	vmul.f32 v44, v5;
	v39 =	vadd.f32 v43, v39;
	v54 =	vadd.f32 v49, v47  }
0x1d5: {  	p1 =	por $0x1, $0x1;
	v56 =	vmul.f32 v34, v9;
	v58 =	vmul.f32 v34, v10;
	v42 =	vadd.f32 v53, v42  }
.Ltmp14:
0x1d6: {  	v59 =	vmul.f32 v35, v12;
	v61 =	vadd.f32 v40, v39;
	v57 =	vadd.f32 v55, v54;
	(pc) =	sbr.rel @!p1 .LBB2_25-.Ltmp14, $4  }
0x1d7: {  	v60 =	vmul.f32 v35, v13;
	v41 =	vadd.f32 v41, v20;
	v42 =	vadd.f32 v56, v42  }
0x1d8: {  	v40 =	vmul.f32 v38, v24;
	v63 =	vmax.f32 v61, $0.0e+00;
	v43 =	vadd.f32 v58, v57  }
0x1d9: {  	v39 =	vadd.f32 v44, v41;
	v44 =	vmul.f32 v63, v25;
	v42 =	vadd.f32 v59, v42  }
0x1da: {  	s0 =	simm.s32 $0x80;
	p0 =	por $0x1, $0x1;
	v41 =	vmul.f32 v63, v26;
	v38 =	vadd.f32 v60, v43;
	v43 =	vadd.f32 v46, v62  }
.LBB2_26:
0x1db: {  	s1 =	sshra.s32 s0, $0x2;
	p1 =	sne.s32 s0, $0xA80;
	s0 =	sadd.s32 $0x40, s0;
	v37 =	vadd.f32 v37, v42;
	v42 =	vmul.f32 v32, v17;
	v36 =	vadd.f32 v36, v40  }
0x1dc: {  	v45 =	vmul.f32 v32, v16;
	v46 =	vmul.f32 v35, v14;
	v40 =	vld [tilespmem:s1+$0x5CA0];
	v35 =	vadd.f32 v43, v44  }
0x1dd: {  	v43 =	vmul.f32 v34, v11;
	v32 =	vld [tilespmem:s1+$0x6A10];
	v37 =	vmax.f32 v37, $0.0e+00;
	v34 =	vadd.f32 v36, v41  }
0x1de: {  	v36 =	vmul.f32 v33, v8;
	v41 =	vld [tilespmem:s1+$0x5F50];
	v44 =	vmul.f32 v37, v21;
	v33 =	vmax.f32 v35, $0.0e+00  }
0x1df: {  	v35 =	vmul.f32 v37, v22;
	v34 =	vmax.f32 v34, $0.0e+00;
	v37 =	vmul.f32 v33, v29  }
0x1e0: {  	v39 =	vadd.f32 v36, v39;
	v33 =	vld [tilespmem:s1+$0x6200];
	v44 =	vadd.f32 v44, v27;
	v47 =	vmul.f32 v34, v30  }
0x1e1: {  	v36 =	vadd.f32 v35, v28;
	v48 =	vmul.f32 v40, v0;
	v49 =	vadd.f32 v37, v31  }
0x1e2: {  	v38 =	vadd.f32 v45, v38;
	v50 =	vmul.f32 v40, v1;
	v34 =	vld [tilespmem:s1+$0x64B0];
	v37 =	vmul.f32 v32, v15  }
0x1e3: {  	v40 =	vmul.f32 v40, v2;
	v45 =	vadd.f32 v48, v18;
	v48 =	vmul.f32 v41, v3  }
0x1e4: {  	v50 =	vadd.f32 v50, v19;
	v51 =	vmul.f32 v41, v4;
	v47 =	vadd.f32 v49, v47;
	v35 =	vld [tilespmem:s1+$0x6760]  }
0x1e5: {  	v39 =	vadd.f32 v43, v39;
	v45 =	vadd.f32 v48, v45;
	v48 =	vmul.f32 v33, v6  }
0x1e6: {  	v41 =	vmul.f32 v41, v5;
	v43 =	vadd.f32 v51, v50;
	v49 =	vmul.f32 v33, v7;
	[tilespmem:s29+$0x11B70] =	vst v47;
	s29 =	smov.u32 s30;
	s30 =	smov.u32 s1  }
0x1e7: {  	v39 =	vadd.f32 v46, v39;
	v45 =	vadd.f32 v48, v45;
	v47 =	vmul.f32 v34, v9  }
0x1e8: {  	v38 =	vmax.f32 v38, $0.0e+00;
	v43 =	vadd.f32 v49, v43;
	v46 =	vmul.f32 v34, v10  }
.Ltmp15:
0x1e9: {  	v48 =	vadd.f32 v40, v20;
	v45 =	vadd.f32 v47, v45;
	v47 =	vmul.f32 v35, v12;
	(pc) =	sbr.rel @p1 .LBB2_26-.Ltmp15, $4  }
0x1ea: {  	v49 =	vadd.f32 v42, v39;
	v43 =	vadd.f32 v46, v43;
	v46 =	vmul.f32 v35, v13  }
0x1eb: {  	v40 =	vmul.f32 v38, v24;
	v42 =	vadd.f32 v47, v45;
	v45 =	vmul.f32 v38, v23  }
0x1ec: {  	v39 =	vadd.f32 v41, v48;
	v41 =	vmax.f32 v49, $0.0e+00;
	v38 =	vadd.f32 v46, v43  }
0x1ed: {  	v43 =	vadd.f32 v44, v45;
	v44 =	vmul.f32 v41, v25;
	v41 =	vmul.f32 v41, v26  }
0x1ee: {  	s0 =	smov.u32 s29;
	s29 =	smov.u32 s30  }
.LBB2_28:
0x1ef: {  	v33 =	vmul.f32 v33, v8;
	_ =	sdelay $0x1  }
0x1f0: {  	v34 =	vmul.f32 v34, v11;
	v33 =	vadd.f32 v33, v39  }
0x1f1: {  	v37 =	vadd.f32 v37, v42  }
0x1f2: {  	v61 =	vmul.f32 v32, v16;
	v35 =	vmul.f32 v35, v14;
	v33 =	vadd.f32 v34, v33  }
0x1f3: {  	v62 =	vmul.f32 v32, v17  }
0x1f4: {  	v63 =	vmax.f32 v37, $0.0e+00;
	v42 =	vadd.f32 v61, v38;
	v33 =	vadd.f32 v35, v33  }
0x1f5: {  	v45 =	vmul.f32 v63, v21  }
0x1f6: {  	v37 =	vmax.f32 v42, $0.0e+00;
	v32 =	vadd.f32 v62, v33  }
0x1f7: {  	v34 =	vmul.f32 v63, v22;
	v46 =	vadd.f32 v45, v27;
	v47 =	vmul.f32 v37, v23  }
0x1f8: {  	v37 =	vmul.f32 v37, v24;
	v32 =	vmax.f32 v32, $0.0e+00  }
0x1f9: {  	v34 =	vadd.f32 v34, v28;
	v33 =	vadd.f32 v46, v47;
	v48 =	vmul.f32 v32, v25  }
0x1fa: {  	v36 =	vadd.f32 @p0 v36, v40;
	v38 =	vadd.f32 @p0 v43, v44  }
0x1fb: {  	v34 =	vadd.f32 v34, v37;
	v32 =	vmul.f32 v32, v26;
	v33 =	vadd.f32 v33, v48  }
0x1fc: {  	v35 =	vadd.f32 @p0 v36, v41;
	v36 =	vmax.f32 @p0 v38, $0.0e+00  }
0x1fd: {  	v36 =	vmul.f32 @p0 v36, v29;
	v32 =	vadd.f32 v34, v32;
	v33 =	vmax.f32 v33, $0.0e+00  }
0x1fe: {  	v34 =	vmax.f32 @p0 v35, $0.0e+00;
	v33 =	vmul.f32 v33, v29  }
0x1ff: {  	v35 =	vadd.f32 @p0 v36, v31;
	v34 =	vmul.f32 @p0 v34, v30;
	v32 =	vmax.f32 v32, $0.0e+00  }
0x200: {  	v32 =	vmul.f32 v32, v30;
	v33 =	vadd.f32 v33, v31  }
0x201: {  	v34 =	vadd.f32 @p0 v35, v34  }
0x202: {  	v32 =	vadd.f32 v33, v32  }
0x203: {  	[tilespmem:s0+$0x11B70] =	vst @p0 v34  }
0x204: {  	[tilespmem:s29+$0x11B70] =	vst v32;
	s29 =	simm.s32 $0x0  }
0x205: {  	v49 =	vld [tilespmem:s29+$0x6CC0]  }
0x206: {  	v50 =	vld [tilespmem:s29+$0x6F70];
	_ =	sdelay $0x1  }
0x207: {  	v51 =	vld [tilespmem:s29+$0x7220];
	_ =	sdelay $0x1  }
0x208: {  	v32 =	vld [tilespmem:s29+$0x74D0];
	v52 =	vmul.f32 v49, v0;
	v53 =	vmul.f32 v49, v1  }
0x209: {  	v55 =	vmul.f32 v50, v3  }
0x20a: {  	v33 =	vld [tilespmem:s29+$0x7780];
	v56 =	vmul.f32 v50, v4;
	v54 =	vadd.f32 v52, v18;
	v34 =	vadd.f32 v53, v19  }
0x20b: {  	v57 =	vmul.f32 v51, v6  }
0x20c: {  	v58 =	vmul.f32 v51, v7;
	v38 =	vadd.f32 v55, v54;
	v40 =	vadd.f32 v56, v34  }
0x20d: {  	p1 =	por $0x1, $0x1;
	v59 =	vmul.f32 v32, v9;
	v35 =	vmul.f32 v49, v2;
	v34 =	vld [tilespmem:s29+$0x7A30]  }
.Ltmp16:
0x20e: {  	v60 =	vmul.f32 v32, v10;
	v38 =	vadd.f32 v57, v38;
	v40 =	vadd.f32 v58, v40;
	(pc) =	sbr.rel @!p1 .LBB2_29-.Ltmp16, $4  }
0x20f: {  	v61 =	vmul.f32 v33, v12;
	v36 =	vmul.f32 v50, v5;
	v63 =	vadd.f32 v35, v20  }
0x210: {  	v62 =	vmul.f32 v33, v13;
	v38 =	vadd.f32 v59, v38;
	v40 =	vadd.f32 v60, v40  }
0x211: {  	v35 =	vmul.f32 v51, v8;
	v43 =	vadd.f32 v36, v63  }
0x212: {  	p0 =	por $0x0, $0x0;
	v42 =	vmul.f32 v34, v15;
	v39 =	vadd.f32 v61, v38;
	v38 =	vadd.f32 v62, v40  }
0x213: {  	s30 =	simm.s32 $0x10  }
0x214: {  	v36 =	vld [tilespmem:s30+$0x6CC0]  }
0x215: {  	v37 =	vadd.f32 v42, v39  }
0x216: {  	v35 =	vadd.f32 v35, v43;
	v32 =	vmul.f32 v32, v11;
	v61 =	vmul.f32 v34, v16;
	v40 =	vld [tilespmem:s30+$0x6F70]  }
0x217: {  	v33 =	vmul.f32 v33, v14;
	v48 =	vmul.f32 v34, v17;
	v37 =	vmax.f32 v37, $0.0e+00  }
0x218: {  	v63 =	vld [tilespmem:s30+$0x7220];
	v32 =	vadd.f32 v32, v35;
	v38 =	vadd.f32 v61, v38;
	v62 =	vmul.f32 v37, v22  }
0x219: {  	v37 =	vmul.f32 v37, v21;
	v41 =	vmul.f32 v36, v0  }
0x21a: {  	v33 =	vadd.f32 v33, v32;
	v32 =	vld [tilespmem:s30+$0x74D0];
	v38 =	vmax.f32 v38, $0.0e+00;
	v49 =	vmul.f32 v36, v1  }
0x21b: {  	v61 =	vmul.f32 v38, v23;
	v51 =	vmul.f32 v40, v3;
	v50 =	vadd.f32 v41, v18  }
0x21c: {  	v52 =	vadd.f32 v48, v33;
	v33 =	vld [tilespmem:s30+$0x7780];
	v54 =	vmul.f32 v40, v4;
	v53 =	vadd.f32 v49, v19  }
0x21d: {  	v43 =	vadd.f32 v62, v28;
	v56 =	vmul.f32 v63, v6;
	v55 =	vadd.f32 v51, v50  }
0x21e: {  	v34 =	vld [tilespmem:s30+$0x7A30];
	v44 =	vadd.f32 v37, v27;
	v46 =	vmul.f32 v63, v7;
	v57 =	vadd.f32 v54, v53  }
0x21f: {  	v45 =	vmul.f32 v36, v2;
	v58 =	vmul.f32 v32, v9;
	v36 =	vadd.f32 v56, v55  }
0x220: {  	p3 =	por $0x1, $0x1;
	v35 =	vmul.f32 v63, v8;
	v60 =	vmul.f32 v32, v10;
	v59 =	vadd.f32 v46, v57  }
.Ltmp17:
0x221: {  	v48 =	vmul.f32 v38, v24;
	v47 =	vmul.f32 v33, v12;
	v37 =	vadd.f32 v58, v36;
	(pc) =	sbr.rel @!p3 .LBB2_31-.Ltmp17, $4  }
0x222: {  	v40 =	vmul.f32 v40, v5;
	v63 =	vmul.f32 v33, v13;
	v62 =	vadd.f32 v60, v59  }
0x223: {  	v42 =	vmul.f32 v34, v15;
	v45 =	vadd.f32 v45, v20;
	v39 =	vadd.f32 v47, v37  }
0x224: {  	v36 =	vmax.f32 v52, $0.0e+00;
	v38 =	vadd.f32 v63, v62;
	v37 =	vadd.f32 v43, v48  }
0x225: {  	s0 =	simm.s32 $0x80;
	p2 =	por $0x1, $0x1;
	s31 =	simm.s32 $0x0;
	v41 =	vmul.f32 v36, v25;
	v43 =	vadd.f32 v40, v45;
	v40 =	vadd.f32 v44, v61  }
.LBB2_32:
0x226: {  	s1 =	sshra.s32 s0, $0x2;
	p3 =	sne.s32 s0, $0xA80;
	s0 =	sadd.s32 $0x40, s0;
	v39 =	vadd.f32 v42, v39;
	v42 =	vmul.f32 v34, v16;
	v33 =	vmul.f32 v33, v14  }
0x227: {  	v32 =	vmul.f32 v32, v11;
	v44 =	vld [tilespmem:s1+$0x6CC0];
	v35 =	vadd.f32 v35, v43;
	v40 =	vadd.f32 v40, v41  }
0x228: {  	v36 =	vmul.f32 v36, v26;
	v41 =	vld [tilespmem:s1+$0x7A30];
	v39 =	vmax.f32 v39, $0.0e+00;
	v38 =	vadd.f32 v42, v38  }
0x229: {  	v42 =	vld [tilespmem:s1+$0x6F70];
	v32 =	vadd.f32 v32, v35;
	v35 =	vmul.f32 v39, v22;
	v40 =	vmax.f32 v40, $0.0e+00  }
0x22a: {  	v36 =	vadd.f32 v37, v36;
	v39 =	vmul.f32 v39, v21;
	v37 =	vmul.f32 v40, v29  }
0x22b: {  	v47 =	vmul.f32 v34, v17;
	v40 =	vld [tilespmem:s1+$0x7220];
	v33 =	vadd.f32 v33, v32;
	v43 =	vadd.f32 v35, v28  }
0x22c: {  	v36 =	vmax.f32 v36, $0.0e+00;
	v45 =	vadd.f32 v39, v27;
	v35 =	vmul.f32 v44, v0  }
0x22d: {  	v36 =	vmul.f32 v36, v30;
	v39 =	vmul.f32 v44, v1;
	v32 =	vld [tilespmem:s1+$0x74D0];
	v46 =	vadd.f32 v47, v33;
	v34 =	vmovc v41  }
0x22e: {  	v37 =	vadd.f32 v37, v31;
	v35 =	vadd.f32 v35, v18;
	v41 =	vmul.f32 v42, v3  }
0x22f: {  	v44 =	vmul.f32 v44, v2;
	v39 =	vadd.f32 v39, v19;
	v47 =	vmul.f32 v42, v4;
	v33 =	vld [tilespmem:s1+$0x7780]  }
0x230: {  	v36 =	vadd.f32 v37, v36;
	v41 =	vadd.f32 v41, v35;
	v48 =	vmul.f32 v40, v6  }
0x231: {  	v37 =	vadd.f32 v47, v39;
	v39 =	vmul.f32 v40, v7;
	v35 =	vmul.f32 v40, v8  }
0x232: {  	v38 =	vmax.f32 v38, $0.0e+00;
	v40 =	vadd.f32 v48, v41;
	v41 =	vmul.f32 v32, v9;
	[tilespmem:s31+$0x11E20] =	vst v36;
	s31 =	smov.u32 s30;
	s30 =	smov.u32 s1  }
0x233: {  	v47 =	vmul.f32 v38, v23;
	v36 =	vadd.f32 v39, v37;
	v37 =	vmul.f32 v32, v10  }
.Ltmp18:
0x234: {  	v39 =	vadd.f32 v41, v40;
	v40 =	vmul.f32 v33, v12;
	v41 =	vmul.f32 v38, v24;
	(pc) =	sbr.rel @p3 .LBB2_32-.Ltmp18, $4  }
0x235: {  	v37 =	vadd.f32 v37, v36;
	v38 =	vmul.f32 v33, v13;
	v36 =	vmax.f32 v46, $0.0e+00  }
0x236: {  	v39 =	vadd.f32 v40, v39;
	v40 =	vadd.f32 v44, v20;
	v44 =	vmul.f32 v42, v5  }
0x237: {  	v42 =	vmul.f32 v34, v15;
	v38 =	vadd.f32 v38, v37;
	v37 =	vadd.f32 v43, v41  }
0x238: {  	v41 =	vmul.f32 v36, v25;
	v43 =	vadd.f32 v44, v40;
	v40 =	vadd.f32 v45, v47  }
.LBB2_33:
0x239: {  	_ = 	snop  }
0x23a: {  	v32 =	vmul.f32 v32, v11;
	v35 =	vadd.f32 v35, v43  }
0x23b: {  	v39 =	vadd.f32 v42, v39  }
0x23c: {  	v63 =	vmul.f32 v34, v16;
	v33 =	vmul.f32 v33, v14;
	v32 =	vadd.f32 v32, v35  }
0x23d: {  	v45 =	vmul.f32 v34, v17  }
0x23e: {  	v44 =	vmax.f32 v39, $0.0e+00;
	v38 =	vadd.f32 v63, v38;
	v32 =	vadd.f32 v33, v32  }
0x23f: {  	v46 =	vmul.f32 v44, v21  }
0x240: {  	v35 =	vmul.f32 v44, v22;
	v47 =	vmax.f32 v38, $0.0e+00;
	v32 =	vadd.f32 v45, v32  }
0x241: {  	v34 =	vadd.f32 v46, v27;
	v38 =	vmul.f32 v47, v23  }
0x242: {  	v35 =	vadd.f32 v35, v28;
	v32 =	vmax.f32 v32, $0.0e+00  }
0x243: {  	v33 =	vmul.f32 v47, v24;
	v34 =	vadd.f32 v34, v38;
	v48 =	vmul.f32 v32, v25  }
0x244: {  	v36 =	vmul.f32 @p2 v36, v26;
	v39 =	vadd.f32 @p2 v40, v41  }
0x245: {  	v33 =	vadd.f32 v35, v33;
	v32 =	vmul.f32 v32, v26;
	v34 =	vadd.f32 v34, v48  }
0x246: {  	v36 =	vadd.f32 @p2 v37, v36;
	v35 =	vmax.f32 @p2 v39, $0.0e+00  }
0x247: {  	v35 =	vmul.f32 @p2 v35, v29;
	v32 =	vadd.f32 v33, v32;
	v34 =	vmax.f32 v34, $0.0e+00  }
0x248: {  	v33 =	vmax.f32 @p2 v36, $0.0e+00;
	v34 =	vmul.f32 v34, v29  }
0x249: {  	v35 =	vadd.f32 @p2 v35, v31;
	v33 =	vmul.f32 @p2 v33, v30;
	v32 =	vmax.f32 v32, $0.0e+00  }
0x24a: {  	v32 =	vmul.f32 v32, v30;
	v34 =	vadd.f32 v34, v31  }
0x24b: {  	v33 =	vadd.f32 @p2 v35, v33  }
0x24c: {  	v32 =	vadd.f32 v34, v32  }
0x24d: {  	[tilespmem:s31+$0x11E20] =	vst @p2 v33  }
0x24e: {  	[tilespmem:s30+$0x11E20] =	vst v32  }
0x24f: {  	v49 =	vld [tilespmem:s29+$0x7CE0]  }
0x250: {  	v50 =	vld [tilespmem:s29+$0x7F90];
	_ =	sdelay $0x1  }
0x251: {  	v51 =	vld [tilespmem:s29+$0x8240];
	_ =	sdelay $0x1  }
0x252: {  	v32 =	vld [tilespmem:s29+$0x84F0];
	v52 =	vmul.f32 v49, v0;
	v53 =	vmul.f32 v49, v1  }
0x253: {  	v55 =	vmul.f32 v50, v3  }
0x254: {  	v33 =	vld [tilespmem:s29+$0x87A0];
	v56 =	vmul.f32 v50, v4;
	v54 =	vadd.f32 v52, v18;
	v34 =	vadd.f32 v53, v19  }
0x255: {  	v57 =	vmul.f32 v51, v6  }
0x256: {  	v58 =	vmul.f32 v51, v7;
	v38 =	vadd.f32 v55, v54;
	v40 =	vadd.f32 v56, v34  }
0x257: {  	v59 =	vmul.f32 v32, v9;
	v35 =	vmul.f32 v49, v2;
	v34 =	vld [tilespmem:s29+$0x8A50]  }
.Ltmp19:
0x258: {  	v60 =	vmul.f32 v32, v10;
	v38 =	vadd.f32 v57, v38;
	v40 =	vadd.f32 v58, v40;
	(pc) =	sbr.rel @!p1 .LBB2_34-.Ltmp19, $4  }
0x259: {  	v61 =	vmul.f32 v33, v12;
	v36 =	vmul.f32 v50, v5;
	v63 =	vadd.f32 v35, v20  }
0x25a: {  	v62 =	vmul.f32 v33, v13;
	v38 =	vadd.f32 v59, v38;
	v40 =	vadd.f32 v60, v40  }
0x25b: {  	v35 =	vmul.f32 v51, v8;
	v43 =	vadd.f32 v36, v63  }
0x25c: {  	v42 =	vmul.f32 v34, v15;
	v39 =	vadd.f32 v61, v38;
	v38 =	vadd.f32 v62, v40  }
0x25d: {  	s30 =	simm.s32 $0x10  }
0x25e: {  	v36 =	vld [tilespmem:s30+$0x7CE0]  }
0x25f: {  	v37 =	vadd.f32 v42, v39  }
0x260: {  	v35 =	vadd.f32 v35, v43;
	v32 =	vmul.f32 v32, v11;
	v61 =	vmul.f32 v34, v16;
	v40 =	vld [tilespmem:s30+$0x7F90]  }
0x261: {  	v33 =	vmul.f32 v33, v14;
	v48 =	vmul.f32 v34, v17;
	v37 =	vmax.f32 v37, $0.0e+00  }
0x262: {  	v63 =	vld [tilespmem:s30+$0x8240];
	v32 =	vadd.f32 v32, v35;
	v38 =	vadd.f32 v61, v38;
	v62 =	vmul.f32 v37, v22  }
0x263: {  	v37 =	vmul.f32 v37, v21;
	v41 =	vmul.f32 v36, v0  }
0x264: {  	v33 =	vadd.f32 v33, v32;
	v32 =	vld [tilespmem:s30+$0x84F0];
	v38 =	vmax.f32 v38, $0.0e+00;
	v49 =	vmul.f32 v36, v1  }
0x265: {  	v61 =	vmul.f32 v38, v23;
	v51 =	vmul.f32 v40, v3;
	v50 =	vadd.f32 v41, v18  }
0x266: {  	v52 =	vadd.f32 v48, v33;
	v33 =	vld [tilespmem:s30+$0x87A0];
	v54 =	vmul.f32 v40, v4;
	v53 =	vadd.f32 v49, v19  }
0x267: {  	v43 =	vadd.f32 v62, v28;
	v56 =	vmul.f32 v63, v6;
	v55 =	vadd.f32 v51, v50  }
0x268: {  	v34 =	vld [tilespmem:s30+$0x8A50];
	v44 =	vadd.f32 v37, v27;
	v46 =	vmul.f32 v63, v7;
	v57 =	vadd.f32 v54, v53  }
0x269: {  	v45 =	vmul.f32 v36, v2;
	v58 =	vmul.f32 v32, v9;
	v36 =	vadd.f32 v56, v55  }
0x26a: {  	p1 =	por $0x1, $0x1;
	v35 =	vmul.f32 v63, v8;
	v60 =	vmul.f32 v32, v10;
	v59 =	vadd.f32 v46, v57  }
.Ltmp20:
0x26b: {  	v48 =	vmul.f32 v38, v24;
	v47 =	vmul.f32 v33, v12;
	v37 =	vadd.f32 v58, v36;
	(pc) =	sbr.rel @!p1 .LBB2_36-.Ltmp20, $4  }
0x26c: {  	v40 =	vmul.f32 v40, v5;
	v63 =	vmul.f32 v33, v13;
	v62 =	vadd.f32 v60, v59  }
0x26d: {  	v42 =	vmul.f32 v34, v15;
	v45 =	vadd.f32 v45, v20;
	v39 =	vadd.f32 v47, v37  }
0x26e: {  	v36 =	vmax.f32 v52, $0.0e+00;
	v38 =	vadd.f32 v63, v62;
	v37 =	vadd.f32 v43, v48  }
0x26f: {  	s0 =	simm.s32 $0x80;
	p0 =	por $0x1, $0x1;
	v41 =	vmul.f32 v36, v25;
	v43 =	vadd.f32 v40, v45;
	v40 =	vadd.f32 v44, v61  }
.LBB2_37:
0x270: {  	s1 =	sshra.s32 s0, $0x2;
	p1 =	sne.s32 s0, $0xA80;
	s0 =	sadd.s32 $0x40, s0;
	v39 =	vadd.f32 v42, v39;
	v42 =	vmul.f32 v34, v16;
	v33 =	vmul.f32 v33, v14  }
0x271: {  	v32 =	vmul.f32 v32, v11;
	v44 =	vld [tilespmem:s1+$0x7CE0];
	v35 =	vadd.f32 v35, v43;
	v40 =	vadd.f32 v40, v41  }
0x272: {  	v36 =	vmul.f32 v36, v26;
	v41 =	vld [tilespmem:s1+$0x8A50];
	v39 =	vmax.f32 v39, $0.0e+00;
	v38 =	vadd.f32 v42, v38  }
0x273: {  	v42 =	vld [tilespmem:s1+$0x7F90];
	v32 =	vadd.f32 v32, v35;
	v35 =	vmul.f32 v39, v22;
	v40 =	vmax.f32 v40, $0.0e+00  }
0x274: {  	v36 =	vadd.f32 v37, v36;
	v39 =	vmul.f32 v39, v21;
	v37 =	vmul.f32 v40, v29  }
0x275: {  	v47 =	vmul.f32 v34, v17;
	v40 =	vld [tilespmem:s1+$0x8240];
	v33 =	vadd.f32 v33, v32;
	v43 =	vadd.f32 v35, v28  }
0x276: {  	v36 =	vmax.f32 v36, $0.0e+00;
	v45 =	vadd.f32 v39, v27;
	v35 =	vmul.f32 v44, v0  }
0x277: {  	v36 =	vmul.f32 v36, v30;
	v39 =	vmul.f32 v44, v1;
	v32 =	vld [tilespmem:s1+$0x84F0];
	v46 =	vadd.f32 v47, v33;
	v34 =	vmovc v41  }
0x278: {  	v37 =	vadd.f32 v37, v31;
	v35 =	vadd.f32 v35, v18;
	v41 =	vmul.f32 v42, v3  }
0x279: {  	v44 =	vmul.f32 v44, v2;
	v39 =	vadd.f32 v39, v19;
	v47 =	vmul.f32 v42, v4;
	v33 =	vld [tilespmem:s1+$0x87A0]  }
0x27a: {  	v36 =	vadd.f32 v37, v36;
	v41 =	vadd.f32 v41, v35;
	v48 =	vmul.f32 v40, v6  }
0x27b: {  	v37 =	vadd.f32 v47, v39;
	v39 =	vmul.f32 v40, v7;
	v35 =	vmul.f32 v40, v8  }
0x27c: {  	v38 =	vmax.f32 v38, $0.0e+00;
	v40 =	vadd.f32 v48, v41;
	v41 =	vmul.f32 v32, v9;
	[tilespmem:s29+$0x120D0] =	vst v36;
	s29 =	smov.u32 s30;
	s30 =	smov.u32 s1  }
0x27d: {  	v47 =	vmul.f32 v38, v23;
	v36 =	vadd.f32 v39, v37;
	v37 =	vmul.f32 v32, v10  }
.Ltmp21:
0x27e: {  	v39 =	vadd.f32 v41, v40;
	v40 =	vmul.f32 v33, v12;
	v41 =	vmul.f32 v38, v24;
	(pc) =	sbr.rel @p1 .LBB2_37-.Ltmp21, $4  }
0x27f: {  	v37 =	vadd.f32 v37, v36;
	v38 =	vmul.f32 v33, v13;
	v36 =	vmax.f32 v46, $0.0e+00  }
0x280: {  	v39 =	vadd.f32 v40, v39;
	v40 =	vadd.f32 v44, v20;
	v44 =	vmul.f32 v42, v5  }
0x281: {  	v42 =	vmul.f32 v34, v15;
	v38 =	vadd.f32 v38, v37;
	v37 =	vadd.f32 v43, v41  }
0x282: {  	v41 =	vmul.f32 v36, v25;
	v43 =	vadd.f32 v44, v40;
	v40 =	vadd.f32 v45, v47  }
0x283: {  	s0 =	smov.u32 s29;
	s29 =	smov.u32 s30  }
.LBB2_39:
0x284: {  	v35 =	vadd.f32 v35, v43;
	v32 =	vmul.f32 v32, v11  }
0x285: {  	v39 =	vadd.f32 v42, v39  }
0x286: {  	v53 =	vmul.f32 v34, v16;
	v33 =	vmul.f32 v33, v14;
	v32 =	vadd.f32 v32, v35  }
0x287: {  	v55 =	vmul.f32 v34, v17  }
0x288: {  	v54 =	vmax.f32 v39, $0.0e+00;
	v38 =	vadd.f32 v53, v38;
	v32 =	vadd.f32 v33, v32  }
0x289: {  	v56 =	vmul.f32 v54, v21  }
0x28a: {  	v35 =	vmul.f32 v54, v22;
	v57 =	vmax.f32 v38, $0.0e+00;
	v32 =	vadd.f32 v55, v32  }
0x28b: {  	v34 =	vadd.f32 v56, v27;
	v38 =	vmul.f32 v57, v23  }
0x28c: {  	v35 =	vadd.f32 v35, v28;
	v32 =	vmax.f32 v32, $0.0e+00  }
0x28d: {  	v33 =	vmul.f32 v57, v24;
	v34 =	vadd.f32 v34, v38;
	v58 =	vmul.f32 v32, v25  }
0x28e: {  	v36 =	vmul.f32 @p0 v36, v26;
	v39 =	vadd.f32 @p0 v40, v41  }
0x28f: {  	v33 =	vadd.f32 v35, v33;
	v32 =	vmul.f32 v32, v26;
	v34 =	vadd.f32 v34, v58  }
0x290: {  	v36 =	vadd.f32 @p0 v37, v36;
	v35 =	vmax.f32 @p0 v39, $0.0e+00  }
0x291: {  	v35 =	vmul.f32 @p0 v35, v29;
	v32 =	vadd.f32 v33, v32;
	v34 =	vmax.f32 v34, $0.0e+00  }
0x292: {  	v33 =	vmax.f32 @p0 v36, $0.0e+00;
	v34 =	vmul.f32 v34, v29  }
0x293: {  	v35 =	vadd.f32 @p0 v35, v31;
	v33 =	vmul.f32 @p0 v33, v30;
	v32 =	vmax.f32 v32, $0.0e+00  }
0x294: {  	s1 =	sshll.u32 s26, $0x4;
	v32 =	vmul.f32 v32, v30;
	v34 =	vadd.f32 v34, v31  }
0x295: {  	s1 =	sadd.s32 s4, s1;
	v33 =	vadd.f32 @p0 v35, v33  }
0x296: {  	s1 =	smul.u32 $0x56, s1;
	v32 =	vadd.f32 v34, v32  }
0x297: {  	[tilespmem:s0+$0x120D0] =	vst @p0 v33  }
0x298: {  	s2 =	sadd.s32 s7, s1;
	[tilespmem:s29+$0x120D0] =	vst v32  }
0x299: {  	[hbm4b:s2+s3] =	stream.linear.scatter [tilespmem:s22], [sflag:$0x4], $0x1580, $0x38;
	[tilespmem:$0x13900] =	vst v63  }
0x29a: {  	p0 =	seq.s32 s26, $0x13;
	_ =	swait.ge [sflag:s12], $0x1580  }
0x29b: {  	s0 =	smul.u32 @!p0 $0x180, s26;
	[sflag:s12] =	ssyncset.done $0x0  }
0x29c: {  	[sflag:s12] =	ssyncadd.s32 $0xFFFFEA80  }
0x29d: {  	s0 =	sshra.s32 @!p0 s0, $0x2;
	_ =	swait.ge [sflag:s23], $0x8100  }
0x29e: {  	s1 =	simm.s32 @!p0 $0x30;
	s0 =	sadd.s32 @!p0 $0x60, s0;
	[sflag:s23] =	ssyncset.done $0x0  }
0x29f: {  	s29 =	simm.s32 $0x0;
	s2 =	simm.s32 @!p0 $0xC00;
	[sflag:s23] =	ssyncadd.s32 $0xFFFF7F00  }
0x2a0: {  	[tilespmem:s2], [sflag:$0x1] =	stream.indirect.gather @!p0 [hbm4b:s5+s1], $0x2B0, s0, s1, $0xb8;
	[tilespmem:$0x13900] =	vst v63  }
0x2a1: {  	v59 =	vld [tilespmem:s29+$0x8D00]  }
0x2a2: {  	v60 =	vld [tilespmem:s29+$0x8FB0]  }
0x2a3: {  	v61 =	vld [tilespmem:s29+$0x9260]  }
0x2a4: {  	v63 =	vld [tilespmem:s29+$0x9510]  }
0x2a5: {  	v45 =	vld [tilespmem:s29+$0x97C0]  }
0x2a6: {  	v62 =	vmul.f32 v59, v0  }
0x2a7: {  	v43 =	vmul.f32 v60, v3;
	v44 =	vmul.f32 v59, v1  }
0x2a8: {  	v47 =	vld [tilespmem:s29+$0x9A70];
	v46 =	vmul.f32 v61, v6;
	v50 =	vmul.f32 v60, v4  }
0x2a9: {  	v51 =	vmul.f32 v63, v9;
	v32 =	vmul.f32 v59, v2;
	v35 =	vadd.f32 v62, v18  }
0x2aa: {  	s30 =	simm.s32 $0x10;
	v52 =	vmul.f32 v61, v7;
	v53 =	vmul.f32 v45, v12;
	v38 =	vadd.f32 v44, v19  }
0x2ab: {  	v58 =	vld [tilespmem:s30+$0x8D00];
	v33 =	vmul.f32 v60, v5;
	v34 =	vmul.f32 v61, v8;
	v35 =	vadd.f32 v43, v35  }
0x2ac: {  	v54 =	vmul.f32 v63, v10;
	v32 =	vadd.f32 v32, v20;
	v38 =	vadd.f32 v50, v38  }
0x2ad: {  	v55 =	vmul.f32 v47, v15;
	v57 =	vmul.f32 v45, v13;
	v35 =	vadd.f32 v46, v35  }
0x2ae: {  	v37 =	vld [tilespmem:s30+$0x8FB0];
	v59 =	vmul.f32 v63, v11;
	v32 =	vadd.f32 v33, v32;
	v38 =	vadd.f32 v52, v38  }
0x2af: {  	v60 =	vmul.f32 v47, v16;
	v61 =	vmul.f32 v45, v14;
	v63 =	vld [tilespmem:s30+$0x9260];
	v35 =	vadd.f32 v51, v35  }
0x2b0: {  	v49 =	vmul.f32 v58, v0;
	v32 =	vadd.f32 v34, v32;
	v56 =	vadd.f32 v54, v38  }
0x2b1: {  	v45 =	vmul.f32 v58, v2;
	v51 =	vmul.f32 v58, v1;
	v35 =	vadd.f32 v53, v35  }
0x2b2: {  	v50 =	vmul.f32 v47, v17;
	v34 =	vld [tilespmem:s30+$0x97C0];
	v32 =	vadd.f32 v59, v32;
	v33 =	vadd.f32 v57, v56  }
0x2b3: {  	v54 =	vmul.f32 v37, v4;
	v53 =	vadd.f32 v51, v19;
	v35 =	vadd.f32 v55, v35  }
0x2b4: {  	v52 =	vmul.f32 v37, v3;
	v46 =	vmul.f32 v63, v7;
	v32 =	vadd.f32 v61, v32  }
0x2b5: {  	v36 =	vadd.f32 v60, v33;
	v33 =	vld [tilespmem:s30+$0x9510];
	v40 =	vadd.f32 v54, v53;
	v35 =	vmax.f32 v35, $0.0e+00  }
0x2b6: {  	v62 =	vmul.f32 v35, v22;
	v48 =	vmul.f32 v35, v21;
	v35 =	vadd.f32 v49, v18  }
0x2b7: {  	v56 =	vmul.f32 v63, v6;
	v61 =	vmul.f32 v34, v12;
	v38 =	vadd.f32 v50, v32  }
0x2b8: {  	v36 =	vmax.f32 v36, $0.0e+00;
	v40 =	vadd.f32 v46, v40;
	v55 =	vadd.f32 v52, v35  }
0x2b9: {  	v32 =	vld [tilespmem:s30+$0x9A70];
	v60 =	vmul.f32 v36, v23;
	v47 =	vmul.f32 v36, v24;
	v36 =	vmax.f32 v38, $0.0e+00  }
0x2ba: {  	v43 =	vadd.f32 v62, v28;
	v58 =	vmul.f32 v33, v9;
	v57 =	vadd.f32 v56, v55  }
0x2bb: {  	v44 =	vadd.f32 v48, v27;
	v35 =	vmul.f32 v63, v8;
	v59 =	vmul.f32 v33, v10  }
0x2bc: {  	v62 =	vadd.f32 v45, v20;
	v63 =	vmul.f32 v37, v5;
	v39 =	vadd.f32 v58, v57  }
0x2bd: {  	v48 =	vmul.f32 v34, v13;
	v40 =	vadd.f32 v59, v40;
	v37 =	vadd.f32 v43, v47  }
0x2be: {  	v42 =	vmul.f32 v32, v15;
	v43 =	vadd.f32 v63, v62;
	v41 =	vadd.f32 v61, v39  }
0x2bf: {  	s31 =	simm.s32 $0x10;
	s0 =	simm.s32 $0x80;
	s2 =	simm.s32 $0x0;
	v38 =	vadd.f32 v44, v60;
	v40 =	vadd.f32 v48, v40;
	v39 =	vmul.f32 v36, v25  }
.LBB2_40:
0x2c0: {  	s1 =	sshra.s32 s0, $0x2;
	p0 =	sne.s32 s0, $0xA80;
	s0 =	sadd.s32 $0x40, s0;
	v41 =	vadd.f32 v42, v41;
	v42 =	vmul.f32 v32, v16;
	v34 =	vmul.f32 v34, v14  }
0x2c1: {  	v33 =	vmul.f32 v33, v11;
	v44 =	vld [tilespmem:s1+$0x8D00];
	v35 =	vadd.f32 v35, v43;
	v38 =	vadd.f32 v38, v39  }
0x2c2: {  	v36 =	vmul.f32 v36, v26;
	v39 =	vld [tilespmem:s1+$0x9A70];
	v41 =	vmax.f32 v41, $0.0e+00;
	v40 =	vadd.f32 v42, v40  }
0x2c3: {  	v42 =	vld [tilespmem:s1+$0x8FB0];
	v33 =	vadd.f32 v33, v35;
	v35 =	vmul.f32 v41, v22;
	v38 =	vmax.f32 v38, $0.0e+00  }
0x2c4: {  	v36 =	vadd.f32 v37, v36;
	v41 =	vmul.f32 v41, v21;
	v37 =	vmul.f32 v38, v29  }
0x2c5: {  	v47 =	vmul.f32 v32, v17;
	v38 =	vld [tilespmem:s1+$0x9260];
	v34 =	vadd.f32 v34, v33;
	v43 =	vadd.f32 v35, v28  }
0x2c6: {  	v36 =	vmax.f32 v36, $0.0e+00;
	v45 =	vadd.f32 v41, v27;
	v35 =	vmul.f32 v44, v0  }
0x2c7: {  	v36 =	vmul.f32 v36, v30;
	v41 =	vmul.f32 v44, v1;
	v33 =	vld [tilespmem:s1+$0x9510];
	v46 =	vadd.f32 v47, v34;
	v32 =	vmovc v39  }
0x2c8: {  	v37 =	vadd.f32 v37, v31;
	v35 =	vadd.f32 v35, v18;
	v39 =	vmul.f32 v42, v3  }
0x2c9: {  	v44 =	vmul.f32 v44, v2;
	v41 =	vadd.f32 v41, v19;
	v47 =	vmul.f32 v42, v4;
	v34 =	vld [tilespmem:s1+$0x97C0]  }
0x2ca: {  	v36 =	vadd.f32 v37, v36;
	v39 =	vadd.f32 v39, v35;
	v48 =	vmul.f32 v38, v6  }
0x2cb: {  	v37 =	vadd.f32 v47, v41;
	v41 =	vmul.f32 v38, v7;
	v35 =	vmul.f32 v38, v8  }
0x2cc: {  	v40 =	vmax.f32 v40, $0.0e+00;
	v38 =	vadd.f32 v48, v39;
	v39 =	vmul.f32 v33, v9;
	[tilespmem:s2+$0x12380] =	vst v36;
	s2 =	smov.u32 s31;
	s31 =	smov.u32 s1  }
0x2cd: {  	v47 =	vmul.f32 v40, v23;
	v36 =	vadd.f32 v41, v37;
	v37 =	vmul.f32 v33, v10  }
.Ltmp22:
0x2ce: {  	v48 =	vmul.f32 v40, v24;
	v38 =	vadd.f32 v39, v38;
	v39 =	vmul.f32 v34, v12;
	(pc) =	sbr.rel @p0 .LBB2_40-.Ltmp22, $4  }
0x2cf: {  	v37 =	vadd.f32 v37, v36;
	v40 =	vmul.f32 v34, v13;
	v36 =	vmax.f32 v46, $0.0e+00  }
0x2d0: {  	v41 =	vadd.f32 v39, v38;
	v38 =	vadd.f32 v44, v20;
	v39 =	vmul.f32 v42, v5  }
0x2d1: {  	v42 =	vmul.f32 v32, v15;
	v40 =	vadd.f32 v40, v37;
	v37 =	vadd.f32 v43, v48  }
0x2d2: {  	v43 =	vadd.f32 v39, v38;
	v38 =	vadd.f32 v45, v47;
	v39 =	vmul.f32 v36, v25  }
0x2d3: {  	_ = 	snop  }
0x2d4: {  	v33 =	vmul.f32 v33, v11;
	v35 =	vadd.f32 v35, v43  }
0x2d5: {  	v41 =	vadd.f32 v42, v41  }
0x2d6: {  	v54 =	vmul.f32 v32, v16;
	v34 =	vmul.f32 v34, v14;
	v33 =	vadd.f32 v33, v35  }
0x2d7: {  	v56 =	vmul.f32 v32, v17  }
0x2d8: {  	v55 =	vmax.f32 v41, $0.0e+00;
	v40 =	vadd.f32 v54, v40;
	v33 =	vadd.f32 v34, v33  }
0x2d9: {  	v57 =	vmul.f32 v55, v21  }
0x2da: {  	v35 =	vmul.f32 v55, v22;
	v58 =	vmax.f32 v40, $0.0e+00;
	v32 =	vadd.f32 v56, v33  }
0x2db: {  	v34 =	vadd.f32 v57, v27;
	v40 =	vmul.f32 v58, v23  }
0x2dc: {  	v35 =	vadd.f32 v35, v28;
	v32 =	vmax.f32 v32, $0.0e+00  }
0x2dd: {  	v33 =	vmul.f32 v58, v24;
	v34 =	vadd.f32 v34, v40;
	v59 =	vmul.f32 v32, v25  }
0x2de: {  	v36 =	vmul.f32 v36, v26;
	v38 =	vadd.f32 v38, v39  }
0x2df: {  	v33 =	vadd.f32 v35, v33;
	v32 =	vmul.f32 v32, v26;
	v34 =	vadd.f32 v34, v59  }
0x2e0: {  	v36 =	vadd.f32 v37, v36;
	v60 =	vmax.f32 v38, $0.0e+00  }
0x2e1: {  	v35 =	vmul.f32 v60, v29;
	v32 =	vadd.f32 v33, v32;
	v34 =	vmax.f32 v34, $0.0e+00  }
0x2e2: {  	v61 =	vmax.f32 v36, $0.0e+00;
	v34 =	vmul.f32 v34, v29  }
0x2e3: {  	v35 =	vadd.f32 v35, v31;
	v33 =	vmul.f32 v61, v30;
	v32 =	vmax.f32 v32, $0.0e+00  }
0x2e4: {  	v32 =	vmul.f32 v32, v30;
	v34 =	vadd.f32 v34, v31  }
0x2e5: {  	v33 =	vadd.f32 v35, v33  }
0x2e6: {  	v32 =	vadd.f32 v34, v32  }
0x2e7: {  	[tilespmem:s2+$0x12380] =	vst v33  }
0x2e8: {  	[tilespmem:s31+$0x12380] =	vst v32  }
0x2e9: {  	v32 =	vld [tilespmem:s29+$0x9D20];
	_ =	sdelay $0x1  }
0x2ea: {  	v33 =	vld [tilespmem:s29+$0x9FD0];
	_ =	sdelay $0x1  }
0x2eb: {  	v34 =	vld [tilespmem:s29+$0xA280]  }
0x2ec: {  	v63 =	vld [tilespmem:s29+$0xA530];
	v62 =	vmul.f32 v32, v0  }
0x2ed: {  	v48 =	vld [tilespmem:s29+$0xA7E0]  }
0x2ee: {  	v50 =	vld [tilespmem:s29+$0xAA90];
	v47 =	vmul.f32 v33, v3;
	v35 =	vadd.f32 v62, v18;
	_ =	sdelay $0x1  }
0x2ef: {  	v49 =	vmul.f32 v34, v6;
	v51 =	vmul.f32 v32, v1;
	v35 =	vadd.f32 v47, v35  }
0x2f0: {  	v52 =	vmul.f32 v63, v9;
	v53 =	vmul.f32 v33, v4  }
0x2f1: {  	v54 =	vmul.f32 v48, v12;
	v55 =	vmul.f32 v34, v7;
	v35 =	vadd.f32 v49, v35  }
0x2f2: {  	v60 =	vld [tilespmem:s30+$0x9D20];
	v56 =	vmul.f32 v50, v15;
	v32 =	vmul.f32 v32, v2  }
0x2f3: {  	v44 =	vld [tilespmem:s30+$0x9FD0];
	v58 =	vmul.f32 v63, v10;
	v33 =	vmul.f32 v33, v5;
	v35 =	vadd.f32 v52, v35  }
0x2f4: {  	v61 =	vmul.f32 v48, v13;
	v39 =	vmul.f32 v50, v16;
	v40 =	vadd.f32 v51, v19  }
0x2f5: {  	v38 =	vmul.f32 v48, v14;
	v59 =	vadd.f32 v32, v20;
	v35 =	vadd.f32 v54, v35  }
0x2f6: {  	v34 =	vmul.f32 v34, v8;
	v63 =	vmul.f32 v63, v11;
	v40 =	vadd.f32 v53, v40  }
0x2f7: {  	v46 =	vmul.f32 v60, v0;
	v41 =	vadd.f32 v33, v59;
	v35 =	vadd.f32 v56, v35  }
0x2f8: {  	v48 =	vmul.f32 v44, v3;
	v42 =	vmul.f32 v60, v2;
	v57 =	vadd.f32 v55, v40  }
0x2f9: {  	v46 =	vadd.f32 v46, v18;
	v41 =	vadd.f32 v34, v41;
	v35 =	vmax.f32 v35, $0.0e+00  }
0x2fa: {  	v33 =	vld [tilespmem:s30+$0xA280];
	v37 =	vadd.f32 v58, v57;
	v45 =	vmul.f32 v35, v21;
	v35 =	vmul.f32 v35, v22  }
0x2fb: {  	v32 =	vld [tilespmem:s30+$0xAA90];
	v42 =	vadd.f32 v42, v20;
	v47 =	vmul.f32 v60, v1;
	v40 =	vadd.f32 v63, v41  }
0x2fc: {  	v62 =	vmul.f32 v50, v17;
	v37 =	vadd.f32 v61, v37;
	v34 =	vadd.f32 v35, v28;
	v35 =	vld [tilespmem:s30+$0xA530]  }
0x2fd: {  	v46 =	vadd.f32 v48, v46;
	v47 =	vadd.f32 v47, v19;
	v49 =	vmul.f32 v44, v4  }
0x2fe: {  	v55 =	vmul.f32 v44, v5;
	v38 =	vadd.f32 v38, v40;
	v39 =	vadd.f32 v39, v37;
	v37 =	vld [tilespmem:s30+$0xA7E0]  }
0x2ff: {  	v53 =	vadd.f32 v49, v47;
	v52 =	vmul.f32 v33, v6;
	v54 =	vmul.f32 v33, v7  }
0x300: {  	v36 =	vmul.f32 v32, v15;
	v41 =	vadd.f32 v55, v42;
	v43 =	vadd.f32 v62, v38  }
0x301: {  	v56 =	vadd.f32 v52, v46;
	v58 =	vadd.f32 v54, v53;
	v57 =	vmul.f32 v35, v9  }
0x302: {  	v39 =	vmax.f32 v39, $0.0e+00;
	v63 =	vmax.f32 v43, $0.0e+00;
	v59 =	vmul.f32 v35, v10  }
0x303: {  	v62 =	vmul.f32 v39, v23;
	v60 =	vmul.f32 v37, v12;
	v44 =	vadd.f32 v57, v56  }
0x304: {  	v45 =	vadd.f32 v45, v27;
	v61 =	vmul.f32 v37, v13;
	v40 =	vadd.f32 v59, v58  }
0x305: {  	v39 =	vmul.f32 v39, v24;
	v43 =	vmul.f32 v63, v25;
	v44 =	vadd.f32 v60, v44  }
0x306: {  	s0 =	simm.s32 $0x80;
	v42 =	vadd.f32 v45, v62;
	v38 =	vadd.f32 v61, v40;
	v40 =	vmul.f32 v63, v26  }
.LBB2_42:
0x307: {  	s1 =	sshra.s32 s0, $0x2;
	p0 =	sne.s32 s0, $0xA80;
	s0 =	sadd.s32 $0x40, s0;
	v36 =	vadd.f32 v36, v44;
	v44 =	vmul.f32 v32, v17;
	v34 =	vadd.f32 v34, v39  }
0x308: {  	v45 =	vmul.f32 v32, v16;
	v46 =	vmul.f32 v37, v14;
	v39 =	vld [tilespmem:s1+$0x9D20];
	v37 =	vadd.f32 v42, v43  }
0x309: {  	v42 =	vmul.f32 v35, v11;
	v32 =	vld [tilespmem:s1+$0xAA90];
	v36 =	vmax.f32 v36, $0.0e+00;
	v34 =	vadd.f32 v34, v40  }
0x30a: {  	v35 =	vmul.f32 v33, v8;
	v40 =	vld [tilespmem:s1+$0x9FD0];
	v43 =	vmul.f32 v36, v21;
	v33 =	vmax.f32 v37, $0.0e+00  }
0x30b: {  	v36 =	vmul.f32 v36, v22;
	v34 =	vmax.f32 v34, $0.0e+00;
	v37 =	vmul.f32 v33, v29  }
0x30c: {  	v41 =	vadd.f32 v35, v41;
	v33 =	vld [tilespmem:s1+$0xA280];
	v43 =	vadd.f32 v43, v27;
	v47 =	vmul.f32 v34, v30  }
0x30d: {  	v34 =	vadd.f32 v36, v28;
	v48 =	vmul.f32 v39, v0;
	v49 =	vadd.f32 v37, v31  }
0x30e: {  	v38 =	vadd.f32 v45, v38;
	v50 =	vmul.f32 v39, v1;
	v35 =	vld [tilespmem:s1+$0xA530];
	v36 =	vmul.f32 v32, v15  }
0x30f: {  	v39 =	vmul.f32 v39, v2;
	v45 =	vadd.f32 v48, v18;
	v48 =	vmul.f32 v40, v3  }
0x310: {  	v50 =	vadd.f32 v50, v19;
	v51 =	vmul.f32 v40, v4;
	v47 =	vadd.f32 v49, v47;
	v37 =	vld [tilespmem:s1+$0xA7E0]  }
0x311: {  	v41 =	vadd.f32 v42, v41;
	v45 =	vadd.f32 v48, v45;
	v48 =	vmul.f32 v33, v6  }
0x312: {  	v40 =	vmul.f32 v40, v5;
	v42 =	vadd.f32 v51, v50;
	v49 =	vmul.f32 v33, v7;
	[tilespmem:s29+$0x12630] =	vst v47;
	s29 =	smov.u32 s30;
	s30 =	smov.u32 s1  }
0x313: {  	v41 =	vadd.f32 v46, v41;
	v45 =	vadd.f32 v48, v45;
	v47 =	vmul.f32 v35, v9  }
0x314: {  	v38 =	vmax.f32 v38, $0.0e+00;
	v42 =	vadd.f32 v49, v42;
	v46 =	vmul.f32 v35, v10  }
.Ltmp23:
0x315: {  	v48 =	vadd.f32 v39, v20;
	v45 =	vadd.f32 v47, v45;
	v47 =	vmul.f32 v37, v12;
	(pc) =	sbr.rel @p0 .LBB2_42-.Ltmp23, $4  }
0x316: {  	v49 =	vadd.f32 v44, v41;
	v42 =	vadd.f32 v46, v42;
	v46 =	vmul.f32 v37, v13  }
0x317: {  	v39 =	vmul.f32 v38, v24;
	v44 =	vadd.f32 v47, v45;
	v45 =	vmul.f32 v38, v23  }
0x318: {  	v41 =	vadd.f32 v40, v48;
	v40 =	vmax.f32 v49, $0.0e+00;
	v38 =	vadd.f32 v46, v42  }
0x319: {  	v42 =	vadd.f32 v43, v45;
	v43 =	vmul.f32 v40, v25;
	v40 =	vmul.f32 v40, v26  }
0x31a: {  	v33 =	vmul.f32 v33, v8;
	_ =	sdelay $0x1  }
0x31b: {  	v35 =	vmul.f32 v35, v11;
	v33 =	vadd.f32 v33, v41  }
0x31c: {  	v36 =	vadd.f32 v36, v44  }
0x31d: {  	v59 =	vmul.f32 v32, v16;
	v37 =	vmul.f32 v37, v14;
	v33 =	vadd.f32 v35, v33  }
0x31e: {  	v60 =	vmul.f32 v32, v17  }
0x31f: {  	v61 =	vmax.f32 v36, $0.0e+00;
	v62 =	vadd.f32 v59, v38;
	v33 =	vadd.f32 v37, v33  }
0x320: {  	v63 =	vmul.f32 v61, v21  }
0x321: {  	v36 =	vmax.f32 v62, $0.0e+00;
	v32 =	vadd.f32 v60, v33  }
0x322: {  	v35 =	vmul.f32 v61, v22;
	v41 =	vadd.f32 v63, v27;
	v44 =	vmul.f32 v36, v23  }
0x323: {  	v36 =	vmul.f32 v36, v24;
	v32 =	vmax.f32 v32, $0.0e+00  }
0x324: {  	v35 =	vadd.f32 v35, v28;
	v33 =	vadd.f32 v41, v44;
	v45 =	vmul.f32 v32, v25  }
0x325: {  	v34 =	vadd.f32 v34, v39;
	v46 =	vadd.f32 v42, v43  }
0x326: {  	v35 =	vadd.f32 v35, v36;
	v32 =	vmul.f32 v32, v26;
	v33 =	vadd.f32 v33, v45  }
0x327: {  	v34 =	vadd.f32 v34, v40;
	v47 =	vmax.f32 v46, $0.0e+00  }
0x328: {  	v36 =	vmul.f32 v47, v29;
	v32 =	vadd.f32 v35, v32;
	v33 =	vmax.f32 v33, $0.0e+00  }
0x329: {  	v34 =	vmax.f32 v34, $0.0e+00;
	v33 =	vmul.f32 v33, v29  }
0x32a: {  	v34 =	vmul.f32 v34, v30;
	v48 =	vadd.f32 v36, v31;
	v32 =	vmax.f32 v32, $0.0e+00  }
0x32b: {  	v32 =	vmul.f32 v32, v30;
	v33 =	vadd.f32 v33, v31  }
0x32c: {  	v34 =	vadd.f32 v48, v34  }
0x32d: {  	v32 =	vadd.f32 v33, v32  }
0x32e: {  	[tilespmem:s29+$0x12630] =	vst v34  }
0x32f: {  	s29 =	simm.s32 $0x0;
	[tilespmem:s30+$0x12630] =	vst v32  }
0x330: {  	v49 =	vld [tilespmem:s29+$0xAD40]  }
0x331: {  	v50 =	vld [tilespmem:s29+$0xAFF0];
	_ =	sdelay $0x1  }
0x332: {  	v51 =	vld [tilespmem:s29+$0xB2A0];
	_ =	sdelay $0x1  }
0x333: {  	v32 =	vld [tilespmem:s29+$0xB550];
	v52 =	vmul.f32 v49, v0;
	v53 =	vmul.f32 v49, v1  }
0x334: {  	v55 =	vmul.f32 v50, v3  }
0x335: {  	v33 =	vld [tilespmem:s29+$0xB800];
	v56 =	vmul.f32 v50, v4;
	v54 =	vadd.f32 v52, v18;
	v34 =	vadd.f32 v53, v19  }
0x336: {  	v57 =	vmul.f32 v51, v6  }
0x337: {  	v58 =	vmul.f32 v51, v7;
	v38 =	vadd.f32 v55, v54;
	v40 =	vadd.f32 v56, v34  }
0x338: {  	p1 =	por $0x1, $0x1;
	v59 =	vmul.f32 v32, v9;
	v35 =	vmul.f32 v49, v2;
	v34 =	vld [tilespmem:s29+$0xBAB0]  }
.Ltmp24:
0x339: {  	v60 =	vmul.f32 v32, v10;
	v38 =	vadd.f32 v57, v38;
	v40 =	vadd.f32 v58, v40;
	(pc) =	sbr.rel @!p1 .LBB2_44-.Ltmp24, $4  }
0x33a: {  	v61 =	vmul.f32 v33, v12;
	v36 =	vmul.f32 v50, v5;
	v63 =	vadd.f32 v35, v20  }
0x33b: {  	v62 =	vmul.f32 v33, v13;
	v38 =	vadd.f32 v59, v38;
	v40 =	vadd.f32 v60, v40  }
0x33c: {  	v35 =	vmul.f32 v51, v8;
	v43 =	vadd.f32 v36, v63  }
0x33d: {  	p0 =	por $0x0, $0x0;
	v42 =	vmul.f32 v34, v15;
	v39 =	vadd.f32 v61, v38;
	v38 =	vadd.f32 v62, v40  }
0x33e: {  	s30 =	simm.s32 $0x10  }
0x33f: {  	v36 =	vld [tilespmem:s30+$0xAD40]  }
0x340: {  	v37 =	vadd.f32 v42, v39  }
0x341: {  	v35 =	vadd.f32 v35, v43;
	v32 =	vmul.f32 v32, v11;
	v61 =	vmul.f32 v34, v16;
	v40 =	vld [tilespmem:s30+$0xAFF0]  }
0x342: {  	v33 =	vmul.f32 v33, v14;
	v48 =	vmul.f32 v34, v17;
	v37 =	vmax.f32 v37, $0.0e+00  }
0x343: {  	v63 =	vld [tilespmem:s30+$0xB2A0];
	v32 =	vadd.f32 v32, v35;
	v38 =	vadd.f32 v61, v38;
	v62 =	vmul.f32 v37, v22  }
0x344: {  	v37 =	vmul.f32 v37, v21;
	v41 =	vmul.f32 v36, v0  }
0x345: {  	v33 =	vadd.f32 v33, v32;
	v32 =	vld [tilespmem:s30+$0xB550];
	v38 =	vmax.f32 v38, $0.0e+00;
	v49 =	vmul.f32 v36, v1  }
0x346: {  	v61 =	vmul.f32 v38, v23;
	v51 =	vmul.f32 v40, v3;
	v50 =	vadd.f32 v41, v18  }
0x347: {  	v52 =	vadd.f32 v48, v33;
	v33 =	vld [tilespmem:s30+$0xB800];
	v54 =	vmul.f32 v40, v4;
	v53 =	vadd.f32 v49, v19  }
0x348: {  	v43 =	vadd.f32 v62, v28;
	v56 =	vmul.f32 v63, v6;
	v55 =	vadd.f32 v51, v50  }
0x349: {  	v34 =	vld [tilespmem:s30+$0xBAB0];
	v44 =	vadd.f32 v37, v27;
	v46 =	vmul.f32 v63, v7;
	v57 =	vadd.f32 v54, v53  }
0x34a: {  	v45 =	vmul.f32 v36, v2;
	v58 =	vmul.f32 v32, v9;
	v36 =	vadd.f32 v56, v55  }
0x34b: {  	p3 =	por $0x1, $0x1;
	v35 =	vmul.f32 v63, v8;
	v60 =	vmul.f32 v32, v10;
	v59 =	vadd.f32 v46, v57  }
.Ltmp25:
0x34c: {  	v48 =	vmul.f32 v38, v24;
	v47 =	vmul.f32 v33, v12;
	v37 =	vadd.f32 v58, v36;
	(pc) =	sbr.rel @!p3 .LBB2_46-.Ltmp25, $4  }
0x34d: {  	v40 =	vmul.f32 v40, v5;
	v63 =	vmul.f32 v33, v13;
	v62 =	vadd.f32 v60, v59  }
0x34e: {  	v42 =	vmul.f32 v34, v15;
	v45 =	vadd.f32 v45, v20;
	v39 =	vadd.f32 v47, v37  }
0x34f: {  	v36 =	vmax.f32 v52, $0.0e+00;
	v38 =	vadd.f32 v63, v62;
	v37 =	vadd.f32 v43, v48  }
0x350: {  	s0 =	simm.s32 $0x80;
	p2 =	por $0x1, $0x1;
	s31 =	simm.s32 $0x0;
	v41 =	vmul.f32 v36, v25;
	v43 =	vadd.f32 v40, v45;
	v40 =	vadd.f32 v44, v61  }
.LBB2_47:
0x351: {  	s1 =	sshra.s32 s0, $0x2;
	p3 =	sne.s32 s0, $0xA80;
	s0 =	sadd.s32 $0x40, s0;
	v39 =	vadd.f32 v42, v39;
	v42 =	vmul.f32 v34, v16;
	v33 =	vmul.f32 v33, v14  }
0x352: {  	v32 =	vmul.f32 v32, v11;
	v44 =	vld [tilespmem:s1+$0xAD40];
	v35 =	vadd.f32 v35, v43;
	v40 =	vadd.f32 v40, v41  }
0x353: {  	v36 =	vmul.f32 v36, v26;
	v41 =	vld [tilespmem:s1+$0xBAB0];
	v39 =	vmax.f32 v39, $0.0e+00;
	v38 =	vadd.f32 v42, v38  }
0x354: {  	v42 =	vld [tilespmem:s1+$0xAFF0];
	v32 =	vadd.f32 v32, v35;
	v35 =	vmul.f32 v39, v22;
	v40 =	vmax.f32 v40, $0.0e+00  }
0x355: {  	v36 =	vadd.f32 v37, v36;
	v39 =	vmul.f32 v39, v21;
	v37 =	vmul.f32 v40, v29  }
0x356: {  	v47 =	vmul.f32 v34, v17;
	v40 =	vld [tilespmem:s1+$0xB2A0];
	v33 =	vadd.f32 v33, v32;
	v43 =	vadd.f32 v35, v28  }
0x357: {  	v36 =	vmax.f32 v36, $0.0e+00;
	v45 =	vadd.f32 v39, v27;
	v35 =	vmul.f32 v44, v0  }
0x358: {  	v36 =	vmul.f32 v36, v30;
	v39 =	vmul.f32 v44, v1;
	v32 =	vld [tilespmem:s1+$0xB550];
	v46 =	vadd.f32 v47, v33;
	v34 =	vmovc v41  }
0x359: {  	v37 =	vadd.f32 v37, v31;
	v35 =	vadd.f32 v35, v18;
	v41 =	vmul.f32 v42, v3  }
0x35a: {  	v44 =	vmul.f32 v44, v2;
	v39 =	vadd.f32 v39, v19;
	v47 =	vmul.f32 v42, v4;
	v33 =	vld [tilespmem:s1+$0xB800]  }
0x35b: {  	v36 =	vadd.f32 v37, v36;
	v41 =	vadd.f32 v41, v35;
	v48 =	vmul.f32 v40, v6  }
0x35c: {  	v37 =	vadd.f32 v47, v39;
	v39 =	vmul.f32 v40, v7;
	v35 =	vmul.f32 v40, v8  }
0x35d: {  	v38 =	vmax.f32 v38, $0.0e+00;
	v40 =	vadd.f32 v48, v41;
	v41 =	vmul.f32 v32, v9;
	[tilespmem:s31+$0x128E0] =	vst v36;
	s31 =	smov.u32 s30;
	s30 =	smov.u32 s1  }
0x35e: {  	v47 =	vmul.f32 v38, v23;
	v36 =	vadd.f32 v39, v37;
	v37 =	vmul.f32 v32, v10  }
.Ltmp26:
0x35f: {  	v39 =	vadd.f32 v41, v40;
	v40 =	vmul.f32 v33, v12;
	v41 =	vmul.f32 v38, v24;
	(pc) =	sbr.rel @p3 .LBB2_47-.Ltmp26, $4  }
0x360: {  	v37 =	vadd.f32 v37, v36;
	v38 =	vmul.f32 v33, v13;
	v36 =	vmax.f32 v46, $0.0e+00  }
0x361: {  	v39 =	vadd.f32 v40, v39;
	v40 =	vadd.f32 v44, v20;
	v44 =	vmul.f32 v42, v5  }
0x362: {  	v42 =	vmul.f32 v34, v15;
	v38 =	vadd.f32 v38, v37;
	v37 =	vadd.f32 v43, v41  }
0x363: {  	v41 =	vmul.f32 v36, v25;
	v43 =	vadd.f32 v44, v40;
	v40 =	vadd.f32 v45, v47  }
.LBB2_48:
0x364: {  	_ = 	snop  }
0x365: {  	v32 =	vmul.f32 v32, v11;
	v35 =	vadd.f32 v35, v43  }
0x366: {  	v39 =	vadd.f32 v42, v39  }
0x367: {  	v63 =	vmul.f32 v34, v16;
	v33 =	vmul.f32 v33, v14;
	v32 =	vadd.f32 v32, v35  }
0x368: {  	v46 =	vmul.f32 v34, v17  }
0x369: {  	v45 =	vmax.f32 v39, $0.0e+00;
	v38 =	vadd.f32 v63, v38;
	v32 =	vadd.f32 v33, v32  }
0x36a: {  	v47 =	vmul.f32 v45, v21  }
0x36b: {  	v35 =	vmul.f32 v45, v22;
	v48 =	vmax.f32 v38, $0.0e+00;
	v32 =	vadd.f32 v46, v32  }
0x36c: {  	v34 =	vadd.f32 v47, v27;
	v38 =	vmul.f32 v48, v23  }
0x36d: {  	v35 =	vadd.f32 v35, v28;
	v32 =	vmax.f32 v32, $0.0e+00  }
0x36e: {  	v33 =	vmul.f32 v48, v24;
	v34 =	vadd.f32 v34, v38;
	v49 =	vmul.f32 v32, v25  }
0x36f: {  	v36 =	vmul.f32 @p2 v36, v26;
	v39 =	vadd.f32 @p2 v40, v41  }
0x370: {  	v33 =	vadd.f32 v35, v33;
	v32 =	vmul.f32 v32, v26;
	v34 =	vadd.f32 v34, v49  }
0x371: {  	v36 =	vadd.f32 @p2 v37, v36;
	v35 =	vmax.f32 @p2 v39, $0.0e+00  }
0x372: {  	v35 =	vmul.f32 @p2 v35, v29;
	v32 =	vadd.f32 v33, v32;
	v34 =	vmax.f32 v34, $0.0e+00  }
0x373: {  	v33 =	vmax.f32 @p2 v36, $0.0e+00;
	v34 =	vmul.f32 v34, v29  }
0x374: {  	v35 =	vadd.f32 @p2 v35, v31;
	v33 =	vmul.f32 @p2 v33, v30;
	v32 =	vmax.f32 v32, $0.0e+00  }
0x375: {  	v32 =	vmul.f32 v32, v30;
	v34 =	vadd.f32 v34, v31  }
0x376: {  	v33 =	vadd.f32 @p2 v35, v33  }
0x377: {  	v32 =	vadd.f32 v34, v32  }
0x378: {  	[tilespmem:s31+$0x128E0] =	vst @p2 v33  }
0x379: {  	[tilespmem:s30+$0x128E0] =	vst v32  }
0x37a: {  	v50 =	vld [tilespmem:s29+$0xBD60]  }
0x37b: {  	v51 =	vld [tilespmem:s29+$0xC010];
	_ =	sdelay $0x1  }
0x37c: {  	v33 =	vld [tilespmem:s29+$0xC2C0];
	_ =	sdelay $0x1  }
0x37d: {  	v34 =	vld [tilespmem:s29+$0xC570];
	v52 =	vmul.f32 v50, v0;
	v53 =	vmul.f32 v50, v1  }
0x37e: {  	v54 =	vmul.f32 v51, v3  }
0x37f: {  	v35 =	vld [tilespmem:s29+$0xC820];
	v55 =	vmul.f32 v51, v4;
	v32 =	vadd.f32 v52, v18;
	v38 =	vadd.f32 v53, v19  }
0x380: {  	v56 =	vmul.f32 v33, v6  }
0x381: {  	v57 =	vmul.f32 v33, v7;
	v39 =	vadd.f32 v54, v32;
	v38 =	vadd.f32 v55, v38  }
0x382: {  	v58 =	vmul.f32 v34, v9;
	v36 =	vmul.f32 v50, v2;
	v32 =	vld [tilespmem:s29+$0xCAD0]  }
.Ltmp27:
0x383: {  	v59 =	vmul.f32 v34, v10;
	v39 =	vadd.f32 v56, v39;
	v38 =	vadd.f32 v57, v38;
	(pc) =	sbr.rel @!p1 .LBB2_49-.Ltmp27, $4  }
0x384: {  	v60 =	vmul.f32 v51, v5;
	v62 =	vmul.f32 v35, v12;
	v36 =	vadd.f32 v36, v20  }
0x385: {  	v63 =	vmul.f32 v35, v13;
	v61 =	vadd.f32 v58, v39;
	v38 =	vadd.f32 v59, v38  }
0x386: {  	v39 =	vadd.f32 v60, v36  }
0x387: {  	v37 =	vmul.f32 v32, v15;
	v42 =	vadd.f32 v62, v61;
	v38 =	vadd.f32 v63, v38  }
0x388: {  	s30 =	simm.s32 $0x10  }
0x389: {  	v62 =	vmul.f32 v32, v16;
	v41 =	vld [tilespmem:s30+$0xBD60]  }
0x38a: {  	v40 =	vmul.f32 v32, v17;
	v48 =	vmul.f32 v33, v8;
	v36 =	vadd.f32 v37, v42;
	v32 =	vld [tilespmem:s30+$0xCAD0]  }
0x38b: {  	v43 =	vmul.f32 v35, v14;
	v44 =	vld [tilespmem:s30+$0xC010];
	v38 =	vadd.f32 v62, v38  }
0x38c: {  	v45 =	vmul.f32 v34, v11;
	v39 =	vadd.f32 v48, v39;
	v63 =	vmax.f32 v36, $0.0e+00  }
0x38d: {  	v33 =	vld [tilespmem:s30+$0xC2C0];
	v49 =	vmul.f32 v63, v21;
	v50 =	vmul.f32 v63, v22;
	v38 =	vmax.f32 v38, $0.0e+00  }
0x38e: {  	v39 =	vadd.f32 v45, v39;
	v62 =	vmul.f32 v38, v23;
	v51 =	vmul.f32 v41, v0  }
0x38f: {  	v34 =	vld [tilespmem:s30+$0xC570];
	v46 =	vadd.f32 v49, v27;
	v36 =	vadd.f32 v50, v28;
	v47 =	vmul.f32 v41, v1  }
0x390: {  	v35 =	vld [tilespmem:s30+$0xC820];
	v37 =	vmul.f32 v32, v15;
	v48 =	vmul.f32 v44, v3;
	v52 =	vadd.f32 v51, v18  }
0x391: {  	v41 =	vmul.f32 v41, v2;
	v49 =	vmul.f32 v44, v4;
	v47 =	vadd.f32 v47, v19  }
0x392: {  	v53 =	vmul.f32 v33, v6;
	v55 =	vmul.f32 v33, v7;
	v42 =	vadd.f32 v48, v52  }
0x393: {  	v44 =	vmul.f32 v44, v5;
	v39 =	vadd.f32 v43, v39;
	v54 =	vadd.f32 v49, v47  }
0x394: {  	p1 =	por $0x1, $0x1;
	v56 =	vmul.f32 v34, v9;
	v58 =	vmul.f32 v34, v10;
	v42 =	vadd.f32 v53, v42  }
.Ltmp28:
0x395: {  	v59 =	vmul.f32 v35, v12;
	v61 =	vadd.f32 v40, v39;
	v57 =	vadd.f32 v55, v54;
	(pc) =	sbr.rel @!p1 .LBB2_51-.Ltmp28, $4  }
0x396: {  	v60 =	vmul.f32 v35, v13;
	v41 =	vadd.f32 v41, v20;
	v42 =	vadd.f32 v56, v42  }
0x397: {  	v40 =	vmul.f32 v38, v24;
	v63 =	vmax.f32 v61, $0.0e+00;
	v43 =	vadd.f32 v58, v57  }
0x398: {  	v39 =	vadd.f32 v44, v41;
	v44 =	vmul.f32 v63, v25;
	v42 =	vadd.f32 v59, v42  }
0x399: {  	s0 =	simm.s32 $0x80;
	p0 =	por $0x1, $0x1;
	v41 =	vmul.f32 v63, v26;
	v38 =	vadd.f32 v60, v43;
	v43 =	vadd.f32 v46, v62  }
.LBB2_52:
0x39a: {  	s1 =	sshra.s32 s0, $0x2;
	p1 =	sne.s32 s0, $0xA80;
	s0 =	sadd.s32 $0x40, s0;
	v37 =	vadd.f32 v37, v42;
	v42 =	vmul.f32 v32, v17;
	v36 =	vadd.f32 v36, v40  }
0x39b: {  	v45 =	vmul.f32 v32, v16;
	v46 =	vmul.f32 v35, v14;
	v40 =	vld [tilespmem:s1+$0xBD60];
	v35 =	vadd.f32 v43, v44  }
0x39c: {  	v43 =	vmul.f32 v34, v11;
	v32 =	vld [tilespmem:s1+$0xCAD0];
	v37 =	vmax.f32 v37, $0.0e+00;
	v34 =	vadd.f32 v36, v41  }
0x39d: {  	v36 =	vmul.f32 v33, v8;
	v41 =	vld [tilespmem:s1+$0xC010];
	v44 =	vmul.f32 v37, v21;
	v33 =	vmax.f32 v35, $0.0e+00  }
0x39e: {  	v35 =	vmul.f32 v37, v22;
	v34 =	vmax.f32 v34, $0.0e+00;
	v37 =	vmul.f32 v33, v29  }
0x39f: {  	v39 =	vadd.f32 v36, v39;
	v33 =	vld [tilespmem:s1+$0xC2C0];
	v44 =	vadd.f32 v44, v27;
	v47 =	vmul.f32 v34, v30  }
0x3a0: {  	v36 =	vadd.f32 v35, v28;
	v48 =	vmul.f32 v40, v0;
	v49 =	vadd.f32 v37, v31  }
0x3a1: {  	v38 =	vadd.f32 v45, v38;
	v50 =	vmul.f32 v40, v1;
	v34 =	vld [tilespmem:s1+$0xC570];
	v37 =	vmul.f32 v32, v15  }
0x3a2: {  	v40 =	vmul.f32 v40, v2;
	v45 =	vadd.f32 v48, v18;
	v48 =	vmul.f32 v41, v3  }
0x3a3: {  	v50 =	vadd.f32 v50, v19;
	v51 =	vmul.f32 v41, v4;
	v47 =	vadd.f32 v49, v47;
	v35 =	vld [tilespmem:s1+$0xC820]  }
0x3a4: {  	v39 =	vadd.f32 v43, v39;
	v45 =	vadd.f32 v48, v45;
	v48 =	vmul.f32 v33, v6  }
0x3a5: {  	v41 =	vmul.f32 v41, v5;
	v43 =	vadd.f32 v51, v50;
	v49 =	vmul.f32 v33, v7;
	[tilespmem:s29+$0x12B90] =	vst v47;
	s29 =	smov.u32 s30;
	s30 =	smov.u32 s1  }
0x3a6: {  	v39 =	vadd.f32 v46, v39;
	v45 =	vadd.f32 v48, v45;
	v47 =	vmul.f32 v34, v9  }
0x3a7: {  	v38 =	vmax.f32 v38, $0.0e+00;
	v43 =	vadd.f32 v49, v43;
	v46 =	vmul.f32 v34, v10  }
.Ltmp29:
0x3a8: {  	v48 =	vadd.f32 v40, v20;
	v45 =	vadd.f32 v47, v45;
	v47 =	vmul.f32 v35, v12;
	(pc) =	sbr.rel @p1 .LBB2_52-.Ltmp29, $4  }
0x3a9: {  	v49 =	vadd.f32 v42, v39;
	v43 =	vadd.f32 v46, v43;
	v46 =	vmul.f32 v35, v13  }
0x3aa: {  	v40 =	vmul.f32 v38, v24;
	v42 =	vadd.f32 v47, v45;
	v45 =	vmul.f32 v38, v23  }
0x3ab: {  	v39 =	vadd.f32 v41, v48;
	v41 =	vmax.f32 v49, $0.0e+00;
	v38 =	vadd.f32 v46, v43  }
0x3ac: {  	v43 =	vadd.f32 v44, v45;
	v44 =	vmul.f32 v41, v25;
	v41 =	vmul.f32 v41, v26  }
0x3ad: {  	s0 =	smov.u32 s29;
	s29 =	smov.u32 s30  }
.LBB2_54:
0x3ae: {  	v33 =	vmul.f32 v33, v8;
	_ =	sdelay $0x1  }
0x3af: {  	v34 =	vmul.f32 v34, v11;
	v33 =	vadd.f32 v33, v39  }
0x3b0: {  	v37 =	vadd.f32 v37, v42  }
0x3b1: {  	v61 =	vmul.f32 v32, v16;
	v35 =	vmul.f32 v35, v14;
	v33 =	vadd.f32 v34, v33  }
0x3b2: {  	v62 =	vmul.f32 v32, v17  }
0x3b3: {  	v63 =	vmax.f32 v37, $0.0e+00;
	v42 =	vadd.f32 v61, v38;
	v33 =	vadd.f32 v35, v33  }
0x3b4: {  	v45 =	vmul.f32 v63, v21  }
0x3b5: {  	v37 =	vmax.f32 v42, $0.0e+00;
	v32 =	vadd.f32 v62, v33  }
0x3b6: {  	v34 =	vmul.f32 v63, v22;
	v46 =	vadd.f32 v45, v27;
	v47 =	vmul.f32 v37, v23  }
0x3b7: {  	v37 =	vmul.f32 v37, v24;
	v32 =	vmax.f32 v32, $0.0e+00  }
0x3b8: {  	v34 =	vadd.f32 v34, v28;
	v33 =	vadd.f32 v46, v47;
	v48 =	vmul.f32 v32, v25  }
0x3b9: {  	v36 =	vadd.f32 @p0 v36, v40;
	v38 =	vadd.f32 @p0 v43, v44  }
0x3ba: {  	v34 =	vadd.f32 v34, v37;
	v32 =	vmul.f32 v32, v26;
	v33 =	vadd.f32 v33, v48  }
0x3bb: {  	v35 =	vadd.f32 @p0 v36, v41;
	v36 =	vmax.f32 @p0 v38, $0.0e+00  }
0x3bc: {  	v36 =	vmul.f32 @p0 v36, v29;
	v32 =	vadd.f32 v34, v32;
	v33 =	vmax.f32 v33, $0.0e+00  }
0x3bd: {  	v34 =	vmax.f32 @p0 v35, $0.0e+00;
	v33 =	vmul.f32 v33, v29  }
0x3be: {  	v35 =	vadd.f32 @p0 v36, v31;
	v34 =	vmul.f32 @p0 v34, v30;
	v32 =	vmax.f32 v32, $0.0e+00  }
0x3bf: {  	v32 =	vmul.f32 v32, v30;
	v33 =	vadd.f32 v33, v31  }
0x3c0: {  	v34 =	vadd.f32 @p0 v35, v34  }
0x3c1: {  	v32 =	vadd.f32 v33, v32  }
0x3c2: {  	[tilespmem:s0+$0x12B90] =	vst @p0 v34  }
0x3c3: {  	[tilespmem:s29+$0x12B90] =	vst v32;
	s29 =	simm.s32 $0x0  }
0x3c4: {  	v49 =	vld [tilespmem:s29+$0xCD80]  }
0x3c5: {  	v50 =	vld [tilespmem:s29+$0xD030];
	_ =	sdelay $0x1  }
0x3c6: {  	v51 =	vld [tilespmem:s29+$0xD2E0];
	_ =	sdelay $0x1  }
0x3c7: {  	v32 =	vld [tilespmem:s29+$0xD590];
	v52 =	vmul.f32 v49, v0;
	v53 =	vmul.f32 v49, v1  }
0x3c8: {  	v55 =	vmul.f32 v50, v3  }
0x3c9: {  	v33 =	vld [tilespmem:s29+$0xD840];
	v56 =	vmul.f32 v50, v4;
	v54 =	vadd.f32 v52, v18;
	v34 =	vadd.f32 v53, v19  }
0x3ca: {  	v57 =	vmul.f32 v51, v6  }
0x3cb: {  	v58 =	vmul.f32 v51, v7;
	v38 =	vadd.f32 v55, v54;
	v40 =	vadd.f32 v56, v34  }
0x3cc: {  	p1 =	por $0x1, $0x1;
	v59 =	vmul.f32 v32, v9;
	v35 =	vmul.f32 v49, v2;
	v34 =	vld [tilespmem:s29+$0xDAF0]  }
.Ltmp30:
0x3cd: {  	v60 =	vmul.f32 v32, v10;
	v38 =	vadd.f32 v57, v38;
	v40 =	vadd.f32 v58, v40;
	(pc) =	sbr.rel @!p1 .LBB2_55-.Ltmp30, $4  }
0x3ce: {  	v61 =	vmul.f32 v33, v12;
	v36 =	vmul.f32 v50, v5;
	v63 =	vadd.f32 v35, v20  }
0x3cf: {  	v62 =	vmul.f32 v33, v13;
	v38 =	vadd.f32 v59, v38;
	v40 =	vadd.f32 v60, v40  }
0x3d0: {  	v35 =	vmul.f32 v51, v8;
	v43 =	vadd.f32 v36, v63  }
0x3d1: {  	p0 =	por $0x0, $0x0;
	v42 =	vmul.f32 v34, v15;
	v39 =	vadd.f32 v61, v38;
	v38 =	vadd.f32 v62, v40  }
0x3d2: {  	s30 =	simm.s32 $0x10  }
0x3d3: {  	v36 =	vld [tilespmem:s30+$0xCD80]  }
0x3d4: {  	v37 =	vadd.f32 v42, v39  }
0x3d5: {  	v35 =	vadd.f32 v35, v43;
	v32 =	vmul.f32 v32, v11;
	v61 =	vmul.f32 v34, v16;
	v40 =	vld [tilespmem:s30+$0xD030]  }
0x3d6: {  	v33 =	vmul.f32 v33, v14;
	v48 =	vmul.f32 v34, v17;
	v37 =	vmax.f32 v37, $0.0e+00  }
0x3d7: {  	v63 =	vld [tilespmem:s30+$0xD2E0];
	v32 =	vadd.f32 v32, v35;
	v38 =	vadd.f32 v61, v38;
	v62 =	vmul.f32 v37, v22  }
0x3d8: {  	v37 =	vmul.f32 v37, v21;
	v41 =	vmul.f32 v36, v0  }
0x3d9: {  	v33 =	vadd.f32 v33, v32;
	v32 =	vld [tilespmem:s30+$0xD590];
	v38 =	vmax.f32 v38, $0.0e+00;
	v49 =	vmul.f32 v36, v1  }
0x3da: {  	v61 =	vmul.f32 v38, v23;
	v51 =	vmul.f32 v40, v3;
	v50 =	vadd.f32 v41, v18  }
0x3db: {  	v52 =	vadd.f32 v48, v33;
	v33 =	vld [tilespmem:s30+$0xD840];
	v54 =	vmul.f32 v40, v4;
	v53 =	vadd.f32 v49, v19  }
0x3dc: {  	v43 =	vadd.f32 v62, v28;
	v56 =	vmul.f32 v63, v6;
	v55 =	vadd.f32 v51, v50  }
0x3dd: {  	v34 =	vld [tilespmem:s30+$0xDAF0];
	v44 =	vadd.f32 v37, v27;
	v46 =	vmul.f32 v63, v7;
	v57 =	vadd.f32 v54, v53  }
0x3de: {  	v45 =	vmul.f32 v36, v2;
	v58 =	vmul.f32 v32, v9;
	v36 =	vadd.f32 v56, v55  }
0x3df: {  	p3 =	por $0x1, $0x1;
	v35 =	vmul.f32 v63, v8;
	v60 =	vmul.f32 v32, v10;
	v59 =	vadd.f32 v46, v57  }
.Ltmp31:
0x3e0: {  	v48 =	vmul.f32 v38, v24;
	v47 =	vmul.f32 v33, v12;
	v37 =	vadd.f32 v58, v36;
	(pc) =	sbr.rel @!p3 .LBB2_57-.Ltmp31, $4  }
0x3e1: {  	v40 =	vmul.f32 v40, v5;
	v63 =	vmul.f32 v33, v13;
	v62 =	vadd.f32 v60, v59  }
0x3e2: {  	v42 =	vmul.f32 v34, v15;
	v45 =	vadd.f32 v45, v20;
	v39 =	vadd.f32 v47, v37  }
0x3e3: {  	v36 =	vmax.f32 v52, $0.0e+00;
	v38 =	vadd.f32 v63, v62;
	v37 =	vadd.f32 v43, v48  }
0x3e4: {  	s0 =	simm.s32 $0x80;
	p2 =	por $0x1, $0x1;
	s31 =	simm.s32 $0x0;
	v41 =	vmul.f32 v36, v25;
	v43 =	vadd.f32 v40, v45;
	v40 =	vadd.f32 v44, v61  }
.LBB2_58:
0x3e5: {  	s1 =	sshra.s32 s0, $0x2;
	p3 =	sne.s32 s0, $0xA80;
	s0 =	sadd.s32 $0x40, s0;
	v39 =	vadd.f32 v42, v39;
	v42 =	vmul.f32 v34, v16;
	v33 =	vmul.f32 v33, v14  }
0x3e6: {  	v32 =	vmul.f32 v32, v11;
	v44 =	vld [tilespmem:s1+$0xCD80];
	v35 =	vadd.f32 v35, v43;
	v40 =	vadd.f32 v40, v41  }
0x3e7: {  	v36 =	vmul.f32 v36, v26;
	v41 =	vld [tilespmem:s1+$0xDAF0];
	v39 =	vmax.f32 v39, $0.0e+00;
	v38 =	vadd.f32 v42, v38  }
0x3e8: {  	v42 =	vld [tilespmem:s1+$0xD030];
	v32 =	vadd.f32 v32, v35;
	v35 =	vmul.f32 v39, v22;
	v40 =	vmax.f32 v40, $0.0e+00  }
0x3e9: {  	v36 =	vadd.f32 v37, v36;
	v39 =	vmul.f32 v39, v21;
	v37 =	vmul.f32 v40, v29  }
0x3ea: {  	v47 =	vmul.f32 v34, v17;
	v40 =	vld [tilespmem:s1+$0xD2E0];
	v33 =	vadd.f32 v33, v32;
	v43 =	vadd.f32 v35, v28  }
0x3eb: {  	v36 =	vmax.f32 v36, $0.0e+00;
	v45 =	vadd.f32 v39, v27;
	v35 =	vmul.f32 v44, v0  }
0x3ec: {  	v36 =	vmul.f32 v36, v30;
	v39 =	vmul.f32 v44, v1;
	v32 =	vld [tilespmem:s1+$0xD590];
	v46 =	vadd.f32 v47, v33;
	v34 =	vmovc v41  }
0x3ed: {  	v37 =	vadd.f32 v37, v31;
	v35 =	vadd.f32 v35, v18;
	v41 =	vmul.f32 v42, v3  }
0x3ee: {  	v44 =	vmul.f32 v44, v2;
	v39 =	vadd.f32 v39, v19;
	v47 =	vmul.f32 v42, v4;
	v33 =	vld [tilespmem:s1+$0xD840]  }
0x3ef: {  	v36 =	vadd.f32 v37, v36;
	v41 =	vadd.f32 v41, v35;
	v48 =	vmul.f32 v40, v6  }
0x3f0: {  	v37 =	vadd.f32 v47, v39;
	v39 =	vmul.f32 v40, v7;
	v35 =	vmul.f32 v40, v8  }
0x3f1: {  	v38 =	vmax.f32 v38, $0.0e+00;
	v40 =	vadd.f32 v48, v41;
	v41 =	vmul.f32 v32, v9;
	[tilespmem:s31+$0x12E40] =	vst v36;
	s31 =	smov.u32 s30;
	s30 =	smov.u32 s1  }
0x3f2: {  	v47 =	vmul.f32 v38, v23;
	v36 =	vadd.f32 v39, v37;
	v37 =	vmul.f32 v32, v10  }
.Ltmp32:
0x3f3: {  	v39 =	vadd.f32 v41, v40;
	v40 =	vmul.f32 v33, v12;
	v41 =	vmul.f32 v38, v24;
	(pc) =	sbr.rel @p3 .LBB2_58-.Ltmp32, $4  }
0x3f4: {  	v37 =	vadd.f32 v37, v36;
	v38 =	vmul.f32 v33, v13;
	v36 =	vmax.f32 v46, $0.0e+00  }
0x3f5: {  	v39 =	vadd.f32 v40, v39;
	v40 =	vadd.f32 v44, v20;
	v44 =	vmul.f32 v42, v5  }
0x3f6: {  	v42 =	vmul.f32 v34, v15;
	v38 =	vadd.f32 v38, v37;
	v37 =	vadd.f32 v43, v41  }
0x3f7: {  	v41 =	vmul.f32 v36, v25;
	v43 =	vadd.f32 v44, v40;
	v40 =	vadd.f32 v45, v47  }
.LBB2_59:
0x3f8: {  	_ = 	snop  }
0x3f9: {  	v32 =	vmul.f32 v32, v11;
	v35 =	vadd.f32 v35, v43  }
0x3fa: {  	v39 =	vadd.f32 v42, v39  }
0x3fb: {  	v63 =	vmul.f32 v34, v16;
	v33 =	vmul.f32 v33, v14;
	v32 =	vadd.f32 v32, v35  }
0x3fc: {  	v46 =	vmul.f32 v34, v17  }
0x3fd: {  	v45 =	vmax.f32 v39, $0.0e+00;
	v38 =	vadd.f32 v63, v38;
	v32 =	vadd.f32 v33, v32  }
0x3fe: {  	v47 =	vmul.f32 v45, v21  }
0x3ff: {  	v35 =	vmul.f32 v45, v22;
	v48 =	vmax.f32 v38, $0.0e+00;
	v32 =	vadd.f32 v46, v32  }
0x400: {  	v34 =	vadd.f32 v47, v27;
	v38 =	vmul.f32 v48, v23  }
0x401: {  	v35 =	vadd.f32 v35, v28;
	v32 =	vmax.f32 v32, $0.0e+00  }
0x402: {  	v33 =	vmul.f32 v48, v24;
	v34 =	vadd.f32 v34, v38;
	v49 =	vmul.f32 v32, v25  }
0x403: {  	v36 =	vmul.f32 @p2 v36, v26;
	v39 =	vadd.f32 @p2 v40, v41  }
0x404: {  	v33 =	vadd.f32 v35, v33;
	v32 =	vmul.f32 v32, v26;
	v34 =	vadd.f32 v34, v49  }
0x405: {  	v36 =	vadd.f32 @p2 v37, v36;
	v35 =	vmax.f32 @p2 v39, $0.0e+00  }
0x406: {  	v35 =	vmul.f32 @p2 v35, v29;
	v32 =	vadd.f32 v33, v32;
	v34 =	vmax.f32 v34, $0.0e+00  }
0x407: {  	v33 =	vmax.f32 @p2 v36, $0.0e+00;
	v34 =	vmul.f32 v34, v29  }
0x408: {  	v35 =	vadd.f32 @p2 v35, v31;
	v33 =	vmul.f32 @p2 v33, v30;
	v32 =	vmax.f32 v32, $0.0e+00  }
0x409: {  	v32 =	vmul.f32 v32, v30;
	v34 =	vadd.f32 v34, v31  }
0x40a: {  	v33 =	vadd.f32 @p2 v35, v33  }
0x40b: {  	v32 =	vadd.f32 v34, v32  }
0x40c: {  	[tilespmem:s31+$0x12E40] =	vst @p2 v33  }
0x40d: {  	[tilespmem:s30+$0x12E40] =	vst v32  }
0x40e: {  	v50 =	vld [tilespmem:s29+$0xDDA0]  }
0x40f: {  	v51 =	vld [tilespmem:s29+$0xE050];
	_ =	sdelay $0x1  }
0x410: {  	v33 =	vld [tilespmem:s29+$0xE300];
	_ =	sdelay $0x1  }
0x411: {  	v34 =	vld [tilespmem:s29+$0xE5B0];
	v52 =	vmul.f32 v50, v0;
	v53 =	vmul.f32 v50, v1  }
0x412: {  	v54 =	vmul.f32 v51, v3  }
0x413: {  	v35 =	vld [tilespmem:s29+$0xE860];
	v55 =	vmul.f32 v51, v4;
	v32 =	vadd.f32 v52, v18;
	v38 =	vadd.f32 v53, v19  }
0x414: {  	v56 =	vmul.f32 v33, v6  }
0x415: {  	v57 =	vmul.f32 v33, v7;
	v39 =	vadd.f32 v54, v32;
	v38 =	vadd.f32 v55, v38  }
0x416: {  	v58 =	vmul.f32 v34, v9;
	v36 =	vmul.f32 v50, v2;
	v32 =	vld [tilespmem:s29+$0xEB10]  }
.Ltmp33:
0x417: {  	v59 =	vmul.f32 v34, v10;
	v39 =	vadd.f32 v56, v39;
	v38 =	vadd.f32 v57, v38;
	(pc) =	sbr.rel @!p1 .LBB2_60-.Ltmp33, $4  }
0x418: {  	v60 =	vmul.f32 v51, v5;
	v62 =	vmul.f32 v35, v12;
	v36 =	vadd.f32 v36, v20  }
0x419: {  	v63 =	vmul.f32 v35, v13;
	v61 =	vadd.f32 v58, v39;
	v38 =	vadd.f32 v59, v38  }
0x41a: {  	v39 =	vadd.f32 v60, v36  }
0x41b: {  	v37 =	vmul.f32 v32, v15;
	v42 =	vadd.f32 v62, v61;
	v38 =	vadd.f32 v63, v38  }
0x41c: {  	s30 =	simm.s32 $0x10  }
0x41d: {  	v62 =	vmul.f32 v32, v16;
	v41 =	vld [tilespmem:s30+$0xDDA0]  }
0x41e: {  	v40 =	vmul.f32 v32, v17;
	v48 =	vmul.f32 v33, v8;
	v36 =	vadd.f32 v37, v42;
	v32 =	vld [tilespmem:s30+$0xEB10]  }
0x41f: {  	v43 =	vmul.f32 v35, v14;
	v44 =	vld [tilespmem:s30+$0xE050];
	v38 =	vadd.f32 v62, v38  }
0x420: {  	v45 =	vmul.f32 v34, v11;
	v39 =	vadd.f32 v48, v39;
	v63 =	vmax.f32 v36, $0.0e+00  }
0x421: {  	v33 =	vld [tilespmem:s30+$0xE300];
	v49 =	vmul.f32 v63, v21;
	v50 =	vmul.f32 v63, v22;
	v38 =	vmax.f32 v38, $0.0e+00  }
0x422: {  	v39 =	vadd.f32 v45, v39;
	v62 =	vmul.f32 v38, v23;
	v51 =	vmul.f32 v41, v0  }
0x423: {  	v34 =	vld [tilespmem:s30+$0xE5B0];
	v46 =	vadd.f32 v49, v27;
	v36 =	vadd.f32 v50, v28;
	v47 =	vmul.f32 v41, v1  }
0x424: {  	v35 =	vld [tilespmem:s30+$0xE860];
	v37 =	vmul.f32 v32, v15;
	v48 =	vmul.f32 v44, v3;
	v52 =	vadd.f32 v51, v18  }
0x425: {  	v41 =	vmul.f32 v41, v2;
	v49 =	vmul.f32 v44, v4;
	v47 =	vadd.f32 v47, v19  }
0x426: {  	v53 =	vmul.f32 v33, v6;
	v55 =	vmul.f32 v33, v7;
	v42 =	vadd.f32 v48, v52  }
0x427: {  	v44 =	vmul.f32 v44, v5;
	v39 =	vadd.f32 v43, v39;
	v54 =	vadd.f32 v49, v47  }
0x428: {  	p1 =	por $0x1, $0x1;
	v56 =	vmul.f32 v34, v9;
	v58 =	vmul.f32 v34, v10;
	v42 =	vadd.f32 v53, v42  }
.Ltmp34:
0x429: {  	v59 =	vmul.f32 v35, v12;
	v61 =	vadd.f32 v40, v39;
	v57 =	vadd.f32 v55, v54;
	(pc) =	sbr.rel @!p1 .LBB2_62-.Ltmp34, $4  }
0x42a: {  	v60 =	vmul.f32 v35, v13;
	v41 =	vadd.f32 v41, v20;
	v42 =	vadd.f32 v56, v42  }
0x42b: {  	v40 =	vmul.f32 v38, v24;
	v63 =	vmax.f32 v61, $0.0e+00;
	v43 =	vadd.f32 v58, v57  }
0x42c: {  	v39 =	vadd.f32 v44, v41;
	v44 =	vmul.f32 v63, v25;
	v42 =	vadd.f32 v59, v42  }
0x42d: {  	s0 =	simm.s32 $0x80;
	p0 =	por $0x1, $0x1;
	v41 =	vmul.f32 v63, v26;
	v38 =	vadd.f32 v60, v43;
	v43 =	vadd.f32 v46, v62  }
.LBB2_63:
0x42e: {  	s1 =	sshra.s32 s0, $0x2;
	p1 =	sne.s32 s0, $0xA80;
	s0 =	sadd.s32 $0x40, s0;
	v37 =	vadd.f32 v37, v42;
	v42 =	vmul.f32 v32, v17;
	v36 =	vadd.f32 v36, v40  }
0x42f: {  	v45 =	vmul.f32 v32, v16;
	v46 =	vmul.f32 v35, v14;
	v40 =	vld [tilespmem:s1+$0xDDA0];
	v35 =	vadd.f32 v43, v44  }
0x430: {  	v43 =	vmul.f32 v34, v11;
	v32 =	vld [tilespmem:s1+$0xEB10];
	v37 =	vmax.f32 v37, $0.0e+00;
	v34 =	vadd.f32 v36, v41  }
0x431: {  	v36 =	vmul.f32 v33, v8;
	v41 =	vld [tilespmem:s1+$0xE050];
	v44 =	vmul.f32 v37, v21;
	v33 =	vmax.f32 v35, $0.0e+00  }
0x432: {  	v35 =	vmul.f32 v37, v22;
	v34 =	vmax.f32 v34, $0.0e+00;
	v37 =	vmul.f32 v33, v29  }
0x433: {  	v39 =	vadd.f32 v36, v39;
	v33 =	vld [tilespmem:s1+$0xE300];
	v44 =	vadd.f32 v44, v27;
	v47 =	vmul.f32 v34, v30  }
0x434: {  	v36 =	vadd.f32 v35, v28;
	v48 =	vmul.f32 v40, v0;
	v49 =	vadd.f32 v37, v31  }
0x435: {  	v38 =	vadd.f32 v45, v38;
	v50 =	vmul.f32 v40, v1;
	v34 =	vld [tilespmem:s1+$0xE5B0];
	v37 =	vmul.f32 v32, v15  }
0x436: {  	v40 =	vmul.f32 v40, v2;
	v45 =	vadd.f32 v48, v18;
	v48 =	vmul.f32 v41, v3  }
0x437: {  	v50 =	vadd.f32 v50, v19;
	v51 =	vmul.f32 v41, v4;
	v47 =	vadd.f32 v49, v47;
	v35 =	vld [tilespmem:s1+$0xE860]  }
0x438: {  	v39 =	vadd.f32 v43, v39;
	v45 =	vadd.f32 v48, v45;
	v48 =	vmul.f32 v33, v6  }
0x439: {  	v41 =	vmul.f32 v41, v5;
	v43 =	vadd.f32 v51, v50;
	v49 =	vmul.f32 v33, v7;
	[tilespmem:s29+$0x130F0] =	vst v47;
	s29 =	smov.u32 s30;
	s30 =	smov.u32 s1  }
0x43a: {  	v39 =	vadd.f32 v46, v39;
	v45 =	vadd.f32 v48, v45;
	v47 =	vmul.f32 v34, v9  }
0x43b: {  	v38 =	vmax.f32 v38, $0.0e+00;
	v43 =	vadd.f32 v49, v43;
	v46 =	vmul.f32 v34, v10  }
.Ltmp35:
0x43c: {  	v48 =	vadd.f32 v40, v20;
	v45 =	vadd.f32 v47, v45;
	v47 =	vmul.f32 v35, v12;
	(pc) =	sbr.rel @p1 .LBB2_63-.Ltmp35, $4  }
0x43d: {  	v49 =	vadd.f32 v42, v39;
	v43 =	vadd.f32 v46, v43;
	v46 =	vmul.f32 v35, v13  }
0x43e: {  	v40 =	vmul.f32 v38, v24;
	v42 =	vadd.f32 v47, v45;
	v45 =	vmul.f32 v38, v23  }
0x43f: {  	v39 =	vadd.f32 v41, v48;
	v41 =	vmax.f32 v49, $0.0e+00;
	v38 =	vadd.f32 v46, v43  }
0x440: {  	v43 =	vadd.f32 v44, v45;
	v44 =	vmul.f32 v41, v25;
	v41 =	vmul.f32 v41, v26  }
0x441: {  	s0 =	smov.u32 s29;
	s29 =	smov.u32 s30  }
.LBB2_65:
0x442: {  	v33 =	vmul.f32 v33, v8;
	_ =	sdelay $0x1  }
0x443: {  	v34 =	vmul.f32 v34, v11;
	v33 =	vadd.f32 v33, v39  }
0x444: {  	v37 =	vadd.f32 v37, v42  }
0x445: {  	v61 =	vmul.f32 v32, v16;
	v35 =	vmul.f32 v35, v14;
	v33 =	vadd.f32 v34, v33  }
0x446: {  	v62 =	vmul.f32 v32, v17  }
0x447: {  	v63 =	vmax.f32 v37, $0.0e+00;
	v42 =	vadd.f32 v61, v38;
	v33 =	vadd.f32 v35, v33  }
0x448: {  	v45 =	vmul.f32 v63, v21  }
0x449: {  	v37 =	vmax.f32 v42, $0.0e+00;
	v32 =	vadd.f32 v62, v33  }
0x44a: {  	v34 =	vmul.f32 v63, v22;
	v46 =	vadd.f32 v45, v27;
	v47 =	vmul.f32 v37, v23  }
0x44b: {  	v37 =	vmul.f32 v37, v24;
	v32 =	vmax.f32 v32, $0.0e+00  }
0x44c: {  	v34 =	vadd.f32 v34, v28;
	v33 =	vadd.f32 v46, v47;
	v48 =	vmul.f32 v32, v25  }
0x44d: {  	v36 =	vadd.f32 @p0 v36, v40;
	v38 =	vadd.f32 @p0 v43, v44  }
0x44e: {  	v34 =	vadd.f32 v34, v37;
	v32 =	vmul.f32 v32, v26;
	v33 =	vadd.f32 v33, v48  }
0x44f: {  	v35 =	vadd.f32 @p0 v36, v41;
	v36 =	vmax.f32 @p0 v38, $0.0e+00  }
0x450: {  	v36 =	vmul.f32 @p0 v36, v29;
	v32 =	vadd.f32 v34, v32;
	v33 =	vmax.f32 v33, $0.0e+00  }
0x451: {  	v34 =	vmax.f32 @p0 v35, $0.0e+00;
	v33 =	vmul.f32 v33, v29  }
0x452: {  	v35 =	vadd.f32 @p0 v36, v31;
	v34 =	vmul.f32 @p0 v34, v30;
	v32 =	vmax.f32 v32, $0.0e+00  }
0x453: {  	v32 =	vmul.f32 v32, v30;
	v33 =	vadd.f32 v33, v31  }
0x454: {  	v34 =	vadd.f32 @p0 v35, v34  }
0x455: {  	v32 =	vadd.f32 v33, v32  }
0x456: {  	[tilespmem:s0+$0x130F0] =	vst @p0 v34  }
0x457: {  	[tilespmem:s29+$0x130F0] =	vst v32;
	s29 =	simm.s32 $0x0  }
0x458: {  	v49 =	vld [tilespmem:s29+$0xEDC0]  }
0x459: {  	v50 =	vld [tilespmem:s29+$0xF070];
	_ =	sdelay $0x1  }
0x45a: {  	v51 =	vld [tilespmem:s29+$0xF320];
	_ =	sdelay $0x1  }
0x45b: {  	v32 =	vld [tilespmem:s29+$0xF5D0];
	v52 =	vmul.f32 v49, v0;
	v53 =	vmul.f32 v49, v1  }
0x45c: {  	v55 =	vmul.f32 v50, v3  }
0x45d: {  	v33 =	vld [tilespmem:s29+$0xF880];
	v56 =	vmul.f32 v50, v4;
	v54 =	vadd.f32 v52, v18;
	v34 =	vadd.f32 v53, v19  }
0x45e: {  	v57 =	vmul.f32 v51, v6  }
0x45f: {  	v58 =	vmul.f32 v51, v7;
	v38 =	vadd.f32 v55, v54;
	v40 =	vadd.f32 v56, v34  }
0x460: {  	p1 =	por $0x1, $0x1;
	v59 =	vmul.f32 v32, v9;
	v35 =	vmul.f32 v49, v2;
	v34 =	vld [tilespmem:s29+$0xFB30]  }
.Ltmp36:
0x461: {  	v60 =	vmul.f32 v32, v10;
	v38 =	vadd.f32 v57, v38;
	v40 =	vadd.f32 v58, v40;
	(pc) =	sbr.rel @!p1 .LBB2_66-.Ltmp36, $4  }
0x462: {  	v61 =	vmul.f32 v33, v12;
	v36 =	vmul.f32 v50, v5;
	v63 =	vadd.f32 v35, v20  }
0x463: {  	v62 =	vmul.f32 v33, v13;
	v38 =	vadd.f32 v59, v38;
	v40 =	vadd.f32 v60, v40  }
0x464: {  	v35 =	vmul.f32 v51, v8;
	v43 =	vadd.f32 v36, v63  }
0x465: {  	p0 =	por $0x0, $0x0;
	v42 =	vmul.f32 v34, v15;
	v39 =	vadd.f32 v61, v38;
	v38 =	vadd.f32 v62, v40  }
0x466: {  	s30 =	simm.s32 $0x10  }
0x467: {  	v36 =	vld [tilespmem:s30+$0xEDC0]  }
0x468: {  	v37 =	vadd.f32 v42, v39  }
0x469: {  	v35 =	vadd.f32 v35, v43;
	v32 =	vmul.f32 v32, v11;
	v61 =	vmul.f32 v34, v16;
	v40 =	vld [tilespmem:s30+$0xF070]  }
0x46a: {  	v33 =	vmul.f32 v33, v14;
	v48 =	vmul.f32 v34, v17;
	v37 =	vmax.f32 v37, $0.0e+00  }
0x46b: {  	v63 =	vld [tilespmem:s30+$0xF320];
	v32 =	vadd.f32 v32, v35;
	v38 =	vadd.f32 v61, v38;
	v62 =	vmul.f32 v37, v22  }
0x46c: {  	v37 =	vmul.f32 v37, v21;
	v41 =	vmul.f32 v36, v0  }
0x46d: {  	v33 =	vadd.f32 v33, v32;
	v32 =	vld [tilespmem:s30+$0xF5D0];
	v38 =	vmax.f32 v38, $0.0e+00;
	v49 =	vmul.f32 v36, v1  }
0x46e: {  	v61 =	vmul.f32 v38, v23;
	v51 =	vmul.f32 v40, v3;
	v50 =	vadd.f32 v41, v18  }
0x46f: {  	v52 =	vadd.f32 v48, v33;
	v33 =	vld [tilespmem:s30+$0xF880];
	v54 =	vmul.f32 v40, v4;
	v53 =	vadd.f32 v49, v19  }
0x470: {  	v43 =	vadd.f32 v62, v28;
	v56 =	vmul.f32 v63, v6;
	v55 =	vadd.f32 v51, v50  }
0x471: {  	v34 =	vld [tilespmem:s30+$0xFB30];
	v44 =	vadd.f32 v37, v27;
	v46 =	vmul.f32 v63, v7;
	v57 =	vadd.f32 v54, v53  }
0x472: {  	v45 =	vmul.f32 v36, v2;
	v58 =	vmul.f32 v32, v9;
	v36 =	vadd.f32 v56, v55  }
0x473: {  	p3 =	por $0x1, $0x1;
	v35 =	vmul.f32 v63, v8;
	v60 =	vmul.f32 v32, v10;
	v59 =	vadd.f32 v46, v57  }
.Ltmp37:
0x474: {  	v48 =	vmul.f32 v38, v24;
	v47 =	vmul.f32 v33, v12;
	v37 =	vadd.f32 v58, v36;
	(pc) =	sbr.rel @!p3 .LBB2_68-.Ltmp37, $4  }
0x475: {  	v40 =	vmul.f32 v40, v5;
	v63 =	vmul.f32 v33, v13;
	v62 =	vadd.f32 v60, v59  }
0x476: {  	v42 =	vmul.f32 v34, v15;
	v45 =	vadd.f32 v45, v20;
	v39 =	vadd.f32 v47, v37  }
0x477: {  	v36 =	vmax.f32 v52, $0.0e+00;
	v38 =	vadd.f32 v63, v62;
	v37 =	vadd.f32 v43, v48  }
0x478: {  	s0 =	simm.s32 $0x80;
	p2 =	por $0x1, $0x1;
	s31 =	simm.s32 $0x0;
	v41 =	vmul.f32 v36, v25;
	v43 =	vadd.f32 v40, v45;
	v40 =	vadd.f32 v44, v61  }
.LBB2_69:
0x479: {  	s1 =	sshra.s32 s0, $0x2;
	p3 =	sne.s32 s0, $0xA80;
	s0 =	sadd.s32 $0x40, s0;
	v39 =	vadd.f32 v42, v39;
	v42 =	vmul.f32 v34, v16;
	v33 =	vmul.f32 v33, v14  }
0x47a: {  	v32 =	vmul.f32 v32, v11;
	v44 =	vld [tilespmem:s1+$0xEDC0];
	v35 =	vadd.f32 v35, v43;
	v40 =	vadd.f32 v40, v41  }
0x47b: {  	v36 =	vmul.f32 v36, v26;
	v41 =	vld [tilespmem:s1+$0xFB30];
	v39 =	vmax.f32 v39, $0.0e+00;
	v38 =	vadd.f32 v42, v38  }
0x47c: {  	v42 =	vld [tilespmem:s1+$0xF070];
	v32 =	vadd.f32 v32, v35;
	v35 =	vmul.f32 v39, v22;
	v40 =	vmax.f32 v40, $0.0e+00  }
0x47d: {  	v36 =	vadd.f32 v37, v36;
	v39 =	vmul.f32 v39, v21;
	v37 =	vmul.f32 v40, v29  }
0x47e: {  	v47 =	vmul.f32 v34, v17;
	v40 =	vld [tilespmem:s1+$0xF320];
	v33 =	vadd.f32 v33, v32;
	v43 =	vadd.f32 v35, v28  }
0x47f: {  	v36 =	vmax.f32 v36, $0.0e+00;
	v45 =	vadd.f32 v39, v27;
	v35 =	vmul.f32 v44, v0  }
0x480: {  	v36 =	vmul.f32 v36, v30;
	v39 =	vmul.f32 v44, v1;
	v32 =	vld [tilespmem:s1+$0xF5D0];
	v46 =	vadd.f32 v47, v33;
	v34 =	vmovc v41  }
0x481: {  	v37 =	vadd.f32 v37, v31;
	v35 =	vadd.f32 v35, v18;
	v41 =	vmul.f32 v42, v3  }
0x482: {  	v44 =	vmul.f32 v44, v2;
	v39 =	vadd.f32 v39, v19;
	v47 =	vmul.f32 v42, v4;
	v33 =	vld [tilespmem:s1+$0xF880]  }
0x483: {  	v36 =	vadd.f32 v37, v36;
	v41 =	vadd.f32 v41, v35;
	v48 =	vmul.f32 v40, v6  }
0x484: {  	v37 =	vadd.f32 v47, v39;
	v39 =	vmul.f32 v40, v7;
	v35 =	vmul.f32 v40, v8  }
0x485: {  	v38 =	vmax.f32 v38, $0.0e+00;
	v40 =	vadd.f32 v48, v41;
	v41 =	vmul.f32 v32, v9;
	[tilespmem:s31+$0x133A0] =	vst v36;
	s31 =	smov.u32 s30;
	s30 =	smov.u32 s1  }
0x486: {  	v47 =	vmul.f32 v38, v23;
	v36 =	vadd.f32 v39, v37;
	v37 =	vmul.f32 v32, v10  }
.Ltmp38:
0x487: {  	v39 =	vadd.f32 v41, v40;
	v40 =	vmul.f32 v33, v12;
	v41 =	vmul.f32 v38, v24;
	(pc) =	sbr.rel @p3 .LBB2_69-.Ltmp38, $4  }
0x488: {  	v37 =	vadd.f32 v37, v36;
	v38 =	vmul.f32 v33, v13;
	v36 =	vmax.f32 v46, $0.0e+00  }
0x489: {  	v39 =	vadd.f32 v40, v39;
	v40 =	vadd.f32 v44, v20;
	v44 =	vmul.f32 v42, v5  }
0x48a: {  	v42 =	vmul.f32 v34, v15;
	v38 =	vadd.f32 v38, v37;
	v37 =	vadd.f32 v43, v41  }
0x48b: {  	v41 =	vmul.f32 v36, v25;
	v43 =	vadd.f32 v44, v40;
	v40 =	vadd.f32 v45, v47  }
.LBB2_70:
0x48c: {  	_ = 	snop  }
0x48d: {  	v32 =	vmul.f32 v32, v11;
	v35 =	vadd.f32 v35, v43  }
0x48e: {  	v39 =	vadd.f32 v42, v39  }
0x48f: {  	v63 =	vmul.f32 v34, v16;
	v33 =	vmul.f32 v33, v14;
	v32 =	vadd.f32 v32, v35  }
0x490: {  	v45 =	vmul.f32 v34, v17  }
0x491: {  	v44 =	vmax.f32 v39, $0.0e+00;
	v38 =	vadd.f32 v63, v38;
	v32 =	vadd.f32 v33, v32  }
0x492: {  	v46 =	vmul.f32 v44, v21  }
0x493: {  	v35 =	vmul.f32 v44, v22;
	v47 =	vmax.f32 v38, $0.0e+00;
	v32 =	vadd.f32 v45, v32  }
0x494: {  	v34 =	vadd.f32 v46, v27;
	v38 =	vmul.f32 v47, v23  }
0x495: {  	v35 =	vadd.f32 v35, v28;
	v32 =	vmax.f32 v32, $0.0e+00  }
0x496: {  	v33 =	vmul.f32 v47, v24;
	v34 =	vadd.f32 v34, v38;
	v48 =	vmul.f32 v32, v25  }
0x497: {  	v36 =	vmul.f32 @p2 v36, v26;
	v39 =	vadd.f32 @p2 v40, v41  }
0x498: {  	v33 =	vadd.f32 v35, v33;
	v32 =	vmul.f32 v32, v26;
	v34 =	vadd.f32 v34, v48  }
0x499: {  	v36 =	vadd.f32 @p2 v37, v36;
	v35 =	vmax.f32 @p2 v39, $0.0e+00  }
0x49a: {  	v35 =	vmul.f32 @p2 v35, v29;
	v32 =	vadd.f32 v33, v32;
	v34 =	vmax.f32 v34, $0.0e+00  }
0x49b: {  	v33 =	vmax.f32 @p2 v36, $0.0e+00;
	v34 =	vmul.f32 v34, v29  }
0x49c: {  	v35 =	vadd.f32 @p2 v35, v31;
	v33 =	vmul.f32 @p2 v33, v30;
	v32 =	vmax.f32 v32, $0.0e+00  }
0x49d: {  	v32 =	vmul.f32 v32, v30;
	v34 =	vadd.f32 v34, v31  }
0x49e: {  	v33 =	vadd.f32 @p2 v35, v33  }
0x49f: {  	v32 =	vadd.f32 v34, v32  }
0x4a0: {  	[tilespmem:s31+$0x133A0] =	vst @p2 v33  }
0x4a1: {  	[tilespmem:s30+$0x133A0] =	vst v32  }
0x4a2: {  	v49 =	vld [tilespmem:s29+$0xFDE0]  }
0x4a3: {  	v50 =	vld [tilespmem:s29+$0x10090];
	_ =	sdelay $0x1  }
0x4a4: {  	v51 =	vld [tilespmem:s29+$0x10340];
	_ =	sdelay $0x1  }
0x4a5: {  	v32 =	vld [tilespmem:s29+$0x105F0];
	v52 =	vmul.f32 v49, v0;
	v53 =	vmul.f32 v49, v1  }
0x4a6: {  	v55 =	vmul.f32 v50, v3  }
0x4a7: {  	v33 =	vld [tilespmem:s29+$0x108A0];
	v56 =	vmul.f32 v50, v4;
	v54 =	vadd.f32 v52, v18;
	v34 =	vadd.f32 v53, v19  }
0x4a8: {  	v57 =	vmul.f32 v51, v6  }
0x4a9: {  	v58 =	vmul.f32 v51, v7;
	v38 =	vadd.f32 v55, v54;
	v40 =	vadd.f32 v56, v34  }
0x4aa: {  	v59 =	vmul.f32 v32, v9;
	v35 =	vmul.f32 v49, v2;
	v34 =	vld [tilespmem:s29+$0x10B50]  }
.Ltmp39:
0x4ab: {  	v60 =	vmul.f32 v32, v10;
	v38 =	vadd.f32 v57, v38;
	v40 =	vadd.f32 v58, v40;
	(pc) =	sbr.rel @!p1 .LBB2_71-.Ltmp39, $4  }
0x4ac: {  	v61 =	vmul.f32 v33, v12;
	v36 =	vmul.f32 v50, v5;
	v63 =	vadd.f32 v35, v20  }
0x4ad: {  	v62 =	vmul.f32 v33, v13;
	v38 =	vadd.f32 v59, v38;
	v40 =	vadd.f32 v60, v40  }
0x4ae: {  	v35 =	vmul.f32 v51, v8;
	v43 =	vadd.f32 v36, v63  }
0x4af: {  	v42 =	vmul.f32 v34, v15;
	v39 =	vadd.f32 v61, v38;
	v38 =	vadd.f32 v62, v40  }
0x4b0: {  	s30 =	simm.s32 $0x10  }
0x4b1: {  	v36 =	vld [tilespmem:s30+$0xFDE0]  }
0x4b2: {  	v37 =	vadd.f32 v42, v39  }
0x4b3: {  	v35 =	vadd.f32 v35, v43;
	v32 =	vmul.f32 v32, v11;
	v61 =	vmul.f32 v34, v16;
	v40 =	vld [tilespmem:s30+$0x10090]  }
0x4b4: {  	v33 =	vmul.f32 v33, v14;
	v48 =	vmul.f32 v34, v17;
	v37 =	vmax.f32 v37, $0.0e+00  }
0x4b5: {  	v63 =	vld [tilespmem:s30+$0x10340];
	v32 =	vadd.f32 v32, v35;
	v38 =	vadd.f32 v61, v38;
	v62 =	vmul.f32 v37, v22  }
0x4b6: {  	v37 =	vmul.f32 v37, v21;
	v41 =	vmul.f32 v36, v0  }
0x4b7: {  	v33 =	vadd.f32 v33, v32;
	v32 =	vld [tilespmem:s30+$0x105F0];
	v38 =	vmax.f32 v38, $0.0e+00;
	v49 =	vmul.f32 v36, v1  }
0x4b8: {  	v61 =	vmul.f32 v38, v23;
	v51 =	vmul.f32 v40, v3;
	v50 =	vadd.f32 v41, v18  }
0x4b9: {  	v52 =	vadd.f32 v48, v33;
	v33 =	vld [tilespmem:s30+$0x108A0];
	v54 =	vmul.f32 v40, v4;
	v53 =	vadd.f32 v49, v19  }
0x4ba: {  	v43 =	vadd.f32 v62, v28;
	v56 =	vmul.f32 v63, v6;
	v55 =	vadd.f32 v51, v50  }
0x4bb: {  	v34 =	vld [tilespmem:s30+$0x10B50];
	v44 =	vadd.f32 v37, v27;
	v46 =	vmul.f32 v63, v7;
	v57 =	vadd.f32 v54, v53  }
0x4bc: {  	v45 =	vmul.f32 v36, v2;
	v58 =	vmul.f32 v32, v9;
	v36 =	vadd.f32 v56, v55  }
0x4bd: {  	p1 =	por $0x1, $0x1;
	v35 =	vmul.f32 v63, v8;
	v60 =	vmul.f32 v32, v10;
	v59 =	vadd.f32 v46, v57  }
.Ltmp40:
0x4be: {  	v48 =	vmul.f32 v38, v24;
	v47 =	vmul.f32 v33, v12;
	v37 =	vadd.f32 v58, v36;
	(pc) =	sbr.rel @!p1 .LBB2_73-.Ltmp40, $4  }
0x4bf: {  	v40 =	vmul.f32 v40, v5;
	v63 =	vmul.f32 v33, v13;
	v62 =	vadd.f32 v60, v59  }
0x4c0: {  	v42 =	vmul.f32 v34, v15;
	v45 =	vadd.f32 v45, v20;
	v39 =	vadd.f32 v47, v37  }
0x4c1: {  	v36 =	vmax.f32 v52, $0.0e+00;
	v38 =	vadd.f32 v63, v62;
	v37 =	vadd.f32 v43, v48  }
0x4c2: {  	s0 =	simm.s32 $0x80;
	p0 =	por $0x1, $0x1;
	v41 =	vmul.f32 v36, v25;
	v43 =	vadd.f32 v40, v45;
	v40 =	vadd.f32 v44, v61  }
.LBB2_74:
0x4c3: {  	s1 =	sshra.s32 s0, $0x2;
	p1 =	sne.s32 s0, $0xA80;
	s0 =	sadd.s32 $0x40, s0;
	v39 =	vadd.f32 v42, v39;
	v42 =	vmul.f32 v34, v16;
	v33 =	vmul.f32 v33, v14  }
0x4c4: {  	v32 =	vmul.f32 v32, v11;
	v44 =	vld [tilespmem:s1+$0xFDE0];
	v35 =	vadd.f32 v35, v43;
	v40 =	vadd.f32 v40, v41  }
0x4c5: {  	v36 =	vmul.f32 v36, v26;
	v41 =	vld [tilespmem:s1+$0x10B50];
	v39 =	vmax.f32 v39, $0.0e+00;
	v38 =	vadd.f32 v42, v38  }
0x4c6: {  	v42 =	vld [tilespmem:s1+$0x10090];
	v32 =	vadd.f32 v32, v35;
	v35 =	vmul.f32 v39, v22;
	v40 =	vmax.f32 v40, $0.0e+00  }
0x4c7: {  	v36 =	vadd.f32 v37, v36;
	v39 =	vmul.f32 v39, v21;
	v37 =	vmul.f32 v40, v29  }
0x4c8: {  	v47 =	vmul.f32 v34, v17;
	v40 =	vld [tilespmem:s1+$0x10340];
	v33 =	vadd.f32 v33, v32;
	v43 =	vadd.f32 v35, v28  }
0x4c9: {  	v36 =	vmax.f32 v36, $0.0e+00;
	v45 =	vadd.f32 v39, v27;
	v35 =	vmul.f32 v44, v0  }
0x4ca: {  	v36 =	vmul.f32 v36, v30;
	v39 =	vmul.f32 v44, v1;
	v32 =	vld [tilespmem:s1+$0x105F0];
	v46 =	vadd.f32 v47, v33;
	v34 =	vmovc v41  }
0x4cb: {  	v37 =	vadd.f32 v37, v31;
	v35 =	vadd.f32 v35, v18;
	v41 =	vmul.f32 v42, v3  }
0x4cc: {  	v44 =	vmul.f32 v44, v2;
	v39 =	vadd.f32 v39, v19;
	v47 =	vmul.f32 v42, v4;
	v33 =	vld [tilespmem:s1+$0x108A0]  }
0x4cd: {  	v36 =	vadd.f32 v37, v36;
	v41 =	vadd.f32 v41, v35;
	v48 =	vmul.f32 v40, v6  }
0x4ce: {  	v37 =	vadd.f32 v47, v39;
	v39 =	vmul.f32 v40, v7;
	v35 =	vmul.f32 v40, v8  }
0x4cf: {  	v38 =	vmax.f32 v38, $0.0e+00;
	v40 =	vadd.f32 v48, v41;
	v41 =	vmul.f32 v32, v9;
	[tilespmem:s29+$0x13650] =	vst v36;
	s29 =	smov.u32 s30;
	s30 =	smov.u32 s1  }
0x4d0: {  	v47 =	vmul.f32 v38, v23;
	v36 =	vadd.f32 v39, v37;
	v37 =	vmul.f32 v32, v10  }
.Ltmp41:
0x4d1: {  	v39 =	vadd.f32 v41, v40;
	v40 =	vmul.f32 v33, v12;
	v41 =	vmul.f32 v38, v24;
	(pc) =	sbr.rel @p1 .LBB2_74-.Ltmp41, $4  }
0x4d2: {  	v37 =	vadd.f32 v37, v36;
	v38 =	vmul.f32 v33, v13;
	v36 =	vmax.f32 v46, $0.0e+00  }
0x4d3: {  	v39 =	vadd.f32 v40, v39;
	v40 =	vadd.f32 v44, v20;
	v44 =	vmul.f32 v42, v5  }
0x4d4: {  	v42 =	vmul.f32 v34, v15;
	v38 =	vadd.f32 v38, v37;
	v37 =	vadd.f32 v43, v41  }
0x4d5: {  	v41 =	vmul.f32 v36, v25;
	v43 =	vadd.f32 v44, v40;
	v40 =	vadd.f32 v45, v47  }
0x4d6: {  	s0 =	smov.u32 s29;
	s29 =	smov.u32 s30  }
.LBB2_76:
0x4d7: {  	v35 =	vadd.f32 v35, v43;
	v32 =	vmul.f32 v32, v11  }
0x4d8: {  	v39 =	vadd.f32 v42, v39  }
0x4d9: {  	v58 =	vmul.f32 v34, v16;
	v33 =	vmul.f32 v33, v14;
	v32 =	vadd.f32 v32, v35  }
0x4da: {  	v60 =	vmul.f32 v34, v17  }
0x4db: {  	v59 =	vmax.f32 v39, $0.0e+00;
	v38 =	vadd.f32 v58, v38;
	v32 =	vadd.f32 v33, v32  }
0x4dc: {  	v61 =	vmul.f32 v59, v21  }
0x4dd: {  	v35 =	vmul.f32 v59, v22;
	v62 =	vmax.f32 v38, $0.0e+00;
	v32 =	vadd.f32 v60, v32  }
0x4de: {  	v34 =	vadd.f32 v61, v27;
	v38 =	vmul.f32 v62, v23  }
0x4df: {  	v35 =	vadd.f32 v35, v28;
	v32 =	vmax.f32 v32, $0.0e+00  }
0x4e0: {  	v33 =	vmul.f32 v62, v24;
	v34 =	vadd.f32 v34, v38;
	v63 =	vmul.f32 v32, v25  }
0x4e1: {  	v36 =	vmul.f32 @p0 v36, v26;
	v39 =	vadd.f32 @p0 v40, v41  }
0x4e2: {  	v33 =	vadd.f32 v35, v33;
	v32 =	vmul.f32 v32, v26;
	v34 =	vadd.f32 v34, v63  }
0x4e3: {  	v36 =	vadd.f32 @p0 v37, v36;
	v35 =	vmax.f32 @p0 v39, $0.0e+00  }
0x4e4: {  	v35 =	vmul.f32 @p0 v35, v29;
	v32 =	vadd.f32 v33, v32;
	v34 =	vmax.f32 v34, $0.0e+00  }
0x4e5: {  	v33 =	vmax.f32 @p0 v36, $0.0e+00;
	v34 =	vmul.f32 v34, v29  }
0x4e6: {  	v35 =	vadd.f32 @p0 v35, v31;
	v33 =	vmul.f32 @p0 v33, v30;
	v32 =	vmax.f32 v32, $0.0e+00  }
0x4e7: {  	s1 =	sshll.u32 s28, $0x3;
	v32 =	vmul.f32 v32, v30;
	v34 =	vadd.f32 v34, v31  }
0x4e8: {  	s1 =	sadd.s32 s4, s1;
	v33 =	vadd.f32 @p0 v35, v33  }
0x4e9: {  	s1 =	smul.u32 $0x56, s1;
	v32 =	vadd.f32 v34, v32  }
0x4ea: {  	s26 =	sadd.s32 $0x1, s26;
	[tilespmem:s0+$0x13650] =	vst @p0 v33  }
0x4eb: {  	s31 =	sadd.s32 s7, s1;
	p0 =	sne.s32 s26, $0x14;
	[tilespmem:s29+$0x13650] =	vst v32  }
0x4ec: {  	[hbm4b:s31+s3] =	stream.linear.scatter [tilespmem:s24], [sflag:$0x4], $0x1580, $0x38;
	[tilespmem:$0x13900] =	vst v63  }
.Ltmp42:
0x4ed: {  	_ = 	snop;
	(pc) =	sbr.rel @p0 .LBB2_2-.Ltmp42, $4  }
.Ltmp43:
0x4ee: {  	_ = 	snop;
	(pc) =	sbr.rel @!p0 .LBB2_77-.Ltmp43, $4  }
0x4ef: {  	_ =	swait.ge [sflag:s12], $0x1580  }
0x4f0: {  	[sflag:s12] =	ssyncset.done $0x0  }
0x4f1: {  	[sflag:s12] =	ssyncadd.s32 $0xFFFFEA80  }
0x4f2: {  	_ = 	snop  }
.LBB2_7:
.Ltmp44:
0x4f3: {  	(pc) =	sbr.rel .LBB2_11-.Ltmp44, $2  }
0x4f4: {  	_ =	sdelay $0x2  }
0x4f5: {  	s30 =	simm.s32 $0x0;
	p2 =	por $0x0, $0x0  }
.LBB2_12:
.Ltmp45:
0x4f6: {  	(pc) =	sbr.rel .LBB2_17-.Ltmp45, $2  }
0x4f7: {  	_ =	sdelay $0x2  }
0x4f8: {  	_ = 	snop  }
.LBB2_18:
.Ltmp46:
0x4f9: {  	(pc) =	sbr.rel .LBB2_22-.Ltmp46, $2  }
0x4fa: {  	_ =	sdelay $0x2  }
0x4fb: {  	s30 =	simm.s32 $0x0;
	p2 =	por $0x0, $0x0  }
.LBB2_23:
.Ltmp47:
0x4fc: {  	(pc) =	sbr.rel .LBB2_28-.Ltmp47, $2  }
0x4fd: {  	_ =	sdelay $0x2  }
0x4fe: {  	_ = 	snop  }
.LBB2_29:
.Ltmp48:
0x4ff: {  	(pc) =	sbr.rel .LBB2_33-.Ltmp48, $2  }
0x500: {  	_ =	sdelay $0x2  }
0x501: {  	s30 =	simm.s32 $0x0;
	p2 =	por $0x0, $0x0  }
.LBB2_34:
.Ltmp49:
0x502: {  	(pc) =	sbr.rel .LBB2_39-.Ltmp49, $2  }
0x503: {  	_ =	sdelay $0x2  }
0x504: {  	_ = 	snop  }
.LBB2_44:
.Ltmp50:
0x505: {  	(pc) =	sbr.rel .LBB2_48-.Ltmp50, $2  }
0x506: {  	_ =	sdelay $0x2  }
0x507: {  	s30 =	simm.s32 $0x0;
	p2 =	por $0x0, $0x0  }
.LBB2_49:
.Ltmp51:
0x508: {  	(pc) =	sbr.rel .LBB2_54-.Ltmp51, $2  }
0x509: {  	_ =	sdelay $0x2  }
0x50a: {  	_ = 	snop  }
.LBB2_55:
.Ltmp52:
0x50b: {  	(pc) =	sbr.rel .LBB2_59-.Ltmp52, $2  }
0x50c: {  	_ =	sdelay $0x2  }
0x50d: {  	s30 =	simm.s32 $0x0;
	p2 =	por $0x0, $0x0  }
.LBB2_60:
.Ltmp53:
0x50e: {  	(pc) =	sbr.rel .LBB2_65-.Ltmp53, $2  }
0x50f: {  	_ =	sdelay $0x2  }
0x510: {  	_ = 	snop  }
.LBB2_66:
.Ltmp54:
0x511: {  	(pc) =	sbr.rel .LBB2_70-.Ltmp54, $2  }
0x512: {  	_ =	sdelay $0x2  }
0x513: {  	s30 =	simm.s32 $0x0;
	p2 =	por $0x0, $0x0  }
.LBB2_71:
.Ltmp55:
0x514: {  	(pc) =	sbr.rel .LBB2_76-.Ltmp55, $2  }
0x515: {  	_ =	sdelay $0x2  }
0x516: {  	_ = 	snop  }
.LBB2_9:
.Ltmp56:
0x517: {  	(pc) =	sbr.rel .LBB2_11-.Ltmp56, $2  }
0x518: {  	_ =	sdelay $0x2  }
0x519: {  	s31 =	simm.s32 $0x0  }
.LBB2_14:
.Ltmp57:
0x51a: {  	(pc) =	sbr.rel .LBB2_17-.Ltmp57, $2  }
0x51b: {  	_ =	sdelay $0x2  }
0x51c: {  	s0 =	simm.s32 $0x0;
	s29 =	simm.s32 $0x10  }
.LBB2_20:
.Ltmp58:
0x51d: {  	(pc) =	sbr.rel .LBB2_22-.Ltmp58, $2  }
0x51e: {  	_ =	sdelay $0x2  }
0x51f: {  	s31 =	simm.s32 $0x0  }
.LBB2_25:
.Ltmp59:
0x520: {  	(pc) =	sbr.rel .LBB2_28-.Ltmp59, $2  }
0x521: {  	_ =	sdelay $0x2  }
0x522: {  	s0 =	simm.s32 $0x0;
	s29 =	simm.s32 $0x10  }
.LBB2_31:
.Ltmp60:
0x523: {  	(pc) =	sbr.rel .LBB2_33-.Ltmp60, $2  }
0x524: {  	_ =	sdelay $0x2  }
0x525: {  	s31 =	simm.s32 $0x0  }
.LBB2_36:
.Ltmp61:
0x526: {  	(pc) =	sbr.rel .LBB2_39-.Ltmp61, $2  }
0x527: {  	_ =	sdelay $0x2  }
0x528: {  	s0 =	simm.s32 $0x0;
	s29 =	simm.s32 $0x10  }
.LBB2_46:
.Ltmp62:
0x529: {  	(pc) =	sbr.rel .LBB2_48-.Ltmp62, $2  }
0x52a: {  	_ =	sdelay $0x2  }
0x52b: {  	s31 =	simm.s32 $0x0  }
.LBB2_51:
.Ltmp63:
0x52c: {  	(pc) =	sbr.rel .LBB2_54-.Ltmp63, $2  }
0x52d: {  	_ =	sdelay $0x2  }
0x52e: {  	s0 =	simm.s32 $0x0;
	s29 =	simm.s32 $0x10  }
.LBB2_57:
.Ltmp64:
0x52f: {  	(pc) =	sbr.rel .LBB2_59-.Ltmp64, $2  }
0x530: {  	_ =	sdelay $0x2  }
0x531: {  	s31 =	simm.s32 $0x0  }
.LBB2_62:
.Ltmp65:
0x532: {  	(pc) =	sbr.rel .LBB2_65-.Ltmp65, $2  }
0x533: {  	_ =	sdelay $0x2  }
0x534: {  	s0 =	simm.s32 $0x0;
	s29 =	simm.s32 $0x10  }
.LBB2_68:
.Ltmp66:
0x535: {  	(pc) =	sbr.rel .LBB2_70-.Ltmp66, $2  }
0x536: {  	_ =	sdelay $0x2  }
0x537: {  	s31 =	simm.s32 $0x0  }
.LBB2_73:
.Ltmp67:
0x538: {  	(pc) =	sbr.rel .LBB2_76-.Ltmp67, $2  }
0x539: {  	_ =	sdelay $0x2  }
0x53a: {  	s0 =	simm.s32 $0x0;
	s29 =	simm.s32 $0x10  }
.LBB2_78:
0x53b: {  	_ =	sfence.sel $0x180000  }
0x53c: {  	[bflag:$0x0] =	sbarrier.arrive $0xFFFF  }
0x53d: {  	_ =	strace $0x9000004A  }
0x53e: {  	s0 =	stileid.u32;
	[bflag:$0x2] =	sbarrier.arrive $0xFFFF  }
0x53f: {  	p0 =	sne.s32 s0, $0x0;
	s0 =	rddreg [dreg:$0x4]  }
0x540: {  	s0 =	sadd.s32 @!p0 $0x100000, s0  }
0x541: {  	[sflag:s0] =	ssyncadd.tile.s32 @!p0 $0x1;
	_ =	shalt  }
.Lfunc_end2:
_tile_overlayer_lowered:
.L_overlay_start_2:
0x542: {  	(tag) =	ssettag $0x2  }
0x543: {  	s0 =	rddreg [dreg:$0x0];
	s2 =	stileid.u32  }
0x544: {  	s1 =	rddreg [dreg:$0x1];
	p0 =	sne.s32 s2, $0x0  }
0x545: {  	s3 =	rddreg [dreg:$0x2];
	[bflag:$0x3] =	sbarrier.arrive $0xFFFF;
	s2 =	simm.s32 @!p0 $0x1C04  }
0x546: {  	[timem:s3], [sflag:s2] =	dma.local @!p0 [hbm:s0], s1  }
0x547: {  	s0 =	simm.s32 @!p0 $0x4  }
0x548: {  	_ =	swait.ge @!p0 [sflag:s0], s1  }
0x549: {  	s1 =	ssub.s32 @!p0 $0x0, s1;
	[sflag:s0] =	ssyncset.done @!p0 $0x0  }
0x54a: {  	[sflag:s0] =	ssyncadd.s32 @!p0 s1  }
0x54b: {  	[bflag:$0x3] =	sbarrier.arrive $0xFFFF  }
0x54c: {  	_ =	shalt  }

</sc_bundles>
